<compile_context>
chip_gen: v7x
topology: tpu7x:2x2x1
jax: 0.10.2.dev20260603
libtpu: 0.0.44.dev20260713+nightly
codegen_flags: <defaults>
</compile_context>

<pallas_src>
import functools

import jax
import jax.numpy as jnp
from jax import lax
from jax.experimental import pallas as pl
from jax.experimental.pallas import tpu as pltpu
from jax.experimental.pallas import tpu_sc as plsc

_ROWS_PER_DMA = 128


def _sc_gather(table, idx3d):
    nw, ch, rpd = idx3d.shape
    nchunks = nw * ch
    _, d = table.shape
    info = plsc.get_sparse_core_info()
    nc = info.num_cores

    mesh = plsc.VectorSubcoreMesh(core_axis_name="c", subcore_axis_name="s")

    nbuf = min(4, ch)
    assert ch <= 20, "keep the static unroll well under the TileTask size cap"

    @functools.partial(
        pl.kernel,
        mesh=mesh,
        out_type=jax.ShapeDtypeStruct((nchunks * rpd, d), jnp.float32),
        scratch_types=[pltpu.VMEM((ch, rpd), jnp.int32)]
        + [pltpu.VMEM((rpd, d), jnp.float32) for _ in range(nbuf)]
        + [pltpu.SemaphoreType.DMA for _ in range(2 * nbuf)],
    )
    def gather_kernel(table_hbm, idx_hbm, e_hbm, idx_v, *scratch):
        bufs = scratch[:nbuf]
        gsems = scratch[nbuf:2 * nbuf]
        wsems = scratch[2 * nbuf:]
        wid = lax.axis_index("s") * nc + lax.axis_index("c")
        pltpu.sync_copy(idx_hbm.at[wid], idx_v)
        rbase = wid * ch * rpd

        def g(j, k):
            return pltpu.make_async_copy(table_hbm.at[idx_v.at[j]], bufs[k],
                                         gsems[k])

        def w(j, k):
            return pltpu.make_async_copy(
                bufs[k], e_hbm.at[pl.ds(rbase + j * rpd, rpd)], wsems[k])

        for j in range(nbuf):
            g(j, j).start()
        for j in range(ch):
            k = j % nbuf
            g(j, k).wait()
            w(j, k).start()
            if j + nbuf < ch:
                w(j, k).wait()
                g(j + nbuf, k).start()
        for j in range(max(0, ch - nbuf), ch):
            w(j, j % nbuf).wait()

    return gather_kernel(table, idx3d)


def _tc_body(bb, tt, tok_base, len_ref, e_ref, w_ref, b_ref, out_ref):
    lblk = pl.program_id(1)
    ln = len_ref[...]
    inv = 1.0 / jnp.maximum(ln, 1).astype(jnp.float32)
    wmat = w_ref[...]
    bias = b_ref[...]
    acc = jnp.zeros(out_ref.shape, jnp.float32)
    for t in range(tt):
        tok = tok_base + lblk * tt + t
        e = e_ref[t]
        h = e + jnp.maximum(
            jnp.dot(e, wmat, preferred_element_type=jnp.float32) + bias, 0.0
        )
        m = (tok < ln).astype(jnp.float32)
        acc = acc + h * m
    contrib = acc * inv

    @pl.when(lblk == 0)
    def _():
        out_ref[...] = contrib

    @pl.when(lblk > 0)
    def _():
        out_ref[...] += contrib


def _tc_mean(lengths_col, e3, wmat, brow, bb, tt, tok_base=0):
    ltot, b, d = e3.shape
    grid = (b // bb, ltot // tt)
    return pl.pallas_call(
        functools.partial(_tc_body, bb, tt, tok_base),
        grid=grid,
        in_specs=[
            pl.BlockSpec((bb, 1), lambda i, l: (i, 0)),
            pl.BlockSpec((tt, bb, d), lambda i, l: (l, i, 0)),
            pl.BlockSpec((d, d), lambda i, l: (0, 0)),
            pl.BlockSpec((1, d), lambda i, l: (0, 0)),
        ],
        out_specs=pl.BlockSpec((bb, d), lambda i, l: (i, 0)),
        out_shape=jax.ShapeDtypeStruct((b, d), jnp.float32),
    )(lengths_col, e3, wmat, brow)


_TOKEN_CHUNKS = 5


def kernel(x, initialHidden, lengths, table, W, b):
    del initialHidden
    bsz, seq = x.shape
    _, d = table.shape
    info = plsc.get_sparse_core_info()
    nw = info.num_cores * info.num_subcores
    xt = x.T.astype(jnp.int32)
    lcol = lengths.astype(jnp.int32).reshape(bsz, 1)
    wt = W.T
    brow = b.reshape(1, d)

    ltok = seq // _TOKEN_CHUNKS
    partials = []
    for c in range(_TOKEN_CHUNKS):
        idx3d = xt[c * ltok:(c + 1) * ltok].reshape(nw, -1, _ROWS_PER_DMA)
        e_flat = _sc_gather(table, idx3d)
        e3 = e_flat.reshape(ltok, bsz, d)
        partials.append(
            _tc_mean(lcol, e3, wt, brow, bb=1024, tt=ltok, tok_base=c * ltok))
    out = partials[0]
    for p in partials[1:]:
        out = out + p
    return out

# --- scband reference (transcript-rebuilt; emitter-appended) ---
"""Pipeline reference for scband-word-mean-1855425871910 (READ-ONLY COPY).

The authoritative reference and input builder live on the scoring server;
editing this copy changes nothing except your own understanding.
"""

import jax, jax.numpy as jnp
import numpy as np

V = 100000
D = 128
B = 4096
L = 50

def setup_inputs(seed: int = 0) -> dict:
    key = jax.random.key(seed)
    ks = jax.random.split(key, 6)
    x = jax.random.randint(ks[0], (B, L), 0, V)
    initialHidden = jnp.zeros((B, D), dtype=jnp.float32)
    lengths = jax.random.randint(ks[1], (B,), 0, L)
    table = jax.random.normal(ks[2], (V, D), dtype=jnp.float32) * 0.02
    table = table.at[0].set(0.0)  # padding_idx = 0
    W = jax.random.normal(ks[3], (D, D), dtype=jnp.float32) * (1.0 / np.sqrt(D))
    b = jnp.zeros((D,), dtype=jnp.float32)
    return {"x": x, "initialHidden": initialHidden, "lengths": lengths, "table": table, "W": W, "b": b}

def reference(x, initialHidden, lengths, table, W, b):
    # x = self.embedding(x)
    e = jnp.take(table, x, axis=0)                       # [B, L, D] gather
    # x = x + relu(self.hidden(x))
    h = e + jax.nn.relu(jnp.einsum('bld,ed->ble', e, W) + b)
    # meanVector(x, lengths): masked mean over valid tokens
    Lf = jnp.maximum(lengths, 1).astype(jnp.float32)
    mask = (jnp.arange(h.shape[1])[None, :] < lengths[:, None]).astype(jnp.float32)
    out = jnp.sum(h * mask[:, :, None], axis=1) / Lf[:, None]
    return out

if __name__ == "__main__":
    import jax
    _d = setup_inputs()
    print(jax.jit(kernel)(*tuple(_d.values())))

</pallas_src>

<mosaic_0001>
#map = affine_map<(d0, d1) -> (0, 0)>
#map1 = affine_map<(d0, d1) -> (0, 0, 0)>
module attributes {stable_mosaic.version = 14 : i64} {
  func.func @gather_kernel(%arg0: i32, %arg1: i32, %arg2: memref<100000x128xf32, #tpu.memory_space<hbm>>, %arg3: memref<32x10x128xi32, #tpu.memory_space<hbm>>, %arg4: memref<40960x128xf32, #tpu.memory_space<hbm>>, %arg5: memref<10x128xi32, #tpu.memory_space<vmem>>, %arg6: memref<128x128xf32, #tpu.memory_space<vmem>>, %arg7: memref<128x128xf32, #tpu.memory_space<vmem>>, %arg8: memref<128x128xf32, #tpu.memory_space<vmem>>, %arg9: memref<128x128xf32, #tpu.memory_space<vmem>>, %arg10: memref<!tpu.dma_semaphore, #tpu.memory_space<semaphore_mem>>, %arg11: memref<!tpu.dma_semaphore, #tpu.memory_space<semaphore_mem>>, %arg12: memref<!tpu.dma_semaphore, #tpu.memory_space<semaphore_mem>>, %arg13: memref<!tpu.dma_semaphore, #tpu.memory_space<semaphore_mem>>, %arg14: memref<!tpu.dma_semaphore, #tpu.memory_space<semaphore_mem>>, %arg15: memref<!tpu.dma_semaphore, #tpu.memory_space<semaphore_mem>>, %arg16: memref<!tpu.dma_semaphore, #tpu.memory_space<semaphore_mem>>, %arg17: memref<!tpu.dma_semaphore, #tpu.memory_space<semaphore_mem>>) attributes {dimension_semantics = [#tpu.dimension_semantics<core_parallel>, #tpu.dimension_semantics<subcore_parallel>], iteration_bounds = array<i64: 2, 16>, scalar_prefetch = 0 : i64, scratch_operands = 13 : i64, tpu.core_type = #tpu.core_type<sc_vector_subcore>, window_params = [{transform_indices = #map}, {transform_indices = #map1}, {transform_indices = #map}]} {
    %mul3A = arith.constant 2 : i32
    %mul3A_0 = arith.muli %arg1, %mul3A : i32
    %add3A = arith.addi %mul3A_0, %arg0 : i32
    "tpu.region"() ({
      %run_scoped3A = tpu.sem_alloc : memref<!tpu.dma_semaphore, #tpu.memory_space<semaphore_mem>>
      %dma_start3A_263 = arith.constant 0 : i32
      %dma_start3A_264 = arith.constant 0 : i32
      %dma_start3A_265 = tpu.memref_slice %arg3[%add3A, %dma_start3A_263, %dma_start3A_264] : memref<32x10x128xi32, #tpu.memory_space<hbm>> -> memref<1x10x128xi32, #tpu.memory_space<hbm>>
      %dma_start3A_266 = tpu.memref_squeeze %dma_start3A_265 : memref<1x10x128xi32, #tpu.memory_space<hbm>> -> memref<10x128xi32, #tpu.memory_space<hbm>>
      %dma_start3A_267 = arith.constant 0 : i32
      %dma_start3A_268 = arith.constant 0 : i32
      %dma_start3A_269 = tpu.memref_slice %arg3[%add3A, %dma_start3A_267, %dma_start3A_268] : memref<32x10x128xi32, #tpu.memory_space<hbm>> -> memref<1x10x128xi32, #tpu.memory_space<hbm>>
      %dma_start3A_270 = tpu.memref_squeeze %dma_start3A_269 : memref<1x10x128xi32, #tpu.memory_space<hbm>> -> memref<10x128xi32, #tpu.memory_space<hbm>>
      tpu.enqueue_dma source(%dma_start3A_270 : memref<10x128xi32, #tpu.memory_space<hbm>>) target(%arg5 : memref<10x128xi32, #tpu.memory_space<vmem>>) target_semaphore(%run_scoped3A : memref<!tpu.dma_semaphore, #tpu.memory_space<semaphore_mem>>)
      %dma_wait3A_271 = arith.constant 0 : i32
      %dma_wait3A_272 = arith.constant 0 : i32
      %dma_wait3A_273 = tpu.memref_slice %arg3[%add3A, %dma_wait3A_271, %dma_wait3A_272] : memref<32x10x128xi32, #tpu.memory_space<hbm>> -> memref<1x10x128xi32, #tpu.memory_space<hbm>>
      %dma_wait3A_274 = tpu.memref_squeeze %dma_wait3A_273 : memref<1x10x128xi32, #tpu.memory_space<hbm>> -> memref<10x128xi32, #tpu.memory_space<hbm>>
      %dma_wait3A_275 = arith.constant 0 : i32
      %dma_wait3A_276 = arith.constant 0 : i32
      %dma_wait3A_277 = tpu.memref_slice %arg3[%add3A, %dma_wait3A_275, %dma_wait3A_276] : memref<32x10x128xi32, #tpu.memory_space<hbm>> -> memref<1x10x128xi32, #tpu.memory_space<hbm>>
      %dma_wait3A_278 = tpu.memref_squeeze %dma_wait3A_277 : memref<1x10x128xi32, #tpu.memory_space<hbm>> -> memref<10x128xi32, #tpu.memory_space<hbm>>
      tpu.wait_dma2 semaphore(%run_scoped3A : memref<!tpu.dma_semaphore, #tpu.memory_space<semaphore_mem>>) src(%dma_wait3A_278 : memref<10x128xi32, #tpu.memory_space<hbm>>) dst(%arg5 : memref<10x128xi32, #tpu.memory_space<vmem>>)
      tpu.yield
    }) : () -> ()
    %mul3A_1 = arith.constant 10 : i32
    %mul3A_2 = arith.muli %add3A, %mul3A_1 : i32
    %mul3A_3 = arith.constant 128 : i32
    %mul3A_4 = arith.muli %mul3A_2, %mul3A_3 : i32
    %dma_start3A = arith.constant 0 : i32
    %dma_start3A_5 = arith.constant 0 : i32
    %dma_start3A_6 = tpu.memref_slice %arg5[%dma_start3A, %dma_start3A_5] : memref<10x128xi32, #tpu.memory_space<vmem>> -> memref<1x128xi32, #tpu.memory_space<vmem>>
    %dma_start3A_7 = tpu.memref_squeeze %dma_start3A_6 : memref<1x128xi32, #tpu.memory_space<vmem>> -> memref<128xi32, #tpu.memory_space<vmem>>
    %dma_start3A_8 = arith.constant 0 : i32
    %dma_start3A_9 = arith.constant 0 : i32
    %dma_start3A_10 = tpu.memref_slice %arg2[%dma_start3A_8, %dma_start3A_9] : memref<100000x128xf32, #tpu.memory_space<hbm>> -> memref<100000x128xf32, #tpu.memory_space<hbm>>
    tpu.enqueue_indirect_dma source(%dma_start3A_10 : memref<100000x128xf32, #tpu.memory_space<hbm>>) target(%arg6 : memref<128x128xf32, #tpu.memory_space<vmem>>) offsets(%dma_start3A_7 : memref<128xi32, #tpu.memory_space<vmem>>) semaphore(%arg10 : memref<!tpu.dma_semaphore, #tpu.memory_space<semaphore_mem>>)
    %dma_start3A_11 = arith.constant 1 : i32
    %dma_start3A_12 = arith.constant 0 : i32
    %dma_start3A_13 = tpu.memref_slice %arg5[%dma_start3A_11, %dma_start3A_12] : memref<10x128xi32, #tpu.memory_space<vmem>> -> memref<1x128xi32, #tpu.memory_space<vmem>>
    %dma_start3A_14 = tpu.memref_squeeze %dma_start3A_13 : memref<1x128xi32, #tpu.memory_space<vmem>> -> memref<128xi32, #tpu.memory_space<vmem>>
    %dma_start3A_15 = arith.constant 0 : i32
    %dma_start3A_16 = arith.constant 0 : i32
    %dma_start3A_17 = tpu.memref_slice %arg2[%dma_start3A_15, %dma_start3A_16] : memref<100000x128xf32, #tpu.memory_space<hbm>> -> memref<100000x128xf32, #tpu.memory_space<hbm>>
    tpu.enqueue_indirect_dma source(%dma_start3A_17 : memref<100000x128xf32, #tpu.memory_space<hbm>>) target(%arg7 : memref<128x128xf32, #tpu.memory_space<vmem>>) offsets(%dma_start3A_14 : memref<128xi32, #tpu.memory_space<vmem>>) semaphore(%arg11 : memref<!tpu.dma_semaphore, #tpu.memory_space<semaphore_mem>>)
    %dma_start3A_18 = arith.constant 2 : i32
    %dma_start3A_19 = arith.constant 0 : i32
    %dma_start3A_20 = tpu.memref_slice %arg5[%dma_start3A_18, %dma_start3A_19] : memref<10x128xi32, #tpu.memory_space<vmem>> -> memref<1x128xi32, #tpu.memory_space<vmem>>
    %dma_start3A_21 = tpu.memref_squeeze %dma_start3A_20 : memref<1x128xi32, #tpu.memory_space<vmem>> -> memref<128xi32, #tpu.memory_space<vmem>>
    %dma_start3A_22 = arith.constant 0 : i32
    %dma_start3A_23 = arith.constant 0 : i32
    %dma_start3A_24 = tpu.memref_slice %arg2[%dma_start3A_22, %dma_start3A_23] : memref<100000x128xf32, #tpu.memory_space<hbm>> -> memref<100000x128xf32, #tpu.memory_space<hbm>>
    tpu.enqueue_indirect_dma source(%dma_start3A_24 : memref<100000x128xf32, #tpu.memory_space<hbm>>) target(%arg8 : memref<128x128xf32, #tpu.memory_space<vmem>>) offsets(%dma_start3A_21 : memref<128xi32, #tpu.memory_space<vmem>>) semaphore(%arg12 : memref<!tpu.dma_semaphore, #tpu.memory_space<semaphore_mem>>)
    %dma_start3A_25 = arith.constant 3 : i32
    %dma_start3A_26 = arith.constant 0 : i32
    %dma_start3A_27 = tpu.memref_slice %arg5[%dma_start3A_25, %dma_start3A_26] : memref<10x128xi32, #tpu.memory_space<vmem>> -> memref<1x128xi32, #tpu.memory_space<vmem>>
    %dma_start3A_28 = tpu.memref_squeeze %dma_start3A_27 : memref<1x128xi32, #tpu.memory_space<vmem>> -> memref<128xi32, #tpu.memory_space<vmem>>
    %dma_start3A_29 = arith.constant 0 : i32
    %dma_start3A_30 = arith.constant 0 : i32
    %dma_start3A_31 = tpu.memref_slice %arg2[%dma_start3A_29, %dma_start3A_30] : memref<100000x128xf32, #tpu.memory_space<hbm>> -> memref<100000x128xf32, #tpu.memory_space<hbm>>
    tpu.enqueue_indirect_dma source(%dma_start3A_31 : memref<100000x128xf32, #tpu.memory_space<hbm>>) target(%arg9 : memref<128x128xf32, #tpu.memory_space<vmem>>) offsets(%dma_start3A_28 : memref<128xi32, #tpu.memory_space<vmem>>) semaphore(%arg13 : memref<!tpu.dma_semaphore, #tpu.memory_space<semaphore_mem>>)
    %dma_wait3A = arith.constant 0 : i32
    %dma_wait3A_32 = arith.constant 0 : i32
    %dma_wait3A_33 = tpu.memref_slice %arg5[%dma_wait3A, %dma_wait3A_32] : memref<10x128xi32, #tpu.memory_space<vmem>> -> memref<1x128xi32, #tpu.memory_space<vmem>>
    %dma_wait3A_34 = tpu.memref_squeeze %dma_wait3A_33 : memref<1x128xi32, #tpu.memory_space<vmem>> -> memref<128xi32, #tpu.memory_space<vmem>>
    %dma_wait3A_35 = arith.constant 0 : i32
    %dma_wait3A_36 = arith.constant 0 : i32
    %dma_wait3A_37 = tpu.memref_slice %arg2[%dma_wait3A_35, %dma_wait3A_36] : memref<100000x128xf32, #tpu.memory_space<hbm>> -> memref<100000x128xf32, #tpu.memory_space<hbm>>
    tpu.wait_indirect_dma semaphore(%arg10 : memref<!tpu.dma_semaphore, #tpu.memory_space<semaphore_mem>>) src(%dma_wait3A_37 : memref<100000x128xf32, #tpu.memory_space<hbm>>) dst(%arg6 : memref<128x128xf32, #tpu.memory_space<vmem>>)
    %add3A_38 = arith.constant 0 : i32
    %add3A_39 = arith.addi %mul3A_4, %add3A_38 : i32
    %dma_start3A_40 = arith.constant 0 : i32
    %dma_start3A_41 = tpu.memref_slice %arg4[%add3A_39, %dma_start3A_40] : memref<40960x128xf32, #tpu.memory_space<hbm>> -> memref<128x128xf32, #tpu.memory_space<hbm>>
    %dma_start3A_42 = arith.constant 0 : i32
    %dma_start3A_43 = tpu.memref_slice %arg4[%add3A_39, %dma_start3A_42] : memref<40960x128xf32, #tpu.memory_space<hbm>> -> memref<128x128xf32, #tpu.memory_space<hbm>>
    tpu.enqueue_dma source(%arg6 : memref<128x128xf32, #tpu.memory_space<vmem>>) target(%dma_start3A_43 : memref<128x128xf32, #tpu.memory_space<hbm>>) target_semaphore(%arg14 : memref<!tpu.dma_semaphore, #tpu.memory_space<semaphore_mem>>)
    %add3A_44 = arith.constant 0 : i32
    %add3A_45 = arith.addi %mul3A_4, %add3A_44 : i32
    %dma_wait3A_46 = arith.constant 0 : i32
    %dma_wait3A_47 = tpu.memref_slice %arg4[%add3A_45, %dma_wait3A_46] : memref<40960x128xf32, #tpu.memory_space<hbm>> -> memref<128x128xf32, #tpu.memory_space<hbm>>
    %dma_wait3A_48 = arith.constant 0 : i32
    %dma_wait3A_49 = tpu.memref_slice %arg4[%add3A_45, %dma_wait3A_48] : memref<40960x128xf32, #tpu.memory_space<hbm>> -> memref<128x128xf32, #tpu.memory_space<hbm>>
    tpu.wait_dma2 semaphore(%arg14 : memref<!tpu.dma_semaphore, #tpu.memory_space<semaphore_mem>>) src(%arg6 : memref<128x128xf32, #tpu.memory_space<vmem>>) dst(%dma_wait3A_49 : memref<128x128xf32, #tpu.memory_space<hbm>>)
    %dma_start3A_50 = arith.constant 4 : i32
    %dma_start3A_51 = arith.constant 0 : i32
    %dma_start3A_52 = tpu.memref_slice %arg5[%dma_start3A_50, %dma_start3A_51] : memref<10x128xi32, #tpu.memory_space<vmem>> -> memref<1x128xi32, #tpu.memory_space<vmem>>
    %dma_start3A_53 = tpu.memref_squeeze %dma_start3A_52 : memref<1x128xi32, #tpu.memory_space<vmem>> -> memref<128xi32, #tpu.memory_space<vmem>>
    %dma_start3A_54 = arith.constant 0 : i32
    %dma_start3A_55 = arith.constant 0 : i32
    %dma_start3A_56 = tpu.memref_slice %arg2[%dma_start3A_54, %dma_start3A_55] : memref<100000x128xf32, #tpu.memory_space<hbm>> -> memref<100000x128xf32, #tpu.memory_space<hbm>>
    tpu.enqueue_indirect_dma source(%dma_start3A_56 : memref<100000x128xf32, #tpu.memory_space<hbm>>) target(%arg6 : memref<128x128xf32, #tpu.memory_space<vmem>>) offsets(%dma_start3A_53 : memref<128xi32, #tpu.memory_space<vmem>>) semaphore(%arg10 : memref<!tpu.dma_semaphore, #tpu.memory_space<semaphore_mem>>)
    %dma_wait3A_57 = arith.constant 1 : i32
    %dma_wait3A_58 = arith.constant 0 : i32
    %dma_wait3A_59 = tpu.memref_slice %arg5[%dma_wait3A_57, %dma_wait3A_58] : memref<10x128xi32, #tpu.memory_space<vmem>> -> memref<1x128xi32, #tpu.memory_space<vmem>>
    %dma_wait3A_60 = tpu.memref_squeeze %dma_wait3A_59 : memref<1x128xi32, #tpu.memory_space<vmem>> -> memref<128xi32, #tpu.memory_space<vmem>>
    %dma_wait3A_61 = arith.constant 0 : i32
    %dma_wait3A_62 = arith.constant 0 : i32
    %dma_wait3A_63 = tpu.memref_slice %arg2[%dma_wait3A_61, %dma_wait3A_62] : memref<100000x128xf32, #tpu.memory_space<hbm>> -> memref<100000x128xf32, #tpu.memory_space<hbm>>
    tpu.wait_indirect_dma semaphore(%arg11 : memref<!tpu.dma_semaphore, #tpu.memory_space<semaphore_mem>>) src(%dma_wait3A_63 : memref<100000x128xf32, #tpu.memory_space<hbm>>) dst(%arg7 : memref<128x128xf32, #tpu.memory_space<vmem>>)
    %add3A_64 = arith.constant 128 : i32
    %add3A_65 = arith.addi %mul3A_4, %add3A_64 : i32
    %dma_start3A_66 = arith.constant 0 : i32
    %dma_start3A_67 = tpu.memref_slice %arg4[%add3A_65, %dma_start3A_66] : memref<40960x128xf32, #tpu.memory_space<hbm>> -> memref<128x128xf32, #tpu.memory_space<hbm>>
    %dma_start3A_68 = arith.constant 0 : i32
    %dma_start3A_69 = tpu.memref_slice %arg4[%add3A_65, %dma_start3A_68] : memref<40960x128xf32, #tpu.memory_space<hbm>> -> memref<128x128xf32, #tpu.memory_space<hbm>>
    tpu.enqueue_dma source(%arg7 : memref<128x128xf32, #tpu.memory_space<vmem>>) target(%dma_start3A_69 : memref<128x128xf32, #tpu.memory_space<hbm>>) target_semaphore(%arg15 : memref<!tpu.dma_semaphore, #tpu.memory_space<semaphore_mem>>)
    %add3A_70 = arith.constant 128 : i32
    %add3A_71 = arith.addi %mul3A_4, %add3A_70 : i32
    %dma_wait3A_72 = arith.constant 0 : i32
    %dma_wait3A_73 = tpu.memref_slice %arg4[%add3A_71, %dma_wait3A_72] : memref<40960x128xf32, #tpu.memory_space<hbm>> -> memref<128x128xf32, #tpu.memory_space<hbm>>
    %dma_wait3A_74 = arith.constant 0 : i32
    %dma_wait3A_75 = tpu.memref_slice %arg4[%add3A_71, %dma_wait3A_74] : memref<40960x128xf32, #tpu.memory_space<hbm>> -> memref<128x128xf32, #tpu.memory_space<hbm>>
    tpu.wait_dma2 semaphore(%arg15 : memref<!tpu.dma_semaphore, #tpu.memory_space<semaphore_mem>>) src(%arg7 : memref<128x128xf32, #tpu.memory_space<vmem>>) dst(%dma_wait3A_75 : memref<128x128xf32, #tpu.memory_space<hbm>>)
    %dma_start3A_76 = arith.constant 5 : i32
    %dma_start3A_77 = arith.constant 0 : i32
    %dma_start3A_78 = tpu.memref_slice %arg5[%dma_start3A_76, %dma_start3A_77] : memref<10x128xi32, #tpu.memory_space<vmem>> -> memref<1x128xi32, #tpu.memory_space<vmem>>
    %dma_start3A_79 = tpu.memref_squeeze %dma_start3A_78 : memref<1x128xi32, #tpu.memory_space<vmem>> -> memref<128xi32, #tpu.memory_space<vmem>>
    %dma_start3A_80 = arith.constant 0 : i32
    %dma_start3A_81 = arith.constant 0 : i32
    %dma_start3A_82 = tpu.memref_slice %arg2[%dma_start3A_80, %dma_start3A_81] : memref<100000x128xf32, #tpu.memory_space<hbm>> -> memref<100000x128xf32, #tpu.memory_space<hbm>>
    tpu.enqueue_indirect_dma source(%dma_start3A_82 : memref<100000x128xf32, #tpu.memory_space<hbm>>) target(%arg7 : memref<128x128xf32, #tpu.memory_space<vmem>>) offsets(%dma_start3A_79 : memref<128xi32, #tpu.memory_space<vmem>>) semaphore(%arg11 : memref<!tpu.dma_semaphore, #tpu.memory_space<semaphore_mem>>)
    %dma_wait3A_83 = arith.constant 2 : i32
    %dma_wait3A_84 = arith.constant 0 : i32
    %dma_wait3A_85 = tpu.memref_slice %arg5[%dma_wait3A_83, %dma_wait3A_84] : memref<10x128xi32, #tpu.memory_space<vmem>> -> memref<1x128xi32, #tpu.memory_space<vmem>>
    %dma_wait3A_86 = tpu.memref_squeeze %dma_wait3A_85 : memref<1x128xi32, #tpu.memory_space<vmem>> -> memref<128xi32, #tpu.memory_space<vmem>>
    %dma_wait3A_87 = arith.constant 0 : i32
    %dma_wait3A_88 = arith.constant 0 : i32
    %dma_wait3A_89 = tpu.memref_slice %arg2[%dma_wait3A_87, %dma_wait3A_88] : memref<100000x128xf32, #tpu.memory_space<hbm>> -> memref<100000x128xf32, #tpu.memory_space<hbm>>
    tpu.wait_indirect_dma semaphore(%arg12 : memref<!tpu.dma_semaphore, #tpu.memory_space<semaphore_mem>>) src(%dma_wait3A_89 : memref<100000x128xf32, #tpu.memory_space<hbm>>) dst(%arg8 : memref<128x128xf32, #tpu.memory_space<vmem>>)
    %add3A_90 = arith.constant 256 : i32
    %add3A_91 = arith.addi %mul3A_4, %add3A_90 : i32
    %dma_start3A_92 = arith.constant 0 : i32
    %dma_start3A_93 = tpu.memref_slice %arg4[%add3A_91, %dma_start3A_92] : memref<40960x128xf32, #tpu.memory_space<hbm>> -> memref<128x128xf32, #tpu.memory_space<hbm>>
    %dma_start3A_94 = arith.constant 0 : i32
    %dma_start3A_95 = tpu.memref_slice %arg4[%add3A_91, %dma_start3A_94] : memref<40960x128xf32, #tpu.memory_space<hbm>> -> memref<128x128xf32, #tpu.memory_space<hbm>>
    tpu.enqueue_dma source(%arg8 : memref<128x128xf32, #tpu.memory_space<vmem>>) target(%dma_start3A_95 : memref<128x128xf32, #tpu.memory_space<hbm>>) target_semaphore(%arg16 : memref<!tpu.dma_semaphore, #tpu.memory_space<semaphore_mem>>)
    %add3A_96 = arith.constant 256 : i32
    %add3A_97 = arith.addi %mul3A_4, %add3A_96 : i32
    %dma_wait3A_98 = arith.constant 0 : i32
    %dma_wait3A_99 = tpu.memref_slice %arg4[%add3A_97, %dma_wait3A_98] : memref<40960x128xf32, #tpu.memory_space<hbm>> -> memref<128x128xf32, #tpu.memory_space<hbm>>
    %dma_wait3A_100 = arith.constant 0 : i32
    %dma_wait3A_101 = tpu.memref_slice %arg4[%add3A_97, %dma_wait3A_100] : memref<40960x128xf32, #tpu.memory_space<hbm>> -> memref<128x128xf32, #tpu.memory_space<hbm>>
    tpu.wait_dma2 semaphore(%arg16 : memref<!tpu.dma_semaphore, #tpu.memory_space<semaphore_mem>>) src(%arg8 : memref<128x128xf32, #tpu.memory_space<vmem>>) dst(%dma_wait3A_101 : memref<128x128xf32, #tpu.memory_space<hbm>>)
    %dma_start3A_102 = arith.constant 6 : i32
    %dma_start3A_103 = arith.constant 0 : i32
    %dma_start3A_104 = tpu.memref_slice %arg5[%dma_start3A_102, %dma_start3A_103] : memref<10x128xi32, #tpu.memory_space<vmem>> -> memref<1x128xi32, #tpu.memory_space<vmem>>
    %dma_start3A_105 = tpu.memref_squeeze %dma_start3A_104 : memref<1x128xi32, #tpu.memory_space<vmem>> -> memref<128xi32, #tpu.memory_space<vmem>>
    %dma_start3A_106 = arith.constant 0 : i32
    %dma_start3A_107 = arith.constant 0 : i32
    %dma_start3A_108 = tpu.memref_slice %arg2[%dma_start3A_106, %dma_start3A_107] : memref<100000x128xf32, #tpu.memory_space<hbm>> -> memref<100000x128xf32, #tpu.memory_space<hbm>>
    tpu.enqueue_indirect_dma source(%dma_start3A_108 : memref<100000x128xf32, #tpu.memory_space<hbm>>) target(%arg8 : memref<128x128xf32, #tpu.memory_space<vmem>>) offsets(%dma_start3A_105 : memref<128xi32, #tpu.memory_space<vmem>>) semaphore(%arg12 : memref<!tpu.dma_semaphore, #tpu.memory_space<semaphore_mem>>)
    %dma_wait3A_109 = arith.constant 3 : i32
    %dma_wait3A_110 = arith.constant 0 : i32
    %dma_wait3A_111 = tpu.memref_slice %arg5[%dma_wait3A_109, %dma_wait3A_110] : memref<10x128xi32, #tpu.memory_space<vmem>> -> memref<1x128xi32, #tpu.memory_space<vmem>>
    %dma_wait3A_112 = tpu.memref_squeeze %dma_wait3A_111 : memref<1x128xi32, #tpu.memory_space<vmem>> -> memref<128xi32, #tpu.memory_space<vmem>>
    %dma_wait3A_113 = arith.constant 0 : i32
    %dma_wait3A_114 = arith.constant 0 : i32
    %dma_wait3A_115 = tpu.memref_slice %arg2[%dma_wait3A_113, %dma_wait3A_114] : memref<100000x128xf32, #tpu.memory_space<hbm>> -> memref<100000x128xf32, #tpu.memory_space<hbm>>
    tpu.wait_indirect_dma semaphore(%arg13 : memref<!tpu.dma_semaphore, #tpu.memory_space<semaphore_mem>>) src(%dma_wait3A_115 : memref<100000x128xf32, #tpu.memory_space<hbm>>) dst(%arg9 : memref<128x128xf32, #tpu.memory_space<vmem>>)
    %add3A_116 = arith.constant 384 : i32
    %add3A_117 = arith.addi %mul3A_4, %add3A_116 : i32
    %dma_start3A_118 = arith.constant 0 : i32
    %dma_start3A_119 = tpu.memref_slice %arg4[%add3A_117, %dma_start3A_118] : memref<40960x128xf32, #tpu.memory_space<hbm>> -> memref<128x128xf32, #tpu.memory_space<hbm>>
    %dma_start3A_120 = arith.constant 0 : i32
    %dma_start3A_121 = tpu.memref_slice %arg4[%add3A_117, %dma_start3A_120] : memref<40960x128xf32, #tpu.memory_space<hbm>> -> memref<128x128xf32, #tpu.memory_space<hbm>>
    tpu.enqueue_dma source(%arg9 : memref<128x128xf32, #tpu.memory_space<vmem>>) target(%dma_start3A_121 : memref<128x128xf32, #tpu.memory_space<hbm>>) target_semaphore(%arg17 : memref<!tpu.dma_semaphore, #tpu.memory_space<semaphore_mem>>)
    %add3A_122 = arith.constant 384 : i32
    %add3A_123 = arith.addi %mul3A_4, %add3A_122 : i32
    %dma_wait3A_124 = arith.constant 0 : i32
    %dma_wait3A_125 = tpu.memref_slice %arg4[%add3A_123, %dma_wait3A_124] : memref<40960x128xf32, #tpu.memory_space<hbm>> -> memref<128x128xf32, #tpu.memory_space<hbm>>
    %dma_wait3A_126 = arith.constant 0 : i32
    %dma_wait3A_127 = tpu.memref_slice %arg4[%add3A_123, %dma_wait3A_126] : memref<40960x128xf32, #tpu.memory_space<hbm>> -> memref<128x128xf32, #tpu.memory_space<hbm>>
    tpu.wait_dma2 semaphore(%arg17 : memref<!tpu.dma_semaphore, #tpu.memory_space<semaphore_mem>>) src(%arg9 : memref<128x128xf32, #tpu.memory_space<vmem>>) dst(%dma_wait3A_127 : memref<128x128xf32, #tpu.memory_space<hbm>>)
    %dma_start3A_128 = arith.constant 7 : i32
    %dma_start3A_129 = arith.constant 0 : i32
    %dma_start3A_130 = tpu.memref_slice %arg5[%dma_start3A_128, %dma_start3A_129] : memref<10x128xi32, #tpu.memory_space<vmem>> -> memref<1x128xi32, #tpu.memory_space<vmem>>
    %dma_start3A_131 = tpu.memref_squeeze %dma_start3A_130 : memref<1x128xi32, #tpu.memory_space<vmem>> -> memref<128xi32, #tpu.memory_space<vmem>>
    %dma_start3A_132 = arith.constant 0 : i32
    %dma_start3A_133 = arith.constant 0 : i32
    %dma_start3A_134 = tpu.memref_slice %arg2[%dma_start3A_132, %dma_start3A_133] : memref<100000x128xf32, #tpu.memory_space<hbm>> -> memref<100000x128xf32, #tpu.memory_space<hbm>>
    tpu.enqueue_indirect_dma source(%dma_start3A_134 : memref<100000x128xf32, #tpu.memory_space<hbm>>) target(%arg9 : memref<128x128xf32, #tpu.memory_space<vmem>>) offsets(%dma_start3A_131 : memref<128xi32, #tpu.memory_space<vmem>>) semaphore(%arg13 : memref<!tpu.dma_semaphore, #tpu.memory_space<semaphore_mem>>)
    %dma_wait3A_135 = arith.constant 4 : i32
    %dma_wait3A_136 = arith.constant 0 : i32
    %dma_wait3A_137 = tpu.memref_slice %arg5[%dma_wait3A_135, %dma_wait3A_136] : memref<10x128xi32, #tpu.memory_space<vmem>> -> memref<1x128xi32, #tpu.memory_space<vmem>>
    %dma_wait3A_138 = tpu.memref_squeeze %dma_wait3A_137 : memref<1x128xi32, #tpu.memory_space<vmem>> -> memref<128xi32, #tpu.memory_space<vmem>>
    %dma_wait3A_139 = arith.constant 0 : i32
    %dma_wait3A_140 = arith.constant 0 : i32
    %dma_wait3A_141 = tpu.memref_slice %arg2[%dma_wait3A_139, %dma_wait3A_140] : memref<100000x128xf32, #tpu.memory_space<hbm>> -> memref<100000x128xf32, #tpu.memory_space<hbm>>
    tpu.wait_indirect_dma semaphore(%arg10 : memref<!tpu.dma_semaphore, #tpu.memory_space<semaphore_mem>>) src(%dma_wait3A_141 : memref<100000x128xf32, #tpu.memory_space<hbm>>) dst(%arg6 : memref<128x128xf32, #tpu.memory_space<vmem>>)
    %add3A_142 = arith.constant 512 : i32
    %add3A_143 = arith.addi %mul3A_4, %add3A_142 : i32
    %dma_start3A_144 = arith.constant 0 : i32
    %dma_start3A_145 = tpu.memref_slice %arg4[%add3A_143, %dma_start3A_144] : memref<40960x128xf32, #tpu.memory_space<hbm>> -> memref<128x128xf32, #tpu.memory_space<hbm>>
    %dma_start3A_146 = arith.constant 0 : i32
    %dma_start3A_147 = tpu.memref_slice %arg4[%add3A_143, %dma_start3A_146] : memref<40960x128xf32, #tpu.memory_space<hbm>> -> memref<128x128xf32, #tpu.memory_space<hbm>>
    tpu.enqueue_dma source(%arg6 : memref<128x128xf32, #tpu.memory_space<vmem>>) target(%dma_start3A_147 : memref<128x128xf32, #tpu.memory_space<hbm>>) target_semaphore(%arg14 : memref<!tpu.dma_semaphore, #tpu.memory_space<semaphore_mem>>)
    %add3A_148 = arith.constant 512 : i32
    %add3A_149 = arith.addi %mul3A_4, %add3A_148 : i32
    %dma_wait3A_150 = arith.constant 0 : i32
    %dma_wait3A_151 = tpu.memref_slice %arg4[%add3A_149, %dma_wait3A_150] : memref<40960x128xf32, #tpu.memory_space<hbm>> -> memref<128x128xf32, #tpu.memory_space<hbm>>
    %dma_wait3A_152 = arith.constant 0 : i32
    %dma_wait3A_153 = tpu.memref_slice %arg4[%add3A_149, %dma_wait3A_152] : memref<40960x128xf32, #tpu.memory_space<hbm>> -> memref<128x128xf32, #tpu.memory_space<hbm>>
    tpu.wait_dma2 semaphore(%arg14 : memref<!tpu.dma_semaphore, #tpu.memory_space<semaphore_mem>>) src(%arg6 : memref<128x128xf32, #tpu.memory_space<vmem>>) dst(%dma_wait3A_153 : memref<128x128xf32, #tpu.memory_space<hbm>>)
    %dma_start3A_154 = arith.constant 8 : i32
    %dma_start3A_155 = arith.constant 0 : i32
    %dma_start3A_156 = tpu.memref_slice %arg5[%dma_start3A_154, %dma_start3A_155] : memref<10x128xi32, #tpu.memory_space<vmem>> -> memref<1x128xi32, #tpu.memory_space<vmem>>
    %dma_start3A_157 = tpu.memref_squeeze %dma_start3A_156 : memref<1x128xi32, #tpu.memory_space<vmem>> -> memref<128xi32, #tpu.memory_space<vmem>>
    %dma_start3A_158 = arith.constant 0 : i32
    %dma_start3A_159 = arith.constant 0 : i32
    %dma_start3A_160 = tpu.memref_slice %arg2[%dma_start3A_158, %dma_start3A_159] : memref<100000x128xf32, #tpu.memory_space<hbm>> -> memref<100000x128xf32, #tpu.memory_space<hbm>>
    tpu.enqueue_indirect_dma source(%dma_start3A_160 : memref<100000x128xf32, #tpu.memory_space<hbm>>) target(%arg6 : memref<128x128xf32, #tpu.memory_space<vmem>>) offsets(%dma_start3A_157 : memref<128xi32, #tpu.memory_space<vmem>>) semaphore(%arg10 : memref<!tpu.dma_semaphore, #tpu.memory_space<semaphore_mem>>)
    %dma_wait3A_161 = arith.constant 5 : i32
    %dma_wait3A_162 = arith.constant 0 : i32
    %dma_wait3A_163 = tpu.memref_slice %arg5[%dma_wait3A_161, %dma_wait3A_162] : memref<10x128xi32, #tpu.memory_space<vmem>> -> memref<1x128xi32, #tpu.memory_space<vmem>>
    %dma_wait3A_164 = tpu.memref_squeeze %dma_wait3A_163 : memref<1x128xi32, #tpu.memory_space<vmem>> -> memref<128xi32, #tpu.memory_space<vmem>>
    %dma_wait3A_165 = arith.constant 0 : i32
    %dma_wait3A_166 = arith.constant 0 : i32
    %dma_wait3A_167 = tpu.memref_slice %arg2[%dma_wait3A_165, %dma_wait3A_166] : memref<100000x128xf32, #tpu.memory_space<hbm>> -> memref<100000x128xf32, #tpu.memory_space<hbm>>
    tpu.wait_indirect_dma semaphore(%arg11 : memref<!tpu.dma_semaphore, #tpu.memory_space<semaphore_mem>>) src(%dma_wait3A_167 : memref<100000x128xf32, #tpu.memory_space<hbm>>) dst(%arg7 : memref<128x128xf32, #tpu.memory_space<vmem>>)
    %add3A_168 = arith.constant 640 : i32
    %add3A_169 = arith.addi %mul3A_4, %add3A_168 : i32
    %dma_start3A_170 = arith.constant 0 : i32
    %dma_start3A_171 = tpu.memref_slice %arg4[%add3A_169, %dma_start3A_170] : memref<40960x128xf32, #tpu.memory_space<hbm>> -> memref<128x128xf32, #tpu.memory_space<hbm>>
    %dma_start3A_172 = arith.constant 0 : i32
    %dma_start3A_173 = tpu.memref_slice %arg4[%add3A_169, %dma_start3A_172] : memref<40960x128xf32, #tpu.memory_space<hbm>> -> memref<128x128xf32, #tpu.memory_space<hbm>>
    tpu.enqueue_dma source(%arg7 : memref<128x128xf32, #tpu.memory_space<vmem>>) target(%dma_start3A_173 : memref<128x128xf32, #tpu.memory_space<hbm>>) target_semaphore(%arg15 : memref<!tpu.dma_semaphore, #tpu.memory_space<semaphore_mem>>)
    %add3A_174 = arith.constant 640 : i32
    %add3A_175 = arith.addi %mul3A_4, %add3A_174 : i32
    %dma_wait3A_176 = arith.constant 0 : i32
    %dma_wait3A_177 = tpu.memref_slice %arg4[%add3A_175, %dma_wait3A_176] : memref<40960x128xf32, #tpu.memory_space<hbm>> -> memref<128x128xf32, #tpu.memory_space<hbm>>
    %dma_wait3A_178 = arith.constant 0 : i32
    %dma_wait3A_179 = tpu.memref_slice %arg4[%add3A_175, %dma_wait3A_178] : memref<40960x128xf32, #tpu.memory_space<hbm>> -> memref<128x128xf32, #tpu.memory_space<hbm>>
    tpu.wait_dma2 semaphore(%arg15 : memref<!tpu.dma_semaphore, #tpu.memory_space<semaphore_mem>>) src(%arg7 : memref<128x128xf32, #tpu.memory_space<vmem>>) dst(%dma_wait3A_179 : memref<128x128xf32, #tpu.memory_space<hbm>>)
    %dma_start3A_180 = arith.constant 9 : i32
    %dma_start3A_181 = arith.constant 0 : i32
    %dma_start3A_182 = tpu.memref_slice %arg5[%dma_start3A_180, %dma_start3A_181] : memref<10x128xi32, #tpu.memory_space<vmem>> -> memref<1x128xi32, #tpu.memory_space<vmem>>
    %dma_start3A_183 = tpu.memref_squeeze %dma_start3A_182 : memref<1x128xi32, #tpu.memory_space<vmem>> -> memref<128xi32, #tpu.memory_space<vmem>>
    %dma_start3A_184 = arith.constant 0 : i32
    %dma_start3A_185 = arith.constant 0 : i32
    %dma_start3A_186 = tpu.memref_slice %arg2[%dma_start3A_184, %dma_start3A_185] : memref<100000x128xf32, #tpu.memory_space<hbm>> -> memref<100000x128xf32, #tpu.memory_space<hbm>>
    tpu.enqueue_indirect_dma source(%dma_start3A_186 : memref<100000x128xf32, #tpu.memory_space<hbm>>) target(%arg7 : memref<128x128xf32, #tpu.memory_space<vmem>>) offsets(%dma_start3A_183 : memref<128xi32, #tpu.memory_space<vmem>>) semaphore(%arg11 : memref<!tpu.dma_semaphore, #tpu.memory_space<semaphore_mem>>)
    %dma_wait3A_187 = arith.constant 6 : i32
    %dma_wait3A_188 = arith.constant 0 : i32
    %dma_wait3A_189 = tpu.memref_slice %arg5[%dma_wait3A_187, %dma_wait3A_188] : memref<10x128xi32, #tpu.memory_space<vmem>> -> memref<1x128xi32, #tpu.memory_space<vmem>>
    %dma_wait3A_190 = tpu.memref_squeeze %dma_wait3A_189 : memref<1x128xi32, #tpu.memory_space<vmem>> -> memref<128xi32, #tpu.memory_space<vmem>>
    %dma_wait3A_191 = arith.constant 0 : i32
    %dma_wait3A_192 = arith.constant 0 : i32
    %dma_wait3A_193 = tpu.memref_slice %arg2[%dma_wait3A_191, %dma_wait3A_192] : memref<100000x128xf32, #tpu.memory_space<hbm>> -> memref<100000x128xf32, #tpu.memory_space<hbm>>
    tpu.wait_indirect_dma semaphore(%arg12 : memref<!tpu.dma_semaphore, #tpu.memory_space<semaphore_mem>>) src(%dma_wait3A_193 : memref<100000x128xf32, #tpu.memory_space<hbm>>) dst(%arg8 : memref<128x128xf32, #tpu.memory_space<vmem>>)
    %add3A_194 = arith.constant 768 : i32
    %add3A_195 = arith.addi %mul3A_4, %add3A_194 : i32
    %dma_start3A_196 = arith.constant 0 : i32
    %dma_start3A_197 = tpu.memref_slice %arg4[%add3A_195, %dma_start3A_196] : memref<40960x128xf32, #tpu.memory_space<hbm>> -> memref<128x128xf32, #tpu.memory_space<hbm>>
    %dma_start3A_198 = arith.constant 0 : i32
    %dma_start3A_199 = tpu.memref_slice %arg4[%add3A_195, %dma_start3A_198] : memref<40960x128xf32, #tpu.memory_space<hbm>> -> memref<128x128xf32, #tpu.memory_space<hbm>>
    tpu.enqueue_dma source(%arg8 : memref<128x128xf32, #tpu.memory_space<vmem>>) target(%dma_start3A_199 : memref<128x128xf32, #tpu.memory_space<hbm>>) target_semaphore(%arg16 : memref<!tpu.dma_semaphore, #tpu.memory_space<semaphore_mem>>)
    %dma_wait3A_200 = arith.constant 7 : i32
    %dma_wait3A_201 = arith.constant 0 : i32
    %dma_wait3A_202 = tpu.memref_slice %arg5[%dma_wait3A_200, %dma_wait3A_201] : memref<10x128xi32, #tpu.memory_space<vmem>> -> memref<1x128xi32, #tpu.memory_space<vmem>>
    %dma_wait3A_203 = tpu.memref_squeeze %dma_wait3A_202 : memref<1x128xi32, #tpu.memory_space<vmem>> -> memref<128xi32, #tpu.memory_space<vmem>>
    %dma_wait3A_204 = arith.constant 0 : i32
    %dma_wait3A_205 = arith.constant 0 : i32
    %dma_wait3A_206 = tpu.memref_slice %arg2[%dma_wait3A_204, %dma_wait3A_205] : memref<100000x128xf32, #tpu.memory_space<hbm>> -> memref<100000x128xf32, #tpu.memory_space<hbm>>
    tpu.wait_indirect_dma semaphore(%arg13 : memref<!tpu.dma_semaphore, #tpu.memory_space<semaphore_mem>>) src(%dma_wait3A_206 : memref<100000x128xf32, #tpu.memory_space<hbm>>) dst(%arg9 : memref<128x128xf32, #tpu.memory_space<vmem>>)
    %add3A_207 = arith.constant 896 : i32
    %add3A_208 = arith.addi %mul3A_4, %add3A_207 : i32
    %dma_start3A_209 = arith.constant 0 : i32
    %dma_start3A_210 = tpu.memref_slice %arg4[%add3A_208, %dma_start3A_209] : memref<40960x128xf32, #tpu.memory_space<hbm>> -> memref<128x128xf32, #tpu.memory_space<hbm>>
    %dma_start3A_211 = arith.constant 0 : i32
    %dma_start3A_212 = tpu.memref_slice %arg4[%add3A_208, %dma_start3A_211] : memref<40960x128xf32, #tpu.memory_space<hbm>> -> memref<128x128xf32, #tpu.memory_space<hbm>>
    tpu.enqueue_dma source(%arg9 : memref<128x128xf32, #tpu.memory_space<vmem>>) target(%dma_start3A_212 : memref<128x128xf32, #tpu.memory_space<hbm>>) target_semaphore(%arg17 : memref<!tpu.dma_semaphore, #tpu.memory_space<semaphore_mem>>)
    %dma_wait3A_213 = arith.constant 8 : i32
    %dma_wait3A_214 = arith.constant 0 : i32
    %dma_wait3A_215 = tpu.memref_slice %arg5[%dma_wait3A_213, %dma_wait3A_214] : memref<10x128xi32, #tpu.memory_space<vmem>> -> memref<1x128xi32, #tpu.memory_space<vmem>>
    %dma_wait3A_216 = tpu.memref_squeeze %dma_wait3A_215 : memref<1x128xi32, #tpu.memory_space<vmem>> -> memref<128xi32, #tpu.memory_space<vmem>>
    %dma_wait3A_217 = arith.constant 0 : i32
    %dma_wait3A_218 = arith.constant 0 : i32
    %dma_wait3A_219 = tpu.memref_slice %arg2[%dma_wait3A_217, %dma_wait3A_218] : memref<100000x128xf32, #tpu.memory_space<hbm>> -> memref<100000x128xf32, #tpu.memory_space<hbm>>
    tpu.wait_indirect_dma semaphore(%arg10 : memref<!tpu.dma_semaphore, #tpu.memory_space<semaphore_mem>>) src(%dma_wait3A_219 : memref<100000x128xf32, #tpu.memory_space<hbm>>) dst(%arg6 : memref<128x128xf32, #tpu.memory_space<vmem>>)
    %add3A_220 = arith.constant 1024 : i32
    %add3A_221 = arith.addi %mul3A_4, %add3A_220 : i32
    %dma_start3A_222 = arith.constant 0 : i32
    %dma_start3A_223 = tpu.memref_slice %arg4[%add3A_221, %dma_start3A_222] : memref<40960x128xf32, #tpu.memory_space<hbm>> -> memref<128x128xf32, #tpu.memory_space<hbm>>
    %dma_start3A_224 = arith.constant 0 : i32
    %dma_start3A_225 = tpu.memref_slice %arg4[%add3A_221, %dma_start3A_224] : memref<40960x128xf32, #tpu.memory_space<hbm>> -> memref<128x128xf32, #tpu.memory_space<hbm>>
    tpu.enqueue_dma source(%arg6 : memref<128x128xf32, #tpu.memory_space<vmem>>) target(%dma_start3A_225 : memref<128x128xf32, #tpu.memory_space<hbm>>) target_semaphore(%arg14 : memref<!tpu.dma_semaphore, #tpu.memory_space<semaphore_mem>>)
    %dma_wait3A_226 = arith.constant 9 : i32
    %dma_wait3A_227 = arith.constant 0 : i32
    %dma_wait3A_228 = tpu.memref_slice %arg5[%dma_wait3A_226, %dma_wait3A_227] : memref<10x128xi32, #tpu.memory_space<vmem>> -> memref<1x128xi32, #tpu.memory_space<vmem>>
    %dma_wait3A_229 = tpu.memref_squeeze %dma_wait3A_228 : memref<1x128xi32, #tpu.memory_space<vmem>> -> memref<128xi32, #tpu.memory_space<vmem>>
    %dma_wait3A_230 = arith.constant 0 : i32
    %dma_wait3A_231 = arith.constant 0 : i32
    %dma_wait3A_232 = tpu.memref_slice %arg2[%dma_wait3A_230, %dma_wait3A_231] : memref<100000x128xf32, #tpu.memory_space<hbm>> -> memref<100000x128xf32, #tpu.memory_space<hbm>>
    tpu.wait_indirect_dma semaphore(%arg11 : memref<!tpu.dma_semaphore, #tpu.memory_space<semaphore_mem>>) src(%dma_wait3A_232 : memref<100000x128xf32, #tpu.memory_space<hbm>>) dst(%arg7 : memref<128x128xf32, #tpu.memory_space<vmem>>)
    %add3A_233 = arith.constant 1152 : i32
    %add3A_234 = arith.addi %mul3A_4, %add3A_233 : i32
    %dma_start3A_235 = arith.constant 0 : i32
    %dma_start3A_236 = tpu.memref_slice %arg4[%add3A_234, %dma_start3A_235] : memref<40960x128xf32, #tpu.memory_space<hbm>> -> memref<128x128xf32, #tpu.memory_space<hbm>>
    %dma_start3A_237 = arith.constant 0 : i32
    %dma_start3A_238 = tpu.memref_slice %arg4[%add3A_234, %dma_start3A_237] : memref<40960x128xf32, #tpu.memory_space<hbm>> -> memref<128x128xf32, #tpu.memory_space<hbm>>
    tpu.enqueue_dma source(%arg7 : memref<128x128xf32, #tpu.memory_space<vmem>>) target(%dma_start3A_238 : memref<128x128xf32, #tpu.memory_space<hbm>>) target_semaphore(%arg15 : memref<!tpu.dma_semaphore, #tpu.memory_space<semaphore_mem>>)
    %add3A_239 = arith.constant 768 : i32
    %add3A_240 = arith.addi %mul3A_4, %add3A_239 : i32
    %dma_wait3A_241 = arith.constant 0 : i32
    %dma_wait3A_242 = tpu.memref_slice %arg4[%add3A_240, %dma_wait3A_241] : memref<40960x128xf32, #tpu.memory_space<hbm>> -> memref<128x128xf32, #tpu.memory_space<hbm>>
    %dma_wait3A_243 = arith.constant 0 : i32
    %dma_wait3A_244 = tpu.memref_slice %arg4[%add3A_240, %dma_wait3A_243] : memref<40960x128xf32, #tpu.memory_space<hbm>> -> memref<128x128xf32, #tpu.memory_space<hbm>>
    tpu.wait_dma2 semaphore(%arg16 : memref<!tpu.dma_semaphore, #tpu.memory_space<semaphore_mem>>) src(%arg8 : memref<128x128xf32, #tpu.memory_space<vmem>>) dst(%dma_wait3A_244 : memref<128x128xf32, #tpu.memory_space<hbm>>)
    %add3A_245 = arith.constant 896 : i32
    %add3A_246 = arith.addi %mul3A_4, %add3A_245 : i32
    %dma_wait3A_247 = arith.constant 0 : i32
    %dma_wait3A_248 = tpu.memref_slice %arg4[%add3A_246, %dma_wait3A_247] : memref<40960x128xf32, #tpu.memory_space<hbm>> -> memref<128x128xf32, #tpu.memory_space<hbm>>
    %dma_wait3A_249 = arith.constant 0 : i32
    %dma_wait3A_250 = tpu.memref_slice %arg4[%add3A_246, %dma_wait3A_249] : memref<40960x128xf32, #tpu.memory_space<hbm>> -> memref<128x128xf32, #tpu.memory_space<hbm>>
    tpu.wait_dma2 semaphore(%arg17 : memref<!tpu.dma_semaphore, #tpu.memory_space<semaphore_mem>>) src(%arg9 : memref<128x128xf32, #tpu.memory_space<vmem>>) dst(%dma_wait3A_250 : memref<128x128xf32, #tpu.memory_space<hbm>>)
    %add3A_251 = arith.constant 1024 : i32
    %add3A_252 = arith.addi %mul3A_4, %add3A_251 : i32
    %dma_wait3A_253 = arith.constant 0 : i32
    %dma_wait3A_254 = tpu.memref_slice %arg4[%add3A_252, %dma_wait3A_253] : memref<40960x128xf32, #tpu.memory_space<hbm>> -> memref<128x128xf32, #tpu.memory_space<hbm>>
    %dma_wait3A_255 = arith.constant 0 : i32
    %dma_wait3A_256 = tpu.memref_slice %arg4[%add3A_252, %dma_wait3A_255] : memref<40960x128xf32, #tpu.memory_space<hbm>> -> memref<128x128xf32, #tpu.memory_space<hbm>>
    tpu.wait_dma2 semaphore(%arg14 : memref<!tpu.dma_semaphore, #tpu.memory_space<semaphore_mem>>) src(%arg6 : memref<128x128xf32, #tpu.memory_space<vmem>>) dst(%dma_wait3A_256 : memref<128x128xf32, #tpu.memory_space<hbm>>)
    %add3A_257 = arith.constant 1152 : i32
    %add3A_258 = arith.addi %mul3A_4, %add3A_257 : i32
    %dma_wait3A_259 = arith.constant 0 : i32
    %dma_wait3A_260 = tpu.memref_slice %arg4[%add3A_258, %dma_wait3A_259] : memref<40960x128xf32, #tpu.memory_space<hbm>> -> memref<128x128xf32, #tpu.memory_space<hbm>>
    %dma_wait3A_261 = arith.constant 0 : i32
    %dma_wait3A_262 = tpu.memref_slice %arg4[%add3A_258, %dma_wait3A_261] : memref<40960x128xf32, #tpu.memory_space<hbm>> -> memref<128x128xf32, #tpu.memory_space<hbm>>
    tpu.wait_dma2 semaphore(%arg15 : memref<!tpu.dma_semaphore, #tpu.memory_space<semaphore_mem>>) src(%arg7 : memref<128x128xf32, #tpu.memory_space<vmem>>) dst(%dma_wait3A_262 : memref<128x128xf32, #tpu.memory_space<hbm>>)
    return
  }
}

#map = affine_map<(d0, d1) -> (0, 0)>
#map1 = affine_map<(d0, d1) -> (0, 0, 0)>
module attributes {stable_mosaic.version = 14 : i64} {
  func.func @gather_kernel(%arg0: i32, %arg1: i32, %arg2: memref<100000x128xf32, #tpu.memory_space<hbm>>, %arg3: memref<32x10x128xi32, #tpu.memory_space<hbm>>, %arg4: memref<40960x128xf32, #tpu.memory_space<hbm>>, %arg5: memref<10x128xi32, #tpu.memory_space<vmem>>, %arg6: memref<128x128xf32, #tpu.memory_space<vmem>>, %arg7: memref<128x128xf32, #tpu.memory_space<vmem>>, %arg8: memref<128x128xf32, #tpu.memory_space<vmem>>, %arg9: memref<128x128xf32, #tpu.memory_space<vmem>>, %arg10: memref<!tpu.dma_semaphore, #tpu.memory_space<semaphore_mem>>, %arg11: memref<!tpu.dma_semaphore, #tpu.memory_space<semaphore_mem>>, %arg12: memref<!tpu.dma_semaphore, #tpu.memory_space<semaphore_mem>>, %arg13: memref<!tpu.dma_semaphore, #tpu.memory_space<semaphore_mem>>, %arg14: memref<!tpu.dma_semaphore, #tpu.memory_space<semaphore_mem>>, %arg15: memref<!tpu.dma_semaphore, #tpu.memory_space<semaphore_mem>>, %arg16: memref<!tpu.dma_semaphore, #tpu.memory_space<semaphore_mem>>, %arg17: memref<!tpu.dma_semaphore, #tpu.memory_space<semaphore_mem>>) attributes {dimension_semantics = [#tpu.dimension_semantics<core_parallel>, #tpu.dimension_semantics<subcore_parallel>], iteration_bounds = array<i64: 2, 16>, scalar_prefetch = 0 : i64, scratch_operands = 13 : i64, tpu.core_type = #tpu.core_type<sc_vector_subcore>, window_params = [{transform_indices = #map}, {transform_indices = #map1}, {transform_indices = #map}]} {
    %mul3A = arith.constant 2 : i32
    %mul3A_0 = arith.muli %arg1, %mul3A : i32
    %add3A = arith.addi %mul3A_0, %arg0 : i32
    "tpu.region"() ({
      %run_scoped3A = tpu.sem_alloc : memref<!tpu.dma_semaphore, #tpu.memory_space<semaphore_mem>>
      %dma_start3A_263 = arith.constant 0 : i32
      %dma_start3A_264 = arith.constant 0 : i32
      %dma_start3A_265 = tpu.memref_slice %arg3[%add3A, %dma_start3A_263, %dma_start3A_264] : memref<32x10x128xi32, #tpu.memory_space<hbm>> -> memref<1x10x128xi32, #tpu.memory_space<hbm>>
      %dma_start3A_266 = tpu.memref_squeeze %dma_start3A_265 : memref<1x10x128xi32, #tpu.memory_space<hbm>> -> memref<10x128xi32, #tpu.memory_space<hbm>>
      %dma_start3A_267 = arith.constant 0 : i32
      %dma_start3A_268 = arith.constant 0 : i32
      %dma_start3A_269 = tpu.memref_slice %arg3[%add3A, %dma_start3A_267, %dma_start3A_268] : memref<32x10x128xi32, #tpu.memory_space<hbm>> -> memref<1x10x128xi32, #tpu.memory_space<hbm>>
      %dma_start3A_270 = tpu.memref_squeeze %dma_start3A_269 : memref<1x10x128xi32, #tpu.memory_space<hbm>> -> memref<10x128xi32, #tpu.memory_space<hbm>>
      tpu.enqueue_dma source(%dma_start3A_270 : memref<10x128xi32, #tpu.memory_space<hbm>>) target(%arg5 : memref<10x128xi32, #tpu.memory_space<vmem>>) target_semaphore(%run_scoped3A : memref<!tpu.dma_semaphore, #tpu.memory_space<semaphore_mem>>)
      %dma_wait3A_271 = arith.constant 0 : i32
      %dma_wait3A_272 = arith.constant 0 : i32
      %dma_wait3A_273 = tpu.memref_slice %arg3[%add3A, %dma_wait3A_271, %dma_wait3A_272] : memref<32x10x128xi32, #tpu.memory_space<hbm>> -> memref<1x10x128xi32, #tpu.memory_space<hbm>>
      %dma_wait3A_274 = tpu.memref_squeeze %dma_wait3A_273 : memref<1x10x128xi32, #tpu.memory_space<hbm>> -> memref<10x128xi32, #tpu.memory_space<hbm>>
      %dma_wait3A_275 = arith.constant 0 : i32
      %dma_wait3A_276 = arith.constant 0 : i32
      %dma_wait3A_277 = tpu.memref_slice %arg3[%add3A, %dma_wait3A_275, %dma_wait3A_276] : memref<32x10x128xi32, #tpu.memory_space<hbm>> -> memref<1x10x128xi32, #tpu.memory_space<hbm>>
      %dma_wait3A_278 = tpu.memref_squeeze %dma_wait3A_277 : memref<1x10x128xi32, #tpu.memory_space<hbm>> -> memref<10x128xi32, #tpu.memory_space<hbm>>
      tpu.wait_dma2 semaphore(%run_scoped3A : memref<!tpu.dma_semaphore, #tpu.memory_space<semaphore_mem>>) src(%dma_wait3A_278 : memref<10x128xi32, #tpu.memory_space<hbm>>) dst(%arg5 : memref<10x128xi32, #tpu.memory_space<vmem>>)
      tpu.yield
    }) : () -> ()
    %mul3A_1 = arith.constant 10 : i32
    %mul3A_2 = arith.muli %add3A, %mul3A_1 : i32
    %mul3A_3 = arith.constant 128 : i32
    %mul3A_4 = arith.muli %mul3A_2, %mul3A_3 : i32
    %dma_start3A = arith.constant 0 : i32
    %dma_start3A_5 = arith.constant 0 : i32
    %dma_start3A_6 = tpu.memref_slice %arg5[%dma_start3A, %dma_start3A_5] : memref<10x128xi32, #tpu.memory_space<vmem>> -> memref<1x128xi32, #tpu.memory_space<vmem>>
    %dma_start3A_7 = tpu.memref_squeeze %dma_start3A_6 : memref<1x128xi32, #tpu.memory_space<vmem>> -> memref<128xi32, #tpu.memory_space<vmem>>
    %dma_start3A_8 = arith.constant 0 : i32
    %dma_start3A_9 = arith.constant 0 : i32
    %dma_start3A_10 = tpu.memref_slice %arg2[%dma_start3A_8, %dma_start3A_9] : memref<100000x128xf32, #tpu.memory_space<hbm>> -> memref<100000x128xf32, #tpu.memory_space<hbm>>
    tpu.enqueue_indirect_dma source(%dma_start3A_10 : memref<100000x128xf32, #tpu.memory_space<hbm>>) target(%arg6 : memref<128x128xf32, #tpu.memory_space<vmem>>) offsets(%dma_start3A_7 : memref<128xi32, #tpu.memory_space<vmem>>) semaphore(%arg10 : memref<!tpu.dma_semaphore, #tpu.memory_space<semaphore_mem>>)
    %dma_start3A_11 = arith.constant 1 : i32
    %dma_start3A_12 = arith.constant 0 : i32
    %dma_start3A_13 = tpu.memref_slice %arg5[%dma_start3A_11, %dma_start3A_12] : memref<10x128xi32, #tpu.memory_space<vmem>> -> memref<1x128xi32, #tpu.memory_space<vmem>>
    %dma_start3A_14 = tpu.memref_squeeze %dma_start3A_13 : memref<1x128xi32, #tpu.memory_space<vmem>> -> memref<128xi32, #tpu.memory_space<vmem>>
    %dma_start3A_15 = arith.constant 0 : i32
    %dma_start3A_16 = arith.constant 0 : i32
    %dma_start3A_17 = tpu.memref_slice %arg2[%dma_start3A_15, %dma_start3A_16] : memref<100000x128xf32, #tpu.memory_space<hbm>> -> memref<100000x128xf32, #tpu.memory_space<hbm>>
    tpu.enqueue_indirect_dma source(%dma_start3A_17 : memref<100000x128xf32, #tpu.memory_space<hbm>>) target(%arg7 : memref<128x128xf32, #tpu.memory_space<vmem>>) offsets(%dma_start3A_14 : memref<128xi32, #tpu.memory_space<vmem>>) semaphore(%arg11 : memref<!tpu.dma_semaphore, #tpu.memory_space<semaphore_mem>>)
    %dma_start3A_18 = arith.constant 2 : i32
    %dma_start3A_19 = arith.constant 0 : i32
    %dma_start3A_20 = tpu.memref_slice %arg5[%dma_start3A_18, %dma_start3A_19] : memref<10x128xi32, #tpu.memory_space<vmem>> -> memref<1x128xi32, #tpu.memory_space<vmem>>
    %dma_start3A_21 = tpu.memref_squeeze %dma_start3A_20 : memref<1x128xi32, #tpu.memory_space<vmem>> -> memref<128xi32, #tpu.memory_space<vmem>>
    %dma_start3A_22 = arith.constant 0 : i32
    %dma_start3A_23 = arith.constant 0 : i32
    %dma_start3A_24 = tpu.memref_slice %arg2[%dma_start3A_22, %dma_start3A_23] : memref<100000x128xf32, #tpu.memory_space<hbm>> -> memref<100000x128xf32, #tpu.memory_space<hbm>>
    tpu.enqueue_indirect_dma source(%dma_start3A_24 : memref<100000x128xf32, #tpu.memory_space<hbm>>) target(%arg8 : memref<128x128xf32, #tpu.memory_space<vmem>>) offsets(%dma_start3A_21 : memref<128xi32, #tpu.memory_space<vmem>>) semaphore(%arg12 : memref<!tpu.dma_semaphore, #tpu.memory_space<semaphore_mem>>)
    %dma_start3A_25 = arith.constant 3 : i32
    %dma_start3A_26 = arith.constant 0 : i32
    %dma_start3A_27 = tpu.memref_slice %arg5[%dma_start3A_25, %dma_start3A_26] : memref<10x128xi32, #tpu.memory_space<vmem>> -> memref<1x128xi32, #tpu.memory_space<vmem>>
    %dma_start3A_28 = tpu.memref_squeeze %dma_start3A_27 : memref<1x128xi32, #tpu.memory_space<vmem>> -> memref<128xi32, #tpu.memory_space<vmem>>
    %dma_start3A_29 = arith.constant 0 : i32
    %dma_start3A_30 = arith.constant 0 : i32
    %dma_start3A_31 = tpu.memref_slice %arg2[%dma_start3A_29, %dma_start3A_30] : memref<100000x128xf32, #tpu.memory_space<hbm>> -> memref<100000x128xf32, #tpu.memory_space<hbm>>
    tpu.enqueue_indirect_dma source(%dma_start3A_31 : memref<100000x128xf32, #tpu.memory_space<hbm>>) target(%arg9 : memref<128x128xf32, #tpu.memory_space<vmem>>) offsets(%dma_start3A_28 : memref<128xi32, #tpu.memory_space<vmem>>) semaphore(%arg13 : memref<!tpu.dma_semaphore, #tpu.memory_space<semaphore_mem>>)
    %dma_wait3A = arith.constant 0 : i32
    %dma_wait3A_32 = arith.constant 0 : i32
    %dma_wait3A_33 = tpu.memref_slice %arg5[%dma_wait3A, %dma_wait3A_32] : memref<10x128xi32, #tpu.memory_space<vmem>> -> memref<1x128xi32, #tpu.memory_space<vmem>>
    %dma_wait3A_34 = tpu.memref_squeeze %dma_wait3A_33 : memref<1x128xi32, #tpu.memory_space<vmem>> -> memref<128xi32, #tpu.memory_space<vmem>>
    %dma_wait3A_35 = arith.constant 0 : i32
    %dma_wait3A_36 = arith.constant 0 : i32
    %dma_wait3A_37 = tpu.memref_slice %arg2[%dma_wait3A_35, %dma_wait3A_36] : memref<100000x128xf32, #tpu.memory_space<hbm>> -> memref<100000x128xf32, #tpu.memory_space<hbm>>
    tpu.wait_indirect_dma semaphore(%arg10 : memref<!tpu.dma_semaphore, #tpu.memory_space<semaphore_mem>>) src(%dma_wait3A_37 : memref<100000x128xf32, #tpu.memory_space<hbm>>) dst(%arg6 : memref<128x128xf32, #tpu.memory_space<vmem>>)
    %add3A_38 = arith.constant 0 : i32
    %add3A_39 = arith.addi %mul3A_4, %add3A_38 : i32
    %dma_start3A_40 = arith.constant 0 : i32
    %dma_start3A_41 = tpu.memref_slice %arg4[%add3A_39, %dma_start3A_40] : memref<40960x128xf32, #tpu.memory_space<hbm>> -> memref<128x128xf32, #tpu.memory_space<hbm>>
    %dma_start3A_42 = arith.constant 0 : i32
    %dma_start3A_43 = tpu.memref_slice %arg4[%add3A_39, %dma_start3A_42] : memref<40960x128xf32, #tpu.memory_space<hbm>> -> memref<128x128xf32, #tpu.memory_space<hbm>>
    tpu.enqueue_dma source(%arg6 : memref<128x128xf32, #tpu.memory_space<vmem>>) target(%dma_start3A_43 : memref<128x128xf32, #tpu.memory_space<hbm>>) target_semaphore(%arg14 : memref<!tpu.dma_semaphore, #tpu.memory_space<semaphore_mem>>)
    %add3A_44 = arith.constant 0 : i32
    %add3A_45 = arith.addi %mul3A_4, %add3A_44 : i32
    %dma_wait3A_46 = arith.constant 0 : i32
    %dma_wait3A_47 = tpu.memref_slice %arg4[%add3A_45, %dma_wait3A_46] : memref<40960x128xf32, #tpu.memory_space<hbm>> -> memref<128x128xf32, #tpu.memory_space<hbm>>
    %dma_wait3A_48 = arith.constant 0 : i32
    %dma_wait3A_49 = tpu.memref_slice %arg4[%add3A_45, %dma_wait3A_48] : memref<40960x128xf32, #tpu.memory_space<hbm>> -> memref<128x128xf32, #tpu.memory_space<hbm>>
    tpu.wait_dma2 semaphore(%arg14 : memref<!tpu.dma_semaphore, #tpu.memory_space<semaphore_mem>>) src(%arg6 : memref<128x128xf32, #tpu.memory_space<vmem>>) dst(%dma_wait3A_49 : memref<128x128xf32, #tpu.memory_space<hbm>>)
    %dma_start3A_50 = arith.constant 4 : i32
    %dma_start3A_51 = arith.constant 0 : i32
    %dma_start3A_52 = tpu.memref_slice %arg5[%dma_start3A_50, %dma_start3A_51] : memref<10x128xi32, #tpu.memory_space<vmem>> -> memref<1x128xi32, #tpu.memory_space<vmem>>
    %dma_start3A_53 = tpu.memref_squeeze %dma_start3A_52 : memref<1x128xi32, #tpu.memory_space<vmem>> -> memref<128xi32, #tpu.memory_space<vmem>>
    %dma_start3A_54 = arith.constant 0 : i32
    %dma_start3A_55 = arith.constant 0 : i32
    %dma_start3A_56 = tpu.memref_slice %arg2[%dma_start3A_54, %dma_start3A_55] : memref<100000x128xf32, #tpu.memory_space<hbm>> -> memref<100000x128xf32, #tpu.memory_space<hbm>>
    tpu.enqueue_indirect_dma source(%dma_start3A_56 : memref<100000x128xf32, #tpu.memory_space<hbm>>) target(%arg6 : memref<128x128xf32, #tpu.memory_space<vmem>>) offsets(%dma_start3A_53 : memref<128xi32, #tpu.memory_space<vmem>>) semaphore(%arg10 : memref<!tpu.dma_semaphore, #tpu.memory_space<semaphore_mem>>)
    %dma_wait3A_57 = arith.constant 1 : i32
    %dma_wait3A_58 = arith.constant 0 : i32
    %dma_wait3A_59 = tpu.memref_slice %arg5[%dma_wait3A_57, %dma_wait3A_58] : memref<10x128xi32, #tpu.memory_space<vmem>> -> memref<1x128xi32, #tpu.memory_space<vmem>>
    %dma_wait3A_60 = tpu.memref_squeeze %dma_wait3A_59 : memref<1x128xi32, #tpu.memory_space<vmem>> -> memref<128xi32, #tpu.memory_space<vmem>>
    %dma_wait3A_61 = arith.constant 0 : i32
    %dma_wait3A_62 = arith.constant 0 : i32
    %dma_wait3A_63 = tpu.memref_slice %arg2[%dma_wait3A_61, %dma_wait3A_62] : memref<100000x128xf32, #tpu.memory_space<hbm>> -> memref<100000x128xf32, #tpu.memory_space<hbm>>
    tpu.wait_indirect_dma semaphore(%arg11 : memref<!tpu.dma_semaphore, #tpu.memory_space<semaphore_mem>>) src(%dma_wait3A_63 : memref<100000x128xf32, #tpu.memory_space<hbm>>) dst(%arg7 : memref<128x128xf32, #tpu.memory_space<vmem>>)
    %add3A_64 = arith.constant 128 : i32
    %add3A_65 = arith.addi %mul3A_4, %add3A_64 : i32
    %dma_start3A_66 = arith.constant 0 : i32
    %dma_start3A_67 = tpu.memref_slice %arg4[%add3A_65, %dma_start3A_66] : memref<40960x128xf32, #tpu.memory_space<hbm>> -> memref<128x128xf32, #tpu.memory_space<hbm>>
    %dma_start3A_68 = arith.constant 0 : i32
    %dma_start3A_69 = tpu.memref_slice %arg4[%add3A_65, %dma_start3A_68] : memref<40960x128xf32, #tpu.memory_space<hbm>> -> memref<128x128xf32, #tpu.memory_space<hbm>>
    tpu.enqueue_dma source(%arg7 : memref<128x128xf32, #tpu.memory_space<vmem>>) target(%dma_start3A_69 : memref<128x128xf32, #tpu.memory_space<hbm>>) target_semaphore(%arg15 : memref<!tpu.dma_semaphore, #tpu.memory_space<semaphore_mem>>)
    %add3A_70 = arith.constant 128 : i32
    %add3A_71 = arith.addi %mul3A_4, %add3A_70 : i32
    %dma_wait3A_72 = arith.constant 0 : i32
    %dma_wait3A_73 = tpu.memref_slice %arg4[%add3A_71, %dma_wait3A_72] : memref<40960x128xf32, #tpu.memory_space<hbm>> -> memref<128x128xf32, #tpu.memory_space<hbm>>
    %dma_wait3A_74 = arith.constant 0 : i32
    %dma_wait3A_75 = tpu.memref_slice %arg4[%add3A_71, %dma_wait3A_74] : memref<40960x128xf32, #tpu.memory_space<hbm>> -> memref<128x128xf32, #tpu.memory_space<hbm>>
    tpu.wait_dma2 semaphore(%arg15 : memref<!tpu.dma_semaphore, #tpu.memory_space<semaphore_mem>>) src(%arg7 : memref<128x128xf32, #tpu.memory_space<vmem>>) dst(%dma_wait3A_75 : memref<128x128xf32, #tpu.memory_space<hbm>>)
    %dma_start3A_76 = arith.constant 5 : i32
    %dma_start3A_77 = arith.constant 0 : i32
    %dma_start3A_78 = tpu.memref_slice %arg5[%dma_start3A_76, %dma_start3A_77] : memref<10x128xi32, #tpu.memory_space<vmem>> -> memref<1x128xi32, #tpu.memory_space<vmem>>
    %dma_start3A_79 = tpu.memref_squeeze %dma_start3A_78 : memref<1x128xi32, #tpu.memory_space<vmem>> -> memref<128xi32, #tpu.memory_space<vmem>>
    %dma_start3A_80 = arith.constant 0 : i32
    %dma_start3A_81 = arith.constant 0 : i32
    %dma_start3A_82 = tpu.memref_slice %arg2[%dma_start3A_80, %dma_start3A_81] : memref<100000x128xf32, #tpu.memory_space<hbm>> -> memref<100000x128xf32, #tpu.memory_space<hbm>>
    tpu.enqueue_indirect_dma source(%dma_start3A_82 : memref<100000x128xf32, #tpu.memory_space<hbm>>) target(%arg7 : memref<128x128xf32, #tpu.memory_space<vmem>>) offsets(%dma_start3A_79 : memref<128xi32, #tpu.memory_space<vmem>>) semaphore(%arg11 : memref<!tpu.dma_semaphore, #tpu.memory_space<semaphore_mem>>)
    %dma_wait3A_83 = arith.constant 2 : i32
    %dma_wait3A_84 = arith.constant 0 : i32
    %dma_wait3A_85 = tpu.memref_slice %arg5[%dma_wait3A_83, %dma_wait3A_84] : memref<10x128xi32, #tpu.memory_space<vmem>> -> memref<1x128xi32, #tpu.memory_space<vmem>>
    %dma_wait3A_86 = tpu.memref_squeeze %dma_wait3A_85 : memref<1x128xi32, #tpu.memory_space<vmem>> -> memref<128xi32, #tpu.memory_space<vmem>>
    %dma_wait3A_87 = arith.constant 0 : i32
    %dma_wait3A_88 = arith.constant 0 : i32
    %dma_wait3A_89 = tpu.memref_slice %arg2[%dma_wait3A_87, %dma_wait3A_88] : memref<100000x128xf32, #tpu.memory_space<hbm>> -> memref<100000x128xf32, #tpu.memory_space<hbm>>
    tpu.wait_indirect_dma semaphore(%arg12 : memref<!tpu.dma_semaphore, #tpu.memory_space<semaphore_mem>>) src(%dma_wait3A_89 : memref<100000x128xf32, #tpu.memory_space<hbm>>) dst(%arg8 : memref<128x128xf32, #tpu.memory_space<vmem>>)
    %add3A_90 = arith.constant 256 : i32
    %add3A_91 = arith.addi %mul3A_4, %add3A_90 : i32
    %dma_start3A_92 = arith.constant 0 : i32
    %dma_start3A_93 = tpu.memref_slice %arg4[%add3A_91, %dma_start3A_92] : memref<40960x128xf32, #tpu.memory_space<hbm>> -> memref<128x128xf32, #tpu.memory_space<hbm>>
    %dma_start3A_94 = arith.constant 0 : i32
    %dma_start3A_95 = tpu.memref_slice %arg4[%add3A_91, %dma_start3A_94] : memref<40960x128xf32, #tpu.memory_space<hbm>> -> memref<128x128xf32, #tpu.memory_space<hbm>>
    tpu.enqueue_dma source(%arg8 : memref<128x128xf32, #tpu.memory_space<vmem>>) target(%dma_start3A_95 : memref<128x128xf32, #tpu.memory_space<hbm>>) target_semaphore(%arg16 : memref<!tpu.dma_semaphore, #tpu.memory_space<semaphore_mem>>)
    %add3A_96 = arith.constant 256 : i32
    %add3A_97 = arith.addi %mul3A_4, %add3A_96 : i32
    %dma_wait3A_98 = arith.constant 0 : i32
    %dma_wait3A_99 = tpu.memref_slice %arg4[%add3A_97, %dma_wait3A_98] : memref<40960x128xf32, #tpu.memory_space<hbm>> -> memref<128x128xf32, #tpu.memory_space<hbm>>
    %dma_wait3A_100 = arith.constant 0 : i32
    %dma_wait3A_101 = tpu.memref_slice %arg4[%add3A_97, %dma_wait3A_100] : memref<40960x128xf32, #tpu.memory_space<hbm>> -> memref<128x128xf32, #tpu.memory_space<hbm>>
    tpu.wait_dma2 semaphore(%arg16 : memref<!tpu.dma_semaphore, #tpu.memory_space<semaphore_mem>>) src(%arg8 : memref<128x128xf32, #tpu.memory_space<vmem>>) dst(%dma_wait3A_101 : memref<128x128xf32, #tpu.memory_space<hbm>>)
    %dma_start3A_102 = arith.constant 6 : i32
    %dma_start3A_103 = arith.constant 0 : i32
    %dma_start3A_104 = tpu.memref_slice %arg5[%dma_start3A_102, %dma_start3A_103] : memref<10x128xi32, #tpu.memory_space<vmem>> -> memref<1x128xi32, #tpu.memory_space<vmem>>
    %dma_start3A_105 = tpu.memref_squeeze %dma_start3A_104 : memref<1x128xi32, #tpu.memory_space<vmem>> -> memref<128xi32, #tpu.memory_space<vmem>>
    %dma_start3A_106 = arith.constant 0 : i32
    %dma_start3A_107 = arith.constant 0 : i32
    %dma_start3A_108 = tpu.memref_slice %arg2[%dma_start3A_106, %dma_start3A_107] : memref<100000x128xf32, #tpu.memory_space<hbm>> -> memref<100000x128xf32, #tpu.memory_space<hbm>>
    tpu.enqueue_indirect_dma source(%dma_start3A_108 : memref<100000x128xf32, #tpu.memory_space<hbm>>) target(%arg8 : memref<128x128xf32, #tpu.memory_space<vmem>>) offsets(%dma_start3A_105 : memref<128xi32, #tpu.memory_space<vmem>>) semaphore(%arg12 : memref<!tpu.dma_semaphore, #tpu.memory_space<semaphore_mem>>)
    %dma_wait3A_109 = arith.constant 3 : i32
    %dma_wait3A_110 = arith.constant 0 : i32
    %dma_wait3A_111 = tpu.memref_slice %arg5[%dma_wait3A_109, %dma_wait3A_110] : memref<10x128xi32, #tpu.memory_space<vmem>> -> memref<1x128xi32, #tpu.memory_space<vmem>>
    %dma_wait3A_112 = tpu.memref_squeeze %dma_wait3A_111 : memref<1x128xi32, #tpu.memory_space<vmem>> -> memref<128xi32, #tpu.memory_space<vmem>>
    %dma_wait3A_113 = arith.constant 0 : i32
    %dma_wait3A_114 = arith.constant 0 : i32
    %dma_wait3A_115 = tpu.memref_slice %arg2[%dma_wait3A_113, %dma_wait3A_114] : memref<100000x128xf32, #tpu.memory_space<hbm>> -> memref<100000x128xf32, #tpu.memory_space<hbm>>
    tpu.wait_indirect_dma semaphore(%arg13 : memref<!tpu.dma_semaphore, #tpu.memory_space<semaphore_mem>>) src(%dma_wait3A_115 : memref<100000x128xf32, #tpu.memory_space<hbm>>) dst(%arg9 : memref<128x128xf32, #tpu.memory_space<vmem>>)
    %add3A_116 = arith.constant 384 : i32
    %add3A_117 = arith.addi %mul3A_4, %add3A_116 : i32
    %dma_start3A_118 = arith.constant 0 : i32
    %dma_start3A_119 = tpu.memref_slice %arg4[%add3A_117, %dma_start3A_118] : memref<40960x128xf32, #tpu.memory_space<hbm>> -> memref<128x128xf32, #tpu.memory_space<hbm>>
    %dma_start3A_120 = arith.constant 0 : i32
    %dma_start3A_121 = tpu.memref_slice %arg4[%add3A_117, %dma_start3A_120] : memref<40960x128xf32, #tpu.memory_space<hbm>> -> memref<128x128xf32, #tpu.memory_space<hbm>>
    tpu.enqueue_dma source(%arg9 : memref<128x128xf32, #tpu.memory_space<vmem>>) target(%dma_start3A_121 : memref<128x128xf32, #tpu.memory_space<hbm>>) target_semaphore(%arg17 : memref<!tpu.dma_semaphore, #tpu.memory_space<semaphore_mem>>)
    %add3A_122 = arith.constant 384 : i32
    %add3A_123 = arith.addi %mul3A_4, %add3A_122 : i32
    %dma_wait3A_124 = arith.constant 0 : i32
    %dma_wait3A_125 = tpu.memref_slice %arg4[%add3A_123, %dma_wait3A_124] : memref<40960x128xf32, #tpu.memory_space<hbm>> -> memref<128x128xf32, #tpu.memory_space<hbm>>
    %dma_wait3A_126 = arith.constant 0 : i32
    %dma_wait3A_127 = tpu.memref_slice %arg4[%add3A_123, %dma_wait3A_126] : memref<40960x128xf32, #tpu.memory_space<hbm>> -> memref<128x128xf32, #tpu.memory_space<hbm>>
    tpu.wait_dma2 semaphore(%arg17 : memref<!tpu.dma_semaphore, #tpu.memory_space<semaphore_mem>>) src(%arg9 : memref<128x128xf32, #tpu.memory_space<vmem>>) dst(%dma_wait3A_127 : memref<128x128xf32, #tpu.memory_space<hbm>>)
    %dma_start3A_128 = arith.constant 7 : i32
    %dma_start3A_129 = arith.constant 0 : i32
    %dma_start3A_130 = tpu.memref_slice %arg5[%dma_start3A_128, %dma_start3A_129] : memref<10x128xi32, #tpu.memory_space<vmem>> -> memref<1x128xi32, #tpu.memory_space<vmem>>
    %dma_start3A_131 = tpu.memref_squeeze %dma_start3A_130 : memref<1x128xi32, #tpu.memory_space<vmem>> -> memref<128xi32, #tpu.memory_space<vmem>>
    %dma_start3A_132 = arith.constant 0 : i32
    %dma_start3A_133 = arith.constant 0 : i32
    %dma_start3A_134 = tpu.memref_slice %arg2[%dma_start3A_132, %dma_start3A_133] : memref<100000x128xf32, #tpu.memory_space<hbm>> -> memref<100000x128xf32, #tpu.memory_space<hbm>>
    tpu.enqueue_indirect_dma source(%dma_start3A_134 : memref<100000x128xf32, #tpu.memory_space<hbm>>) target(%arg9 : memref<128x128xf32, #tpu.memory_space<vmem>>) offsets(%dma_start3A_131 : memref<128xi32, #tpu.memory_space<vmem>>) semaphore(%arg13 : memref<!tpu.dma_semaphore, #tpu.memory_space<semaphore_mem>>)
    %dma_wait3A_135 = arith.constant 4 : i32
    %dma_wait3A_136 = arith.constant 0 : i32
    %dma_wait3A_137 = tpu.memref_slice %arg5[%dma_wait3A_135, %dma_wait3A_136] : memref<10x128xi32, #tpu.memory_space<vmem>> -> memref<1x128xi32, #tpu.memory_space<vmem>>
    %dma_wait3A_138 = tpu.memref_squeeze %dma_wait3A_137 : memref<1x128xi32, #tpu.memory_space<vmem>> -> memref<128xi32, #tpu.memory_space<vmem>>
    %dma_wait3A_139 = arith.constant 0 : i32
    %dma_wait3A_140 = arith.constant 0 : i32
    %dma_wait3A_141 = tpu.memref_slice %arg2[%dma_wait3A_139, %dma_wait3A_140] : memref<100000x128xf32, #tpu.memory_space<hbm>> -> memref<100000x128xf32, #tpu.memory_space<hbm>>
    tpu.wait_indirect_dma semaphore(%arg10 : memref<!tpu.dma_semaphore, #tpu.memory_space<semaphore_mem>>) src(%dma_wait3A_141 : memref<100000x128xf32, #tpu.memory_space<hbm>>) dst(%arg6 : memref<128x128xf32, #tpu.memory_space<vmem>>)
    %add3A_142 = arith.constant 512 : i32
    %add3A_143 = arith.addi %mul3A_4, %add3A_142 : i32
    %dma_start3A_144 = arith.constant 0 : i32
    %dma_start3A_145 = tpu.memref_slice %arg4[%add3A_143, %dma_start3A_144] : memref<40960x128xf32, #tpu.memory_space<hbm>> -> memref<128x128xf32, #tpu.memory_space<hbm>>
    %dma_start3A_146 = arith.constant 0 : i32
    %dma_start3A_147 = tpu.memref_slice %arg4[%add3A_143, %dma_start3A_146] : memref<40960x128xf32, #tpu.memory_space<hbm>> -> memref<128x128xf32, #tpu.memory_space<hbm>>
    tpu.enqueue_dma source(%arg6 : memref<128x128xf32, #tpu.memory_space<vmem>>) target(%dma_start3A_147 : memref<128x128xf32, #tpu.memory_space<hbm>>) target_semaphore(%arg14 : memref<!tpu.dma_semaphore, #tpu.memory_space<semaphore_mem>>)
    %add3A_148 = arith.constant 512 : i32
    %add3A_149 = arith.addi %mul3A_4, %add3A_148 : i32
    %dma_wait3A_150 = arith.constant 0 : i32
    %dma_wait3A_151 = tpu.memref_slice %arg4[%add3A_149, %dma_wait3A_150] : memref<40960x128xf32, #tpu.memory_space<hbm>> -> memref<128x128xf32, #tpu.memory_space<hbm>>
    %dma_wait3A_152 = arith.constant 0 : i32
    %dma_wait3A_153 = tpu.memref_slice %arg4[%add3A_149, %dma_wait3A_152] : memref<40960x128xf32, #tpu.memory_space<hbm>> -> memref<128x128xf32, #tpu.memory_space<hbm>>
    tpu.wait_dma2 semaphore(%arg14 : memref<!tpu.dma_semaphore, #tpu.memory_space<semaphore_mem>>) src(%arg6 : memref<128x128xf32, #tpu.memory_space<vmem>>) dst(%dma_wait3A_153 : memref<128x128xf32, #tpu.memory_space<hbm>>)
    %dma_start3A_154 = arith.constant 8 : i32
    %dma_start3A_155 = arith.constant 0 : i32
    %dma_start3A_156 = tpu.memref_slice %arg5[%dma_start3A_154, %dma_start3A_155] : memref<10x128xi32, #tpu.memory_space<vmem>> -> memref<1x128xi32, #tpu.memory_space<vmem>>
    %dma_start3A_157 = tpu.memref_squeeze %dma_start3A_156 : memref<1x128xi32, #tpu.memory_space<vmem>> -> memref<128xi32, #tpu.memory_space<vmem>>
    %dma_start3A_158 = arith.constant 0 : i32
    %dma_start3A_159 = arith.constant 0 : i32
    %dma_start3A_160 = tpu.memref_slice %arg2[%dma_start3A_158, %dma_start3A_159] : memref<100000x128xf32, #tpu.memory_space<hbm>> -> memref<100000x128xf32, #tpu.memory_space<hbm>>
    tpu.enqueue_indirect_dma source(%dma_start3A_160 : memref<100000x128xf32, #tpu.memory_space<hbm>>) target(%arg6 : memref<128x128xf32, #tpu.memory_space<vmem>>) offsets(%dma_start3A_157 : memref<128xi32, #tpu.memory_space<vmem>>) semaphore(%arg10 : memref<!tpu.dma_semaphore, #tpu.memory_space<semaphore_mem>>)
    %dma_wait3A_161 = arith.constant 5 : i32
    %dma_wait3A_162 = arith.constant 0 : i32
    %dma_wait3A_163 = tpu.memref_slice %arg5[%dma_wait3A_161, %dma_wait3A_162] : memref<10x128xi32, #tpu.memory_space<vmem>> -> memref<1x128xi32, #tpu.memory_space<vmem>>
    %dma_wait3A_164 = tpu.memref_squeeze %dma_wait3A_163 : memref<1x128xi32, #tpu.memory_space<vmem>> -> memref<128xi32, #tpu.memory_space<vmem>>
    %dma_wait3A_165 = arith.constant 0 : i32
    %dma_wait3A_166 = arith.constant 0 : i32
    %dma_wait3A_167 = tpu.memref_slice %arg2[%dma_wait3A_165, %dma_wait3A_166] : memref<100000x128xf32, #tpu.memory_space<hbm>> -> memref<100000x128xf32, #tpu.memory_space<hbm>>
    tpu.wait_indirect_dma semaphore(%arg11 : memref<!tpu.dma_semaphore, #tpu.memory_space<semaphore_mem>>) src(%dma_wait3A_167 : memref<100000x128xf32, #tpu.memory_space<hbm>>) dst(%arg7 : memref<128x128xf32, #tpu.memory_space<vmem>>)
    %add3A_168 = arith.constant 640 : i32
    %add3A_169 = arith.addi %mul3A_4, %add3A_168 : i32
    %dma_start3A_170 = arith.constant 0 : i32
    %dma_start3A_171 = tpu.memref_slice %arg4[%add3A_169, %dma_start3A_170] : memref<40960x128xf32, #tpu.memory_space<hbm>> -> memref<128x128xf32, #tpu.memory_space<hbm>>
    %dma_start3A_172 = arith.constant 0 : i32
    %dma_start3A_173 = tpu.memref_slice %arg4[%add3A_169, %dma_start3A_172] : memref<40960x128xf32, #tpu.memory_space<hbm>> -> memref<128x128xf32, #tpu.memory_space<hbm>>
    tpu.enqueue_dma source(%arg7 : memref<128x128xf32, #tpu.memory_space<vmem>>) target(%dma_start3A_173 : memref<128x128xf32, #tpu.memory_space<hbm>>) target_semaphore(%arg15 : memref<!tpu.dma_semaphore, #tpu.memory_space<semaphore_mem>>)
    %add3A_174 = arith.constant 640 : i32
    %add3A_175 = arith.addi %mul3A_4, %add3A_174 : i32
    %dma_wait3A_176 = arith.constant 0 : i32
    %dma_wait3A_177 = tpu.memref_slice %arg4[%add3A_175, %dma_wait3A_176] : memref<40960x128xf32, #tpu.memory_space<hbm>> -> memref<128x128xf32, #tpu.memory_space<hbm>>
    %dma_wait3A_178 = arith.constant 0 : i32
    %dma_wait3A_179 = tpu.memref_slice %arg4[%add3A_175, %dma_wait3A_178] : memref<40960x128xf32, #tpu.memory_space<hbm>> -> memref<128x128xf32, #tpu.memory_space<hbm>>
    tpu.wait_dma2 semaphore(%arg15 : memref<!tpu.dma_semaphore, #tpu.memory_space<semaphore_mem>>) src(%arg7 : memref<128x128xf32, #tpu.memory_space<vmem>>) dst(%dma_wait3A_179 : memref<128x128xf32, #tpu.memory_space<hbm>>)
    %dma_start3A_180 = arith.constant 9 : i32
    %dma_start3A_181 = arith.constant 0 : i32
    %dma_start3A_182 = tpu.memref_slice %arg5[%dma_start3A_180, %dma_start3A_181] : memref<10x128xi32, #tpu.memory_space<vmem>> -> memref<1x128xi32, #tpu.memory_space<vmem>>
    %dma_start3A_183 = tpu.memref_squeeze %dma_start3A_182 : memref<1x128xi32, #tpu.memory_space<vmem>> -> memref<128xi32, #tpu.memory_space<vmem>>
    %dma_start3A_184 = arith.constant 0 : i32
    %dma_start3A_185 = arith.constant 0 : i32
    %dma_start3A_186 = tpu.memref_slice %arg2[%dma_start3A_184, %dma_start3A_185] : memref<100000x128xf32, #tpu.memory_space<hbm>> -> memref<100000x128xf32, #tpu.memory_space<hbm>>
    tpu.enqueue_indirect_dma source(%dma_start3A_186 : memref<100000x128xf32, #tpu.memory_space<hbm>>) target(%arg7 : memref<128x128xf32, #tpu.memory_space<vmem>>) offsets(%dma_start3A_183 : memref<128xi32, #tpu.memory_space<vmem>>) semaphore(%arg11 : memref<!tpu.dma_semaphore, #tpu.memory_space<semaphore_mem>>)
    %dma_wait3A_187 = arith.constant 6 : i32
    %dma_wait3A_188 = arith.constant 0 : i32
    %dma_wait3A_189 = tpu.memref_slice %arg5[%dma_wait3A_187, %dma_wait3A_188] : memref<10x128xi32, #tpu.memory_space<vmem>> -> memref<1x128xi32, #tpu.memory_space<vmem>>
    %dma_wait3A_190 = tpu.memref_squeeze %dma_wait3A_189 : memref<1x128xi32, #tpu.memory_space<vmem>> -> memref<128xi32, #tpu.memory_space<vmem>>
    %dma_wait3A_191 = arith.constant 0 : i32
    %dma_wait3A_192 = arith.constant 0 : i32
    %dma_wait3A_193 = tpu.memref_slice %arg2[%dma_wait3A_191, %dma_wait3A_192] : memref<100000x128xf32, #tpu.memory_space<hbm>> -> memref<100000x128xf32, #tpu.memory_space<hbm>>
    tpu.wait_indirect_dma semaphore(%arg12 : memref<!tpu.dma_semaphore, #tpu.memory_space<semaphore_mem>>) src(%dma_wait3A_193 : memref<100000x128xf32, #tpu.memory_space<hbm>>) dst(%arg8 : memref<128x128xf32, #tpu.memory_space<vmem>>)
    %add3A_194 = arith.constant 768 : i32
    %add3A_195 = arith.addi %mul3A_4, %add3A_194 : i32
    %dma_start3A_196 = arith.constant 0 : i32
    %dma_start3A_197 = tpu.memref_slice %arg4[%add3A_195, %dma_start3A_196] : memref<40960x128xf32, #tpu.memory_space<hbm>> -> memref<128x128xf32, #tpu.memory_space<hbm>>
    %dma_start3A_198 = arith.constant 0 : i32
    %dma_start3A_199 = tpu.memref_slice %arg4[%add3A_195, %dma_start3A_198] : memref<40960x128xf32, #tpu.memory_space<hbm>> -> memref<128x128xf32, #tpu.memory_space<hbm>>
    tpu.enqueue_dma source(%arg8 : memref<128x128xf32, #tpu.memory_space<vmem>>) target(%dma_start3A_199 : memref<128x128xf32, #tpu.memory_space<hbm>>) target_semaphore(%arg16 : memref<!tpu.dma_semaphore, #tpu.memory_space<semaphore_mem>>)
    %dma_wait3A_200 = arith.constant 7 : i32
    %dma_wait3A_201 = arith.constant 0 : i32
    %dma_wait3A_202 = tpu.memref_slice %arg5[%dma_wait3A_200, %dma_wait3A_201] : memref<10x128xi32, #tpu.memory_space<vmem>> -> memref<1x128xi32, #tpu.memory_space<vmem>>
    %dma_wait3A_203 = tpu.memref_squeeze %dma_wait3A_202 : memref<1x128xi32, #tpu.memory_space<vmem>> -> memref<128xi32, #tpu.memory_space<vmem>>
    %dma_wait3A_204 = arith.constant 0 : i32
    %dma_wait3A_205 = arith.constant 0 : i32
    %dma_wait3A_206 = tpu.memref_slice %arg2[%dma_wait3A_204, %dma_wait3A_205] : memref<100000x128xf32, #tpu.memory_space<hbm>> -> memref<100000x128xf32, #tpu.memory_space<hbm>>
    tpu.wait_indirect_dma semaphore(%arg13 : memref<!tpu.dma_semaphore, #tpu.memory_space<semaphore_mem>>) src(%dma_wait3A_206 : memref<100000x128xf32, #tpu.memory_space<hbm>>) dst(%arg9 : memref<128x128xf32, #tpu.memory_space<vmem>>)
    %add3A_207 = arith.constant 896 : i32
    %add3A_208 = arith.addi %mul3A_4, %add3A_207 : i32
    %dma_start3A_209 = arith.constant 0 : i32
    %dma_start3A_210 = tpu.memref_slice %arg4[%add3A_208, %dma_start3A_209] : memref<40960x128xf32, #tpu.memory_space<hbm>> -> memref<128x128xf32, #tpu.memory_space<hbm>>
    %dma_start3A_211 = arith.constant 0 : i32
    %dma_start3A_212 = tpu.memref_slice %arg4[%add3A_208, %dma_start3A_211] : memref<40960x128xf32, #tpu.memory_space<hbm>> -> memref<128x128xf32, #tpu.memory_space<hbm>>
    tpu.enqueue_dma source(%arg9 : memref<128x128xf32, #tpu.memory_space<vmem>>) target(%dma_start3A_212 : memref<128x128xf32, #tpu.memory_space<hbm>>) target_semaphore(%arg17 : memref<!tpu.dma_semaphore, #tpu.memory_space<semaphore_mem>>)
    %dma_wait3A_213 = arith.constant 8 : i32
    %dma_wait3A_214 = arith.constant 0 : i32
    %dma_wait3A_215 = tpu.memref_slice %arg5[%dma_wait3A_213, %dma_wait3A_214] : memref<10x128xi32, #tpu.memory_space<vmem>> -> memref<1x128xi32, #tpu.memory_space<vmem>>
    %dma_wait3A_216 = tpu.memref_squeeze %dma_wait3A_215 : memref<1x128xi32, #tpu.memory_space<vmem>> -> memref<128xi32, #tpu.memory_space<vmem>>
    %dma_wait3A_217 = arith.constant 0 : i32
    %dma_wait3A_218 = arith.constant 0 : i32
    %dma_wait3A_219 = tpu.memref_slice %arg2[%dma_wait3A_217, %dma_wait3A_218] : memref<100000x128xf32, #tpu.memory_space<hbm>> -> memref<100000x128xf32, #tpu.memory_space<hbm>>
    tpu.wait_indirect_dma semaphore(%arg10 : memref<!tpu.dma_semaphore, #tpu.memory_space<semaphore_mem>>) src(%dma_wait3A_219 : memref<100000x128xf32, #tpu.memory_space<hbm>>) dst(%arg6 : memref<128x128xf32, #tpu.memory_space<vmem>>)
    %add3A_220 = arith.constant 1024 : i32
    %add3A_221 = arith.addi %mul3A_4, %add3A_220 : i32
    %dma_start3A_222 = arith.constant 0 : i32
    %dma_start3A_223 = tpu.memref_slice %arg4[%add3A_221, %dma_start3A_222] : memref<40960x128xf32, #tpu.memory_space<hbm>> -> memref<128x128xf32, #tpu.memory_space<hbm>>
    %dma_start3A_224 = arith.constant 0 : i32
    %dma_start3A_225 = tpu.memref_slice %arg4[%add3A_221, %dma_start3A_224] : memref<40960x128xf32, #tpu.memory_space<hbm>> -> memref<128x128xf32, #tpu.memory_space<hbm>>
    tpu.enqueue_dma source(%arg6 : memref<128x128xf32, #tpu.memory_space<vmem>>) target(%dma_start3A_225 : memref<128x128xf32, #tpu.memory_space<hbm>>) target_semaphore(%arg14 : memref<!tpu.dma_semaphore, #tpu.memory_space<semaphore_mem>>)
    %dma_wait3A_226 = arith.constant 9 : i32
    %dma_wait3A_227 = arith.constant 0 : i32
    %dma_wait3A_228 = tpu.memref_slice %arg5[%dma_wait3A_226, %dma_wait3A_227] : memref<10x128xi32, #tpu.memory_space<vmem>> -> memref<1x128xi32, #tpu.memory_space<vmem>>
    %dma_wait3A_229 = tpu.memref_squeeze %dma_wait3A_228 : memref<1x128xi32, #tpu.memory_space<vmem>> -> memref<128xi32, #tpu.memory_space<vmem>>
    %dma_wait3A_230 = arith.constant 0 : i32
    %dma_wait3A_231 = arith.constant 0 : i32
    %dma_wait3A_232 = tpu.memref_slice %arg2[%dma_wait3A_230, %dma_wait3A_231] : memref<100000x128xf32, #tpu.memory_space<hbm>> -> memref<100000x128xf32, #tpu.memory_space<hbm>>
    tpu.wait_indirect_dma semaphore(%arg11 : memref<!tpu.dma_semaphore, #tpu.memory_space<semaphore_mem>>) src(%dma_wait3A_232 : memref<100000x128xf32, #tpu.memory_space<hbm>>) dst(%arg7 : memref<128x128xf32, #tpu.memory_space<vmem>>)
    %add3A_233 = arith.constant 1152 : i32
    %add3A_234 = arith.addi %mul3A_4, %add3A_233 : i32
    %dma_start3A_235 = arith.constant 0 : i32
    %dma_start3A_236 = tpu.memref_slice %arg4[%add3A_234, %dma_start3A_235] : memref<40960x128xf32, #tpu.memory_space<hbm>> -> memref<128x128xf32, #tpu.memory_space<hbm>>
    %dma_start3A_237 = arith.constant 0 : i32
    %dma_start3A_238 = tpu.memref_slice %arg4[%add3A_234, %dma_start3A_237] : memref<40960x128xf32, #tpu.memory_space<hbm>> -> memref<128x128xf32, #tpu.memory_space<hbm>>
    tpu.enqueue_dma source(%arg7 : memref<128x128xf32, #tpu.memory_space<vmem>>) target(%dma_start3A_238 : memref<128x128xf32, #tpu.memory_space<hbm>>) target_semaphore(%arg15 : memref<!tpu.dma_semaphore, #tpu.memory_space<semaphore_mem>>)
    %add3A_239 = arith.constant 768 : i32
    %add3A_240 = arith.addi %mul3A_4, %add3A_239 : i32
    %dma_wait3A_241 = arith.constant 0 : i32
    %dma_wait3A_242 = tpu.memref_slice %arg4[%add3A_240, %dma_wait3A_241] : memref<40960x128xf32, #tpu.memory_space<hbm>> -> memref<128x128xf32, #tpu.memory_space<hbm>>
    %dma_wait3A_243 = arith.constant 0 : i32
    %dma_wait3A_244 = tpu.memref_slice %arg4[%add3A_240, %dma_wait3A_243] : memref<40960x128xf32, #tpu.memory_space<hbm>> -> memref<128x128xf32, #tpu.memory_space<hbm>>
    tpu.wait_dma2 semaphore(%arg16 : memref<!tpu.dma_semaphore, #tpu.memory_space<semaphore_mem>>) src(%arg8 : memref<128x128xf32, #tpu.memory_space<vmem>>) dst(%dma_wait3A_244 : memref<128x128xf32, #tpu.memory_space<hbm>>)
    %add3A_245 = arith.constant 896 : i32
    %add3A_246 = arith.addi %mul3A_4, %add3A_245 : i32
    %dma_wait3A_247 = arith.constant 0 : i32
    %dma_wait3A_248 = tpu.memref_slice %arg4[%add3A_246, %dma_wait3A_247] : memref<40960x128xf32, #tpu.memory_space<hbm>> -> memref<128x128xf32, #tpu.memory_space<hbm>>
    %dma_wait3A_249 = arith.constant 0 : i32
    %dma_wait3A_250 = tpu.memref_slice %arg4[%add3A_246, %dma_wait3A_249] : memref<40960x128xf32, #tpu.memory_space<hbm>> -> memref<128x128xf32, #tpu.memory_space<hbm>>
    tpu.wait_dma2 semaphore(%arg17 : memref<!tpu.dma_semaphore, #tpu.memory_space<semaphore_mem>>) src(%arg9 : memref<128x128xf32, #tpu.memory_space<vmem>>) dst(%dma_wait3A_250 : memref<128x128xf32, #tpu.memory_space<hbm>>)
    %add3A_251 = arith.constant 1024 : i32
    %add3A_252 = arith.addi %mul3A_4, %add3A_251 : i32
    %dma_wait3A_253 = arith.constant 0 : i32
    %dma_wait3A_254 = tpu.memref_slice %arg4[%add3A_252, %dma_wait3A_253] : memref<40960x128xf32, #tpu.memory_space<hbm>> -> memref<128x128xf32, #tpu.memory_space<hbm>>
    %dma_wait3A_255 = arith.constant 0 : i32
    %dma_wait3A_256 = tpu.memref_slice %arg4[%add3A_252, %dma_wait3A_255] : memref<40960x128xf32, #tpu.memory_space<hbm>> -> memref<128x128xf32, #tpu.memory_space<hbm>>
    tpu.wait_dma2 semaphore(%arg14 : memref<!tpu.dma_semaphore, #tpu.memory_space<semaphore_mem>>) src(%arg6 : memref<128x128xf32, #tpu.memory_space<vmem>>) dst(%dma_wait3A_256 : memref<128x128xf32, #tpu.memory_space<hbm>>)
    %add3A_257 = arith.constant 1152 : i32
    %add3A_258 = arith.addi %mul3A_4, %add3A_257 : i32
    %dma_wait3A_259 = arith.constant 0 : i32
    %dma_wait3A_260 = tpu.memref_slice %arg4[%add3A_258, %dma_wait3A_259] : memref<40960x128xf32, #tpu.memory_space<hbm>> -> memref<128x128xf32, #tpu.memory_space<hbm>>
    %dma_wait3A_261 = arith.constant 0 : i32
    %dma_wait3A_262 = tpu.memref_slice %arg4[%add3A_258, %dma_wait3A_261] : memref<40960x128xf32, #tpu.memory_space<hbm>> -> memref<128x128xf32, #tpu.memory_space<hbm>>
    tpu.wait_dma2 semaphore(%arg15 : memref<!tpu.dma_semaphore, #tpu.memory_space<semaphore_mem>>) src(%arg7 : memref<128x128xf32, #tpu.memory_space<vmem>>) dst(%dma_wait3A_262 : memref<128x128xf32, #tpu.memory_space<hbm>>)
    return
  }
}

#map = affine_map<(d0, d1) -> (0, 0)>
#map1 = affine_map<(d0, d1) -> (0, 0, 0)>
module attributes {stable_mosaic.version = 14 : i64} {
  func.func @gather_kernel(%arg0: i32, %arg1: i32, %arg2: memref<100000x128xf32, #tpu.memory_space<hbm>>, %arg3: memref<32x10x128xi32, #tpu.memory_space<hbm>>, %arg4: memref<40960x128xf32, #tpu.memory_space<hbm>>, %arg5: memref<10x128xi32, #tpu.memory_space<vmem>>, %arg6: memref<128x128xf32, #tpu.memory_space<vmem>>, %arg7: memref<128x128xf32, #tpu.memory_space<vmem>>, %arg8: memref<128x128xf32, #tpu.memory_space<vmem>>, %arg9: memref<128x128xf32, #tpu.memory_space<vmem>>, %arg10: memref<!tpu.dma_semaphore, #tpu.memory_space<semaphore_mem>>, %arg11: memref<!tpu.dma_semaphore, #tpu.memory_space<semaphore_mem>>, %arg12: memref<!tpu.dma_semaphore, #tpu.memory_space<semaphore_mem>>, %arg13: memref<!tpu.dma_semaphore, #tpu.memory_space<semaphore_mem>>, %arg14: memref<!tpu.dma_semaphore, #tpu.memory_space<semaphore_mem>>, %arg15: memref<!tpu.dma_semaphore, #tpu.memory_space<semaphore_mem>>, %arg16: memref<!tpu.dma_semaphore, #tpu.memory_space<semaphore_mem>>, %arg17: memref<!tpu.dma_semaphore, #tpu.memory_space<semaphore_mem>>) attributes {dimension_semantics = [#tpu.dimension_semantics<core_parallel>, #tpu.dimension_semantics<subcore_parallel>], iteration_bounds = array<i64: 2, 16>, scalar_prefetch = 0 : i64, scratch_operands = 13 : i64, tpu.core_type = #tpu.core_type<sc_vector_subcore>, window_params = [{transform_indices = #map}, {transform_indices = #map1}, {transform_indices = #map}]} {
    %mul3A = arith.constant 2 : i32
    %mul3A_0 = arith.muli %arg1, %mul3A : i32
    %add3A = arith.addi %mul3A_0, %arg0 : i32
    "tpu.region"() ({
      %run_scoped3A = tpu.sem_alloc : memref<!tpu.dma_semaphore, #tpu.memory_space<semaphore_mem>>
      %dma_start3A_263 = arith.constant 0 : i32
      %dma_start3A_264 = arith.constant 0 : i32
      %dma_start3A_265 = tpu.memref_slice %arg3[%add3A, %dma_start3A_263, %dma_start3A_264] : memref<32x10x128xi32, #tpu.memory_space<hbm>> -> memref<1x10x128xi32, #tpu.memory_space<hbm>>
      %dma_start3A_266 = tpu.memref_squeeze %dma_start3A_265 : memref<1x10x128xi32, #tpu.memory_space<hbm>> -> memref<10x128xi32, #tpu.memory_space<hbm>>
      %dma_start3A_267 = arith.constant 0 : i32
      %dma_start3A_268 = arith.constant 0 : i32
      %dma_start3A_269 = tpu.memref_slice %arg3[%add3A, %dma_start3A_267, %dma_start3A_268] : memref<32x10x128xi32, #tpu.memory_space<hbm>> -> memref<1x10x128xi32, #tpu.memory_space<hbm>>
      %dma_start3A_270 = tpu.memref_squeeze %dma_start3A_269 : memref<1x10x128xi32, #tpu.memory_space<hbm>> -> memref<10x128xi32, #tpu.memory_space<hbm>>
      tpu.enqueue_dma source(%dma_start3A_270 : memref<10x128xi32, #tpu.memory_space<hbm>>) target(%arg5 : memref<10x128xi32, #tpu.memory_space<vmem>>) target_semaphore(%run_scoped3A : memref<!tpu.dma_semaphore, #tpu.memory_space<semaphore_mem>>)
      %dma_wait3A_271 = arith.constant 0 : i32
      %dma_wait3A_272 = arith.constant 0 : i32
      %dma_wait3A_273 = tpu.memref_slice %arg3[%add3A, %dma_wait3A_271, %dma_wait3A_272] : memref<32x10x128xi32, #tpu.memory_space<hbm>> -> memref<1x10x128xi32, #tpu.memory_space<hbm>>
      %dma_wait3A_274 = tpu.memref_squeeze %dma_wait3A_273 : memref<1x10x128xi32, #tpu.memory_space<hbm>> -> memref<10x128xi32, #tpu.memory_space<hbm>>
      %dma_wait3A_275 = arith.constant 0 : i32
      %dma_wait3A_276 = arith.constant 0 : i32
      %dma_wait3A_277 = tpu.memref_slice %arg3[%add3A, %dma_wait3A_275, %dma_wait3A_276] : memref<32x10x128xi32, #tpu.memory_space<hbm>> -> memref<1x10x128xi32, #tpu.memory_space<hbm>>
      %dma_wait3A_278 = tpu.memref_squeeze %dma_wait3A_277 : memref<1x10x128xi32, #tpu.memory_space<hbm>> -> memref<10x128xi32, #tpu.memory_space<hbm>>
      tpu.wait_dma2 semaphore(%run_scoped3A : memref<!tpu.dma_semaphore, #tpu.memory_space<semaphore_mem>>) src(%dma_wait3A_278 : memref<10x128xi32, #tpu.memory_space<hbm>>) dst(%arg5 : memref<10x128xi32, #tpu.memory_space<vmem>>)
      tpu.yield
    }) : () -> ()
    %mul3A_1 = arith.constant 10 : i32
    %mul3A_2 = arith.muli %add3A, %mul3A_1 : i32
    %mul3A_3 = arith.constant 128 : i32
    %mul3A_4 = arith.muli %mul3A_2, %mul3A_3 : i32
    %dma_start3A = arith.constant 0 : i32
    %dma_start3A_5 = arith.constant 0 : i32
    %dma_start3A_6 = tpu.memref_slice %arg5[%dma_start3A, %dma_start3A_5] : memref<10x128xi32, #tpu.memory_space<vmem>> -> memref<1x128xi32, #tpu.memory_space<vmem>>
    %dma_start3A_7 = tpu.memref_squeeze %dma_start3A_6 : memref<1x128xi32, #tpu.memory_space<vmem>> -> memref<128xi32, #tpu.memory_space<vmem>>
    %dma_start3A_8 = arith.constant 0 : i32
    %dma_start3A_9 = arith.constant 0 : i32
    %dma_start3A_10 = tpu.memref_slice %arg2[%dma_start3A_8, %dma_start3A_9] : memref<100000x128xf32, #tpu.memory_space<hbm>> -> memref<100000x128xf32, #tpu.memory_space<hbm>>
    tpu.enqueue_indirect_dma source(%dma_start3A_10 : memref<100000x128xf32, #tpu.memory_space<hbm>>) target(%arg6 : memref<128x128xf32, #tpu.memory_space<vmem>>) offsets(%dma_start3A_7 : memref<128xi32, #tpu.memory_space<vmem>>) semaphore(%arg10 : memref<!tpu.dma_semaphore, #tpu.memory_space<semaphore_mem>>)
    %dma_start3A_11 = arith.constant 1 : i32
    %dma_start3A_12 = arith.constant 0 : i32
    %dma_start3A_13 = tpu.memref_slice %arg5[%dma_start3A_11, %dma_start3A_12] : memref<10x128xi32, #tpu.memory_space<vmem>> -> memref<1x128xi32, #tpu.memory_space<vmem>>
    %dma_start3A_14 = tpu.memref_squeeze %dma_start3A_13 : memref<1x128xi32, #tpu.memory_space<vmem>> -> memref<128xi32, #tpu.memory_space<vmem>>
    %dma_start3A_15 = arith.constant 0 : i32
    %dma_start3A_16 = arith.constant 0 : i32
    %dma_start3A_17 = tpu.memref_slice %arg2[%dma_start3A_15, %dma_start3A_16] : memref<100000x128xf32, #tpu.memory_space<hbm>> -> memref<100000x128xf32, #tpu.memory_space<hbm>>
    tpu.enqueue_indirect_dma source(%dma_start3A_17 : memref<100000x128xf32, #tpu.memory_space<hbm>>) target(%arg7 : memref<128x128xf32, #tpu.memory_space<vmem>>) offsets(%dma_start3A_14 : memref<128xi32, #tpu.memory_space<vmem>>) semaphore(%arg11 : memref<!tpu.dma_semaphore, #tpu.memory_space<semaphore_mem>>)
    %dma_start3A_18 = arith.constant 2 : i32
    %dma_start3A_19 = arith.constant 0 : i32
    %dma_start3A_20 = tpu.memref_slice %arg5[%dma_start3A_18, %dma_start3A_19] : memref<10x128xi32, #tpu.memory_space<vmem>> -> memref<1x128xi32, #tpu.memory_space<vmem>>
    %dma_start3A_21 = tpu.memref_squeeze %dma_start3A_20 : memref<1x128xi32, #tpu.memory_space<vmem>> -> memref<128xi32, #tpu.memory_space<vmem>>
    %dma_start3A_22 = arith.constant 0 : i32
    %dma_start3A_23 = arith.constant 0 : i32
    %dma_start3A_24 = tpu.memref_slice %arg2[%dma_start3A_22, %dma_start3A_23] : memref<100000x128xf32, #tpu.memory_space<hbm>> -> memref<100000x128xf32, #tpu.memory_space<hbm>>
    tpu.enqueue_indirect_dma source(%dma_start3A_24 : memref<100000x128xf32, #tpu.memory_space<hbm>>) target(%arg8 : memref<128x128xf32, #tpu.memory_space<vmem>>) offsets(%dma_start3A_21 : memref<128xi32, #tpu.memory_space<vmem>>) semaphore(%arg12 : memref<!tpu.dma_semaphore, #tpu.memory_space<semaphore_mem>>)
    %dma_start3A_25 = arith.constant 3 : i32
    %dma_start3A_26 = arith.constant 0 : i32
    %dma_start3A_27 = tpu.memref_slice %arg5[%dma_start3A_25, %dma_start3A_26] : memref<10x128xi32, #tpu.memory_space<vmem>> -> memref<1x128xi32, #tpu.memory_space<vmem>>
    %dma_start3A_28 = tpu.memref_squeeze %dma_start3A_27 : memref<1x128xi32, #tpu.memory_space<vmem>> -> memref<128xi32, #tpu.memory_space<vmem>>
    %dma_start3A_29 = arith.constant 0 : i32
    %dma_start3A_30 = arith.constant 0 : i32
    %dma_start3A_31 = tpu.memref_slice %arg2[%dma_start3A_29, %dma_start3A_30] : memref<100000x128xf32, #tpu.memory_space<hbm>> -> memref<100000x128xf32, #tpu.memory_space<hbm>>
    tpu.enqueue_indirect_dma source(%dma_start3A_31 : memref<100000x128xf32, #tpu.memory_space<hbm>>) target(%arg9 : memref<128x128xf32, #tpu.memory_space<vmem>>) offsets(%dma_start3A_28 : memref<128xi32, #tpu.memory_space<vmem>>) semaphore(%arg13 : memref<!tpu.dma_semaphore, #tpu.memory_space<semaphore_mem>>)
    %dma_wait3A = arith.constant 0 : i32
    %dma_wait3A_32 = arith.constant 0 : i32
    %dma_wait3A_33 = tpu.memref_slice %arg5[%dma_wait3A, %dma_wait3A_32] : memref<10x128xi32, #tpu.memory_space<vmem>> -> memref<1x128xi32, #tpu.memory_space<vmem>>
    %dma_wait3A_34 = tpu.memref_squeeze %dma_wait3A_33 : memref<1x128xi32, #tpu.memory_space<vmem>> -> memref<128xi32, #tpu.memory_space<vmem>>
    %dma_wait3A_35 = arith.constant 0 : i32
    %dma_wait3A_36 = arith.constant 0 : i32
    %dma_wait3A_37 = tpu.memref_slice %arg2[%dma_wait3A_35, %dma_wait3A_36] : memref<100000x128xf32, #tpu.memory_space<hbm>> -> memref<100000x128xf32, #tpu.memory_space<hbm>>
    tpu.wait_indirect_dma semaphore(%arg10 : memref<!tpu.dma_semaphore, #tpu.memory_space<semaphore_mem>>) src(%dma_wait3A_37 : memref<100000x128xf32, #tpu.memory_space<hbm>>) dst(%arg6 : memref<128x128xf32, #tpu.memory_space<vmem>>)
    %add3A_38 = arith.constant 0 : i32
    %add3A_39 = arith.addi %mul3A_4, %add3A_38 : i32
    %dma_start3A_40 = arith.constant 0 : i32
    %dma_start3A_41 = tpu.memref_slice %arg4[%add3A_39, %dma_start3A_40] : memref<40960x128xf32, #tpu.memory_space<hbm>> -> memref<128x128xf32, #tpu.memory_space<hbm>>
    %dma_start3A_42 = arith.constant 0 : i32
    %dma_start3A_43 = tpu.memref_slice %arg4[%add3A_39, %dma_start3A_42] : memref<40960x128xf32, #tpu.memory_space<hbm>> -> memref<128x128xf32, #tpu.memory_space<hbm>>
    tpu.enqueue_dma source(%arg6 : memref<128x128xf32, #tpu.memory_space<vmem>>) target(%dma_start3A_43 : memref<128x128xf32, #tpu.memory_space<hbm>>) target_semaphore(%arg14 : memref<!tpu.dma_semaphore, #tpu.memory_space<semaphore_mem>>)
    %add3A_44 = arith.constant 0 : i32
    %add3A_45 = arith.addi %mul3A_4, %add3A_44 : i32
    %dma_wait3A_46 = arith.constant 0 : i32
    %dma_wait3A_47 = tpu.memref_slice %arg4[%add3A_45, %dma_wait3A_46] : memref<40960x128xf32, #tpu.memory_space<hbm>> -> memref<128x128xf32, #tpu.memory_space<hbm>>
    %dma_wait3A_48 = arith.constant 0 : i32
    %dma_wait3A_49 = tpu.memref_slice %arg4[%add3A_45, %dma_wait3A_48] : memref<40960x128xf32, #tpu.memory_space<hbm>> -> memref<128x128xf32, #tpu.memory_space<hbm>>
    tpu.wait_dma2 semaphore(%arg14 : memref<!tpu.dma_semaphore, #tpu.memory_space<semaphore_mem>>) src(%arg6 : memref<128x128xf32, #tpu.memory_space<vmem>>) dst(%dma_wait3A_49 : memref<128x128xf32, #tpu.memory_space<hbm>>)
    %dma_start3A_50 = arith.constant 4 : i32
    %dma_start3A_51 = arith.constant 0 : i32
    %dma_start3A_52 = tpu.memref_slice %arg5[%dma_start3A_50, %dma_start3A_51] : memref<10x128xi32, #tpu.memory_space<vmem>> -> memref<1x128xi32, #tpu.memory_space<vmem>>
    %dma_start3A_53 = tpu.memref_squeeze %dma_start3A_52 : memref<1x128xi32, #tpu.memory_space<vmem>> -> memref<128xi32, #tpu.memory_space<vmem>>
    %dma_start3A_54 = arith.constant 0 : i32
    %dma_start3A_55 = arith.constant 0 : i32
    %dma_start3A_56 = tpu.memref_slice %arg2[%dma_start3A_54, %dma_start3A_55] : memref<100000x128xf32, #tpu.memory_space<hbm>> -> memref<100000x128xf32, #tpu.memory_space<hbm>>
    tpu.enqueue_indirect_dma source(%dma_start3A_56 : memref<100000x128xf32, #tpu.memory_space<hbm>>) target(%arg6 : memref<128x128xf32, #tpu.memory_space<vmem>>) offsets(%dma_start3A_53 : memref<128xi32, #tpu.memory_space<vmem>>) semaphore(%arg10 : memref<!tpu.dma_semaphore, #tpu.memory_space<semaphore_mem>>)
    %dma_wait3A_57 = arith.constant 1 : i32
    %dma_wait3A_58 = arith.constant 0 : i32
    %dma_wait3A_59 = tpu.memref_slice %arg5[%dma_wait3A_57, %dma_wait3A_58] : memref<10x128xi32, #tpu.memory_space<vmem>> -> memref<1x128xi32, #tpu.memory_space<vmem>>
    %dma_wait3A_60 = tpu.memref_squeeze %dma_wait3A_59 : memref<1x128xi32, #tpu.memory_space<vmem>> -> memref<128xi32, #tpu.memory_space<vmem>>
    %dma_wait3A_61 = arith.constant 0 : i32
    %dma_wait3A_62 = arith.constant 0 : i32
    %dma_wait3A_63 = tpu.memref_slice %arg2[%dma_wait3A_61, %dma_wait3A_62] : memref<100000x128xf32, #tpu.memory_space<hbm>> -> memref<100000x128xf32, #tpu.memory_space<hbm>>
    tpu.wait_indirect_dma semaphore(%arg11 : memref<!tpu.dma_semaphore, #tpu.memory_space<semaphore_mem>>) src(%dma_wait3A_63 : memref<100000x128xf32, #tpu.memory_space<hbm>>) dst(%arg7 : memref<128x128xf32, #tpu.memory_space<vmem>>)
    %add3A_64 = arith.constant 128 : i32
    %add3A_65 = arith.addi %mul3A_4, %add3A_64 : i32
    %dma_start3A_66 = arith.constant 0 : i32
    %dma_start3A_67 = tpu.memref_slice %arg4[%add3A_65, %dma_start3A_66] : memref<40960x128xf32, #tpu.memory_space<hbm>> -> memref<128x128xf32, #tpu.memory_space<hbm>>
    %dma_start3A_68 = arith.constant 0 : i32
    %dma_start3A_69 = tpu.memref_slice %arg4[%add3A_65, %dma_start3A_68] : memref<40960x128xf32, #tpu.memory_space<hbm>> -> memref<128x128xf32, #tpu.memory_space<hbm>>
    tpu.enqueue_dma source(%arg7 : memref<128x128xf32, #tpu.memory_space<vmem>>) target(%dma_start3A_69 : memref<128x128xf32, #tpu.memory_space<hbm>>) target_semaphore(%arg15 : memref<!tpu.dma_semaphore, #tpu.memory_space<semaphore_mem>>)
    %add3A_70 = arith.constant 128 : i32
    %add3A_71 = arith.addi %mul3A_4, %add3A_70 : i32
    %dma_wait3A_72 = arith.constant 0 : i32
    %dma_wait3A_73 = tpu.memref_slice %arg4[%add3A_71, %dma_wait3A_72] : memref<40960x128xf32, #tpu.memory_space<hbm>> -> memref<128x128xf32, #tpu.memory_space<hbm>>
    %dma_wait3A_74 = arith.constant 0 : i32
    %dma_wait3A_75 = tpu.memref_slice %arg4[%add3A_71, %dma_wait3A_74] : memref<40960x128xf32, #tpu.memory_space<hbm>> -> memref<128x128xf32, #tpu.memory_space<hbm>>
    tpu.wait_dma2 semaphore(%arg15 : memref<!tpu.dma_semaphore, #tpu.memory_space<semaphore_mem>>) src(%arg7 : memref<128x128xf32, #tpu.memory_space<vmem>>) dst(%dma_wait3A_75 : memref<128x128xf32, #tpu.memory_space<hbm>>)
    %dma_start3A_76 = arith.constant 5 : i32
    %dma_start3A_77 = arith.constant 0 : i32
    %dma_start3A_78 = tpu.memref_slice %arg5[%dma_start3A_76, %dma_start3A_77] : memref<10x128xi32, #tpu.memory_space<vmem>> -> memref<1x128xi32, #tpu.memory_space<vmem>>
    %dma_start3A_79 = tpu.memref_squeeze %dma_start3A_78 : memref<1x128xi32, #tpu.memory_space<vmem>> -> memref<128xi32, #tpu.memory_space<vmem>>
    %dma_start3A_80 = arith.constant 0 : i32
    %dma_start3A_81 = arith.constant 0 : i32
    %dma_start3A_82 = tpu.memref_slice %arg2[%dma_start3A_80, %dma_start3A_81] : memref<100000x128xf32, #tpu.memory_space<hbm>> -> memref<100000x128xf32, #tpu.memory_space<hbm>>
    tpu.enqueue_indirect_dma source(%dma_start3A_82 : memref<100000x128xf32, #tpu.memory_space<hbm>>) target(%arg7 : memref<128x128xf32, #tpu.memory_space<vmem>>) offsets(%dma_start3A_79 : memref<128xi32, #tpu.memory_space<vmem>>) semaphore(%arg11 : memref<!tpu.dma_semaphore, #tpu.memory_space<semaphore_mem>>)
    %dma_wait3A_83 = arith.constant 2 : i32
    %dma_wait3A_84 = arith.constant 0 : i32
    %dma_wait3A_85 = tpu.memref_slice %arg5[%dma_wait3A_83, %dma_wait3A_84] : memref<10x128xi32, #tpu.memory_space<vmem>> -> memref<1x128xi32, #tpu.memory_space<vmem>>
    %dma_wait3A_86 = tpu.memref_squeeze %dma_wait3A_85 : memref<1x128xi32, #tpu.memory_space<vmem>> -> memref<128xi32, #tpu.memory_space<vmem>>
    %dma_wait3A_87 = arith.constant 0 : i32
    %dma_wait3A_88 = arith.constant 0 : i32
    %dma_wait3A_89 = tpu.memref_slice %arg2[%dma_wait3A_87, %dma_wait3A_88] : memref<100000x128xf32, #tpu.memory_space<hbm>> -> memref<100000x128xf32, #tpu.memory_space<hbm>>
    tpu.wait_indirect_dma semaphore(%arg12 : memref<!tpu.dma_semaphore, #tpu.memory_space<semaphore_mem>>) src(%dma_wait3A_89 : memref<100000x128xf32, #tpu.memory_space<hbm>>) dst(%arg8 : memref<128x128xf32, #tpu.memory_space<vmem>>)
    %add3A_90 = arith.constant 256 : i32
    %add3A_91 = arith.addi %mul3A_4, %add3A_90 : i32
    %dma_start3A_92 = arith.constant 0 : i32
    %dma_start3A_93 = tpu.memref_slice %arg4[%add3A_91, %dma_start3A_92] : memref<40960x128xf32, #tpu.memory_space<hbm>> -> memref<128x128xf32, #tpu.memory_space<hbm>>
    %dma_start3A_94 = arith.constant 0 : i32
    %dma_start3A_95 = tpu.memref_slice %arg4[%add3A_91, %dma_start3A_94] : memref<40960x128xf32, #tpu.memory_space<hbm>> -> memref<128x128xf32, #tpu.memory_space<hbm>>
    tpu.enqueue_dma source(%arg8 : memref<128x128xf32, #tpu.memory_space<vmem>>) target(%dma_start3A_95 : memref<128x128xf32, #tpu.memory_space<hbm>>) target_semaphore(%arg16 : memref<!tpu.dma_semaphore, #tpu.memory_space<semaphore_mem>>)
    %add3A_96 = arith.constant 256 : i32
    %add3A_97 = arith.addi %mul3A_4, %add3A_96 : i32
    %dma_wait3A_98 = arith.constant 0 : i32
    %dma_wait3A_99 = tpu.memref_slice %arg4[%add3A_97, %dma_wait3A_98] : memref<40960x128xf32, #tpu.memory_space<hbm>> -> memref<128x128xf32, #tpu.memory_space<hbm>>
    %dma_wait3A_100 = arith.constant 0 : i32
    %dma_wait3A_101 = tpu.memref_slice %arg4[%add3A_97, %dma_wait3A_100] : memref<40960x128xf32, #tpu.memory_space<hbm>> -> memref<128x128xf32, #tpu.memory_space<hbm>>
    tpu.wait_dma2 semaphore(%arg16 : memref<!tpu.dma_semaphore, #tpu.memory_space<semaphore_mem>>) src(%arg8 : memref<128x128xf32, #tpu.memory_space<vmem>>) dst(%dma_wait3A_101 : memref<128x128xf32, #tpu.memory_space<hbm>>)
    %dma_start3A_102 = arith.constant 6 : i32
    %dma_start3A_103 = arith.constant 0 : i32
    %dma_start3A_104 = tpu.memref_slice %arg5[%dma_start3A_102, %dma_start3A_103] : memref<10x128xi32, #tpu.memory_space<vmem>> -> memref<1x128xi32, #tpu.memory_space<vmem>>
    %dma_start3A_105 = tpu.memref_squeeze %dma_start3A_104 : memref<1x128xi32, #tpu.memory_space<vmem>> -> memref<128xi32, #tpu.memory_space<vmem>>
    %dma_start3A_106 = arith.constant 0 : i32
    %dma_start3A_107 = arith.constant 0 : i32
    %dma_start3A_108 = tpu.memref_slice %arg2[%dma_start3A_106, %dma_start3A_107] : memref<100000x128xf32, #tpu.memory_space<hbm>> -> memref<100000x128xf32, #tpu.memory_space<hbm>>
    tpu.enqueue_indirect_dma source(%dma_start3A_108 : memref<100000x128xf32, #tpu.memory_space<hbm>>) target(%arg8 : memref<128x128xf32, #tpu.memory_space<vmem>>) offsets(%dma_start3A_105 : memref<128xi32, #tpu.memory_space<vmem>>) semaphore(%arg12 : memref<!tpu.dma_semaphore, #tpu.memory_space<semaphore_mem>>)
    %dma_wait3A_109 = arith.constant 3 : i32
    %dma_wait3A_110 = arith.constant 0 : i32
    %dma_wait3A_111 = tpu.memref_slice %arg5[%dma_wait3A_109, %dma_wait3A_110] : memref<10x128xi32, #tpu.memory_space<vmem>> -> memref<1x128xi32, #tpu.memory_space<vmem>>
    %dma_wait3A_112 = tpu.memref_squeeze %dma_wait3A_111 : memref<1x128xi32, #tpu.memory_space<vmem>> -> memref<128xi32, #tpu.memory_space<vmem>>
    %dma_wait3A_113 = arith.constant 0 : i32
    %dma_wait3A_114 = arith.constant 0 : i32
    %dma_wait3A_115 = tpu.memref_slice %arg2[%dma_wait3A_113, %dma_wait3A_114] : memref<100000x128xf32, #tpu.memory_space<hbm>> -> memref<100000x128xf32, #tpu.memory_space<hbm>>
    tpu.wait_indirect_dma semaphore(%arg13 : memref<!tpu.dma_semaphore, #tpu.memory_space<semaphore_mem>>) src(%dma_wait3A_115 : memref<100000x128xf32, #tpu.memory_space<hbm>>) dst(%arg9 : memref<128x128xf32, #tpu.memory_space<vmem>>)
    %add3A_116 = arith.constant 384 : i32
    %add3A_117 = arith.addi %mul3A_4, %add3A_116 : i32
    %dma_start3A_118 = arith.constant 0 : i32
    %dma_start3A_119 = tpu.memref_slice %arg4[%add3A_117, %dma_start3A_118] : memref<40960x128xf32, #tpu.memory_space<hbm>> -> memref<128x128xf32, #tpu.memory_space<hbm>>
    %dma_start3A_120 = arith.constant 0 : i32
    %dma_start3A_121 = tpu.memref_slice %arg4[%add3A_117, %dma_start3A_120] : memref<40960x128xf32, #tpu.memory_space<hbm>> -> memref<128x128xf32, #tpu.memory_space<hbm>>
    tpu.enqueue_dma source(%arg9 : memref<128x128xf32, #tpu.memory_space<vmem>>) target(%dma_start3A_121 : memref<128x128xf32, #tpu.memory_space<hbm>>) target_semaphore(%arg17 : memref<!tpu.dma_semaphore, #tpu.memory_space<semaphore_mem>>)
    %add3A_122 = arith.constant 384 : i32
    %add3A_123 = arith.addi %mul3A_4, %add3A_122 : i32
    %dma_wait3A_124 = arith.constant 0 : i32
    %dma_wait3A_125 = tpu.memref_slice %arg4[%add3A_123, %dma_wait3A_124] : memref<40960x128xf32, #tpu.memory_space<hbm>> -> memref<128x128xf32, #tpu.memory_space<hbm>>
    %dma_wait3A_126 = arith.constant 0 : i32
    %dma_wait3A_127 = tpu.memref_slice %arg4[%add3A_123, %dma_wait3A_126] : memref<40960x128xf32, #tpu.memory_space<hbm>> -> memref<128x128xf32, #tpu.memory_space<hbm>>
    tpu.wait_dma2 semaphore(%arg17 : memref<!tpu.dma_semaphore, #tpu.memory_space<semaphore_mem>>) src(%arg9 : memref<128x128xf32, #tpu.memory_space<vmem>>) dst(%dma_wait3A_127 : memref<128x128xf32, #tpu.memory_space<hbm>>)
    %dma_start3A_128 = arith.constant 7 : i32
    %dma_start3A_129 = arith.constant 0 : i32
    %dma_start3A_130 = tpu.memref_slice %arg5[%dma_start3A_128, %dma_start3A_129] : memref<10x128xi32, #tpu.memory_space<vmem>> -> memref<1x128xi32, #tpu.memory_space<vmem>>
    %dma_start3A_131 = tpu.memref_squeeze %dma_start3A_130 : memref<1x128xi32, #tpu.memory_space<vmem>> -> memref<128xi32, #tpu.memory_space<vmem>>
    %dma_start3A_132 = arith.constant 0 : i32
    %dma_start3A_133 = arith.constant 0 : i32
    %dma_start3A_134 = tpu.memref_slice %arg2[%dma_start3A_132, %dma_start3A_133] : memref<100000x128xf32, #tpu.memory_space<hbm>> -> memref<100000x128xf32, #tpu.memory_space<hbm>>
    tpu.enqueue_indirect_dma source(%dma_start3A_134 : memref<100000x128xf32, #tpu.memory_space<hbm>>) target(%arg9 : memref<128x128xf32, #tpu.memory_space<vmem>>) offsets(%dma_start3A_131 : memref<128xi32, #tpu.memory_space<vmem>>) semaphore(%arg13 : memref<!tpu.dma_semaphore, #tpu.memory_space<semaphore_mem>>)
    %dma_wait3A_135 = arith.constant 4 : i32
    %dma_wait3A_136 = arith.constant 0 : i32
    %dma_wait3A_137 = tpu.memref_slice %arg5[%dma_wait3A_135, %dma_wait3A_136] : memref<10x128xi32, #tpu.memory_space<vmem>> -> memref<1x128xi32, #tpu.memory_space<vmem>>
    %dma_wait3A_138 = tpu.memref_squeeze %dma_wait3A_137 : memref<1x128xi32, #tpu.memory_space<vmem>> -> memref<128xi32, #tpu.memory_space<vmem>>
    %dma_wait3A_139 = arith.constant 0 : i32
    %dma_wait3A_140 = arith.constant 0 : i32
    %dma_wait3A_141 = tpu.memref_slice %arg2[%dma_wait3A_139, %dma_wait3A_140] : memref<100000x128xf32, #tpu.memory_space<hbm>> -> memref<100000x128xf32, #tpu.memory_space<hbm>>
    tpu.wait_indirect_dma semaphore(%arg10 : memref<!tpu.dma_semaphore, #tpu.memory_space<semaphore_mem>>) src(%dma_wait3A_141 : memref<100000x128xf32, #tpu.memory_space<hbm>>) dst(%arg6 : memref<128x128xf32, #tpu.memory_space<vmem>>)
    %add3A_142 = arith.constant 512 : i32
    %add3A_143 = arith.addi %mul3A_4, %add3A_142 : i32
    %dma_start3A_144 = arith.constant 0 : i32
    %dma_start3A_145 = tpu.memref_slice %arg4[%add3A_143, %dma_start3A_144] : memref<40960x128xf32, #tpu.memory_space<hbm>> -> memref<128x128xf32, #tpu.memory_space<hbm>>
    %dma_start3A_146 = arith.constant 0 : i32
    %dma_start3A_147 = tpu.memref_slice %arg4[%add3A_143, %dma_start3A_146] : memref<40960x128xf32, #tpu.memory_space<hbm>> -> memref<128x128xf32, #tpu.memory_space<hbm>>
    tpu.enqueue_dma source(%arg6 : memref<128x128xf32, #tpu.memory_space<vmem>>) target(%dma_start3A_147 : memref<128x128xf32, #tpu.memory_space<hbm>>) target_semaphore(%arg14 : memref<!tpu.dma_semaphore, #tpu.memory_space<semaphore_mem>>)
    %add3A_148 = arith.constant 512 : i32
    %add3A_149 = arith.addi %mul3A_4, %add3A_148 : i32
    %dma_wait3A_150 = arith.constant 0 : i32
    %dma_wait3A_151 = tpu.memref_slice %arg4[%add3A_149, %dma_wait3A_150] : memref<40960x128xf32, #tpu.memory_space<hbm>> -> memref<128x128xf32, #tpu.memory_space<hbm>>
    %dma_wait3A_152 = arith.constant 0 : i32
    %dma_wait3A_153 = tpu.memref_slice %arg4[%add3A_149, %dma_wait3A_152] : memref<40960x128xf32, #tpu.memory_space<hbm>> -> memref<128x128xf32, #tpu.memory_space<hbm>>
    tpu.wait_dma2 semaphore(%arg14 : memref<!tpu.dma_semaphore, #tpu.memory_space<semaphore_mem>>) src(%arg6 : memref<128x128xf32, #tpu.memory_space<vmem>>) dst(%dma_wait3A_153 : memref<128x128xf32, #tpu.memory_space<hbm>>)
    %dma_start3A_154 = arith.constant 8 : i32
    %dma_start3A_155 = arith.constant 0 : i32
    %dma_start3A_156 = tpu.memref_slice %arg5[%dma_start3A_154, %dma_start3A_155] : memref<10x128xi32, #tpu.memory_space<vmem>> -> memref<1x128xi32, #tpu.memory_space<vmem>>
    %dma_start3A_157 = tpu.memref_squeeze %dma_start3A_156 : memref<1x128xi32, #tpu.memory_space<vmem>> -> memref<128xi32, #tpu.memory_space<vmem>>
    %dma_start3A_158 = arith.constant 0 : i32
    %dma_start3A_159 = arith.constant 0 : i32
    %dma_start3A_160 = tpu.memref_slice %arg2[%dma_start3A_158, %dma_start3A_159] : memref<100000x128xf32, #tpu.memory_space<hbm>> -> memref<100000x128xf32, #tpu.memory_space<hbm>>
    tpu.enqueue_indirect_dma source(%dma_start3A_160 : memref<100000x128xf32, #tpu.memory_space<hbm>>) target(%arg6 : memref<128x128xf32, #tpu.memory_space<vmem>>) offsets(%dma_start3A_157 : memref<128xi32, #tpu.memory_space<vmem>>) semaphore(%arg10 : memref<!tpu.dma_semaphore, #tpu.memory_space<semaphore_mem>>)
    %dma_wait3A_161 = arith.constant 5 : i32
    %dma_wait3A_162 = arith.constant 0 : i32
    %dma_wait3A_163 = tpu.memref_slice %arg5[%dma_wait3A_161, %dma_wait3A_162] : memref<10x128xi32, #tpu.memory_space<vmem>> -> memref<1x128xi32, #tpu.memory_space<vmem>>
    %dma_wait3A_164 = tpu.memref_squeeze %dma_wait3A_163 : memref<1x128xi32, #tpu.memory_space<vmem>> -> memref<128xi32, #tpu.memory_space<vmem>>
    %dma_wait3A_165 = arith.constant 0 : i32
    %dma_wait3A_166 = arith.constant 0 : i32
    %dma_wait3A_167 = tpu.memref_slice %arg2[%dma_wait3A_165, %dma_wait3A_166] : memref<100000x128xf32, #tpu.memory_space<hbm>> -> memref<100000x128xf32, #tpu.memory_space<hbm>>
    tpu.wait_indirect_dma semaphore(%arg11 : memref<!tpu.dma_semaphore, #tpu.memory_space<semaphore_mem>>) src(%dma_wait3A_167 : memref<100000x128xf32, #tpu.memory_space<hbm>>) dst(%arg7 : memref<128x128xf32, #tpu.memory_space<vmem>>)
    %add3A_168 = arith.constant 640 : i32
    %add3A_169 = arith.addi %mul3A_4, %add3A_168 : i32
    %dma_start3A_170 = arith.constant 0 : i32
    %dma_start3A_171 = tpu.memref_slice %arg4[%add3A_169, %dma_start3A_170] : memref<40960x128xf32, #tpu.memory_space<hbm>> -> memref<128x128xf32, #tpu.memory_space<hbm>>
    %dma_start3A_172 = arith.constant 0 : i32
    %dma_start3A_173 = tpu.memref_slice %arg4[%add3A_169, %dma_start3A_172] : memref<40960x128xf32, #tpu.memory_space<hbm>> -> memref<128x128xf32, #tpu.memory_space<hbm>>
    tpu.enqueue_dma source(%arg7 : memref<128x128xf32, #tpu.memory_space<vmem>>) target(%dma_start3A_173 : memref<128x128xf32, #tpu.memory_space<hbm>>) target_semaphore(%arg15 : memref<!tpu.dma_semaphore, #tpu.memory_space<semaphore_mem>>)
    %add3A_174 = arith.constant 640 : i32
    %add3A_175 = arith.addi %mul3A_4, %add3A_174 : i32
    %dma_wait3A_176 = arith.constant 0 : i32
    %dma_wait3A_177 = tpu.memref_slice %arg4[%add3A_175, %dma_wait3A_176] : memref<40960x128xf32, #tpu.memory_space<hbm>> -> memref<128x128xf32, #tpu.memory_space<hbm>>
    %dma_wait3A_178 = arith.constant 0 : i32
    %dma_wait3A_179 = tpu.memref_slice %arg4[%add3A_175, %dma_wait3A_178] : memref<40960x128xf32, #tpu.memory_space<hbm>> -> memref<128x128xf32, #tpu.memory_space<hbm>>
    tpu.wait_dma2 semaphore(%arg15 : memref<!tpu.dma_semaphore, #tpu.memory_space<semaphore_mem>>) src(%arg7 : memref<128x128xf32, #tpu.memory_space<vmem>>) dst(%dma_wait3A_179 : memref<128x128xf32, #tpu.memory_space<hbm>>)
    %dma_start3A_180 = arith.constant 9 : i32
    %dma_start3A_181 = arith.constant 0 : i32
    %dma_start3A_182 = tpu.memref_slice %arg5[%dma_start3A_180, %dma_start3A_181] : memref<10x128xi32, #tpu.memory_space<vmem>> -> memref<1x128xi32, #tpu.memory_space<vmem>>
    %dma_start3A_183 = tpu.memref_squeeze %dma_start3A_182 : memref<1x128xi32, #tpu.memory_space<vmem>> -> memref<128xi32, #tpu.memory_space<vmem>>
    %dma_start3A_184 = arith.constant 0 : i32
    %dma_start3A_185 = arith.constant 0 : i32
    %dma_start3A_186 = tpu.memref_slice %arg2[%dma_start3A_184, %dma_start3A_185] : memref<100000x128xf32, #tpu.memory_space<hbm>> -> memref<100000x128xf32, #tpu.memory_space<hbm>>
    tpu.enqueue_indirect_dma source(%dma_start3A_186 : memref<100000x128xf32, #tpu.memory_space<hbm>>) target(%arg7 : memref<128x128xf32, #tpu.memory_space<vmem>>) offsets(%dma_start3A_183 : memref<128xi32, #tpu.memory_space<vmem>>) semaphore(%arg11 : memref<!tpu.dma_semaphore, #tpu.memory_space<semaphore_mem>>)
    %dma_wait3A_187 = arith.constant 6 : i32
    %dma_wait3A_188 = arith.constant 0 : i32
    %dma_wait3A_189 = tpu.memref_slice %arg5[%dma_wait3A_187, %dma_wait3A_188] : memref<10x128xi32, #tpu.memory_space<vmem>> -> memref<1x128xi32, #tpu.memory_space<vmem>>
    %dma_wait3A_190 = tpu.memref_squeeze %dma_wait3A_189 : memref<1x128xi32, #tpu.memory_space<vmem>> -> memref<128xi32, #tpu.memory_space<vmem>>
    %dma_wait3A_191 = arith.constant 0 : i32
    %dma_wait3A_192 = arith.constant 0 : i32
    %dma_wait3A_193 = tpu.memref_slice %arg2[%dma_wait3A_191, %dma_wait3A_192] : memref<100000x128xf32, #tpu.memory_space<hbm>> -> memref<100000x128xf32, #tpu.memory_space<hbm>>
    tpu.wait_indirect_dma semaphore(%arg12 : memref<!tpu.dma_semaphore, #tpu.memory_space<semaphore_mem>>) src(%dma_wait3A_193 : memref<100000x128xf32, #tpu.memory_space<hbm>>) dst(%arg8 : memref<128x128xf32, #tpu.memory_space<vmem>>)
    %add3A_194 = arith.constant 768 : i32
    %add3A_195 = arith.addi %mul3A_4, %add3A_194 : i32
    %dma_start3A_196 = arith.constant 0 : i32
    %dma_start3A_197 = tpu.memref_slice %arg4[%add3A_195, %dma_start3A_196] : memref<40960x128xf32, #tpu.memory_space<hbm>> -> memref<128x128xf32, #tpu.memory_space<hbm>>
    %dma_start3A_198 = arith.constant 0 : i32
    %dma_start3A_199 = tpu.memref_slice %arg4[%add3A_195, %dma_start3A_198] : memref<40960x128xf32, #tpu.memory_space<hbm>> -> memref<128x128xf32, #tpu.memory_space<hbm>>
    tpu.enqueue_dma source(%arg8 : memref<128x128xf32, #tpu.memory_space<vmem>>) target(%dma_start3A_199 : memref<128x128xf32, #tpu.memory_space<hbm>>) target_semaphore(%arg16 : memref<!tpu.dma_semaphore, #tpu.memory_space<semaphore_mem>>)
    %dma_wait3A_200 = arith.constant 7 : i32
    %dma_wait3A_201 = arith.constant 0 : i32
    %dma_wait3A_202 = tpu.memref_slice %arg5[%dma_wait3A_200, %dma_wait3A_201] : memref<10x128xi32, #tpu.memory_space<vmem>> -> memref<1x128xi32, #tpu.memory_space<vmem>>
    %dma_wait3A_203 = tpu.memref_squeeze %dma_wait3A_202 : memref<1x128xi32, #tpu.memory_space<vmem>> -> memref<128xi32, #tpu.memory_space<vmem>>
    %dma_wait3A_204 = arith.constant 0 : i32
    %dma_wait3A_205 = arith.constant 0 : i32
    %dma_wait3A_206 = tpu.memref_slice %arg2[%dma_wait3A_204, %dma_wait3A_205] : memref<100000x128xf32, #tpu.memory_space<hbm>> -> memref<100000x128xf32, #tpu.memory_space<hbm>>
    tpu.wait_indirect_dma semaphore(%arg13 : memref<!tpu.dma_semaphore, #tpu.memory_space<semaphore_mem>>) src(%dma_wait3A_206 : memref<100000x128xf32, #tpu.memory_space<hbm>>) dst(%arg9 : memref<128x128xf32, #tpu.memory_space<vmem>>)
    %add3A_207 = arith.constant 896 : i32
    %add3A_208 = arith.addi %mul3A_4, %add3A_207 : i32
    %dma_start3A_209 = arith.constant 0 : i32
    %dma_start3A_210 = tpu.memref_slice %arg4[%add3A_208, %dma_start3A_209] : memref<40960x128xf32, #tpu.memory_space<hbm>> -> memref<128x128xf32, #tpu.memory_space<hbm>>
    %dma_start3A_211 = arith.constant 0 : i32
    %dma_start3A_212 = tpu.memref_slice %arg4[%add3A_208, %dma_start3A_211] : memref<40960x128xf32, #tpu.memory_space<hbm>> -> memref<128x128xf32, #tpu.memory_space<hbm>>
    tpu.enqueue_dma source(%arg9 : memref<128x128xf32, #tpu.memory_space<vmem>>) target(%dma_start3A_212 : memref<128x128xf32, #tpu.memory_space<hbm>>) target_semaphore(%arg17 : memref<!tpu.dma_semaphore, #tpu.memory_space<semaphore_mem>>)
    %dma_wait3A_213 = arith.constant 8 : i32
    %dma_wait3A_214 = arith.constant 0 : i32
    %dma_wait3A_215 = tpu.memref_slice %arg5[%dma_wait3A_213, %dma_wait3A_214] : memref<10x128xi32, #tpu.memory_space<vmem>> -> memref<1x128xi32, #tpu.memory_space<vmem>>
    %dma_wait3A_216 = tpu.memref_squeeze %dma_wait3A_215 : memref<1x128xi32, #tpu.memory_space<vmem>> -> memref<128xi32, #tpu.memory_space<vmem>>
    %dma_wait3A_217 = arith.constant 0 : i32
    %dma_wait3A_218 = arith.constant 0 : i32
    %dma_wait3A_219 = tpu.memref_slice %arg2[%dma_wait3A_217, %dma_wait3A_218] : memref<100000x128xf32, #tpu.memory_space<hbm>> -> memref<100000x128xf32, #tpu.memory_space<hbm>>
    tpu.wait_indirect_dma semaphore(%arg10 : memref<!tpu.dma_semaphore, #tpu.memory_space<semaphore_mem>>) src(%dma_wait3A_219 : memref<100000x128xf32, #tpu.memory_space<hbm>>) dst(%arg6 : memref<128x128xf32, #tpu.memory_space<vmem>>)
    %add3A_220 = arith.constant 1024 : i32
    %add3A_221 = arith.addi %mul3A_4, %add3A_220 : i32
    %dma_start3A_222 = arith.constant 0 : i32
    %dma_start3A_223 = tpu.memref_slice %arg4[%add3A_221, %dma_start3A_222] : memref<40960x128xf32, #tpu.memory_space<hbm>> -> memref<128x128xf32, #tpu.memory_space<hbm>>
    %dma_start3A_224 = arith.constant 0 : i32
    %dma_start3A_225 = tpu.memref_slice %arg4[%add3A_221, %dma_start3A_224] : memref<40960x128xf32, #tpu.memory_space<hbm>> -> memref<128x128xf32, #tpu.memory_space<hbm>>
    tpu.enqueue_dma source(%arg6 : memref<128x128xf32, #tpu.memory_space<vmem>>) target(%dma_start3A_225 : memref<128x128xf32, #tpu.memory_space<hbm>>) target_semaphore(%arg14 : memref<!tpu.dma_semaphore, #tpu.memory_space<semaphore_mem>>)
    %dma_wait3A_226 = arith.constant 9 : i32
    %dma_wait3A_227 = arith.constant 0 : i32
    %dma_wait3A_228 = tpu.memref_slice %arg5[%dma_wait3A_226, %dma_wait3A_227] : memref<10x128xi32, #tpu.memory_space<vmem>> -> memref<1x128xi32, #tpu.memory_space<vmem>>
    %dma_wait3A_229 = tpu.memref_squeeze %dma_wait3A_228 : memref<1x128xi32, #tpu.memory_space<vmem>> -> memref<128xi32, #tpu.memory_space<vmem>>
    %dma_wait3A_230 = arith.constant 0 : i32
    %dma_wait3A_231 = arith.constant 0 : i32
    %dma_wait3A_232 = tpu.memref_slice %arg2[%dma_wait3A_230, %dma_wait3A_231] : memref<100000x128xf32, #tpu.memory_space<hbm>> -> memref<100000x128xf32, #tpu.memory_space<hbm>>
    tpu.wait_indirect_dma semaphore(%arg11 : memref<!tpu.dma_semaphore, #tpu.memory_space<semaphore_mem>>) src(%dma_wait3A_232 : memref<100000x128xf32, #tpu.memory_space<hbm>>) dst(%arg7 : memref<128x128xf32, #tpu.memory_space<vmem>>)
    %add3A_233 = arith.constant 1152 : i32
    %add3A_234 = arith.addi %mul3A_4, %add3A_233 : i32
    %dma_start3A_235 = arith.constant 0 : i32
    %dma_start3A_236 = tpu.memref_slice %arg4[%add3A_234, %dma_start3A_235] : memref<40960x128xf32, #tpu.memory_space<hbm>> -> memref<128x128xf32, #tpu.memory_space<hbm>>
    %dma_start3A_237 = arith.constant 0 : i32
    %dma_start3A_238 = tpu.memref_slice %arg4[%add3A_234, %dma_start3A_237] : memref<40960x128xf32, #tpu.memory_space<hbm>> -> memref<128x128xf32, #tpu.memory_space<hbm>>
    tpu.enqueue_dma source(%arg7 : memref<128x128xf32, #tpu.memory_space<vmem>>) target(%dma_start3A_238 : memref<128x128xf32, #tpu.memory_space<hbm>>) target_semaphore(%arg15 : memref<!tpu.dma_semaphore, #tpu.memory_space<semaphore_mem>>)
    %add3A_239 = arith.constant 768 : i32
    %add3A_240 = arith.addi %mul3A_4, %add3A_239 : i32
    %dma_wait3A_241 = arith.constant 0 : i32
    %dma_wait3A_242 = tpu.memref_slice %arg4[%add3A_240, %dma_wait3A_241] : memref<40960x128xf32, #tpu.memory_space<hbm>> -> memref<128x128xf32, #tpu.memory_space<hbm>>
    %dma_wait3A_243 = arith.constant 0 : i32
    %dma_wait3A_244 = tpu.memref_slice %arg4[%add3A_240, %dma_wait3A_243] : memref<40960x128xf32, #tpu.memory_space<hbm>> -> memref<128x128xf32, #tpu.memory_space<hbm>>
    tpu.wait_dma2 semaphore(%arg16 : memref<!tpu.dma_semaphore, #tpu.memory_space<semaphore_mem>>) src(%arg8 : memref<128x128xf32, #tpu.memory_space<vmem>>) dst(%dma_wait3A_244 : memref<128x128xf32, #tpu.memory_space<hbm>>)
    %add3A_245 = arith.constant 896 : i32
    %add3A_246 = arith.addi %mul3A_4, %add3A_245 : i32
    %dma_wait3A_247 = arith.constant 0 : i32
    %dma_wait3A_248 = tpu.memref_slice %arg4[%add3A_246, %dma_wait3A_247] : memref<40960x128xf32, #tpu.memory_space<hbm>> -> memref<128x128xf32, #tpu.memory_space<hbm>>
    %dma_wait3A_249 = arith.constant 0 : i32
    %dma_wait3A_250 = tpu.memref_slice %arg4[%add3A_246, %dma_wait3A_249] : memref<40960x128xf32, #tpu.memory_space<hbm>> -> memref<128x128xf32, #tpu.memory_space<hbm>>
    tpu.wait_dma2 semaphore(%arg17 : memref<!tpu.dma_semaphore, #tpu.memory_space<semaphore_mem>>) src(%arg9 : memref<128x128xf32, #tpu.memory_space<vmem>>) dst(%dma_wait3A_250 : memref<128x128xf32, #tpu.memory_space<hbm>>)
    %add3A_251 = arith.constant 1024 : i32
    %add3A_252 = arith.addi %mul3A_4, %add3A_251 : i32
    %dma_wait3A_253 = arith.constant 0 : i32
    %dma_wait3A_254 = tpu.memref_slice %arg4[%add3A_252, %dma_wait3A_253] : memref<40960x128xf32, #tpu.memory_space<hbm>> -> memref<128x128xf32, #tpu.memory_space<hbm>>
    %dma_wait3A_255 = arith.constant 0 : i32
    %dma_wait3A_256 = tpu.memref_slice %arg4[%add3A_252, %dma_wait3A_255] : memref<40960x128xf32, #tpu.memory_space<hbm>> -> memref<128x128xf32, #tpu.memory_space<hbm>>
    tpu.wait_dma2 semaphore(%arg14 : memref<!tpu.dma_semaphore, #tpu.memory_space<semaphore_mem>>) src(%arg6 : memref<128x128xf32, #tpu.memory_space<vmem>>) dst(%dma_wait3A_256 : memref<128x128xf32, #tpu.memory_space<hbm>>)
    %add3A_257 = arith.constant 1152 : i32
    %add3A_258 = arith.addi %mul3A_4, %add3A_257 : i32
    %dma_wait3A_259 = arith.constant 0 : i32
    %dma_wait3A_260 = tpu.memref_slice %arg4[%add3A_258, %dma_wait3A_259] : memref<40960x128xf32, #tpu.memory_space<hbm>> -> memref<128x128xf32, #tpu.memory_space<hbm>>
    %dma_wait3A_261 = arith.constant 0 : i32
    %dma_wait3A_262 = tpu.memref_slice %arg4[%add3A_258, %dma_wait3A_261] : memref<40960x128xf32, #tpu.memory_space<hbm>> -> memref<128x128xf32, #tpu.memory_space<hbm>>
    tpu.wait_dma2 semaphore(%arg15 : memref<!tpu.dma_semaphore, #tpu.memory_space<semaphore_mem>>) src(%arg7 : memref<128x128xf32, #tpu.memory_space<vmem>>) dst(%dma_wait3A_262 : memref<128x128xf32, #tpu.memory_space<hbm>>)
    return
  }
}

#map = affine_map<(d0, d1) -> (0, 0)>
#map1 = affine_map<(d0, d1) -> (0, 0, 0)>
module attributes {stable_mosaic.version = 14 : i64} {
  func.func @gather_kernel(%arg0: i32, %arg1: i32, %arg2: memref<100000x128xf32, #tpu.memory_space<hbm>>, %arg3: memref<32x10x128xi32, #tpu.memory_space<hbm>>, %arg4: memref<40960x128xf32, #tpu.memory_space<hbm>>, %arg5: memref<10x128xi32, #tpu.memory_space<vmem>>, %arg6: memref<128x128xf32, #tpu.memory_space<vmem>>, %arg7: memref<128x128xf32, #tpu.memory_space<vmem>>, %arg8: memref<128x128xf32, #tpu.memory_space<vmem>>, %arg9: memref<128x128xf32, #tpu.memory_space<vmem>>, %arg10: memref<!tpu.dma_semaphore, #tpu.memory_space<semaphore_mem>>, %arg11: memref<!tpu.dma_semaphore, #tpu.memory_space<semaphore_mem>>, %arg12: memref<!tpu.dma_semaphore, #tpu.memory_space<semaphore_mem>>, %arg13: memref<!tpu.dma_semaphore, #tpu.memory_space<semaphore_mem>>, %arg14: memref<!tpu.dma_semaphore, #tpu.memory_space<semaphore_mem>>, %arg15: memref<!tpu.dma_semaphore, #tpu.memory_space<semaphore_mem>>, %arg16: memref<!tpu.dma_semaphore, #tpu.memory_space<semaphore_mem>>, %arg17: memref<!tpu.dma_semaphore, #tpu.memory_space<semaphore_mem>>) attributes {dimension_semantics = [#tpu.dimension_semantics<core_parallel>, #tpu.dimension_semantics<subcore_parallel>], iteration_bounds = array<i64: 2, 16>, scalar_prefetch = 0 : i64, scratch_operands = 13 : i64, tpu.core_type = #tpu.core_type<sc_vector_subcore>, window_params = [{transform_indices = #map}, {transform_indices = #map1}, {transform_indices = #map}]} {
    %mul3A = arith.constant 2 : i32
    %mul3A_0 = arith.muli %arg1, %mul3A : i32
    %add3A = arith.addi %mul3A_0, %arg0 : i32
    "tpu.region"() ({
      %run_scoped3A = tpu.sem_alloc : memref<!tpu.dma_semaphore, #tpu.memory_space<semaphore_mem>>
      %dma_start3A_263 = arith.constant 0 : i32
      %dma_start3A_264 = arith.constant 0 : i32
      %dma_start3A_265 = tpu.memref_slice %arg3[%add3A, %dma_start3A_263, %dma_start3A_264] : memref<32x10x128xi32, #tpu.memory_space<hbm>> -> memref<1x10x128xi32, #tpu.memory_space<hbm>>
      %dma_start3A_266 = tpu.memref_squeeze %dma_start3A_265 : memref<1x10x128xi32, #tpu.memory_space<hbm>> -> memref<10x128xi32, #tpu.memory_space<hbm>>
      %dma_start3A_267 = arith.constant 0 : i32
      %dma_start3A_268 = arith.constant 0 : i32
      %dma_start3A_269 = tpu.memref_slice %arg3[%add3A, %dma_start3A_267, %dma_start3A_268] : memref<32x10x128xi32, #tpu.memory_space<hbm>> -> memref<1x10x128xi32, #tpu.memory_space<hbm>>
      %dma_start3A_270 = tpu.memref_squeeze %dma_start3A_269 : memref<1x10x128xi32, #tpu.memory_space<hbm>> -> memref<10x128xi32, #tpu.memory_space<hbm>>
      tpu.enqueue_dma source(%dma_start3A_270 : memref<10x128xi32, #tpu.memory_space<hbm>>) target(%arg5 : memref<10x128xi32, #tpu.memory_space<vmem>>) target_semaphore(%run_scoped3A : memref<!tpu.dma_semaphore, #tpu.memory_space<semaphore_mem>>)
      %dma_wait3A_271 = arith.constant 0 : i32
      %dma_wait3A_272 = arith.constant 0 : i32
      %dma_wait3A_273 = tpu.memref_slice %arg3[%add3A, %dma_wait3A_271, %dma_wait3A_272] : memref<32x10x128xi32, #tpu.memory_space<hbm>> -> memref<1x10x128xi32, #tpu.memory_space<hbm>>
      %dma_wait3A_274 = tpu.memref_squeeze %dma_wait3A_273 : memref<1x10x128xi32, #tpu.memory_space<hbm>> -> memref<10x128xi32, #tpu.memory_space<hbm>>
      %dma_wait3A_275 = arith.constant 0 : i32
      %dma_wait3A_276 = arith.constant 0 : i32
      %dma_wait3A_277 = tpu.memref_slice %arg3[%add3A, %dma_wait3A_275, %dma_wait3A_276] : memref<32x10x128xi32, #tpu.memory_space<hbm>> -> memref<1x10x128xi32, #tpu.memory_space<hbm>>
      %dma_wait3A_278 = tpu.memref_squeeze %dma_wait3A_277 : memref<1x10x128xi32, #tpu.memory_space<hbm>> -> memref<10x128xi32, #tpu.memory_space<hbm>>
      tpu.wait_dma2 semaphore(%run_scoped3A : memref<!tpu.dma_semaphore, #tpu.memory_space<semaphore_mem>>) src(%dma_wait3A_278 : memref<10x128xi32, #tpu.memory_space<hbm>>) dst(%arg5 : memref<10x128xi32, #tpu.memory_space<vmem>>)
      tpu.yield
    }) : () -> ()
    %mul3A_1 = arith.constant 10 : i32
    %mul3A_2 = arith.muli %add3A, %mul3A_1 : i32
    %mul3A_3 = arith.constant 128 : i32
    %mul3A_4 = arith.muli %mul3A_2, %mul3A_3 : i32
    %dma_start3A = arith.constant 0 : i32
    %dma_start3A_5 = arith.constant 0 : i32
    %dma_start3A_6 = tpu.memref_slice %arg5[%dma_start3A, %dma_start3A_5] : memref<10x128xi32, #tpu.memory_space<vmem>> -> memref<1x128xi32, #tpu.memory_space<vmem>>
    %dma_start3A_7 = tpu.memref_squeeze %dma_start3A_6 : memref<1x128xi32, #tpu.memory_space<vmem>> -> memref<128xi32, #tpu.memory_space<vmem>>
    %dma_start3A_8 = arith.constant 0 : i32
    %dma_start3A_9 = arith.constant 0 : i32
    %dma_start3A_10 = tpu.memref_slice %arg2[%dma_start3A_8, %dma_start3A_9] : memref<100000x128xf32, #tpu.memory_space<hbm>> -> memref<100000x128xf32, #tpu.memory_space<hbm>>
    tpu.enqueue_indirect_dma source(%dma_start3A_10 : memref<100000x128xf32, #tpu.memory_space<hbm>>) target(%arg6 : memref<128x128xf32, #tpu.memory_space<vmem>>) offsets(%dma_start3A_7 : memref<128xi32, #tpu.memory_space<vmem>>) semaphore(%arg10 : memref<!tpu.dma_semaphore, #tpu.memory_space<semaphore_mem>>)
    %dma_start3A_11 = arith.constant 1 : i32
    %dma_start3A_12 = arith.constant 0 : i32
    %dma_start3A_13 = tpu.memref_slice %arg5[%dma_start3A_11, %dma_start3A_12] : memref<10x128xi32, #tpu.memory_space<vmem>> -> memref<1x128xi32, #tpu.memory_space<vmem>>
    %dma_start3A_14 = tpu.memref_squeeze %dma_start3A_13 : memref<1x128xi32, #tpu.memory_space<vmem>> -> memref<128xi32, #tpu.memory_space<vmem>>
    %dma_start3A_15 = arith.constant 0 : i32
    %dma_start3A_16 = arith.constant 0 : i32
    %dma_start3A_17 = tpu.memref_slice %arg2[%dma_start3A_15, %dma_start3A_16] : memref<100000x128xf32, #tpu.memory_space<hbm>> -> memref<100000x128xf32, #tpu.memory_space<hbm>>
    tpu.enqueue_indirect_dma source(%dma_start3A_17 : memref<100000x128xf32, #tpu.memory_space<hbm>>) target(%arg7 : memref<128x128xf32, #tpu.memory_space<vmem>>) offsets(%dma_start3A_14 : memref<128xi32, #tpu.memory_space<vmem>>) semaphore(%arg11 : memref<!tpu.dma_semaphore, #tpu.memory_space<semaphore_mem>>)
    %dma_start3A_18 = arith.constant 2 : i32
    %dma_start3A_19 = arith.constant 0 : i32
    %dma_start3A_20 = tpu.memref_slice %arg5[%dma_start3A_18, %dma_start3A_19] : memref<10x128xi32, #tpu.memory_space<vmem>> -> memref<1x128xi32, #tpu.memory_space<vmem>>
    %dma_start3A_21 = tpu.memref_squeeze %dma_start3A_20 : memref<1x128xi32, #tpu.memory_space<vmem>> -> memref<128xi32, #tpu.memory_space<vmem>>
    %dma_start3A_22 = arith.constant 0 : i32
    %dma_start3A_23 = arith.constant 0 : i32
    %dma_start3A_24 = tpu.memref_slice %arg2[%dma_start3A_22, %dma_start3A_23] : memref<100000x128xf32, #tpu.memory_space<hbm>> -> memref<100000x128xf32, #tpu.memory_space<hbm>>
    tpu.enqueue_indirect_dma source(%dma_start3A_24 : memref<100000x128xf32, #tpu.memory_space<hbm>>) target(%arg8 : memref<128x128xf32, #tpu.memory_space<vmem>>) offsets(%dma_start3A_21 : memref<128xi32, #tpu.memory_space<vmem>>) semaphore(%arg12 : memref<!tpu.dma_semaphore, #tpu.memory_space<semaphore_mem>>)
    %dma_start3A_25 = arith.constant 3 : i32
    %dma_start3A_26 = arith.constant 0 : i32
    %dma_start3A_27 = tpu.memref_slice %arg5[%dma_start3A_25, %dma_start3A_26] : memref<10x128xi32, #tpu.memory_space<vmem>> -> memref<1x128xi32, #tpu.memory_space<vmem>>
    %dma_start3A_28 = tpu.memref_squeeze %dma_start3A_27 : memref<1x128xi32, #tpu.memory_space<vmem>> -> memref<128xi32, #tpu.memory_space<vmem>>
    %dma_start3A_29 = arith.constant 0 : i32
    %dma_start3A_30 = arith.constant 0 : i32
    %dma_start3A_31 = tpu.memref_slice %arg2[%dma_start3A_29, %dma_start3A_30] : memref<100000x128xf32, #tpu.memory_space<hbm>> -> memref<100000x128xf32, #tpu.memory_space<hbm>>
    tpu.enqueue_indirect_dma source(%dma_start3A_31 : memref<100000x128xf32, #tpu.memory_space<hbm>>) target(%arg9 : memref<128x128xf32, #tpu.memory_space<vmem>>) offsets(%dma_start3A_28 : memref<128xi32, #tpu.memory_space<vmem>>) semaphore(%arg13 : memref<!tpu.dma_semaphore, #tpu.memory_space<semaphore_mem>>)
    %dma_wait3A = arith.constant 0 : i32
    %dma_wait3A_32 = arith.constant 0 : i32
    %dma_wait3A_33 = tpu.memref_slice %arg5[%dma_wait3A, %dma_wait3A_32] : memref<10x128xi32, #tpu.memory_space<vmem>> -> memref<1x128xi32, #tpu.memory_space<vmem>>
    %dma_wait3A_34 = tpu.memref_squeeze %dma_wait3A_33 : memref<1x128xi32, #tpu.memory_space<vmem>> -> memref<128xi32, #tpu.memory_space<vmem>>
    %dma_wait3A_35 = arith.constant 0 : i32
    %dma_wait3A_36 = arith.constant 0 : i32
    %dma_wait3A_37 = tpu.memref_slice %arg2[%dma_wait3A_35, %dma_wait3A_36] : memref<100000x128xf32, #tpu.memory_space<hbm>> -> memref<100000x128xf32, #tpu.memory_space<hbm>>
    tpu.wait_indirect_dma semaphore(%arg10 : memref<!tpu.dma_semaphore, #tpu.memory_space<semaphore_mem>>) src(%dma_wait3A_37 : memref<100000x128xf32, #tpu.memory_space<hbm>>) dst(%arg6 : memref<128x128xf32, #tpu.memory_space<vmem>>)
    %add3A_38 = arith.constant 0 : i32
    %add3A_39 = arith.addi %mul3A_4, %add3A_38 : i32
    %dma_start3A_40 = arith.constant 0 : i32
    %dma_start3A_41 = tpu.memref_slice %arg4[%add3A_39, %dma_start3A_40] : memref<40960x128xf32, #tpu.memory_space<hbm>> -> memref<128x128xf32, #tpu.memory_space<hbm>>
    %dma_start3A_42 = arith.constant 0 : i32
    %dma_start3A_43 = tpu.memref_slice %arg4[%add3A_39, %dma_start3A_42] : memref<40960x128xf32, #tpu.memory_space<hbm>> -> memref<128x128xf32, #tpu.memory_space<hbm>>
    tpu.enqueue_dma source(%arg6 : memref<128x128xf32, #tpu.memory_space<vmem>>) target(%dma_start3A_43 : memref<128x128xf32, #tpu.memory_space<hbm>>) target_semaphore(%arg14 : memref<!tpu.dma_semaphore, #tpu.memory_space<semaphore_mem>>)
    %add3A_44 = arith.constant 0 : i32
    %add3A_45 = arith.addi %mul3A_4, %add3A_44 : i32
    %dma_wait3A_46 = arith.constant 0 : i32
    %dma_wait3A_47 = tpu.memref_slice %arg4[%add3A_45, %dma_wait3A_46] : memref<40960x128xf32, #tpu.memory_space<hbm>> -> memref<128x128xf32, #tpu.memory_space<hbm>>
    %dma_wait3A_48 = arith.constant 0 : i32
    %dma_wait3A_49 = tpu.memref_slice %arg4[%add3A_45, %dma_wait3A_48] : memref<40960x128xf32, #tpu.memory_space<hbm>> -> memref<128x128xf32, #tpu.memory_space<hbm>>
    tpu.wait_dma2 semaphore(%arg14 : memref<!tpu.dma_semaphore, #tpu.memory_space<semaphore_mem>>) src(%arg6 : memref<128x128xf32, #tpu.memory_space<vmem>>) dst(%dma_wait3A_49 : memref<128x128xf32, #tpu.memory_space<hbm>>)
    %dma_start3A_50 = arith.constant 4 : i32
    %dma_start3A_51 = arith.constant 0 : i32
    %dma_start3A_52 = tpu.memref_slice %arg5[%dma_start3A_50, %dma_start3A_51] : memref<10x128xi32, #tpu.memory_space<vmem>> -> memref<1x128xi32, #tpu.memory_space<vmem>>
    %dma_start3A_53 = tpu.memref_squeeze %dma_start3A_52 : memref<1x128xi32, #tpu.memory_space<vmem>> -> memref<128xi32, #tpu.memory_space<vmem>>
    %dma_start3A_54 = arith.constant 0 : i32
    %dma_start3A_55 = arith.constant 0 : i32
    %dma_start3A_56 = tpu.memref_slice %arg2[%dma_start3A_54, %dma_start3A_55] : memref<100000x128xf32, #tpu.memory_space<hbm>> -> memref<100000x128xf32, #tpu.memory_space<hbm>>
    tpu.enqueue_indirect_dma source(%dma_start3A_56 : memref<100000x128xf32, #tpu.memory_space<hbm>>) target(%arg6 : memref<128x128xf32, #tpu.memory_space<vmem>>) offsets(%dma_start3A_53 : memref<128xi32, #tpu.memory_space<vmem>>) semaphore(%arg10 : memref<!tpu.dma_semaphore, #tpu.memory_space<semaphore_mem>>)
    %dma_wait3A_57 = arith.constant 1 : i32
    %dma_wait3A_58 = arith.constant 0 : i32
    %dma_wait3A_59 = tpu.memref_slice %arg5[%dma_wait3A_57, %dma_wait3A_58] : memref<10x128xi32, #tpu.memory_space<vmem>> -> memref<1x128xi32, #tpu.memory_space<vmem>>
    %dma_wait3A_60 = tpu.memref_squeeze %dma_wait3A_59 : memref<1x128xi32, #tpu.memory_space<vmem>> -> memref<128xi32, #tpu.memory_space<vmem>>
    %dma_wait3A_61 = arith.constant 0 : i32
    %dma_wait3A_62 = arith.constant 0 : i32
    %dma_wait3A_63 = tpu.memref_slice %arg2[%dma_wait3A_61, %dma_wait3A_62] : memref<100000x128xf32, #tpu.memory_space<hbm>> -> memref<100000x128xf32, #tpu.memory_space<hbm>>
    tpu.wait_indirect_dma semaphore(%arg11 : memref<!tpu.dma_semaphore, #tpu.memory_space<semaphore_mem>>) src(%dma_wait3A_63 : memref<100000x128xf32, #tpu.memory_space<hbm>>) dst(%arg7 : memref<128x128xf32, #tpu.memory_space<vmem>>)
    %add3A_64 = arith.constant 128 : i32
    %add3A_65 = arith.addi %mul3A_4, %add3A_64 : i32
    %dma_start3A_66 = arith.constant 0 : i32
    %dma_start3A_67 = tpu.memref_slice %arg4[%add3A_65, %dma_start3A_66] : memref<40960x128xf32, #tpu.memory_space<hbm>> -> memref<128x128xf32, #tpu.memory_space<hbm>>
    %dma_start3A_68 = arith.constant 0 : i32
    %dma_start3A_69 = tpu.memref_slice %arg4[%add3A_65, %dma_start3A_68] : memref<40960x128xf32, #tpu.memory_space<hbm>> -> memref<128x128xf32, #tpu.memory_space<hbm>>
    tpu.enqueue_dma source(%arg7 : memref<128x128xf32, #tpu.memory_space<vmem>>) target(%dma_start3A_69 : memref<128x128xf32, #tpu.memory_space<hbm>>) target_semaphore(%arg15 : memref<!tpu.dma_semaphore, #tpu.memory_space<semaphore_mem>>)
    %add3A_70 = arith.constant 128 : i32
    %add3A_71 = arith.addi %mul3A_4, %add3A_70 : i32
    %dma_wait3A_72 = arith.constant 0 : i32
    %dma_wait3A_73 = tpu.memref_slice %arg4[%add3A_71, %dma_wait3A_72] : memref<40960x128xf32, #tpu.memory_space<hbm>> -> memref<128x128xf32, #tpu.memory_space<hbm>>
    %dma_wait3A_74 = arith.constant 0 : i32
    %dma_wait3A_75 = tpu.memref_slice %arg4[%add3A_71, %dma_wait3A_74] : memref<40960x128xf32, #tpu.memory_space<hbm>> -> memref<128x128xf32, #tpu.memory_space<hbm>>
    tpu.wait_dma2 semaphore(%arg15 : memref<!tpu.dma_semaphore, #tpu.memory_space<semaphore_mem>>) src(%arg7 : memref<128x128xf32, #tpu.memory_space<vmem>>) dst(%dma_wait3A_75 : memref<128x128xf32, #tpu.memory_space<hbm>>)
    %dma_start3A_76 = arith.constant 5 : i32
    %dma_start3A_77 = arith.constant 0 : i32
    %dma_start3A_78 = tpu.memref_slice %arg5[%dma_start3A_76, %dma_start3A_77] : memref<10x128xi32, #tpu.memory_space<vmem>> -> memref<1x128xi32, #tpu.memory_space<vmem>>
    %dma_start3A_79 = tpu.memref_squeeze %dma_start3A_78 : memref<1x128xi32, #tpu.memory_space<vmem>> -> memref<128xi32, #tpu.memory_space<vmem>>
    %dma_start3A_80 = arith.constant 0 : i32
    %dma_start3A_81 = arith.constant 0 : i32
    %dma_start3A_82 = tpu.memref_slice %arg2[%dma_start3A_80, %dma_start3A_81] : memref<100000x128xf32, #tpu.memory_space<hbm>> -> memref<100000x128xf32, #tpu.memory_space<hbm>>
    tpu.enqueue_indirect_dma source(%dma_start3A_82 : memref<100000x128xf32, #tpu.memory_space<hbm>>) target(%arg7 : memref<128x128xf32, #tpu.memory_space<vmem>>) offsets(%dma_start3A_79 : memref<128xi32, #tpu.memory_space<vmem>>) semaphore(%arg11 : memref<!tpu.dma_semaphore, #tpu.memory_space<semaphore_mem>>)
    %dma_wait3A_83 = arith.constant 2 : i32
    %dma_wait3A_84 = arith.constant 0 : i32
    %dma_wait3A_85 = tpu.memref_slice %arg5[%dma_wait3A_83, %dma_wait3A_84] : memref<10x128xi32, #tpu.memory_space<vmem>> -> memref<1x128xi32, #tpu.memory_space<vmem>>
    %dma_wait3A_86 = tpu.memref_squeeze %dma_wait3A_85 : memref<1x128xi32, #tpu.memory_space<vmem>> -> memref<128xi32, #tpu.memory_space<vmem>>
    %dma_wait3A_87 = arith.constant 0 : i32
    %dma_wait3A_88 = arith.constant 0 : i32
    %dma_wait3A_89 = tpu.memref_slice %arg2[%dma_wait3A_87, %dma_wait3A_88] : memref<100000x128xf32, #tpu.memory_space<hbm>> -> memref<100000x128xf32, #tpu.memory_space<hbm>>
    tpu.wait_indirect_dma semaphore(%arg12 : memref<!tpu.dma_semaphore, #tpu.memory_space<semaphore_mem>>) src(%dma_wait3A_89 : memref<100000x128xf32, #tpu.memory_space<hbm>>) dst(%arg8 : memref<128x128xf32, #tpu.memory_space<vmem>>)
    %add3A_90 = arith.constant 256 : i32
    %add3A_91 = arith.addi %mul3A_4, %add3A_90 : i32
    %dma_start3A_92 = arith.constant 0 : i32
    %dma_start3A_93 = tpu.memref_slice %arg4[%add3A_91, %dma_start3A_92] : memref<40960x128xf32, #tpu.memory_space<hbm>> -> memref<128x128xf32, #tpu.memory_space<hbm>>
    %dma_start3A_94 = arith.constant 0 : i32
    %dma_start3A_95 = tpu.memref_slice %arg4[%add3A_91, %dma_start3A_94] : memref<40960x128xf32, #tpu.memory_space<hbm>> -> memref<128x128xf32, #tpu.memory_space<hbm>>
    tpu.enqueue_dma source(%arg8 : memref<128x128xf32, #tpu.memory_space<vmem>>) target(%dma_start3A_95 : memref<128x128xf32, #tpu.memory_space<hbm>>) target_semaphore(%arg16 : memref<!tpu.dma_semaphore, #tpu.memory_space<semaphore_mem>>)
    %add3A_96 = arith.constant 256 : i32
    %add3A_97 = arith.addi %mul3A_4, %add3A_96 : i32
    %dma_wait3A_98 = arith.constant 0 : i32
    %dma_wait3A_99 = tpu.memref_slice %arg4[%add3A_97, %dma_wait3A_98] : memref<40960x128xf32, #tpu.memory_space<hbm>> -> memref<128x128xf32, #tpu.memory_space<hbm>>
    %dma_wait3A_100 = arith.constant 0 : i32
    %dma_wait3A_101 = tpu.memref_slice %arg4[%add3A_97, %dma_wait3A_100] : memref<40960x128xf32, #tpu.memory_space<hbm>> -> memref<128x128xf32, #tpu.memory_space<hbm>>
    tpu.wait_dma2 semaphore(%arg16 : memref<!tpu.dma_semaphore, #tpu.memory_space<semaphore_mem>>) src(%arg8 : memref<128x128xf32, #tpu.memory_space<vmem>>) dst(%dma_wait3A_101 : memref<128x128xf32, #tpu.memory_space<hbm>>)
    %dma_start3A_102 = arith.constant 6 : i32
    %dma_start3A_103 = arith.constant 0 : i32
    %dma_start3A_104 = tpu.memref_slice %arg5[%dma_start3A_102, %dma_start3A_103] : memref<10x128xi32, #tpu.memory_space<vmem>> -> memref<1x128xi32, #tpu.memory_space<vmem>>
    %dma_start3A_105 = tpu.memref_squeeze %dma_start3A_104 : memref<1x128xi32, #tpu.memory_space<vmem>> -> memref<128xi32, #tpu.memory_space<vmem>>
    %dma_start3A_106 = arith.constant 0 : i32
    %dma_start3A_107 = arith.constant 0 : i32
    %dma_start3A_108 = tpu.memref_slice %arg2[%dma_start3A_106, %dma_start3A_107] : memref<100000x128xf32, #tpu.memory_space<hbm>> -> memref<100000x128xf32, #tpu.memory_space<hbm>>
    tpu.enqueue_indirect_dma source(%dma_start3A_108 : memref<100000x128xf32, #tpu.memory_space<hbm>>) target(%arg8 : memref<128x128xf32, #tpu.memory_space<vmem>>) offsets(%dma_start3A_105 : memref<128xi32, #tpu.memory_space<vmem>>) semaphore(%arg12 : memref<!tpu.dma_semaphore, #tpu.memory_space<semaphore_mem>>)
    %dma_wait3A_109 = arith.constant 3 : i32
    %dma_wait3A_110 = arith.constant 0 : i32
    %dma_wait3A_111 = tpu.memref_slice %arg5[%dma_wait3A_109, %dma_wait3A_110] : memref<10x128xi32, #tpu.memory_space<vmem>> -> memref<1x128xi32, #tpu.memory_space<vmem>>
    %dma_wait3A_112 = tpu.memref_squeeze %dma_wait3A_111 : memref<1x128xi32, #tpu.memory_space<vmem>> -> memref<128xi32, #tpu.memory_space<vmem>>
    %dma_wait3A_113 = arith.constant 0 : i32
    %dma_wait3A_114 = arith.constant 0 : i32
    %dma_wait3A_115 = tpu.memref_slice %arg2[%dma_wait3A_113, %dma_wait3A_114] : memref<100000x128xf32, #tpu.memory_space<hbm>> -> memref<100000x128xf32, #tpu.memory_space<hbm>>
    tpu.wait_indirect_dma semaphore(%arg13 : memref<!tpu.dma_semaphore, #tpu.memory_space<semaphore_mem>>) src(%dma_wait3A_115 : memref<100000x128xf32, #tpu.memory_space<hbm>>) dst(%arg9 : memref<128x128xf32, #tpu.memory_space<vmem>>)
    %add3A_116 = arith.constant 384 : i32
    %add3A_117 = arith.addi %mul3A_4, %add3A_116 : i32
    %dma_start3A_118 = arith.constant 0 : i32
    %dma_start3A_119 = tpu.memref_slice %arg4[%add3A_117, %dma_start3A_118] : memref<40960x128xf32, #tpu.memory_space<hbm>> -> memref<128x128xf32, #tpu.memory_space<hbm>>
    %dma_start3A_120 = arith.constant 0 : i32
    %dma_start3A_121 = tpu.memref_slice %arg4[%add3A_117, %dma_start3A_120] : memref<40960x128xf32, #tpu.memory_space<hbm>> -> memref<128x128xf32, #tpu.memory_space<hbm>>
    tpu.enqueue_dma source(%arg9 : memref<128x128xf32, #tpu.memory_space<vmem>>) target(%dma_start3A_121 : memref<128x128xf32, #tpu.memory_space<hbm>>) target_semaphore(%arg17 : memref<!tpu.dma_semaphore, #tpu.memory_space<semaphore_mem>>)
    %add3A_122 = arith.constant 384 : i32
    %add3A_123 = arith.addi %mul3A_4, %add3A_122 : i32
    %dma_wait3A_124 = arith.constant 0 : i32
    %dma_wait3A_125 = tpu.memref_slice %arg4[%add3A_123, %dma_wait3A_124] : memref<40960x128xf32, #tpu.memory_space<hbm>> -> memref<128x128xf32, #tpu.memory_space<hbm>>
    %dma_wait3A_126 = arith.constant 0 : i32
    %dma_wait3A_127 = tpu.memref_slice %arg4[%add3A_123, %dma_wait3A_126] : memref<40960x128xf32, #tpu.memory_space<hbm>> -> memref<128x128xf32, #tpu.memory_space<hbm>>
    tpu.wait_dma2 semaphore(%arg17 : memref<!tpu.dma_semaphore, #tpu.memory_space<semaphore_mem>>) src(%arg9 : memref<128x128xf32, #tpu.memory_space<vmem>>) dst(%dma_wait3A_127 : memref<128x128xf32, #tpu.memory_space<hbm>>)
    %dma_start3A_128 = arith.constant 7 : i32
    %dma_start3A_129 = arith.constant 0 : i32
    %dma_start3A_130 = tpu.memref_slice %arg5[%dma_start3A_128, %dma_start3A_129] : memref<10x128xi32, #tpu.memory_space<vmem>> -> memref<1x128xi32, #tpu.memory_space<vmem>>
    %dma_start3A_131 = tpu.memref_squeeze %dma_start3A_130 : memref<1x128xi32, #tpu.memory_space<vmem>> -> memref<128xi32, #tpu.memory_space<vmem>>
    %dma_start3A_132 = arith.constant 0 : i32
    %dma_start3A_133 = arith.constant 0 : i32
    %dma_start3A_134 = tpu.memref_slice %arg2[%dma_start3A_132, %dma_start3A_133] : memref<100000x128xf32, #tpu.memory_space<hbm>> -> memref<100000x128xf32, #tpu.memory_space<hbm>>
    tpu.enqueue_indirect_dma source(%dma_start3A_134 : memref<100000x128xf32, #tpu.memory_space<hbm>>) target(%arg9 : memref<128x128xf32, #tpu.memory_space<vmem>>) offsets(%dma_start3A_131 : memref<128xi32, #tpu.memory_space<vmem>>) semaphore(%arg13 : memref<!tpu.dma_semaphore, #tpu.memory_space<semaphore_mem>>)
    %dma_wait3A_135 = arith.constant 4 : i32
    %dma_wait3A_136 = arith.constant 0 : i32
    %dma_wait3A_137 = tpu.memref_slice %arg5[%dma_wait3A_135, %dma_wait3A_136] : memref<10x128xi32, #tpu.memory_space<vmem>> -> memref<1x128xi32, #tpu.memory_space<vmem>>
    %dma_wait3A_138 = tpu.memref_squeeze %dma_wait3A_137 : memref<1x128xi32, #tpu.memory_space<vmem>> -> memref<128xi32, #tpu.memory_space<vmem>>
    %dma_wait3A_139 = arith.constant 0 : i32
    %dma_wait3A_140 = arith.constant 0 : i32
    %dma_wait3A_141 = tpu.memref_slice %arg2[%dma_wait3A_139, %dma_wait3A_140] : memref<100000x128xf32, #tpu.memory_space<hbm>> -> memref<100000x128xf32, #tpu.memory_space<hbm>>
    tpu.wait_indirect_dma semaphore(%arg10 : memref<!tpu.dma_semaphore, #tpu.memory_space<semaphore_mem>>) src(%dma_wait3A_141 : memref<100000x128xf32, #tpu.memory_space<hbm>>) dst(%arg6 : memref<128x128xf32, #tpu.memory_space<vmem>>)
    %add3A_142 = arith.constant 512 : i32
    %add3A_143 = arith.addi %mul3A_4, %add3A_142 : i32
    %dma_start3A_144 = arith.constant 0 : i32
    %dma_start3A_145 = tpu.memref_slice %arg4[%add3A_143, %dma_start3A_144] : memref<40960x128xf32, #tpu.memory_space<hbm>> -> memref<128x128xf32, #tpu.memory_space<hbm>>
    %dma_start3A_146 = arith.constant 0 : i32
    %dma_start3A_147 = tpu.memref_slice %arg4[%add3A_143, %dma_start3A_146] : memref<40960x128xf32, #tpu.memory_space<hbm>> -> memref<128x128xf32, #tpu.memory_space<hbm>>
    tpu.enqueue_dma source(%arg6 : memref<128x128xf32, #tpu.memory_space<vmem>>) target(%dma_start3A_147 : memref<128x128xf32, #tpu.memory_space<hbm>>) target_semaphore(%arg14 : memref<!tpu.dma_semaphore, #tpu.memory_space<semaphore_mem>>)
    %add3A_148 = arith.constant 512 : i32
    %add3A_149 = arith.addi %mul3A_4, %add3A_148 : i32
    %dma_wait3A_150 = arith.constant 0 : i32
    %dma_wait3A_151 = tpu.memref_slice %arg4[%add3A_149, %dma_wait3A_150] : memref<40960x128xf32, #tpu.memory_space<hbm>> -> memref<128x128xf32, #tpu.memory_space<hbm>>
    %dma_wait3A_152 = arith.constant 0 : i32
    %dma_wait3A_153 = tpu.memref_slice %arg4[%add3A_149, %dma_wait3A_152] : memref<40960x128xf32, #tpu.memory_space<hbm>> -> memref<128x128xf32, #tpu.memory_space<hbm>>
    tpu.wait_dma2 semaphore(%arg14 : memref<!tpu.dma_semaphore, #tpu.memory_space<semaphore_mem>>) src(%arg6 : memref<128x128xf32, #tpu.memory_space<vmem>>) dst(%dma_wait3A_153 : memref<128x128xf32, #tpu.memory_space<hbm>>)
    %dma_start3A_154 = arith.constant 8 : i32
    %dma_start3A_155 = arith.constant 0 : i32
    %dma_start3A_156 = tpu.memref_slice %arg5[%dma_start3A_154, %dma_start3A_155] : memref<10x128xi32, #tpu.memory_space<vmem>> -> memref<1x128xi32, #tpu.memory_space<vmem>>
    %dma_start3A_157 = tpu.memref_squeeze %dma_start3A_156 : memref<1x128xi32, #tpu.memory_space<vmem>> -> memref<128xi32, #tpu.memory_space<vmem>>
    %dma_start3A_158 = arith.constant 0 : i32
    %dma_start3A_159 = arith.constant 0 : i32
    %dma_start3A_160 = tpu.memref_slice %arg2[%dma_start3A_158, %dma_start3A_159] : memref<100000x128xf32, #tpu.memory_space<hbm>> -> memref<100000x128xf32, #tpu.memory_space<hbm>>
    tpu.enqueue_indirect_dma source(%dma_start3A_160 : memref<100000x128xf32, #tpu.memory_space<hbm>>) target(%arg6 : memref<128x128xf32, #tpu.memory_space<vmem>>) offsets(%dma_start3A_157 : memref<128xi32, #tpu.memory_space<vmem>>) semaphore(%arg10 : memref<!tpu.dma_semaphore, #tpu.memory_space<semaphore_mem>>)
    %dma_wait3A_161 = arith.constant 5 : i32
    %dma_wait3A_162 = arith.constant 0 : i32
    %dma_wait3A_163 = tpu.memref_slice %arg5[%dma_wait3A_161, %dma_wait3A_162] : memref<10x128xi32, #tpu.memory_space<vmem>> -> memref<1x128xi32, #tpu.memory_space<vmem>>
    %dma_wait3A_164 = tpu.memref_squeeze %dma_wait3A_163 : memref<1x128xi32, #tpu.memory_space<vmem>> -> memref<128xi32, #tpu.memory_space<vmem>>
    %dma_wait3A_165 = arith.constant 0 : i32
    %dma_wait3A_166 = arith.constant 0 : i32
    %dma_wait3A_167 = tpu.memref_slice %arg2[%dma_wait3A_165, %dma_wait3A_166] : memref<100000x128xf32, #tpu.memory_space<hbm>> -> memref<100000x128xf32, #tpu.memory_space<hbm>>
    tpu.wait_indirect_dma semaphore(%arg11 : memref<!tpu.dma_semaphore, #tpu.memory_space<semaphore_mem>>) src(%dma_wait3A_167 : memref<100000x128xf32, #tpu.memory_space<hbm>>) dst(%arg7 : memref<128x128xf32, #tpu.memory_space<vmem>>)
    %add3A_168 = arith.constant 640 : i32
    %add3A_169 = arith.addi %mul3A_4, %add3A_168 : i32
    %dma_start3A_170 = arith.constant 0 : i32
    %dma_start3A_171 = tpu.memref_slice %arg4[%add3A_169, %dma_start3A_170] : memref<40960x128xf32, #tpu.memory_space<hbm>> -> memref<128x128xf32, #tpu.memory_space<hbm>>
    %dma_start3A_172 = arith.constant 0 : i32
    %dma_start3A_173 = tpu.memref_slice %arg4[%add3A_169, %dma_start3A_172] : memref<40960x128xf32, #tpu.memory_space<hbm>> -> memref<128x128xf32, #tpu.memory_space<hbm>>
    tpu.enqueue_dma source(%arg7 : memref<128x128xf32, #tpu.memory_space<vmem>>) target(%dma_start3A_173 : memref<128x128xf32, #tpu.memory_space<hbm>>) target_semaphore(%arg15 : memref<!tpu.dma_semaphore, #tpu.memory_space<semaphore_mem>>)
    %add3A_174 = arith.constant 640 : i32
    %add3A_175 = arith.addi %mul3A_4, %add3A_174 : i32
    %dma_wait3A_176 = arith.constant 0 : i32
    %dma_wait3A_177 = tpu.memref_slice %arg4[%add3A_175, %dma_wait3A_176] : memref<40960x128xf32, #tpu.memory_space<hbm>> -> memref<128x128xf32, #tpu.memory_space<hbm>>
    %dma_wait3A_178 = arith.constant 0 : i32
    %dma_wait3A_179 = tpu.memref_slice %arg4[%add3A_175, %dma_wait3A_178] : memref<40960x128xf32, #tpu.memory_space<hbm>> -> memref<128x128xf32, #tpu.memory_space<hbm>>
    tpu.wait_dma2 semaphore(%arg15 : memref<!tpu.dma_semaphore, #tpu.memory_space<semaphore_mem>>) src(%arg7 : memref<128x128xf32, #tpu.memory_space<vmem>>) dst(%dma_wait3A_179 : memref<128x128xf32, #tpu.memory_space<hbm>>)
    %dma_start3A_180 = arith.constant 9 : i32
    %dma_start3A_181 = arith.constant 0 : i32
    %dma_start3A_182 = tpu.memref_slice %arg5[%dma_start3A_180, %dma_start3A_181] : memref<10x128xi32, #tpu.memory_space<vmem>> -> memref<1x128xi32, #tpu.memory_space<vmem>>
    %dma_start3A_183 = tpu.memref_squeeze %dma_start3A_182 : memref<1x128xi32, #tpu.memory_space<vmem>> -> memref<128xi32, #tpu.memory_space<vmem>>
    %dma_start3A_184 = arith.constant 0 : i32
    %dma_start3A_185 = arith.constant 0 : i32
    %dma_start3A_186 = tpu.memref_slice %arg2[%dma_start3A_184, %dma_start3A_185] : memref<100000x128xf32, #tpu.memory_space<hbm>> -> memref<100000x128xf32, #tpu.memory_space<hbm>>
    tpu.enqueue_indirect_dma source(%dma_start3A_186 : memref<100000x128xf32, #tpu.memory_space<hbm>>) target(%arg7 : memref<128x128xf32, #tpu.memory_space<vmem>>) offsets(%dma_start3A_183 : memref<128xi32, #tpu.memory_space<vmem>>) semaphore(%arg11 : memref<!tpu.dma_semaphore, #tpu.memory_space<semaphore_mem>>)
    %dma_wait3A_187 = arith.constant 6 : i32
    %dma_wait3A_188 = arith.constant 0 : i32
    %dma_wait3A_189 = tpu.memref_slice %arg5[%dma_wait3A_187, %dma_wait3A_188] : memref<10x128xi32, #tpu.memory_space<vmem>> -> memref<1x128xi32, #tpu.memory_space<vmem>>
    %dma_wait3A_190 = tpu.memref_squeeze %dma_wait3A_189 : memref<1x128xi32, #tpu.memory_space<vmem>> -> memref<128xi32, #tpu.memory_space<vmem>>
    %dma_wait3A_191 = arith.constant 0 : i32
    %dma_wait3A_192 = arith.constant 0 : i32
    %dma_wait3A_193 = tpu.memref_slice %arg2[%dma_wait3A_191, %dma_wait3A_192] : memref<100000x128xf32, #tpu.memory_space<hbm>> -> memref<100000x128xf32, #tpu.memory_space<hbm>>
    tpu.wait_indirect_dma semaphore(%arg12 : memref<!tpu.dma_semaphore, #tpu.memory_space<semaphore_mem>>) src(%dma_wait3A_193 : memref<100000x128xf32, #tpu.memory_space<hbm>>) dst(%arg8 : memref<128x128xf32, #tpu.memory_space<vmem>>)
    %add3A_194 = arith.constant 768 : i32
    %add3A_195 = arith.addi %mul3A_4, %add3A_194 : i32
    %dma_start3A_196 = arith.constant 0 : i32
    %dma_start3A_197 = tpu.memref_slice %arg4[%add3A_195, %dma_start3A_196] : memref<40960x128xf32, #tpu.memory_space<hbm>> -> memref<128x128xf32, #tpu.memory_space<hbm>>
    %dma_start3A_198 = arith.constant 0 : i32
    %dma_start3A_199 = tpu.memref_slice %arg4[%add3A_195, %dma_start3A_198] : memref<40960x128xf32, #tpu.memory_space<hbm>> -> memref<128x128xf32, #tpu.memory_space<hbm>>
    tpu.enqueue_dma source(%arg8 : memref<128x128xf32, #tpu.memory_space<vmem>>) target(%dma_start3A_199 : memref<128x128xf32, #tpu.memory_space<hbm>>) target_semaphore(%arg16 : memref<!tpu.dma_semaphore, #tpu.memory_space<semaphore_mem>>)
    %dma_wait3A_200 = arith.constant 7 : i32
    %dma_wait3A_201 = arith.constant 0 : i32
    %dma_wait3A_202 = tpu.memref_slice %arg5[%dma_wait3A_200, %dma_wait3A_201] : memref<10x128xi32, #tpu.memory_space<vmem>> -> memref<1x128xi32, #tpu.memory_space<vmem>>
    %dma_wait3A_203 = tpu.memref_squeeze %dma_wait3A_202 : memref<1x128xi32, #tpu.memory_space<vmem>> -> memref<128xi32, #tpu.memory_space<vmem>>
    %dma_wait3A_204 = arith.constant 0 : i32
    %dma_wait3A_205 = arith.constant 0 : i32
    %dma_wait3A_206 = tpu.memref_slice %arg2[%dma_wait3A_204, %dma_wait3A_205] : memref<100000x128xf32, #tpu.memory_space<hbm>> -> memref<100000x128xf32, #tpu.memory_space<hbm>>
    tpu.wait_indirect_dma semaphore(%arg13 : memref<!tpu.dma_semaphore, #tpu.memory_space<semaphore_mem>>) src(%dma_wait3A_206 : memref<100000x128xf32, #tpu.memory_space<hbm>>) dst(%arg9 : memref<128x128xf32, #tpu.memory_space<vmem>>)
    %add3A_207 = arith.constant 896 : i32
    %add3A_208 = arith.addi %mul3A_4, %add3A_207 : i32
    %dma_start3A_209 = arith.constant 0 : i32
    %dma_start3A_210 = tpu.memref_slice %arg4[%add3A_208, %dma_start3A_209] : memref<40960x128xf32, #tpu.memory_space<hbm>> -> memref<128x128xf32, #tpu.memory_space<hbm>>
    %dma_start3A_211 = arith.constant 0 : i32
    %dma_start3A_212 = tpu.memref_slice %arg4[%add3A_208, %dma_start3A_211] : memref<40960x128xf32, #tpu.memory_space<hbm>> -> memref<128x128xf32, #tpu.memory_space<hbm>>
    tpu.enqueue_dma source(%arg9 : memref<128x128xf32, #tpu.memory_space<vmem>>) target(%dma_start3A_212 : memref<128x128xf32, #tpu.memory_space<hbm>>) target_semaphore(%arg17 : memref<!tpu.dma_semaphore, #tpu.memory_space<semaphore_mem>>)
    %dma_wait3A_213 = arith.constant 8 : i32
    %dma_wait3A_214 = arith.constant 0 : i32
    %dma_wait3A_215 = tpu.memref_slice %arg5[%dma_wait3A_213, %dma_wait3A_214] : memref<10x128xi32, #tpu.memory_space<vmem>> -> memref<1x128xi32, #tpu.memory_space<vmem>>
    %dma_wait3A_216 = tpu.memref_squeeze %dma_wait3A_215 : memref<1x128xi32, #tpu.memory_space<vmem>> -> memref<128xi32, #tpu.memory_space<vmem>>
    %dma_wait3A_217 = arith.constant 0 : i32
    %dma_wait3A_218 = arith.constant 0 : i32
    %dma_wait3A_219 = tpu.memref_slice %arg2[%dma_wait3A_217, %dma_wait3A_218] : memref<100000x128xf32, #tpu.memory_space<hbm>> -> memref<100000x128xf32, #tpu.memory_space<hbm>>
    tpu.wait_indirect_dma semaphore(%arg10 : memref<!tpu.dma_semaphore, #tpu.memory_space<semaphore_mem>>) src(%dma_wait3A_219 : memref<100000x128xf32, #tpu.memory_space<hbm>>) dst(%arg6 : memref<128x128xf32, #tpu.memory_space<vmem>>)
    %add3A_220 = arith.constant 1024 : i32
    %add3A_221 = arith.addi %mul3A_4, %add3A_220 : i32
    %dma_start3A_222 = arith.constant 0 : i32
    %dma_start3A_223 = tpu.memref_slice %arg4[%add3A_221, %dma_start3A_222] : memref<40960x128xf32, #tpu.memory_space<hbm>> -> memref<128x128xf32, #tpu.memory_space<hbm>>
    %dma_start3A_224 = arith.constant 0 : i32
    %dma_start3A_225 = tpu.memref_slice %arg4[%add3A_221, %dma_start3A_224] : memref<40960x128xf32, #tpu.memory_space<hbm>> -> memref<128x128xf32, #tpu.memory_space<hbm>>
    tpu.enqueue_dma source(%arg6 : memref<128x128xf32, #tpu.memory_space<vmem>>) target(%dma_start3A_225 : memref<128x128xf32, #tpu.memory_space<hbm>>) target_semaphore(%arg14 : memref<!tpu.dma_semaphore, #tpu.memory_space<semaphore_mem>>)
    %dma_wait3A_226 = arith.constant 9 : i32
    %dma_wait3A_227 = arith.constant 0 : i32
    %dma_wait3A_228 = tpu.memref_slice %arg5[%dma_wait3A_226, %dma_wait3A_227] : memref<10x128xi32, #tpu.memory_space<vmem>> -> memref<1x128xi32, #tpu.memory_space<vmem>>
    %dma_wait3A_229 = tpu.memref_squeeze %dma_wait3A_228 : memref<1x128xi32, #tpu.memory_space<vmem>> -> memref<128xi32, #tpu.memory_space<vmem>>
    %dma_wait3A_230 = arith.constant 0 : i32
    %dma_wait3A_231 = arith.constant 0 : i32
    %dma_wait3A_232 = tpu.memref_slice %arg2[%dma_wait3A_230, %dma_wait3A_231] : memref<100000x128xf32, #tpu.memory_space<hbm>> -> memref<100000x128xf32, #tpu.memory_space<hbm>>
    tpu.wait_indirect_dma semaphore(%arg11 : memref<!tpu.dma_semaphore, #tpu.memory_space<semaphore_mem>>) src(%dma_wait3A_232 : memref<100000x128xf32, #tpu.memory_space<hbm>>) dst(%arg7 : memref<128x128xf32, #tpu.memory_space<vmem>>)
    %add3A_233 = arith.constant 1152 : i32
    %add3A_234 = arith.addi %mul3A_4, %add3A_233 : i32
    %dma_start3A_235 = arith.constant 0 : i32
    %dma_start3A_236 = tpu.memref_slice %arg4[%add3A_234, %dma_start3A_235] : memref<40960x128xf32, #tpu.memory_space<hbm>> -> memref<128x128xf32, #tpu.memory_space<hbm>>
    %dma_start3A_237 = arith.constant 0 : i32
    %dma_start3A_238 = tpu.memref_slice %arg4[%add3A_234, %dma_start3A_237] : memref<40960x128xf32, #tpu.memory_space<hbm>> -> memref<128x128xf32, #tpu.memory_space<hbm>>
    tpu.enqueue_dma source(%arg7 : memref<128x128xf32, #tpu.memory_space<vmem>>) target(%dma_start3A_238 : memref<128x128xf32, #tpu.memory_space<hbm>>) target_semaphore(%arg15 : memref<!tpu.dma_semaphore, #tpu.memory_space<semaphore_mem>>)
    %add3A_239 = arith.constant 768 : i32
    %add3A_240 = arith.addi %mul3A_4, %add3A_239 : i32
    %dma_wait3A_241 = arith.constant 0 : i32
    %dma_wait3A_242 = tpu.memref_slice %arg4[%add3A_240, %dma_wait3A_241] : memref<40960x128xf32, #tpu.memory_space<hbm>> -> memref<128x128xf32, #tpu.memory_space<hbm>>
    %dma_wait3A_243 = arith.constant 0 : i32
    %dma_wait3A_244 = tpu.memref_slice %arg4[%add3A_240, %dma_wait3A_243] : memref<40960x128xf32, #tpu.memory_space<hbm>> -> memref<128x128xf32, #tpu.memory_space<hbm>>
    tpu.wait_dma2 semaphore(%arg16 : memref<!tpu.dma_semaphore, #tpu.memory_space<semaphore_mem>>) src(%arg8 : memref<128x128xf32, #tpu.memory_space<vmem>>) dst(%dma_wait3A_244 : memref<128x128xf32, #tpu.memory_space<hbm>>)
    %add3A_245 = arith.constant 896 : i32
    %add3A_246 = arith.addi %mul3A_4, %add3A_245 : i32
    %dma_wait3A_247 = arith.constant 0 : i32
    %dma_wait3A_248 = tpu.memref_slice %arg4[%add3A_246, %dma_wait3A_247] : memref<40960x128xf32, #tpu.memory_space<hbm>> -> memref<128x128xf32, #tpu.memory_space<hbm>>
    %dma_wait3A_249 = arith.constant 0 : i32
    %dma_wait3A_250 = tpu.memref_slice %arg4[%add3A_246, %dma_wait3A_249] : memref<40960x128xf32, #tpu.memory_space<hbm>> -> memref<128x128xf32, #tpu.memory_space<hbm>>
    tpu.wait_dma2 semaphore(%arg17 : memref<!tpu.dma_semaphore, #tpu.memory_space<semaphore_mem>>) src(%arg9 : memref<128x128xf32, #tpu.memory_space<vmem>>) dst(%dma_wait3A_250 : memref<128x128xf32, #tpu.memory_space<hbm>>)
    %add3A_251 = arith.constant 1024 : i32
    %add3A_252 = arith.addi %mul3A_4, %add3A_251 : i32
    %dma_wait3A_253 = arith.constant 0 : i32
    %dma_wait3A_254 = tpu.memref_slice %arg4[%add3A_252, %dma_wait3A_253] : memref<40960x128xf32, #tpu.memory_space<hbm>> -> memref<128x128xf32, #tpu.memory_space<hbm>>
    %dma_wait3A_255 = arith.constant 0 : i32
    %dma_wait3A_256 = tpu.memref_slice %arg4[%add3A_252, %dma_wait3A_255] : memref<40960x128xf32, #tpu.memory_space<hbm>> -> memref<128x128xf32, #tpu.memory_space<hbm>>
    tpu.wait_dma2 semaphore(%arg14 : memref<!tpu.dma_semaphore, #tpu.memory_space<semaphore_mem>>) src(%arg6 : memref<128x128xf32, #tpu.memory_space<vmem>>) dst(%dma_wait3A_256 : memref<128x128xf32, #tpu.memory_space<hbm>>)
    %add3A_257 = arith.constant 1152 : i32
    %add3A_258 = arith.addi %mul3A_4, %add3A_257 : i32
    %dma_wait3A_259 = arith.constant 0 : i32
    %dma_wait3A_260 = tpu.memref_slice %arg4[%add3A_258, %dma_wait3A_259] : memref<40960x128xf32, #tpu.memory_space<hbm>> -> memref<128x128xf32, #tpu.memory_space<hbm>>
    %dma_wait3A_261 = arith.constant 0 : i32
    %dma_wait3A_262 = tpu.memref_slice %arg4[%add3A_258, %dma_wait3A_261] : memref<40960x128xf32, #tpu.memory_space<hbm>> -> memref<128x128xf32, #tpu.memory_space<hbm>>
    tpu.wait_dma2 semaphore(%arg15 : memref<!tpu.dma_semaphore, #tpu.memory_space<semaphore_mem>>) src(%arg7 : memref<128x128xf32, #tpu.memory_space<vmem>>) dst(%dma_wait3A_262 : memref<128x128xf32, #tpu.memory_space<hbm>>)
    return
  }
}

#map = affine_map<(d0, d1) -> (0, 0)>
#map1 = affine_map<(d0, d1) -> (0, 0, 0)>
module attributes {stable_mosaic.version = 14 : i64} {
  func.func @gather_kernel(%arg0: i32, %arg1: i32, %arg2: memref<100000x128xf32, #tpu.memory_space<hbm>>, %arg3: memref<32x10x128xi32, #tpu.memory_space<hbm>>, %arg4: memref<40960x128xf32, #tpu.memory_space<hbm>>, %arg5: memref<10x128xi32, #tpu.memory_space<vmem>>, %arg6: memref<128x128xf32, #tpu.memory_space<vmem>>, %arg7: memref<128x128xf32, #tpu.memory_space<vmem>>, %arg8: memref<128x128xf32, #tpu.memory_space<vmem>>, %arg9: memref<128x128xf32, #tpu.memory_space<vmem>>, %arg10: memref<!tpu.dma_semaphore, #tpu.memory_space<semaphore_mem>>, %arg11: memref<!tpu.dma_semaphore, #tpu.memory_space<semaphore_mem>>, %arg12: memref<!tpu.dma_semaphore, #tpu.memory_space<semaphore_mem>>, %arg13: memref<!tpu.dma_semaphore, #tpu.memory_space<semaphore_mem>>, %arg14: memref<!tpu.dma_semaphore, #tpu.memory_space<semaphore_mem>>, %arg15: memref<!tpu.dma_semaphore, #tpu.memory_space<semaphore_mem>>, %arg16: memref<!tpu.dma_semaphore, #tpu.memory_space<semaphore_mem>>, %arg17: memref<!tpu.dma_semaphore, #tpu.memory_space<semaphore_mem>>) attributes {dimension_semantics = [#tpu.dimension_semantics<core_parallel>, #tpu.dimension_semantics<subcore_parallel>], iteration_bounds = array<i64: 2, 16>, scalar_prefetch = 0 : i64, scratch_operands = 13 : i64, tpu.core_type = #tpu.core_type<sc_vector_subcore>, window_params = [{transform_indices = #map}, {transform_indices = #map1}, {transform_indices = #map}]} {
    %mul3A = arith.constant 2 : i32
    %mul3A_0 = arith.muli %arg1, %mul3A : i32
    %add3A = arith.addi %mul3A_0, %arg0 : i32
    "tpu.region"() ({
      %run_scoped3A = tpu.sem_alloc : memref<!tpu.dma_semaphore, #tpu.memory_space<semaphore_mem>>
      %dma_start3A_263 = arith.constant 0 : i32
      %dma_start3A_264 = arith.constant 0 : i32
      %dma_start3A_265 = tpu.memref_slice %arg3[%add3A, %dma_start3A_263, %dma_start3A_264] : memref<32x10x128xi32, #tpu.memory_space<hbm>> -> memref<1x10x128xi32, #tpu.memory_space<hbm>>
      %dma_start3A_266 = tpu.memref_squeeze %dma_start3A_265 : memref<1x10x128xi32, #tpu.memory_space<hbm>> -> memref<10x128xi32, #tpu.memory_space<hbm>>
      %dma_start3A_267 = arith.constant 0 : i32
      %dma_start3A_268 = arith.constant 0 : i32
      %dma_start3A_269 = tpu.memref_slice %arg3[%add3A, %dma_start3A_267, %dma_start3A_268] : memref<32x10x128xi32, #tpu.memory_space<hbm>> -> memref<1x10x128xi32, #tpu.memory_space<hbm>>
      %dma_start3A_270 = tpu.memref_squeeze %dma_start3A_269 : memref<1x10x128xi32, #tpu.memory_space<hbm>> -> memref<10x128xi32, #tpu.memory_space<hbm>>
      tpu.enqueue_dma source(%dma_start3A_270 : memref<10x128xi32, #tpu.memory_space<hbm>>) target(%arg5 : memref<10x128xi32, #tpu.memory_space<vmem>>) target_semaphore(%run_scoped3A : memref<!tpu.dma_semaphore, #tpu.memory_space<semaphore_mem>>)
      %dma_wait3A_271 = arith.constant 0 : i32
      %dma_wait3A_272 = arith.constant 0 : i32
      %dma_wait3A_273 = tpu.memref_slice %arg3[%add3A, %dma_wait3A_271, %dma_wait3A_272] : memref<32x10x128xi32, #tpu.memory_space<hbm>> -> memref<1x10x128xi32, #tpu.memory_space<hbm>>
      %dma_wait3A_274 = tpu.memref_squeeze %dma_wait3A_273 : memref<1x10x128xi32, #tpu.memory_space<hbm>> -> memref<10x128xi32, #tpu.memory_space<hbm>>
      %dma_wait3A_275 = arith.constant 0 : i32
      %dma_wait3A_276 = arith.constant 0 : i32
      %dma_wait3A_277 = tpu.memref_slice %arg3[%add3A, %dma_wait3A_275, %dma_wait3A_276] : memref<32x10x128xi32, #tpu.memory_space<hbm>> -> memref<1x10x128xi32, #tpu.memory_space<hbm>>
      %dma_wait3A_278 = tpu.memref_squeeze %dma_wait3A_277 : memref<1x10x128xi32, #tpu.memory_space<hbm>> -> memref<10x128xi32, #tpu.memory_space<hbm>>
      tpu.wait_dma2 semaphore(%run_scoped3A : memref<!tpu.dma_semaphore, #tpu.memory_space<semaphore_mem>>) src(%dma_wait3A_278 : memref<10x128xi32, #tpu.memory_space<hbm>>) dst(%arg5 : memref<10x128xi32, #tpu.memory_space<vmem>>)
      tpu.yield
    }) : () -> ()
    %mul3A_1 = arith.constant 10 : i32
    %mul3A_2 = arith.muli %add3A, %mul3A_1 : i32
    %mul3A_3 = arith.constant 128 : i32
    %mul3A_4 = arith.muli %mul3A_2, %mul3A_3 : i32
    %dma_start3A = arith.constant 0 : i32
    %dma_start3A_5 = arith.constant 0 : i32
    %dma_start3A_6 = tpu.memref_slice %arg5[%dma_start3A, %dma_start3A_5] : memref<10x128xi32, #tpu.memory_space<vmem>> -> memref<1x128xi32, #tpu.memory_space<vmem>>
    %dma_start3A_7 = tpu.memref_squeeze %dma_start3A_6 : memref<1x128xi32, #tpu.memory_space<vmem>> -> memref<128xi32, #tpu.memory_space<vmem>>
    %dma_start3A_8 = arith.constant 0 : i32
    %dma_start3A_9 = arith.constant 0 : i32
    %dma_start3A_10 = tpu.memref_slice %arg2[%dma_start3A_8, %dma_start3A_9] : memref<100000x128xf32, #tpu.memory_space<hbm>> -> memref<100000x128xf32, #tpu.memory_space<hbm>>
    tpu.enqueue_indirect_dma source(%dma_start3A_10 : memref<100000x128xf32, #tpu.memory_space<hbm>>) target(%arg6 : memref<128x128xf32, #tpu.memory_space<vmem>>) offsets(%dma_start3A_7 : memref<128xi32, #tpu.memory_space<vmem>>) semaphore(%arg10 : memref<!tpu.dma_semaphore, #tpu.memory_space<semaphore_mem>>)
    %dma_start3A_11 = arith.constant 1 : i32
    %dma_start3A_12 = arith.constant 0 : i32
    %dma_start3A_13 = tpu.memref_slice %arg5[%dma_start3A_11, %dma_start3A_12] : memref<10x128xi32, #tpu.memory_space<vmem>> -> memref<1x128xi32, #tpu.memory_space<vmem>>
    %dma_start3A_14 = tpu.memref_squeeze %dma_start3A_13 : memref<1x128xi32, #tpu.memory_space<vmem>> -> memref<128xi32, #tpu.memory_space<vmem>>
    %dma_start3A_15 = arith.constant 0 : i32
    %dma_start3A_16 = arith.constant 0 : i32
    %dma_start3A_17 = tpu.memref_slice %arg2[%dma_start3A_15, %dma_start3A_16] : memref<100000x128xf32, #tpu.memory_space<hbm>> -> memref<100000x128xf32, #tpu.memory_space<hbm>>
    tpu.enqueue_indirect_dma source(%dma_start3A_17 : memref<100000x128xf32, #tpu.memory_space<hbm>>) target(%arg7 : memref<128x128xf32, #tpu.memory_space<vmem>>) offsets(%dma_start3A_14 : memref<128xi32, #tpu.memory_space<vmem>>) semaphore(%arg11 : memref<!tpu.dma_semaphore, #tpu.memory_space<semaphore_mem>>)
    %dma_start3A_18 = arith.constant 2 : i32
    %dma_start3A_19 = arith.constant 0 : i32
    %dma_start3A_20 = tpu.memref_slice %arg5[%dma_start3A_18, %dma_start3A_19] : memref<10x128xi32, #tpu.memory_space<vmem>> -> memref<1x128xi32, #tpu.memory_space<vmem>>
    %dma_start3A_21 = tpu.memref_squeeze %dma_start3A_20 : memref<1x128xi32, #tpu.memory_space<vmem>> -> memref<128xi32, #tpu.memory_space<vmem>>
    %dma_start3A_22 = arith.constant 0 : i32
    %dma_start3A_23 = arith.constant 0 : i32
    %dma_start3A_24 = tpu.memref_slice %arg2[%dma_start3A_22, %dma_start3A_23] : memref<100000x128xf32, #tpu.memory_space<hbm>> -> memref<100000x128xf32, #tpu.memory_space<hbm>>
    tpu.enqueue_indirect_dma source(%dma_start3A_24 : memref<100000x128xf32, #tpu.memory_space<hbm>>) target(%arg8 : memref<128x128xf32, #tpu.memory_space<vmem>>) offsets(%dma_start3A_21 : memref<128xi32, #tpu.memory_space<vmem>>) semaphore(%arg12 : memref<!tpu.dma_semaphore, #tpu.memory_space<semaphore_mem>>)
    %dma_start3A_25 = arith.constant 3 : i32
    %dma_start3A_26 = arith.constant 0 : i32
    %dma_start3A_27 = tpu.memref_slice %arg5[%dma_start3A_25, %dma_start3A_26] : memref<10x128xi32, #tpu.memory_space<vmem>> -> memref<1x128xi32, #tpu.memory_space<vmem>>
    %dma_start3A_28 = tpu.memref_squeeze %dma_start3A_27 : memref<1x128xi32, #tpu.memory_space<vmem>> -> memref<128xi32, #tpu.memory_space<vmem>>
    %dma_start3A_29 = arith.constant 0 : i32
    %dma_start3A_30 = arith.constant 0 : i32
    %dma_start3A_31 = tpu.memref_slice %arg2[%dma_start3A_29, %dma_start3A_30] : memref<100000x128xf32, #tpu.memory_space<hbm>> -> memref<100000x128xf32, #tpu.memory_space<hbm>>
    tpu.enqueue_indirect_dma source(%dma_start3A_31 : memref<100000x128xf32, #tpu.memory_space<hbm>>) target(%arg9 : memref<128x128xf32, #tpu.memory_space<vmem>>) offsets(%dma_start3A_28 : memref<128xi32, #tpu.memory_space<vmem>>) semaphore(%arg13 : memref<!tpu.dma_semaphore, #tpu.memory_space<semaphore_mem>>)
    %dma_wait3A = arith.constant 0 : i32
    %dma_wait3A_32 = arith.constant 0 : i32
    %dma_wait3A_33 = tpu.memref_slice %arg5[%dma_wait3A, %dma_wait3A_32] : memref<10x128xi32, #tpu.memory_space<vmem>> -> memref<1x128xi32, #tpu.memory_space<vmem>>
    %dma_wait3A_34 = tpu.memref_squeeze %dma_wait3A_33 : memref<1x128xi32, #tpu.memory_space<vmem>> -> memref<128xi32, #tpu.memory_space<vmem>>
    %dma_wait3A_35 = arith.constant 0 : i32
    %dma_wait3A_36 = arith.constant 0 : i32
    %dma_wait3A_37 = tpu.memref_slice %arg2[%dma_wait3A_35, %dma_wait3A_36] : memref<100000x128xf32, #tpu.memory_space<hbm>> -> memref<100000x128xf32, #tpu.memory_space<hbm>>
    tpu.wait_indirect_dma semaphore(%arg10 : memref<!tpu.dma_semaphore, #tpu.memory_space<semaphore_mem>>) src(%dma_wait3A_37 : memref<100000x128xf32, #tpu.memory_space<hbm>>) dst(%arg6 : memref<128x128xf32, #tpu.memory_space<vmem>>)
    %add3A_38 = arith.constant 0 : i32
    %add3A_39 = arith.addi %mul3A_4, %add3A_38 : i32
    %dma_start3A_40 = arith.constant 0 : i32
    %dma_start3A_41 = tpu.memref_slice %arg4[%add3A_39, %dma_start3A_40] : memref<40960x128xf32, #tpu.memory_space<hbm>> -> memref<128x128xf32, #tpu.memory_space<hbm>>
    %dma_start3A_42 = arith.constant 0 : i32
    %dma_start3A_43 = tpu.memref_slice %arg4[%add3A_39, %dma_start3A_42] : memref<40960x128xf32, #tpu.memory_space<hbm>> -> memref<128x128xf32, #tpu.memory_space<hbm>>
    tpu.enqueue_dma source(%arg6 : memref<128x128xf32, #tpu.memory_space<vmem>>) target(%dma_start3A_43 : memref<128x128xf32, #tpu.memory_space<hbm>>) target_semaphore(%arg14 : memref<!tpu.dma_semaphore, #tpu.memory_space<semaphore_mem>>)
    %add3A_44 = arith.constant 0 : i32
    %add3A_45 = arith.addi %mul3A_4, %add3A_44 : i32
    %dma_wait3A_46 = arith.constant 0 : i32
    %dma_wait3A_47 = tpu.memref_slice %arg4[%add3A_45, %dma_wait3A_46] : memref<40960x128xf32, #tpu.memory_space<hbm>> -> memref<128x128xf32, #tpu.memory_space<hbm>>
    %dma_wait3A_48 = arith.constant 0 : i32
    %dma_wait3A_49 = tpu.memref_slice %arg4[%add3A_45, %dma_wait3A_48] : memref<40960x128xf32, #tpu.memory_space<hbm>> -> memref<128x128xf32, #tpu.memory_space<hbm>>
    tpu.wait_dma2 semaphore(%arg14 : memref<!tpu.dma_semaphore, #tpu.memory_space<semaphore_mem>>) src(%arg6 : memref<128x128xf32, #tpu.memory_space<vmem>>) dst(%dma_wait3A_49 : memref<128x128xf32, #tpu.memory_space<hbm>>)
    %dma_start3A_50 = arith.constant 4 : i32
    %dma_start3A_51 = arith.constant 0 : i32
    %dma_start3A_52 = tpu.memref_slice %arg5[%dma_start3A_50, %dma_start3A_51] : memref<10x128xi32, #tpu.memory_space<vmem>> -> memref<1x128xi32, #tpu.memory_space<vmem>>
    %dma_start3A_53 = tpu.memref_squeeze %dma_start3A_52 : memref<1x128xi32, #tpu.memory_space<vmem>> -> memref<128xi32, #tpu.memory_space<vmem>>
    %dma_start3A_54 = arith.constant 0 : i32
    %dma_start3A_55 = arith.constant 0 : i32
    %dma_start3A_56 = tpu.memref_slice %arg2[%dma_start3A_54, %dma_start3A_55] : memref<100000x128xf32, #tpu.memory_space<hbm>> -> memref<100000x128xf32, #tpu.memory_space<hbm>>
    tpu.enqueue_indirect_dma source(%dma_start3A_56 : memref<100000x128xf32, #tpu.memory_space<hbm>>) target(%arg6 : memref<128x128xf32, #tpu.memory_space<vmem>>) offsets(%dma_start3A_53 : memref<128xi32, #tpu.memory_space<vmem>>) semaphore(%arg10 : memref<!tpu.dma_semaphore, #tpu.memory_space<semaphore_mem>>)
    %dma_wait3A_57 = arith.constant 1 : i32
    %dma_wait3A_58 = arith.constant 0 : i32
    %dma_wait3A_59 = tpu.memref_slice %arg5[%dma_wait3A_57, %dma_wait3A_58] : memref<10x128xi32, #tpu.memory_space<vmem>> -> memref<1x128xi32, #tpu.memory_space<vmem>>
    %dma_wait3A_60 = tpu.memref_squeeze %dma_wait3A_59 : memref<1x128xi32, #tpu.memory_space<vmem>> -> memref<128xi32, #tpu.memory_space<vmem>>
    %dma_wait3A_61 = arith.constant 0 : i32
    %dma_wait3A_62 = arith.constant 0 : i32
    %dma_wait3A_63 = tpu.memref_slice %arg2[%dma_wait3A_61, %dma_wait3A_62] : memref<100000x128xf32, #tpu.memory_space<hbm>> -> memref<100000x128xf32, #tpu.memory_space<hbm>>
    tpu.wait_indirect_dma semaphore(%arg11 : memref<!tpu.dma_semaphore, #tpu.memory_space<semaphore_mem>>) src(%dma_wait3A_63 : memref<100000x128xf32, #tpu.memory_space<hbm>>) dst(%arg7 : memref<128x128xf32, #tpu.memory_space<vmem>>)
    %add3A_64 = arith.constant 128 : i32
    %add3A_65 = arith.addi %mul3A_4, %add3A_64 : i32
    %dma_start3A_66 = arith.constant 0 : i32
    %dma_start3A_67 = tpu.memref_slice %arg4[%add3A_65, %dma_start3A_66] : memref<40960x128xf32, #tpu.memory_space<hbm>> -> memref<128x128xf32, #tpu.memory_space<hbm>>
    %dma_start3A_68 = arith.constant 0 : i32
    %dma_start3A_69 = tpu.memref_slice %arg4[%add3A_65, %dma_start3A_68] : memref<40960x128xf32, #tpu.memory_space<hbm>> -> memref<128x128xf32, #tpu.memory_space<hbm>>
    tpu.enqueue_dma source(%arg7 : memref<128x128xf32, #tpu.memory_space<vmem>>) target(%dma_start3A_69 : memref<128x128xf32, #tpu.memory_space<hbm>>) target_semaphore(%arg15 : memref<!tpu.dma_semaphore, #tpu.memory_space<semaphore_mem>>)
    %add3A_70 = arith.constant 128 : i32
    %add3A_71 = arith.addi %mul3A_4, %add3A_70 : i32
    %dma_wait3A_72 = arith.constant 0 : i32
    %dma_wait3A_73 = tpu.memref_slice %arg4[%add3A_71, %dma_wait3A_72] : memref<40960x128xf32, #tpu.memory_space<hbm>> -> memref<128x128xf32, #tpu.memory_space<hbm>>
    %dma_wait3A_74 = arith.constant 0 : i32
    %dma_wait3A_75 = tpu.memref_slice %arg4[%add3A_71, %dma_wait3A_74] : memref<40960x128xf32, #tpu.memory_space<hbm>> -> memref<128x128xf32, #tpu.memory_space<hbm>>
    tpu.wait_dma2 semaphore(%arg15 : memref<!tpu.dma_semaphore, #tpu.memory_space<semaphore_mem>>) src(%arg7 : memref<128x128xf32, #tpu.memory_space<vmem>>) dst(%dma_wait3A_75 : memref<128x128xf32, #tpu.memory_space<hbm>>)
    %dma_start3A_76 = arith.constant 5 : i32
    %dma_start3A_77 = arith.constant 0 : i32
    %dma_start3A_78 = tpu.memref_slice %arg5[%dma_start3A_76, %dma_start3A_77] : memref<10x128xi32, #tpu.memory_space<vmem>> -> memref<1x128xi32, #tpu.memory_space<vmem>>
    %dma_start3A_79 = tpu.memref_squeeze %dma_start3A_78 : memref<1x128xi32, #tpu.memory_space<vmem>> -> memref<128xi32, #tpu.memory_space<vmem>>
    %dma_start3A_80 = arith.constant 0 : i32
    %dma_start3A_81 = arith.constant 0 : i32
    %dma_start3A_82 = tpu.memref_slice %arg2[%dma_start3A_80, %dma_start3A_81] : memref<100000x128xf32, #tpu.memory_space<hbm>> -> memref<100000x128xf32, #tpu.memory_space<hbm>>
    tpu.enqueue_indirect_dma source(%dma_start3A_82 : memref<100000x128xf32, #tpu.memory_space<hbm>>) target(%arg7 : memref<128x128xf32, #tpu.memory_space<vmem>>) offsets(%dma_start3A_79 : memref<128xi32, #tpu.memory_space<vmem>>) semaphore(%arg11 : memref<!tpu.dma_semaphore, #tpu.memory_space<semaphore_mem>>)
    %dma_wait3A_83 = arith.constant 2 : i32
    %dma_wait3A_84 = arith.constant 0 : i32
    %dma_wait3A_85 = tpu.memref_slice %arg5[%dma_wait3A_83, %dma_wait3A_84] : memref<10x128xi32, #tpu.memory_space<vmem>> -> memref<1x128xi32, #tpu.memory_space<vmem>>
    %dma_wait3A_86 = tpu.memref_squeeze %dma_wait3A_85 : memref<1x128xi32, #tpu.memory_space<vmem>> -> memref<128xi32, #tpu.memory_space<vmem>>
    %dma_wait3A_87 = arith.constant 0 : i32
    %dma_wait3A_88 = arith.constant 0 : i32
    %dma_wait3A_89 = tpu.memref_slice %arg2[%dma_wait3A_87, %dma_wait3A_88] : memref<100000x128xf32, #tpu.memory_space<hbm>> -> memref<100000x128xf32, #tpu.memory_space<hbm>>
    tpu.wait_indirect_dma semaphore(%arg12 : memref<!tpu.dma_semaphore, #tpu.memory_space<semaphore_mem>>) src(%dma_wait3A_89 : memref<100000x128xf32, #tpu.memory_space<hbm>>) dst(%arg8 : memref<128x128xf32, #tpu.memory_space<vmem>>)
    %add3A_90 = arith.constant 256 : i32
    %add3A_91 = arith.addi %mul3A_4, %add3A_90 : i32
    %dma_start3A_92 = arith.constant 0 : i32
    %dma_start3A_93 = tpu.memref_slice %arg4[%add3A_91, %dma_start3A_92] : memref<40960x128xf32, #tpu.memory_space<hbm>> -> memref<128x128xf32, #tpu.memory_space<hbm>>
    %dma_start3A_94 = arith.constant 0 : i32
    %dma_start3A_95 = tpu.memref_slice %arg4[%add3A_91, %dma_start3A_94] : memref<40960x128xf32, #tpu.memory_space<hbm>> -> memref<128x128xf32, #tpu.memory_space<hbm>>
    tpu.enqueue_dma source(%arg8 : memref<128x128xf32, #tpu.memory_space<vmem>>) target(%dma_start3A_95 : memref<128x128xf32, #tpu.memory_space<hbm>>) target_semaphore(%arg16 : memref<!tpu.dma_semaphore, #tpu.memory_space<semaphore_mem>>)
    %add3A_96 = arith.constant 256 : i32
    %add3A_97 = arith.addi %mul3A_4, %add3A_96 : i32
    %dma_wait3A_98 = arith.constant 0 : i32
    %dma_wait3A_99 = tpu.memref_slice %arg4[%add3A_97, %dma_wait3A_98] : memref<40960x128xf32, #tpu.memory_space<hbm>> -> memref<128x128xf32, #tpu.memory_space<hbm>>
    %dma_wait3A_100 = arith.constant 0 : i32
    %dma_wait3A_101 = tpu.memref_slice %arg4[%add3A_97, %dma_wait3A_100] : memref<40960x128xf32, #tpu.memory_space<hbm>> -> memref<128x128xf32, #tpu.memory_space<hbm>>
    tpu.wait_dma2 semaphore(%arg16 : memref<!tpu.dma_semaphore, #tpu.memory_space<semaphore_mem>>) src(%arg8 : memref<128x128xf32, #tpu.memory_space<vmem>>) dst(%dma_wait3A_101 : memref<128x128xf32, #tpu.memory_space<hbm>>)
    %dma_start3A_102 = arith.constant 6 : i32
    %dma_start3A_103 = arith.constant 0 : i32
    %dma_start3A_104 = tpu.memref_slice %arg5[%dma_start3A_102, %dma_start3A_103] : memref<10x128xi32, #tpu.memory_space<vmem>> -> memref<1x128xi32, #tpu.memory_space<vmem>>
    %dma_start3A_105 = tpu.memref_squeeze %dma_start3A_104 : memref<1x128xi32, #tpu.memory_space<vmem>> -> memref<128xi32, #tpu.memory_space<vmem>>
    %dma_start3A_106 = arith.constant 0 : i32
    %dma_start3A_107 = arith.constant 0 : i32
    %dma_start3A_108 = tpu.memref_slice %arg2[%dma_start3A_106, %dma_start3A_107] : memref<100000x128xf32, #tpu.memory_space<hbm>> -> memref<100000x128xf32, #tpu.memory_space<hbm>>
    tpu.enqueue_indirect_dma source(%dma_start3A_108 : memref<100000x128xf32, #tpu.memory_space<hbm>>) target(%arg8 : memref<128x128xf32, #tpu.memory_space<vmem>>) offsets(%dma_start3A_105 : memref<128xi32, #tpu.memory_space<vmem>>) semaphore(%arg12 : memref<!tpu.dma_semaphore, #tpu.memory_space<semaphore_mem>>)
    %dma_wait3A_109 = arith.constant 3 : i32
    %dma_wait3A_110 = arith.constant 0 : i32
    %dma_wait3A_111 = tpu.memref_slice %arg5[%dma_wait3A_109, %dma_wait3A_110] : memref<10x128xi32, #tpu.memory_space<vmem>> -> memref<1x128xi32, #tpu.memory_space<vmem>>
    %dma_wait3A_112 = tpu.memref_squeeze %dma_wait3A_111 : memref<1x128xi32, #tpu.memory_space<vmem>> -> memref<128xi32, #tpu.memory_space<vmem>>
    %dma_wait3A_113 = arith.constant 0 : i32
    %dma_wait3A_114 = arith.constant 0 : i32
    %dma_wait3A_115 = tpu.memref_slice %arg2[%dma_wait3A_113, %dma_wait3A_114] : memref<100000x128xf32, #tpu.memory_space<hbm>> -> memref<100000x128xf32, #tpu.memory_space<hbm>>
    tpu.wait_indirect_dma semaphore(%arg13 : memref<!tpu.dma_semaphore, #tpu.memory_space<semaphore_mem>>) src(%dma_wait3A_115 : memref<100000x128xf32, #tpu.memory_space<hbm>>) dst(%arg9 : memref<128x128xf32, #tpu.memory_space<vmem>>)
    %add3A_116 = arith.constant 384 : i32
    %add3A_117 = arith.addi %mul3A_4, %add3A_116 : i32
    %dma_start3A_118 = arith.constant 0 : i32
    %dma_start3A_119 = tpu.memref_slice %arg4[%add3A_117, %dma_start3A_118] : memref<40960x128xf32, #tpu.memory_space<hbm>> -> memref<128x128xf32, #tpu.memory_space<hbm>>
    %dma_start3A_120 = arith.constant 0 : i32
    %dma_start3A_121 = tpu.memref_slice %arg4[%add3A_117, %dma_start3A_120] : memref<40960x128xf32, #tpu.memory_space<hbm>> -> memref<128x128xf32, #tpu.memory_space<hbm>>
    tpu.enqueue_dma source(%arg9 : memref<128x128xf32, #tpu.memory_space<vmem>>) target(%dma_start3A_121 : memref<128x128xf32, #tpu.memory_space<hbm>>) target_semaphore(%arg17 : memref<!tpu.dma_semaphore, #tpu.memory_space<semaphore_mem>>)
    %add3A_122 = arith.constant 384 : i32
    %add3A_123 = arith.addi %mul3A_4, %add3A_122 : i32
    %dma_wait3A_124 = arith.constant 0 : i32
    %dma_wait3A_125 = tpu.memref_slice %arg4[%add3A_123, %dma_wait3A_124] : memref<40960x128xf32, #tpu.memory_space<hbm>> -> memref<128x128xf32, #tpu.memory_space<hbm>>
    %dma_wait3A_126 = arith.constant 0 : i32
    %dma_wait3A_127 = tpu.memref_slice %arg4[%add3A_123, %dma_wait3A_126] : memref<40960x128xf32, #tpu.memory_space<hbm>> -> memref<128x128xf32, #tpu.memory_space<hbm>>
    tpu.wait_dma2 semaphore(%arg17 : memref<!tpu.dma_semaphore, #tpu.memory_space<semaphore_mem>>) src(%arg9 : memref<128x128xf32, #tpu.memory_space<vmem>>) dst(%dma_wait3A_127 : memref<128x128xf32, #tpu.memory_space<hbm>>)
    %dma_start3A_128 = arith.constant 7 : i32
    %dma_start3A_129 = arith.constant 0 : i32
    %dma_start3A_130 = tpu.memref_slice %arg5[%dma_start3A_128, %dma_start3A_129] : memref<10x128xi32, #tpu.memory_space<vmem>> -> memref<1x128xi32, #tpu.memory_space<vmem>>
    %dma_start3A_131 = tpu.memref_squeeze %dma_start3A_130 : memref<1x128xi32, #tpu.memory_space<vmem>> -> memref<128xi32, #tpu.memory_space<vmem>>
    %dma_start3A_132 = arith.constant 0 : i32
    %dma_start3A_133 = arith.constant 0 : i32
    %dma_start3A_134 = tpu.memref_slice %arg2[%dma_start3A_132, %dma_start3A_133] : memref<100000x128xf32, #tpu.memory_space<hbm>> -> memref<100000x128xf32, #tpu.memory_space<hbm>>
    tpu.enqueue_indirect_dma source(%dma_start3A_134 : memref<100000x128xf32, #tpu.memory_space<hbm>>) target(%arg9 : memref<128x128xf32, #tpu.memory_space<vmem>>) offsets(%dma_start3A_131 : memref<128xi32, #tpu.memory_space<vmem>>) semaphore(%arg13 : memref<!tpu.dma_semaphore, #tpu.memory_space<semaphore_mem>>)
    %dma_wait3A_135 = arith.constant 4 : i32
    %dma_wait3A_136 = arith.constant 0 : i32
    %dma_wait3A_137 = tpu.memref_slice %arg5[%dma_wait3A_135, %dma_wait3A_136] : memref<10x128xi32, #tpu.memory_space<vmem>> -> memref<1x128xi32, #tpu.memory_space<vmem>>
    %dma_wait3A_138 = tpu.memref_squeeze %dma_wait3A_137 : memref<1x128xi32, #tpu.memory_space<vmem>> -> memref<128xi32, #tpu.memory_space<vmem>>
    %dma_wait3A_139 = arith.constant 0 : i32
    %dma_wait3A_140 = arith.constant 0 : i32
    %dma_wait3A_141 = tpu.memref_slice %arg2[%dma_wait3A_139, %dma_wait3A_140] : memref<100000x128xf32, #tpu.memory_space<hbm>> -> memref<100000x128xf32, #tpu.memory_space<hbm>>
    tpu.wait_indirect_dma semaphore(%arg10 : memref<!tpu.dma_semaphore, #tpu.memory_space<semaphore_mem>>) src(%dma_wait3A_141 : memref<100000x128xf32, #tpu.memory_space<hbm>>) dst(%arg6 : memref<128x128xf32, #tpu.memory_space<vmem>>)
    %add3A_142 = arith.constant 512 : i32
    %add3A_143 = arith.addi %mul3A_4, %add3A_142 : i32
    %dma_start3A_144 = arith.constant 0 : i32
    %dma_start3A_145 = tpu.memref_slice %arg4[%add3A_143, %dma_start3A_144] : memref<40960x128xf32, #tpu.memory_space<hbm>> -> memref<128x128xf32, #tpu.memory_space<hbm>>
    %dma_start3A_146 = arith.constant 0 : i32
    %dma_start3A_147 = tpu.memref_slice %arg4[%add3A_143, %dma_start3A_146] : memref<40960x128xf32, #tpu.memory_space<hbm>> -> memref<128x128xf32, #tpu.memory_space<hbm>>
    tpu.enqueue_dma source(%arg6 : memref<128x128xf32, #tpu.memory_space<vmem>>) target(%dma_start3A_147 : memref<128x128xf32, #tpu.memory_space<hbm>>) target_semaphore(%arg14 : memref<!tpu.dma_semaphore, #tpu.memory_space<semaphore_mem>>)
    %add3A_148 = arith.constant 512 : i32
    %add3A_149 = arith.addi %mul3A_4, %add3A_148 : i32
    %dma_wait3A_150 = arith.constant 0 : i32
    %dma_wait3A_151 = tpu.memref_slice %arg4[%add3A_149, %dma_wait3A_150] : memref<40960x128xf32, #tpu.memory_space<hbm>> -> memref<128x128xf32, #tpu.memory_space<hbm>>
    %dma_wait3A_152 = arith.constant 0 : i32
    %dma_wait3A_153 = tpu.memref_slice %arg4[%add3A_149, %dma_wait3A_152] : memref<40960x128xf32, #tpu.memory_space<hbm>> -> memref<128x128xf32, #tpu.memory_space<hbm>>
    tpu.wait_dma2 semaphore(%arg14 : memref<!tpu.dma_semaphore, #tpu.memory_space<semaphore_mem>>) src(%arg6 : memref<128x128xf32, #tpu.memory_space<vmem>>) dst(%dma_wait3A_153 : memref<128x128xf32, #tpu.memory_space<hbm>>)
    %dma_start3A_154 = arith.constant 8 : i32
    %dma_start3A_155 = arith.constant 0 : i32
    %dma_start3A_156 = tpu.memref_slice %arg5[%dma_start3A_154, %dma_start3A_155] : memref<10x128xi32, #tpu.memory_space<vmem>> -> memref<1x128xi32, #tpu.memory_space<vmem>>
    %dma_start3A_157 = tpu.memref_squeeze %dma_start3A_156 : memref<1x128xi32, #tpu.memory_space<vmem>> -> memref<128xi32, #tpu.memory_space<vmem>>
    %dma_start3A_158 = arith.constant 0 : i32
    %dma_start3A_159 = arith.constant 0 : i32
    %dma_start3A_160 = tpu.memref_slice %arg2[%dma_start3A_158, %dma_start3A_159] : memref<100000x128xf32, #tpu.memory_space<hbm>> -> memref<100000x128xf32, #tpu.memory_space<hbm>>
    tpu.enqueue_indirect_dma source(%dma_start3A_160 : memref<100000x128xf32, #tpu.memory_space<hbm>>) target(%arg6 : memref<128x128xf32, #tpu.memory_space<vmem>>) offsets(%dma_start3A_157 : memref<128xi32, #tpu.memory_space<vmem>>) semaphore(%arg10 : memref<!tpu.dma_semaphore, #tpu.memory_space<semaphore_mem>>)
    %dma_wait3A_161 = arith.constant 5 : i32
    %dma_wait3A_162 = arith.constant 0 : i32
    %dma_wait3A_163 = tpu.memref_slice %arg5[%dma_wait3A_161, %dma_wait3A_162] : memref<10x128xi32, #tpu.memory_space<vmem>> -> memref<1x128xi32, #tpu.memory_space<vmem>>
    %dma_wait3A_164 = tpu.memref_squeeze %dma_wait3A_163 : memref<1x128xi32, #tpu.memory_space<vmem>> -> memref<128xi32, #tpu.memory_space<vmem>>
    %dma_wait3A_165 = arith.constant 0 : i32
    %dma_wait3A_166 = arith.constant 0 : i32
    %dma_wait3A_167 = tpu.memref_slice %arg2[%dma_wait3A_165, %dma_wait3A_166] : memref<100000x128xf32, #tpu.memory_space<hbm>> -> memref<100000x128xf32, #tpu.memory_space<hbm>>
    tpu.wait_indirect_dma semaphore(%arg11 : memref<!tpu.dma_semaphore, #tpu.memory_space<semaphore_mem>>) src(%dma_wait3A_167 : memref<100000x128xf32, #tpu.memory_space<hbm>>) dst(%arg7 : memref<128x128xf32, #tpu.memory_space<vmem>>)
    %add3A_168 = arith.constant 640 : i32
    %add3A_169 = arith.addi %mul3A_4, %add3A_168 : i32
    %dma_start3A_170 = arith.constant 0 : i32
    %dma_start3A_171 = tpu.memref_slice %arg4[%add3A_169, %dma_start3A_170] : memref<40960x128xf32, #tpu.memory_space<hbm>> -> memref<128x128xf32, #tpu.memory_space<hbm>>
    %dma_start3A_172 = arith.constant 0 : i32
    %dma_start3A_173 = tpu.memref_slice %arg4[%add3A_169, %dma_start3A_172] : memref<40960x128xf32, #tpu.memory_space<hbm>> -> memref<128x128xf32, #tpu.memory_space<hbm>>
    tpu.enqueue_dma source(%arg7 : memref<128x128xf32, #tpu.memory_space<vmem>>) target(%dma_start3A_173 : memref<128x128xf32, #tpu.memory_space<hbm>>) target_semaphore(%arg15 : memref<!tpu.dma_semaphore, #tpu.memory_space<semaphore_mem>>)
    %add3A_174 = arith.constant 640 : i32
    %add3A_175 = arith.addi %mul3A_4, %add3A_174 : i32
    %dma_wait3A_176 = arith.constant 0 : i32
    %dma_wait3A_177 = tpu.memref_slice %arg4[%add3A_175, %dma_wait3A_176] : memref<40960x128xf32, #tpu.memory_space<hbm>> -> memref<128x128xf32, #tpu.memory_space<hbm>>
    %dma_wait3A_178 = arith.constant 0 : i32
    %dma_wait3A_179 = tpu.memref_slice %arg4[%add3A_175, %dma_wait3A_178] : memref<40960x128xf32, #tpu.memory_space<hbm>> -> memref<128x128xf32, #tpu.memory_space<hbm>>
    tpu.wait_dma2 semaphore(%arg15 : memref<!tpu.dma_semaphore, #tpu.memory_space<semaphore_mem>>) src(%arg7 : memref<128x128xf32, #tpu.memory_space<vmem>>) dst(%dma_wait3A_179 : memref<128x128xf32, #tpu.memory_space<hbm>>)
    %dma_start3A_180 = arith.constant 9 : i32
    %dma_start3A_181 = arith.constant 0 : i32
    %dma_start3A_182 = tpu.memref_slice %arg5[%dma_start3A_180, %dma_start3A_181] : memref<10x128xi32, #tpu.memory_space<vmem>> -> memref<1x128xi32, #tpu.memory_space<vmem>>
    %dma_start3A_183 = tpu.memref_squeeze %dma_start3A_182 : memref<1x128xi32, #tpu.memory_space<vmem>> -> memref<128xi32, #tpu.memory_space<vmem>>
    %dma_start3A_184 = arith.constant 0 : i32
    %dma_start3A_185 = arith.constant 0 : i32
    %dma_start3A_186 = tpu.memref_slice %arg2[%dma_start3A_184, %dma_start3A_185] : memref<100000x128xf32, #tpu.memory_space<hbm>> -> memref<100000x128xf32, #tpu.memory_space<hbm>>
    tpu.enqueue_indirect_dma source(%dma_start3A_186 : memref<100000x128xf32, #tpu.memory_space<hbm>>) target(%arg7 : memref<128x128xf32, #tpu.memory_space<vmem>>) offsets(%dma_start3A_183 : memref<128xi32, #tpu.memory_space<vmem>>) semaphore(%arg11 : memref<!tpu.dma_semaphore, #tpu.memory_space<semaphore_mem>>)
    %dma_wait3A_187 = arith.constant 6 : i32
    %dma_wait3A_188 = arith.constant 0 : i32
    %dma_wait3A_189 = tpu.memref_slice %arg5[%dma_wait3A_187, %dma_wait3A_188] : memref<10x128xi32, #tpu.memory_space<vmem>> -> memref<1x128xi32, #tpu.memory_space<vmem>>
    %dma_wait3A_190 = tpu.memref_squeeze %dma_wait3A_189 : memref<1x128xi32, #tpu.memory_space<vmem>> -> memref<128xi32, #tpu.memory_space<vmem>>
    %dma_wait3A_191 = arith.constant 0 : i32
    %dma_wait3A_192 = arith.constant 0 : i32
    %dma_wait3A_193 = tpu.memref_slice %arg2[%dma_wait3A_191, %dma_wait3A_192] : memref<100000x128xf32, #tpu.memory_space<hbm>> -> memref<100000x128xf32, #tpu.memory_space<hbm>>
    tpu.wait_indirect_dma semaphore(%arg12 : memref<!tpu.dma_semaphore, #tpu.memory_space<semaphore_mem>>) src(%dma_wait3A_193 : memref<100000x128xf32, #tpu.memory_space<hbm>>) dst(%arg8 : memref<128x128xf32, #tpu.memory_space<vmem>>)
    %add3A_194 = arith.constant 768 : i32
    %add3A_195 = arith.addi %mul3A_4, %add3A_194 : i32
    %dma_start3A_196 = arith.constant 0 : i32
    %dma_start3A_197 = tpu.memref_slice %arg4[%add3A_195, %dma_start3A_196] : memref<40960x128xf32, #tpu.memory_space<hbm>> -> memref<128x128xf32, #tpu.memory_space<hbm>>
    %dma_start3A_198 = arith.constant 0 : i32
    %dma_start3A_199 = tpu.memref_slice %arg4[%add3A_195, %dma_start3A_198] : memref<40960x128xf32, #tpu.memory_space<hbm>> -> memref<128x128xf32, #tpu.memory_space<hbm>>
    tpu.enqueue_dma source(%arg8 : memref<128x128xf32, #tpu.memory_space<vmem>>) target(%dma_start3A_199 : memref<128x128xf32, #tpu.memory_space<hbm>>) target_semaphore(%arg16 : memref<!tpu.dma_semaphore, #tpu.memory_space<semaphore_mem>>)
    %dma_wait3A_200 = arith.constant 7 : i32
    %dma_wait3A_201 = arith.constant 0 : i32
    %dma_wait3A_202 = tpu.memref_slice %arg5[%dma_wait3A_200, %dma_wait3A_201] : memref<10x128xi32, #tpu.memory_space<vmem>> -> memref<1x128xi32, #tpu.memory_space<vmem>>
    %dma_wait3A_203 = tpu.memref_squeeze %dma_wait3A_202 : memref<1x128xi32, #tpu.memory_space<vmem>> -> memref<128xi32, #tpu.memory_space<vmem>>
    %dma_wait3A_204 = arith.constant 0 : i32
    %dma_wait3A_205 = arith.constant 0 : i32
    %dma_wait3A_206 = tpu.memref_slice %arg2[%dma_wait3A_204, %dma_wait3A_205] : memref<100000x128xf32, #tpu.memory_space<hbm>> -> memref<100000x128xf32, #tpu.memory_space<hbm>>
    tpu.wait_indirect_dma semaphore(%arg13 : memref<!tpu.dma_semaphore, #tpu.memory_space<semaphore_mem>>) src(%dma_wait3A_206 : memref<100000x128xf32, #tpu.memory_space<hbm>>) dst(%arg9 : memref<128x128xf32, #tpu.memory_space<vmem>>)
    %add3A_207 = arith.constant 896 : i32
    %add3A_208 = arith.addi %mul3A_4, %add3A_207 : i32
    %dma_start3A_209 = arith.constant 0 : i32
    %dma_start3A_210 = tpu.memref_slice %arg4[%add3A_208, %dma_start3A_209] : memref<40960x128xf32, #tpu.memory_space<hbm>> -> memref<128x128xf32, #tpu.memory_space<hbm>>
    %dma_start3A_211 = arith.constant 0 : i32
    %dma_start3A_212 = tpu.memref_slice %arg4[%add3A_208, %dma_start3A_211] : memref<40960x128xf32, #tpu.memory_space<hbm>> -> memref<128x128xf32, #tpu.memory_space<hbm>>
    tpu.enqueue_dma source(%arg9 : memref<128x128xf32, #tpu.memory_space<vmem>>) target(%dma_start3A_212 : memref<128x128xf32, #tpu.memory_space<hbm>>) target_semaphore(%arg17 : memref<!tpu.dma_semaphore, #tpu.memory_space<semaphore_mem>>)
    %dma_wait3A_213 = arith.constant 8 : i32
    %dma_wait3A_214 = arith.constant 0 : i32
    %dma_wait3A_215 = tpu.memref_slice %arg5[%dma_wait3A_213, %dma_wait3A_214] : memref<10x128xi32, #tpu.memory_space<vmem>> -> memref<1x128xi32, #tpu.memory_space<vmem>>
    %dma_wait3A_216 = tpu.memref_squeeze %dma_wait3A_215 : memref<1x128xi32, #tpu.memory_space<vmem>> -> memref<128xi32, #tpu.memory_space<vmem>>
    %dma_wait3A_217 = arith.constant 0 : i32
    %dma_wait3A_218 = arith.constant 0 : i32
    %dma_wait3A_219 = tpu.memref_slice %arg2[%dma_wait3A_217, %dma_wait3A_218] : memref<100000x128xf32, #tpu.memory_space<hbm>> -> memref<100000x128xf32, #tpu.memory_space<hbm>>
    tpu.wait_indirect_dma semaphore(%arg10 : memref<!tpu.dma_semaphore, #tpu.memory_space<semaphore_mem>>) src(%dma_wait3A_219 : memref<100000x128xf32, #tpu.memory_space<hbm>>) dst(%arg6 : memref<128x128xf32, #tpu.memory_space<vmem>>)
    %add3A_220 = arith.constant 1024 : i32
    %add3A_221 = arith.addi %mul3A_4, %add3A_220 : i32
    %dma_start3A_222 = arith.constant 0 : i32
    %dma_start3A_223 = tpu.memref_slice %arg4[%add3A_221, %dma_start3A_222] : memref<40960x128xf32, #tpu.memory_space<hbm>> -> memref<128x128xf32, #tpu.memory_space<hbm>>
    %dma_start3A_224 = arith.constant 0 : i32
    %dma_start3A_225 = tpu.memref_slice %arg4[%add3A_221, %dma_start3A_224] : memref<40960x128xf32, #tpu.memory_space<hbm>> -> memref<128x128xf32, #tpu.memory_space<hbm>>
    tpu.enqueue_dma source(%arg6 : memref<128x128xf32, #tpu.memory_space<vmem>>) target(%dma_start3A_225 : memref<128x128xf32, #tpu.memory_space<hbm>>) target_semaphore(%arg14 : memref<!tpu.dma_semaphore, #tpu.memory_space<semaphore_mem>>)
    %dma_wait3A_226 = arith.constant 9 : i32
    %dma_wait3A_227 = arith.constant 0 : i32
    %dma_wait3A_228 = tpu.memref_slice %arg5[%dma_wait3A_226, %dma_wait3A_227] : memref<10x128xi32, #tpu.memory_space<vmem>> -> memref<1x128xi32, #tpu.memory_space<vmem>>
    %dma_wait3A_229 = tpu.memref_squeeze %dma_wait3A_228 : memref<1x128xi32, #tpu.memory_space<vmem>> -> memref<128xi32, #tpu.memory_space<vmem>>
    %dma_wait3A_230 = arith.constant 0 : i32
    %dma_wait3A_231 = arith.constant 0 : i32
    %dma_wait3A_232 = tpu.memref_slice %arg2[%dma_wait3A_230, %dma_wait3A_231] : memref<100000x128xf32, #tpu.memory_space<hbm>> -> memref<100000x128xf32, #tpu.memory_space<hbm>>
    tpu.wait_indirect_dma semaphore(%arg11 : memref<!tpu.dma_semaphore, #tpu.memory_space<semaphore_mem>>) src(%dma_wait3A_232 : memref<100000x128xf32, #tpu.memory_space<hbm>>) dst(%arg7 : memref<128x128xf32, #tpu.memory_space<vmem>>)
    %add3A_233 = arith.constant 1152 : i32
    %add3A_234 = arith.addi %mul3A_4, %add3A_233 : i32
    %dma_start3A_235 = arith.constant 0 : i32
    %dma_start3A_236 = tpu.memref_slice %arg4[%add3A_234, %dma_start3A_235] : memref<40960x128xf32, #tpu.memory_space<hbm>> -> memref<128x128xf32, #tpu.memory_space<hbm>>
    %dma_start3A_237 = arith.constant 0 : i32
    %dma_start3A_238 = tpu.memref_slice %arg4[%add3A_234, %dma_start3A_237] : memref<40960x128xf32, #tpu.memory_space<hbm>> -> memref<128x128xf32, #tpu.memory_space<hbm>>
    tpu.enqueue_dma source(%arg7 : memref<128x128xf32, #tpu.memory_space<vmem>>) target(%dma_start3A_238 : memref<128x128xf32, #tpu.memory_space<hbm>>) target_semaphore(%arg15 : memref<!tpu.dma_semaphore, #tpu.memory_space<semaphore_mem>>)
    %add3A_239 = arith.constant 768 : i32
    %add3A_240 = arith.addi %mul3A_4, %add3A_239 : i32
    %dma_wait3A_241 = arith.constant 0 : i32
    %dma_wait3A_242 = tpu.memref_slice %arg4[%add3A_240, %dma_wait3A_241] : memref<40960x128xf32, #tpu.memory_space<hbm>> -> memref<128x128xf32, #tpu.memory_space<hbm>>
    %dma_wait3A_243 = arith.constant 0 : i32
    %dma_wait3A_244 = tpu.memref_slice %arg4[%add3A_240, %dma_wait3A_243] : memref<40960x128xf32, #tpu.memory_space<hbm>> -> memref<128x128xf32, #tpu.memory_space<hbm>>
    tpu.wait_dma2 semaphore(%arg16 : memref<!tpu.dma_semaphore, #tpu.memory_space<semaphore_mem>>) src(%arg8 : memref<128x128xf32, #tpu.memory_space<vmem>>) dst(%dma_wait3A_244 : memref<128x128xf32, #tpu.memory_space<hbm>>)
    %add3A_245 = arith.constant 896 : i32
    %add3A_246 = arith.addi %mul3A_4, %add3A_245 : i32
    %dma_wait3A_247 = arith.constant 0 : i32
    %dma_wait3A_248 = tpu.memref_slice %arg4[%add3A_246, %dma_wait3A_247] : memref<40960x128xf32, #tpu.memory_space<hbm>> -> memref<128x128xf32, #tpu.memory_space<hbm>>
    %dma_wait3A_249 = arith.constant 0 : i32
    %dma_wait3A_250 = tpu.memref_slice %arg4[%add3A_246, %dma_wait3A_249] : memref<40960x128xf32, #tpu.memory_space<hbm>> -> memref<128x128xf32, #tpu.memory_space<hbm>>
    tpu.wait_dma2 semaphore(%arg17 : memref<!tpu.dma_semaphore, #tpu.memory_space<semaphore_mem>>) src(%arg9 : memref<128x128xf32, #tpu.memory_space<vmem>>) dst(%dma_wait3A_250 : memref<128x128xf32, #tpu.memory_space<hbm>>)
    %add3A_251 = arith.constant 1024 : i32
    %add3A_252 = arith.addi %mul3A_4, %add3A_251 : i32
    %dma_wait3A_253 = arith.constant 0 : i32
    %dma_wait3A_254 = tpu.memref_slice %arg4[%add3A_252, %dma_wait3A_253] : memref<40960x128xf32, #tpu.memory_space<hbm>> -> memref<128x128xf32, #tpu.memory_space<hbm>>
    %dma_wait3A_255 = arith.constant 0 : i32
    %dma_wait3A_256 = tpu.memref_slice %arg4[%add3A_252, %dma_wait3A_255] : memref<40960x128xf32, #tpu.memory_space<hbm>> -> memref<128x128xf32, #tpu.memory_space<hbm>>
    tpu.wait_dma2 semaphore(%arg14 : memref<!tpu.dma_semaphore, #tpu.memory_space<semaphore_mem>>) src(%arg6 : memref<128x128xf32, #tpu.memory_space<vmem>>) dst(%dma_wait3A_256 : memref<128x128xf32, #tpu.memory_space<hbm>>)
    %add3A_257 = arith.constant 1152 : i32
    %add3A_258 = arith.addi %mul3A_4, %add3A_257 : i32
    %dma_wait3A_259 = arith.constant 0 : i32
    %dma_wait3A_260 = tpu.memref_slice %arg4[%add3A_258, %dma_wait3A_259] : memref<40960x128xf32, #tpu.memory_space<hbm>> -> memref<128x128xf32, #tpu.memory_space<hbm>>
    %dma_wait3A_261 = arith.constant 0 : i32
    %dma_wait3A_262 = tpu.memref_slice %arg4[%add3A_258, %dma_wait3A_261] : memref<40960x128xf32, #tpu.memory_space<hbm>> -> memref<128x128xf32, #tpu.memory_space<hbm>>
    tpu.wait_dma2 semaphore(%arg15 : memref<!tpu.dma_semaphore, #tpu.memory_space<semaphore_mem>>) src(%arg7 : memref<128x128xf32, #tpu.memory_space<vmem>>) dst(%dma_wait3A_262 : memref<128x128xf32, #tpu.memory_space<hbm>>)
    return
  }
}

module attributes {stable_mosaic.version = 14 : i64} {
  func.func @_tc_body(%arg0: i32, %arg1: i32, %arg2: memref<1024x1xi32, #tpu.memory_space<vmem>>, %arg3: memref<10x1024x128xf32, #tpu.memory_space<vmem>>, %arg4: memref<128x128xf32, #tpu.memory_space<vmem>>, %arg5: memref<1x128xf32, #tpu.memory_space<vmem>>, %arg6: memref<1024x128xf32, #tpu.memory_space<vmem>>) attributes {dimension_semantics = [#tpu.dimension_semantics<arbitrary>, #tpu.dimension_semantics<arbitrary>], iteration_bounds = array<i64: 4, 1>, scalar_prefetch = 0 : i64, scratch_operands = 0 : i64, tpu.core_type = #tpu.core_type<tc>, window_params = [{transform_indices = @transform_0, window_bounds = array<i64: 1024, 1>}, {transform_indices = @transform_1, window_bounds = array<i64: 10, 1024, 128>}, {pipeline_mode = #tpu.pipeline_mode<synchronous>, transform_indices = @transform_2, window_bounds = array<i64: 128, 128>}, {pipeline_mode = #tpu.pipeline_mode<synchronous>, transform_indices = @transform_3, window_bounds = array<i64: 1, 128>}, {transform_indices = @transform_4, window_bounds = array<i64: 1024, 128>}]} {
    %get3A = arith.constant 0 : index
    %get3A_0 = arith.constant 0 : index
    %get3A_1 = vector.load %arg2[%get3A, %get3A_0] : memref<1024x1xi32, #tpu.memory_space<vmem>>, vector<1024x1xi32>
    %max3A = arith.constant 1 : i32
    %max3A_2 = vector.broadcast %max3A : i32 to vector<1024x1xi32>
    %max3A_3 = arith.maxsi %get3A_1, %max3A_2 : vector<1024x1xi32>
    %convert_element_type3A = arith.sitofp %max3A_3 : vector<1024x1xi32> to vector<1024x1xf32>
    %div3A = arith.constant 1.000000e+00 : f32
    %div3A_4 = vector.broadcast %div3A : f32 to vector<1024x1xf32>
    %div3A_5 = arith.divf %div3A_4, %convert_element_type3A : vector<1024x1xf32>
    %get3A_6 = arith.constant 0 : index
    %get3A_7 = arith.constant 0 : index
    %get3A_8 = vector.load %arg4[%get3A_6, %get3A_7] : memref<128x128xf32, #tpu.memory_space<vmem>>, vector<128x128xf32>
    %get3A_9 = arith.constant 0 : index
    %get3A_10 = arith.constant 0 : index
    %get3A_11 = vector.load %arg5[%get3A_9, %get3A_10] : memref<1x128xf32, #tpu.memory_space<vmem>>, vector<1x128xf32>
    %broadcast_in_dim3A = arith.constant 0.000000e+00 : f32
    %broadcast_in_dim3A_12 = vector.broadcast %broadcast_in_dim3A : f32 to vector<1024x128xf32>
    %mul3A = arith.constant 10 : i32
    %mul3A_13 = arith.muli %arg1, %mul3A : i32
    %add3A = arith.constant 0 : i32
    %add3A_14 = arith.addi %add3A, %mul3A_13 : i32
    %add3A_15 = arith.constant 0 : i32
    %add3A_16 = arith.addi %add3A_14, %add3A_15 : i32
    %get3A_17 = arith.constant 0 : index
    %get3A_18 = arith.constant 0 : index
    %get3A_19 = arith.constant 0 : index
    %get3A_20 = vector.load %arg3[%get3A_17, %get3A_18, %get3A_19] : memref<10x1024x128xf32, #tpu.memory_space<vmem>>, vector<1x1024x128xf32>
    %get3A_21 = vector.shape_cast %get3A_20 : vector<1x1024x128xf32> to vector<1024x128xf32>
    %dot_general3A = arith.constant dense<0.000000e+00> : vector<1024x128xf32>
    %dot_general3A_22 = tpu.matmul %get3A_21, %get3A_8, %dot_general3A {dimension_numbers = #tpu.dot_dimension_numbers<[1], [0], [0], [1], [0, 0, 1, 1], [], []>, transpose_lhs_hint = false} : vector<1024x128xf32>, vector<128x128xf32>, vector<1024x128xf32> -> vector<1024x128xf32>
    %add3A_23 = vector.broadcast %get3A_11 : vector<1x128xf32> to vector<1024x128xf32>
    %add3A_24 = arith.addf %dot_general3A_22, %add3A_23 : vector<1024x128xf32>
    %max3A_25 = arith.constant 0.000000e+00 : f32
    %max3A_26 = vector.broadcast %max3A_25 : f32 to vector<1024x128xf32>
    %max3A_27 = arith.maximumf %add3A_24, %max3A_26 : vector<1024x128xf32>
    %add3A_28 = arith.addf %get3A_21, %max3A_27 : vector<1024x128xf32>
    %lt3A = vector.broadcast %add3A_16 : i32 to vector<1024x1xi32>
    %lt3A_29 = arith.cmpi slt, %lt3A, %get3A_1 : vector<1024x1xi32>
    %convert_element_type3A_30 = arith.extui %lt3A_29 : vector<1024x1xi1> to vector<1024x1xi32>
    %convert_element_type3A_31 = arith.sitofp %convert_element_type3A_30 : vector<1024x1xi32> to vector<1024x1xf32>
    %mul3A_32 = vector.broadcast %convert_element_type3A_31 : vector<1024x1xf32> to vector<1024x128xf32>
    %mul3A_33 = arith.mulf %add3A_28, %mul3A_32 : vector<1024x128xf32>
    %add3A_34 = arith.addf %broadcast_in_dim3A_12, %mul3A_33 : vector<1024x128xf32>
    %mul3A_35 = arith.constant 10 : i32
    %mul3A_36 = arith.muli %arg1, %mul3A_35 : i32
    %add3A_37 = arith.constant 0 : i32
    %add3A_38 = arith.addi %add3A_37, %mul3A_36 : i32
    %add3A_39 = arith.constant 1 : i32
    %add3A_40 = arith.addi %add3A_38, %add3A_39 : i32
    %get3A_41 = arith.constant 1 : index
    %get3A_42 = arith.constant 0 : index
    %get3A_43 = arith.constant 0 : index
    %get3A_44 = vector.load %arg3[%get3A_41, %get3A_42, %get3A_43] : memref<10x1024x128xf32, #tpu.memory_space<vmem>>, vector<1x1024x128xf32>
    %get3A_45 = vector.shape_cast %get3A_44 : vector<1x1024x128xf32> to vector<1024x128xf32>
    %dot_general3A_46 = arith.constant dense<0.000000e+00> : vector<1024x128xf32>
    %dot_general3A_47 = tpu.matmul %get3A_45, %get3A_8, %dot_general3A_46 {dimension_numbers = #tpu.dot_dimension_numbers<[1], [0], [0], [1], [0, 0, 1, 1], [], []>, transpose_lhs_hint = false} : vector<1024x128xf32>, vector<128x128xf32>, vector<1024x128xf32> -> vector<1024x128xf32>
    %add3A_48 = vector.broadcast %get3A_11 : vector<1x128xf32> to vector<1024x128xf32>
    %add3A_49 = arith.addf %dot_general3A_47, %add3A_48 : vector<1024x128xf32>
    %max3A_50 = arith.constant 0.000000e+00 : f32
    %max3A_51 = vector.broadcast %max3A_50 : f32 to vector<1024x128xf32>
    %max3A_52 = arith.maximumf %add3A_49, %max3A_51 : vector<1024x128xf32>
    %add3A_53 = arith.addf %get3A_45, %max3A_52 : vector<1024x128xf32>
    %lt3A_54 = vector.broadcast %add3A_40 : i32 to vector<1024x1xi32>
    %lt3A_55 = arith.cmpi slt, %lt3A_54, %get3A_1 : vector<1024x1xi32>
    %convert_element_type3A_56 = arith.extui %lt3A_55 : vector<1024x1xi1> to vector<1024x1xi32>
    %convert_element_type3A_57 = arith.sitofp %convert_element_type3A_56 : vector<1024x1xi32> to vector<1024x1xf32>
    %mul3A_58 = vector.broadcast %convert_element_type3A_57 : vector<1024x1xf32> to vector<1024x128xf32>
    %mul3A_59 = arith.mulf %add3A_53, %mul3A_58 : vector<1024x128xf32>
    %add3A_60 = arith.addf %add3A_34, %mul3A_59 : vector<1024x128xf32>
    %mul3A_61 = arith.constant 10 : i32
    %mul3A_62 = arith.muli %arg1, %mul3A_61 : i32
    %add3A_63 = arith.constant 0 : i32
    %add3A_64 = arith.addi %add3A_63, %mul3A_62 : i32
    %add3A_65 = arith.constant 2 : i32
    %add3A_66 = arith.addi %add3A_64, %add3A_65 : i32
    %get3A_67 = arith.constant 2 : index
    %get3A_68 = arith.constant 0 : index
    %get3A_69 = arith.constant 0 : index
    %get3A_70 = vector.load %arg3[%get3A_67, %get3A_68, %get3A_69] : memref<10x1024x128xf32, #tpu.memory_space<vmem>>, vector<1x1024x128xf32>
    %get3A_71 = vector.shape_cast %get3A_70 : vector<1x1024x128xf32> to vector<1024x128xf32>
    %dot_general3A_72 = arith.constant dense<0.000000e+00> : vector<1024x128xf32>
    %dot_general3A_73 = tpu.matmul %get3A_71, %get3A_8, %dot_general3A_72 {dimension_numbers = #tpu.dot_dimension_numbers<[1], [0], [0], [1], [0, 0, 1, 1], [], []>, transpose_lhs_hint = false} : vector<1024x128xf32>, vector<128x128xf32>, vector<1024x128xf32> -> vector<1024x128xf32>
    %add3A_74 = vector.broadcast %get3A_11 : vector<1x128xf32> to vector<1024x128xf32>
    %add3A_75 = arith.addf %dot_general3A_73, %add3A_74 : vector<1024x128xf32>
    %max3A_76 = arith.constant 0.000000e+00 : f32
    %max3A_77 = vector.broadcast %max3A_76 : f32 to vector<1024x128xf32>
    %max3A_78 = arith.maximumf %add3A_75, %max3A_77 : vector<1024x128xf32>
    %add3A_79 = arith.addf %get3A_71, %max3A_78 : vector<1024x128xf32>
    %lt3A_80 = vector.broadcast %add3A_66 : i32 to vector<1024x1xi32>
    %lt3A_81 = arith.cmpi slt, %lt3A_80, %get3A_1 : vector<1024x1xi32>
    %convert_element_type3A_82 = arith.extui %lt3A_81 : vector<1024x1xi1> to vector<1024x1xi32>
    %convert_element_type3A_83 = arith.sitofp %convert_element_type3A_82 : vector<1024x1xi32> to vector<1024x1xf32>
    %mul3A_84 = vector.broadcast %convert_element_type3A_83 : vector<1024x1xf32> to vector<1024x128xf32>
    %mul3A_85 = arith.mulf %add3A_79, %mul3A_84 : vector<1024x128xf32>
    %add3A_86 = arith.addf %add3A_60, %mul3A_85 : vector<1024x128xf32>
    %mul3A_87 = arith.constant 10 : i32
    %mul3A_88 = arith.muli %arg1, %mul3A_87 : i32
    %add3A_89 = arith.constant 0 : i32
    %add3A_90 = arith.addi %add3A_89, %mul3A_88 : i32
    %add3A_91 = arith.constant 3 : i32
    %add3A_92 = arith.addi %add3A_90, %add3A_91 : i32
    %get3A_93 = arith.constant 3 : index
    %get3A_94 = arith.constant 0 : index
    %get3A_95 = arith.constant 0 : index
    %get3A_96 = vector.load %arg3[%get3A_93, %get3A_94, %get3A_95] : memref<10x1024x128xf32, #tpu.memory_space<vmem>>, vector<1x1024x128xf32>
    %get3A_97 = vector.shape_cast %get3A_96 : vector<1x1024x128xf32> to vector<1024x128xf32>
    %dot_general3A_98 = arith.constant dense<0.000000e+00> : vector<1024x128xf32>
    %dot_general3A_99 = tpu.matmul %get3A_97, %get3A_8, %dot_general3A_98 {dimension_numbers = #tpu.dot_dimension_numbers<[1], [0], [0], [1], [0, 0, 1, 1], [], []>, transpose_lhs_hint = false} : vector<1024x128xf32>, vector<128x128xf32>, vector<1024x128xf32> -> vector<1024x128xf32>
    %add3A_100 = vector.broadcast %get3A_11 : vector<1x128xf32> to vector<1024x128xf32>
    %add3A_101 = arith.addf %dot_general3A_99, %add3A_100 : vector<1024x128xf32>
    %max3A_102 = arith.constant 0.000000e+00 : f32
    %max3A_103 = vector.broadcast %max3A_102 : f32 to vector<1024x128xf32>
    %max3A_104 = arith.maximumf %add3A_101, %max3A_103 : vector<1024x128xf32>
    %add3A_105 = arith.addf %get3A_97, %max3A_104 : vector<1024x128xf32>
    %lt3A_106 = vector.broadcast %add3A_92 : i32 to vector<1024x1xi32>
    %lt3A_107 = arith.cmpi slt, %lt3A_106, %get3A_1 : vector<1024x1xi32>
    %convert_element_type3A_108 = arith.extui %lt3A_107 : vector<1024x1xi1> to vector<1024x1xi32>
    %convert_element_type3A_109 = arith.sitofp %convert_element_type3A_108 : vector<1024x1xi32> to vector<1024x1xf32>
    %mul3A_110 = vector.broadcast %convert_element_type3A_109 : vector<1024x1xf32> to vector<1024x128xf32>
    %mul3A_111 = arith.mulf %add3A_105, %mul3A_110 : vector<1024x128xf32>
    %add3A_112 = arith.addf %add3A_86, %mul3A_111 : vector<1024x128xf32>
    %mul3A_113 = arith.constant 10 : i32
    %mul3A_114 = arith.muli %arg1, %mul3A_113 : i32
    %add3A_115 = arith.constant 0 : i32
    %add3A_116 = arith.addi %add3A_115, %mul3A_114 : i32
    %add3A_117 = arith.constant 4 : i32
    %add3A_118 = arith.addi %add3A_116, %add3A_117 : i32
    %get3A_119 = arith.constant 4 : index
    %get3A_120 = arith.constant 0 : index
    %get3A_121 = arith.constant 0 : index
    %get3A_122 = vector.load %arg3[%get3A_119, %get3A_120, %get3A_121] : memref<10x1024x128xf32, #tpu.memory_space<vmem>>, vector<1x1024x128xf32>
    %get3A_123 = vector.shape_cast %get3A_122 : vector<1x1024x128xf32> to vector<1024x128xf32>
    %dot_general3A_124 = arith.constant dense<0.000000e+00> : vector<1024x128xf32>
    %dot_general3A_125 = tpu.matmul %get3A_123, %get3A_8, %dot_general3A_124 {dimension_numbers = #tpu.dot_dimension_numbers<[1], [0], [0], [1], [0, 0, 1, 1], [], []>, transpose_lhs_hint = false} : vector<1024x128xf32>, vector<128x128xf32>, vector<1024x128xf32> -> vector<1024x128xf32>
    %add3A_126 = vector.broadcast %get3A_11 : vector<1x128xf32> to vector<1024x128xf32>
    %add3A_127 = arith.addf %dot_general3A_125, %add3A_126 : vector<1024x128xf32>
    %max3A_128 = arith.constant 0.000000e+00 : f32
    %max3A_129 = vector.broadcast %max3A_128 : f32 to vector<1024x128xf32>
    %max3A_130 = arith.maximumf %add3A_127, %max3A_129 : vector<1024x128xf32>
    %add3A_131 = arith.addf %get3A_123, %max3A_130 : vector<1024x128xf32>
    %lt3A_132 = vector.broadcast %add3A_118 : i32 to vector<1024x1xi32>
    %lt3A_133 = arith.cmpi slt, %lt3A_132, %get3A_1 : vector<1024x1xi32>
    %convert_element_type3A_134 = arith.extui %lt3A_133 : vector<1024x1xi1> to vector<1024x1xi32>
    %convert_element_type3A_135 = arith.sitofp %convert_element_type3A_134 : vector<1024x1xi32> to vector<1024x1xf32>
    %mul3A_136 = vector.broadcast %convert_element_type3A_135 : vector<1024x1xf32> to vector<1024x128xf32>
    %mul3A_137 = arith.mulf %add3A_131, %mul3A_136 : vector<1024x128xf32>
    %add3A_138 = arith.addf %add3A_112, %mul3A_137 : vector<1024x128xf32>
    %mul3A_139 = arith.constant 10 : i32
    %mul3A_140 = arith.muli %arg1, %mul3A_139 : i32
    %add3A_141 = arith.constant 0 : i32
    %add3A_142 = arith.addi %add3A_141, %mul3A_140 : i32
    %add3A_143 = arith.constant 5 : i32
    %add3A_144 = arith.addi %add3A_142, %add3A_143 : i32
    %get3A_145 = arith.constant 5 : index
    %get3A_146 = arith.constant 0 : index
    %get3A_147 = arith.constant 0 : index
    %get3A_148 = vector.load %arg3[%get3A_145, %get3A_146, %get3A_147] : memref<10x1024x128xf32, #tpu.memory_space<vmem>>, vector<1x1024x128xf32>
    %get3A_149 = vector.shape_cast %get3A_148 : vector<1x1024x128xf32> to vector<1024x128xf32>
    %dot_general3A_150 = arith.constant dense<0.000000e+00> : vector<1024x128xf32>
    %dot_general3A_151 = tpu.matmul %get3A_149, %get3A_8, %dot_general3A_150 {dimension_numbers = #tpu.dot_dimension_numbers<[1], [0], [0], [1], [0, 0, 1, 1], [], []>, transpose_lhs_hint = false} : vector<1024x128xf32>, vector<128x128xf32>, vector<1024x128xf32> -> vector<1024x128xf32>
    %add3A_152 = vector.broadcast %get3A_11 : vector<1x128xf32> to vector<1024x128xf32>
    %add3A_153 = arith.addf %dot_general3A_151, %add3A_152 : vector<1024x128xf32>
    %max3A_154 = arith.constant 0.000000e+00 : f32
    %max3A_155 = vector.broadcast %max3A_154 : f32 to vector<1024x128xf32>
    %max3A_156 = arith.maximumf %add3A_153, %max3A_155 : vector<1024x128xf32>
    %add3A_157 = arith.addf %get3A_149, %max3A_156 : vector<1024x128xf32>
    %lt3A_158 = vector.broadcast %add3A_144 : i32 to vector<1024x1xi32>
    %lt3A_159 = arith.cmpi slt, %lt3A_158, %get3A_1 : vector<1024x1xi32>
    %convert_element_type3A_160 = arith.extui %lt3A_159 : vector<1024x1xi1> to vector<1024x1xi32>
    %convert_element_type3A_161 = arith.sitofp %convert_element_type3A_160 : vector<1024x1xi32> to vector<1024x1xf32>
    %mul3A_162 = vector.broadcast %convert_element_type3A_161 : vector<1024x1xf32> to vector<1024x128xf32>
    %mul3A_163 = arith.mulf %add3A_157, %mul3A_162 : vector<1024x128xf32>
    %add3A_164 = arith.addf %add3A_138, %mul3A_163 : vector<1024x128xf32>
    %mul3A_165 = arith.constant 10 : i32
    %mul3A_166 = arith.muli %arg1, %mul3A_165 : i32
    %add3A_167 = arith.constant 0 : i32
    %add3A_168 = arith.addi %add3A_167, %mul3A_166 : i32
    %add3A_169 = arith.constant 6 : i32
    %add3A_170 = arith.addi %add3A_168, %add3A_169 : i32
    %get3A_171 = arith.constant 6 : index
    %get3A_172 = arith.constant 0 : index
    %get3A_173 = arith.constant 0 : index
    %get3A_174 = vector.load %arg3[%get3A_171, %get3A_172, %get3A_173] : memref<10x1024x128xf32, #tpu.memory_space<vmem>>, vector<1x1024x128xf32>
    %get3A_175 = vector.shape_cast %get3A_174 : vector<1x1024x128xf32> to vector<1024x128xf32>
    %dot_general3A_176 = arith.constant dense<0.000000e+00> : vector<1024x128xf32>
    %dot_general3A_177 = tpu.matmul %get3A_175, %get3A_8, %dot_general3A_176 {dimension_numbers = #tpu.dot_dimension_numbers<[1], [0], [0], [1], [0, 0, 1, 1], [], []>, transpose_lhs_hint = false} : vector<1024x128xf32>, vector<128x128xf32>, vector<1024x128xf32> -> vector<1024x128xf32>
    %add3A_178 = vector.broadcast %get3A_11 : vector<1x128xf32> to vector<1024x128xf32>
    %add3A_179 = arith.addf %dot_general3A_177, %add3A_178 : vector<1024x128xf32>
    %max3A_180 = arith.constant 0.000000e+00 : f32
    %max3A_181 = vector.broadcast %max3A_180 : f32 to vector<1024x128xf32>
    %max3A_182 = arith.maximumf %add3A_179, %max3A_181 : vector<1024x128xf32>
    %add3A_183 = arith.addf %get3A_175, %max3A_182 : vector<1024x128xf32>
    %lt3A_184 = vector.broadcast %add3A_170 : i32 to vector<1024x1xi32>
    %lt3A_185 = arith.cmpi slt, %lt3A_184, %get3A_1 : vector<1024x1xi32>
    %convert_element_type3A_186 = arith.extui %lt3A_185 : vector<1024x1xi1> to vector<1024x1xi32>
    %convert_element_type3A_187 = arith.sitofp %convert_element_type3A_186 : vector<1024x1xi32> to vector<1024x1xf32>
    %mul3A_188 = vector.broadcast %convert_element_type3A_187 : vector<1024x1xf32> to vector<1024x128xf32>
    %mul3A_189 = arith.mulf %add3A_183, %mul3A_188 : vector<1024x128xf32>
    %add3A_190 = arith.addf %add3A_164, %mul3A_189 : vector<1024x128xf32>
    %mul3A_191 = arith.constant 10 : i32
    %mul3A_192 = arith.muli %arg1, %mul3A_191 : i32
    %add3A_193 = arith.constant 0 : i32
    %add3A_194 = arith.addi %add3A_193, %mul3A_192 : i32
    %add3A_195 = arith.constant 7 : i32
    %add3A_196 = arith.addi %add3A_194, %add3A_195 : i32
    %get3A_197 = arith.constant 7 : index
    %get3A_198 = arith.constant 0 : index
    %get3A_199 = arith.constant 0 : index
    %get3A_200 = vector.load %arg3[%get3A_197, %get3A_198, %get3A_199] : memref<10x1024x128xf32, #tpu.memory_space<vmem>>, vector<1x1024x128xf32>
    %get3A_201 = vector.shape_cast %get3A_200 : vector<1x1024x128xf32> to vector<1024x128xf32>
    %dot_general3A_202 = arith.constant dense<0.000000e+00> : vector<1024x128xf32>
    %dot_general3A_203 = tpu.matmul %get3A_201, %get3A_8, %dot_general3A_202 {dimension_numbers = #tpu.dot_dimension_numbers<[1], [0], [0], [1], [0, 0, 1, 1], [], []>, transpose_lhs_hint = false} : vector<1024x128xf32>, vector<128x128xf32>, vector<1024x128xf32> -> vector<1024x128xf32>
    %add3A_204 = vector.broadcast %get3A_11 : vector<1x128xf32> to vector<1024x128xf32>
    %add3A_205 = arith.addf %dot_general3A_203, %add3A_204 : vector<1024x128xf32>
    %max3A_206 = arith.constant 0.000000e+00 : f32
    %max3A_207 = vector.broadcast %max3A_206 : f32 to vector<1024x128xf32>
    %max3A_208 = arith.maximumf %add3A_205, %max3A_207 : vector<1024x128xf32>
    %add3A_209 = arith.addf %get3A_201, %max3A_208 : vector<1024x128xf32>
    %lt3A_210 = vector.broadcast %add3A_196 : i32 to vector<1024x1xi32>
    %lt3A_211 = arith.cmpi slt, %lt3A_210, %get3A_1 : vector<1024x1xi32>
    %convert_element_type3A_212 = arith.extui %lt3A_211 : vector<1024x1xi1> to vector<1024x1xi32>
    %convert_element_type3A_213 = arith.sitofp %convert_element_type3A_212 : vector<1024x1xi32> to vector<1024x1xf32>
    %mul3A_214 = vector.broadcast %convert_element_type3A_213 : vector<1024x1xf32> to vector<1024x128xf32>
    %mul3A_215 = arith.mulf %add3A_209, %mul3A_214 : vector<1024x128xf32>
    %add3A_216 = arith.addf %add3A_190, %mul3A_215 : vector<1024x128xf32>
    %mul3A_217 = arith.constant 10 : i32
    %mul3A_218 = arith.muli %arg1, %mul3A_217 : i32
    %add3A_219 = arith.constant 0 : i32
    %add3A_220 = arith.addi %add3A_219, %mul3A_218 : i32
    %add3A_221 = arith.constant 8 : i32
    %add3A_222 = arith.addi %add3A_220, %add3A_221 : i32
    %get3A_223 = arith.constant 8 : index
    %get3A_224 = arith.constant 0 : index
    %get3A_225 = arith.constant 0 : index
    %get3A_226 = vector.load %arg3[%get3A_223, %get3A_224, %get3A_225] : memref<10x1024x128xf32, #tpu.memory_space<vmem>>, vector<1x1024x128xf32>
    %get3A_227 = vector.shape_cast %get3A_226 : vector<1x1024x128xf32> to vector<1024x128xf32>
    %dot_general3A_228 = arith.constant dense<0.000000e+00> : vector<1024x128xf32>
    %dot_general3A_229 = tpu.matmul %get3A_227, %get3A_8, %dot_general3A_228 {dimension_numbers = #tpu.dot_dimension_numbers<[1], [0], [0], [1], [0, 0, 1, 1], [], []>, transpose_lhs_hint = false} : vector<1024x128xf32>, vector<128x128xf32>, vector<1024x128xf32> -> vector<1024x128xf32>
    %add3A_230 = vector.broadcast %get3A_11 : vector<1x128xf32> to vector<1024x128xf32>
    %add3A_231 = arith.addf %dot_general3A_229, %add3A_230 : vector<1024x128xf32>
    %max3A_232 = arith.constant 0.000000e+00 : f32
    %max3A_233 = vector.broadcast %max3A_232 : f32 to vector<1024x128xf32>
    %max3A_234 = arith.maximumf %add3A_231, %max3A_233 : vector<1024x128xf32>
    %add3A_235 = arith.addf %get3A_227, %max3A_234 : vector<1024x128xf32>
    %lt3A_236 = vector.broadcast %add3A_222 : i32 to vector<1024x1xi32>
    %lt3A_237 = arith.cmpi slt, %lt3A_236, %get3A_1 : vector<1024x1xi32>
    %convert_element_type3A_238 = arith.extui %lt3A_237 : vector<1024x1xi1> to vector<1024x1xi32>
    %convert_element_type3A_239 = arith.sitofp %convert_element_type3A_238 : vector<1024x1xi32> to vector<1024x1xf32>
    %mul3A_240 = vector.broadcast %convert_element_type3A_239 : vector<1024x1xf32> to vector<1024x128xf32>
    %mul3A_241 = arith.mulf %add3A_235, %mul3A_240 : vector<1024x128xf32>
    %add3A_242 = arith.addf %add3A_216, %mul3A_241 : vector<1024x128xf32>
    %mul3A_243 = arith.constant 10 : i32
    %mul3A_244 = arith.muli %arg1, %mul3A_243 : i32
    %add3A_245 = arith.constant 0 : i32
    %add3A_246 = arith.addi %add3A_245, %mul3A_244 : i32
    %add3A_247 = arith.constant 9 : i32
    %add3A_248 = arith.addi %add3A_246, %add3A_247 : i32
    %get3A_249 = arith.constant 9 : index
    %get3A_250 = arith.constant 0 : index
    %get3A_251 = arith.constant 0 : index
    %get3A_252 = vector.load %arg3[%get3A_249, %get3A_250, %get3A_251] : memref<10x1024x128xf32, #tpu.memory_space<vmem>>, vector<1x1024x128xf32>
    %get3A_253 = vector.shape_cast %get3A_252 : vector<1x1024x128xf32> to vector<1024x128xf32>
    %dot_general3A_254 = arith.constant dense<0.000000e+00> : vector<1024x128xf32>
    %dot_general3A_255 = tpu.matmul %get3A_253, %get3A_8, %dot_general3A_254 {dimension_numbers = #tpu.dot_dimension_numbers<[1], [0], [0], [1], [0, 0, 1, 1], [], []>, transpose_lhs_hint = false} : vector<1024x128xf32>, vector<128x128xf32>, vector<1024x128xf32> -> vector<1024x128xf32>
    %add3A_256 = vector.broadcast %get3A_11 : vector<1x128xf32> to vector<1024x128xf32>
    %add3A_257 = arith.addf %dot_general3A_255, %add3A_256 : vector<1024x128xf32>
    %max3A_258 = arith.constant 0.000000e+00 : f32
    %max3A_259 = vector.broadcast %max3A_258 : f32 to vector<1024x128xf32>
    %max3A_260 = arith.maximumf %add3A_257, %max3A_259 : vector<1024x128xf32>
    %add3A_261 = arith.addf %get3A_253, %max3A_260 : vector<1024x128xf32>
    %lt3A_262 = vector.broadcast %add3A_248 : i32 to vector<1024x1xi32>
    %lt3A_263 = arith.cmpi slt, %lt3A_262, %get3A_1 : vector<1024x1xi32>
    %convert_element_type3A_264 = arith.extui %lt3A_263 : vector<1024x1xi1> to vector<1024x1xi32>
    %convert_element_type3A_265 = arith.sitofp %convert_element_type3A_264 : vector<1024x1xi32> to vector<1024x1xf32>
    %mul3A_266 = vector.broadcast %convert_element_type3A_265 : vector<1024x1xf32> to vector<1024x128xf32>
    %mul3A_267 = arith.mulf %add3A_261, %mul3A_266 : vector<1024x128xf32>
    %add3A_268 = arith.addf %add3A_242, %mul3A_267 : vector<1024x128xf32>
    %mul3A_269 = vector.broadcast %div3A_5 : vector<1024x1xf32> to vector<1024x128xf32>
    %mul3A_270 = arith.mulf %add3A_268, %mul3A_269 : vector<1024x128xf32>
    %eq3A = arith.constant 0 : i32
    %eq3A_271 = arith.cmpi eq, %arg1, %eq3A : i32
    %convert_element_type3A_272 = arith.extui %eq3A_271 : i1 to i32
    %cond3A = arith.constant 0 : i32
    %cond3A_273 = arith.cmpi ne, %convert_element_type3A_272, %cond3A : i32
    scf.if %cond3A_273 {
      %swap3A = arith.constant 0 : index
      %swap3A_278 = arith.constant 0 : index
      %swap3A_279 = vector.load %arg6[%swap3A, %swap3A_278] : memref<1024x128xf32, #tpu.memory_space<vmem>>, vector<1024x128xf32>
      tpu.vector_store %arg6[%swap3A, %swap3A_278], %mul3A_270 {strides = array<i32>} : memref<1024x128xf32, #tpu.memory_space<vmem>>, vector<1024x128xf32>,
    } else {
    }
    %gt3A = arith.constant 0 : i32
    %gt3A_274 = arith.cmpi sgt, %arg1, %gt3A : i32
    %convert_element_type3A_275 = arith.extui %gt3A_274 : i1 to i32
    %cond3A_276 = arith.constant 0 : i32
    %cond3A_277 = arith.cmpi ne, %convert_element_type3A_275, %cond3A_276 : i32
    scf.if %cond3A_277 {
      %get3A_278 = arith.constant 0 : index
      %get3A_279 = arith.constant 0 : index
      %get3A_280 = vector.load %arg6[%get3A_278, %get3A_279] : memref<1024x128xf32, #tpu.memory_space<vmem>>, vector<1024x128xf32>
      %add3A_281 = arith.addf %get3A_280, %mul3A_270 : vector<1024x128xf32>
      %swap3A = arith.constant 0 : index
      %swap3A_282 = arith.constant 0 : index
      %swap3A_283 = vector.load %arg6[%swap3A, %swap3A_282] : memref<1024x128xf32, #tpu.memory_space<vmem>>, vector<1024x128xf32>
      tpu.vector_store %arg6[%swap3A, %swap3A_282], %add3A_281 {strides = array<i32>} : memref<1024x128xf32, #tpu.memory_space<vmem>>, vector<1024x128xf32>,
    } else {
    }
    return
  }
  func.func @transform_0(%arg0: i32, %arg1: i32) -> (i32, i32) {
    %c0_i32 = arith.constant 0 : i32
    %c0_i32_0 = arith.constant 0 : i32
    return %arg0, %c0_i32 : i32, i32
  }
  func.func @transform_1(%arg0: i32, %arg1: i32) -> (i32, i32, i32) {
    %c0_i32 = arith.constant 0 : i32
    %c0_i32_0 = arith.constant 0 : i32
    return %arg1, %arg0, %c0_i32 : i32, i32, i32
  }
  func.func @transform_2(%arg0: i32, %arg1: i32) -> (i32, i32) {
    %c0_i32 = arith.constant 0 : i32
    %c0_i32_0 = arith.constant 0 : i32
    %c0_i32_1 = arith.constant 0 : i32
    return %c0_i32, %c0_i32_0 : i32, i32
  }
  func.func @transform_3(%arg0: i32, %arg1: i32) -> (i32, i32) {
    %c0_i32 = arith.constant 0 : i32
    %c0_i32_0 = arith.constant 0 : i32
    %c0_i32_1 = arith.constant 0 : i32
    return %c0_i32, %c0_i32_0 : i32, i32
  }
  func.func @transform_4(%arg0: i32, %arg1: i32) -> (i32, i32) {
    %c0_i32 = arith.constant 0 : i32
    %c0_i32_0 = arith.constant 0 : i32
    return %arg0, %c0_i32 : i32, i32
  }
}

module attributes {stable_mosaic.version = 14 : i64} {
  func.func @_tc_body(%arg0: i32, %arg1: i32, %arg2: memref<1024x1xi32, #tpu.memory_space<vmem>>, %arg3: memref<10x1024x128xf32, #tpu.memory_space<vmem>>, %arg4: memref<128x128xf32, #tpu.memory_space<vmem>>, %arg5: memref<1x128xf32, #tpu.memory_space<vmem>>, %arg6: memref<1024x128xf32, #tpu.memory_space<vmem>>) attributes {dimension_semantics = [#tpu.dimension_semantics<arbitrary>, #tpu.dimension_semantics<arbitrary>], iteration_bounds = array<i64: 4, 1>, scalar_prefetch = 0 : i64, scratch_operands = 0 : i64, tpu.core_type = #tpu.core_type<tc>, window_params = [{transform_indices = @transform_0, window_bounds = array<i64: 1024, 1>}, {transform_indices = @transform_1, window_bounds = array<i64: 10, 1024, 128>}, {pipeline_mode = #tpu.pipeline_mode<synchronous>, transform_indices = @transform_2, window_bounds = array<i64: 128, 128>}, {pipeline_mode = #tpu.pipeline_mode<synchronous>, transform_indices = @transform_3, window_bounds = array<i64: 1, 128>}, {transform_indices = @transform_4, window_bounds = array<i64: 1024, 128>}]} {
    %get3A = arith.constant 0 : index
    %get3A_0 = arith.constant 0 : index
    %get3A_1 = vector.load %arg2[%get3A, %get3A_0] : memref<1024x1xi32, #tpu.memory_space<vmem>>, vector<1024x1xi32>
    %max3A = arith.constant 1 : i32
    %max3A_2 = vector.broadcast %max3A : i32 to vector<1024x1xi32>
    %max3A_3 = arith.maxsi %get3A_1, %max3A_2 : vector<1024x1xi32>
    %convert_element_type3A = arith.sitofp %max3A_3 : vector<1024x1xi32> to vector<1024x1xf32>
    %div3A = arith.constant 1.000000e+00 : f32
    %div3A_4 = vector.broadcast %div3A : f32 to vector<1024x1xf32>
    %div3A_5 = arith.divf %div3A_4, %convert_element_type3A : vector<1024x1xf32>
    %get3A_6 = arith.constant 0 : index
    %get3A_7 = arith.constant 0 : index
    %get3A_8 = vector.load %arg4[%get3A_6, %get3A_7] : memref<128x128xf32, #tpu.memory_space<vmem>>, vector<128x128xf32>
    %get3A_9 = arith.constant 0 : index
    %get3A_10 = arith.constant 0 : index
    %get3A_11 = vector.load %arg5[%get3A_9, %get3A_10] : memref<1x128xf32, #tpu.memory_space<vmem>>, vector<1x128xf32>
    %broadcast_in_dim3A = arith.constant 0.000000e+00 : f32
    %broadcast_in_dim3A_12 = vector.broadcast %broadcast_in_dim3A : f32 to vector<1024x128xf32>
    %mul3A = arith.constant 10 : i32
    %mul3A_13 = arith.muli %arg1, %mul3A : i32
    %add3A = arith.constant 20 : i32
    %add3A_14 = arith.addi %add3A, %mul3A_13 : i32
    %add3A_15 = arith.constant 0 : i32
    %add3A_16 = arith.addi %add3A_14, %add3A_15 : i32
    %get3A_17 = arith.constant 0 : index
    %get3A_18 = arith.constant 0 : index
    %get3A_19 = arith.constant 0 : index
    %get3A_20 = vector.load %arg3[%get3A_17, %get3A_18, %get3A_19] : memref<10x1024x128xf32, #tpu.memory_space<vmem>>, vector<1x1024x128xf32>
    %get3A_21 = vector.shape_cast %get3A_20 : vector<1x1024x128xf32> to vector<1024x128xf32>
    %dot_general3A = arith.constant dense<0.000000e+00> : vector<1024x128xf32>
    %dot_general3A_22 = tpu.matmul %get3A_21, %get3A_8, %dot_general3A {dimension_numbers = #tpu.dot_dimension_numbers<[1], [0], [0], [1], [0, 0, 1, 1], [], []>, transpose_lhs_hint = false} : vector<1024x128xf32>, vector<128x128xf32>, vector<1024x128xf32> -> vector<1024x128xf32>
    %add3A_23 = vector.broadcast %get3A_11 : vector<1x128xf32> to vector<1024x128xf32>
    %add3A_24 = arith.addf %dot_general3A_22, %add3A_23 : vector<1024x128xf32>
    %max3A_25 = arith.constant 0.000000e+00 : f32
    %max3A_26 = vector.broadcast %max3A_25 : f32 to vector<1024x128xf32>
    %max3A_27 = arith.maximumf %add3A_24, %max3A_26 : vector<1024x128xf32>
    %add3A_28 = arith.addf %get3A_21, %max3A_27 : vector<1024x128xf32>
    %lt3A = vector.broadcast %add3A_16 : i32 to vector<1024x1xi32>
    %lt3A_29 = arith.cmpi slt, %lt3A, %get3A_1 : vector<1024x1xi32>
    %convert_element_type3A_30 = arith.extui %lt3A_29 : vector<1024x1xi1> to vector<1024x1xi32>
    %convert_element_type3A_31 = arith.sitofp %convert_element_type3A_30 : vector<1024x1xi32> to vector<1024x1xf32>
    %mul3A_32 = vector.broadcast %convert_element_type3A_31 : vector<1024x1xf32> to vector<1024x128xf32>
    %mul3A_33 = arith.mulf %add3A_28, %mul3A_32 : vector<1024x128xf32>
    %add3A_34 = arith.addf %broadcast_in_dim3A_12, %mul3A_33 : vector<1024x128xf32>
    %mul3A_35 = arith.constant 10 : i32
    %mul3A_36 = arith.muli %arg1, %mul3A_35 : i32
    %add3A_37 = arith.constant 20 : i32
    %add3A_38 = arith.addi %add3A_37, %mul3A_36 : i32
    %add3A_39 = arith.constant 1 : i32
    %add3A_40 = arith.addi %add3A_38, %add3A_39 : i32
    %get3A_41 = arith.constant 1 : index
    %get3A_42 = arith.constant 0 : index
    %get3A_43 = arith.constant 0 : index
    %get3A_44 = vector.load %arg3[%get3A_41, %get3A_42, %get3A_43] : memref<10x1024x128xf32, #tpu.memory_space<vmem>>, vector<1x1024x128xf32>
    %get3A_45 = vector.shape_cast %get3A_44 : vector<1x1024x128xf32> to vector<1024x128xf32>
    %dot_general3A_46 = arith.constant dense<0.000000e+00> : vector<1024x128xf32>
    %dot_general3A_47 = tpu.matmul %get3A_45, %get3A_8, %dot_general3A_46 {dimension_numbers = #tpu.dot_dimension_numbers<[1], [0], [0], [1], [0, 0, 1, 1], [], []>, transpose_lhs_hint = false} : vector<1024x128xf32>, vector<128x128xf32>, vector<1024x128xf32> -> vector<1024x128xf32>
    %add3A_48 = vector.broadcast %get3A_11 : vector<1x128xf32> to vector<1024x128xf32>
    %add3A_49 = arith.addf %dot_general3A_47, %add3A_48 : vector<1024x128xf32>
    %max3A_50 = arith.constant 0.000000e+00 : f32
    %max3A_51 = vector.broadcast %max3A_50 : f32 to vector<1024x128xf32>
    %max3A_52 = arith.maximumf %add3A_49, %max3A_51 : vector<1024x128xf32>
    %add3A_53 = arith.addf %get3A_45, %max3A_52 : vector<1024x128xf32>
    %lt3A_54 = vector.broadcast %add3A_40 : i32 to vector<1024x1xi32>
    %lt3A_55 = arith.cmpi slt, %lt3A_54, %get3A_1 : vector<1024x1xi32>
    %convert_element_type3A_56 = arith.extui %lt3A_55 : vector<1024x1xi1> to vector<1024x1xi32>
    %convert_element_type3A_57 = arith.sitofp %convert_element_type3A_56 : vector<1024x1xi32> to vector<1024x1xf32>
    %mul3A_58 = vector.broadcast %convert_element_type3A_57 : vector<1024x1xf32> to vector<1024x128xf32>
    %mul3A_59 = arith.mulf %add3A_53, %mul3A_58 : vector<1024x128xf32>
    %add3A_60 = arith.addf %add3A_34, %mul3A_59 : vector<1024x128xf32>
    %mul3A_61 = arith.constant 10 : i32
    %mul3A_62 = arith.muli %arg1, %mul3A_61 : i32
    %add3A_63 = arith.constant 20 : i32
    %add3A_64 = arith.addi %add3A_63, %mul3A_62 : i32
    %add3A_65 = arith.constant 2 : i32
    %add3A_66 = arith.addi %add3A_64, %add3A_65 : i32
    %get3A_67 = arith.constant 2 : index
    %get3A_68 = arith.constant 0 : index
    %get3A_69 = arith.constant 0 : index
    %get3A_70 = vector.load %arg3[%get3A_67, %get3A_68, %get3A_69] : memref<10x1024x128xf32, #tpu.memory_space<vmem>>, vector<1x1024x128xf32>
    %get3A_71 = vector.shape_cast %get3A_70 : vector<1x1024x128xf32> to vector<1024x128xf32>
    %dot_general3A_72 = arith.constant dense<0.000000e+00> : vector<1024x128xf32>
    %dot_general3A_73 = tpu.matmul %get3A_71, %get3A_8, %dot_general3A_72 {dimension_numbers = #tpu.dot_dimension_numbers<[1], [0], [0], [1], [0, 0, 1, 1], [], []>, transpose_lhs_hint = false} : vector<1024x128xf32>, vector<128x128xf32>, vector<1024x128xf32> -> vector<1024x128xf32>
    %add3A_74 = vector.broadcast %get3A_11 : vector<1x128xf32> to vector<1024x128xf32>
    %add3A_75 = arith.addf %dot_general3A_73, %add3A_74 : vector<1024x128xf32>
    %max3A_76 = arith.constant 0.000000e+00 : f32
    %max3A_77 = vector.broadcast %max3A_76 : f32 to vector<1024x128xf32>
    %max3A_78 = arith.maximumf %add3A_75, %max3A_77 : vector<1024x128xf32>
    %add3A_79 = arith.addf %get3A_71, %max3A_78 : vector<1024x128xf32>
    %lt3A_80 = vector.broadcast %add3A_66 : i32 to vector<1024x1xi32>
    %lt3A_81 = arith.cmpi slt, %lt3A_80, %get3A_1 : vector<1024x1xi32>
    %convert_element_type3A_82 = arith.extui %lt3A_81 : vector<1024x1xi1> to vector<1024x1xi32>
    %convert_element_type3A_83 = arith.sitofp %convert_element_type3A_82 : vector<1024x1xi32> to vector<1024x1xf32>
    %mul3A_84 = vector.broadcast %convert_element_type3A_83 : vector<1024x1xf32> to vector<1024x128xf32>
    %mul3A_85 = arith.mulf %add3A_79, %mul3A_84 : vector<1024x128xf32>
    %add3A_86 = arith.addf %add3A_60, %mul3A_85 : vector<1024x128xf32>
    %mul3A_87 = arith.constant 10 : i32
    %mul3A_88 = arith.muli %arg1, %mul3A_87 : i32
    %add3A_89 = arith.constant 20 : i32
    %add3A_90 = arith.addi %add3A_89, %mul3A_88 : i32
    %add3A_91 = arith.constant 3 : i32
    %add3A_92 = arith.addi %add3A_90, %add3A_91 : i32
    %get3A_93 = arith.constant 3 : index
    %get3A_94 = arith.constant 0 : index
    %get3A_95 = arith.constant 0 : index
    %get3A_96 = vector.load %arg3[%get3A_93, %get3A_94, %get3A_95] : memref<10x1024x128xf32, #tpu.memory_space<vmem>>, vector<1x1024x128xf32>
    %get3A_97 = vector.shape_cast %get3A_96 : vector<1x1024x128xf32> to vector<1024x128xf32>
    %dot_general3A_98 = arith.constant dense<0.000000e+00> : vector<1024x128xf32>
    %dot_general3A_99 = tpu.matmul %get3A_97, %get3A_8, %dot_general3A_98 {dimension_numbers = #tpu.dot_dimension_numbers<[1], [0], [0], [1], [0, 0, 1, 1], [], []>, transpose_lhs_hint = false} : vector<1024x128xf32>, vector<128x128xf32>, vector<1024x128xf32> -> vector<1024x128xf32>
    %add3A_100 = vector.broadcast %get3A_11 : vector<1x128xf32> to vector<1024x128xf32>
    %add3A_101 = arith.addf %dot_general3A_99, %add3A_100 : vector<1024x128xf32>
    %max3A_102 = arith.constant 0.000000e+00 : f32
    %max3A_103 = vector.broadcast %max3A_102 : f32 to vector<1024x128xf32>
    %max3A_104 = arith.maximumf %add3A_101, %max3A_103 : vector<1024x128xf32>
    %add3A_105 = arith.addf %get3A_97, %max3A_104 : vector<1024x128xf32>
    %lt3A_106 = vector.broadcast %add3A_92 : i32 to vector<1024x1xi32>
    %lt3A_107 = arith.cmpi slt, %lt3A_106, %get3A_1 : vector<1024x1xi32>
    %convert_element_type3A_108 = arith.extui %lt3A_107 : vector<1024x1xi1> to vector<1024x1xi32>
    %convert_element_type3A_109 = arith.sitofp %convert_element_type3A_108 : vector<1024x1xi32> to vector<1024x1xf32>
    %mul3A_110 = vector.broadcast %convert_element_type3A_109 : vector<1024x1xf32> to vector<1024x128xf32>
    %mul3A_111 = arith.mulf %add3A_105, %mul3A_110 : vector<1024x128xf32>
    %add3A_112 = arith.addf %add3A_86, %mul3A_111 : vector<1024x128xf32>
    %mul3A_113 = arith.constant 10 : i32
    %mul3A_114 = arith.muli %arg1, %mul3A_113 : i32
    %add3A_115 = arith.constant 20 : i32
    %add3A_116 = arith.addi %add3A_115, %mul3A_114 : i32
    %add3A_117 = arith.constant 4 : i32
    %add3A_118 = arith.addi %add3A_116, %add3A_117 : i32
    %get3A_119 = arith.constant 4 : index
    %get3A_120 = arith.constant 0 : index
    %get3A_121 = arith.constant 0 : index
    %get3A_122 = vector.load %arg3[%get3A_119, %get3A_120, %get3A_121] : memref<10x1024x128xf32, #tpu.memory_space<vmem>>, vector<1x1024x128xf32>
    %get3A_123 = vector.shape_cast %get3A_122 : vector<1x1024x128xf32> to vector<1024x128xf32>
    %dot_general3A_124 = arith.constant dense<0.000000e+00> : vector<1024x128xf32>
    %dot_general3A_125 = tpu.matmul %get3A_123, %get3A_8, %dot_general3A_124 {dimension_numbers = #tpu.dot_dimension_numbers<[1], [0], [0], [1], [0, 0, 1, 1], [], []>, transpose_lhs_hint = false} : vector<1024x128xf32>, vector<128x128xf32>, vector<1024x128xf32> -> vector<1024x128xf32>
    %add3A_126 = vector.broadcast %get3A_11 : vector<1x128xf32> to vector<1024x128xf32>
    %add3A_127 = arith.addf %dot_general3A_125, %add3A_126 : vector<1024x128xf32>
    %max3A_128 = arith.constant 0.000000e+00 : f32
    %max3A_129 = vector.broadcast %max3A_128 : f32 to vector<1024x128xf32>
    %max3A_130 = arith.maximumf %add3A_127, %max3A_129 : vector<1024x128xf32>
    %add3A_131 = arith.addf %get3A_123, %max3A_130 : vector<1024x128xf32>
    %lt3A_132 = vector.broadcast %add3A_118 : i32 to vector<1024x1xi32>
    %lt3A_133 = arith.cmpi slt, %lt3A_132, %get3A_1 : vector<1024x1xi32>
    %convert_element_type3A_134 = arith.extui %lt3A_133 : vector<1024x1xi1> to vector<1024x1xi32>
    %convert_element_type3A_135 = arith.sitofp %convert_element_type3A_134 : vector<1024x1xi32> to vector<1024x1xf32>
    %mul3A_136 = vector.broadcast %convert_element_type3A_135 : vector<1024x1xf32> to vector<1024x128xf32>
    %mul3A_137 = arith.mulf %add3A_131, %mul3A_136 : vector<1024x128xf32>
    %add3A_138 = arith.addf %add3A_112, %mul3A_137 : vector<1024x128xf32>
    %mul3A_139 = arith.constant 10 : i32
    %mul3A_140 = arith.muli %arg1, %mul3A_139 : i32
    %add3A_141 = arith.constant 20 : i32
    %add3A_142 = arith.addi %add3A_141, %mul3A_140 : i32
    %add3A_143 = arith.constant 5 : i32
    %add3A_144 = arith.addi %add3A_142, %add3A_143 : i32
    %get3A_145 = arith.constant 5 : index
    %get3A_146 = arith.constant 0 : index
    %get3A_147 = arith.constant 0 : index
    %get3A_148 = vector.load %arg3[%get3A_145, %get3A_146, %get3A_147] : memref<10x1024x128xf32, #tpu.memory_space<vmem>>, vector<1x1024x128xf32>
    %get3A_149 = vector.shape_cast %get3A_148 : vector<1x1024x128xf32> to vector<1024x128xf32>
    %dot_general3A_150 = arith.constant dense<0.000000e+00> : vector<1024x128xf32>
    %dot_general3A_151 = tpu.matmul %get3A_149, %get3A_8, %dot_general3A_150 {dimension_numbers = #tpu.dot_dimension_numbers<[1], [0], [0], [1], [0, 0, 1, 1], [], []>, transpose_lhs_hint = false} : vector<1024x128xf32>, vector<128x128xf32>, vector<1024x128xf32> -> vector<1024x128xf32>
    %add3A_152 = vector.broadcast %get3A_11 : vector<1x128xf32> to vector<1024x128xf32>
    %add3A_153 = arith.addf %dot_general3A_151, %add3A_152 : vector<1024x128xf32>
    %max3A_154 = arith.constant 0.000000e+00 : f32
    %max3A_155 = vector.broadcast %max3A_154 : f32 to vector<1024x128xf32>
    %max3A_156 = arith.maximumf %add3A_153, %max3A_155 : vector<1024x128xf32>
    %add3A_157 = arith.addf %get3A_149, %max3A_156 : vector<1024x128xf32>
    %lt3A_158 = vector.broadcast %add3A_144 : i32 to vector<1024x1xi32>
    %lt3A_159 = arith.cmpi slt, %lt3A_158, %get3A_1 : vector<1024x1xi32>
    %convert_element_type3A_160 = arith.extui %lt3A_159 : vector<1024x1xi1> to vector<1024x1xi32>
    %convert_element_type3A_161 = arith.sitofp %convert_element_type3A_160 : vector<1024x1xi32> to vector<1024x1xf32>
    %mul3A_162 = vector.broadcast %convert_element_type3A_161 : vector<1024x1xf32> to vector<1024x128xf32>
    %mul3A_163 = arith.mulf %add3A_157, %mul3A_162 : vector<1024x128xf32>
    %add3A_164 = arith.addf %add3A_138, %mul3A_163 : vector<1024x128xf32>
    %mul3A_165 = arith.constant 10 : i32
    %mul3A_166 = arith.muli %arg1, %mul3A_165 : i32
    %add3A_167 = arith.constant 20 : i32
    %add3A_168 = arith.addi %add3A_167, %mul3A_166 : i32
    %add3A_169 = arith.constant 6 : i32
    %add3A_170 = arith.addi %add3A_168, %add3A_169 : i32
    %get3A_171 = arith.constant 6 : index
    %get3A_172 = arith.constant 0 : index
    %get3A_173 = arith.constant 0 : index
    %get3A_174 = vector.load %arg3[%get3A_171, %get3A_172, %get3A_173] : memref<10x1024x128xf32, #tpu.memory_space<vmem>>, vector<1x1024x128xf32>
    %get3A_175 = vector.shape_cast %get3A_174 : vector<1x1024x128xf32> to vector<1024x128xf32>
    %dot_general3A_176 = arith.constant dense<0.000000e+00> : vector<1024x128xf32>
    %dot_general3A_177 = tpu.matmul %get3A_175, %get3A_8, %dot_general3A_176 {dimension_numbers = #tpu.dot_dimension_numbers<[1], [0], [0], [1], [0, 0, 1, 1], [], []>, transpose_lhs_hint = false} : vector<1024x128xf32>, vector<128x128xf32>, vector<1024x128xf32> -> vector<1024x128xf32>
    %add3A_178 = vector.broadcast %get3A_11 : vector<1x128xf32> to vector<1024x128xf32>
    %add3A_179 = arith.addf %dot_general3A_177, %add3A_178 : vector<1024x128xf32>
    %max3A_180 = arith.constant 0.000000e+00 : f32
    %max3A_181 = vector.broadcast %max3A_180 : f32 to vector<1024x128xf32>
    %max3A_182 = arith.maximumf %add3A_179, %max3A_181 : vector<1024x128xf32>
    %add3A_183 = arith.addf %get3A_175, %max3A_182 : vector<1024x128xf32>
    %lt3A_184 = vector.broadcast %add3A_170 : i32 to vector<1024x1xi32>
    %lt3A_185 = arith.cmpi slt, %lt3A_184, %get3A_1 : vector<1024x1xi32>
    %convert_element_type3A_186 = arith.extui %lt3A_185 : vector<1024x1xi1> to vector<1024x1xi32>
    %convert_element_type3A_187 = arith.sitofp %convert_element_type3A_186 : vector<1024x1xi32> to vector<1024x1xf32>
    %mul3A_188 = vector.broadcast %convert_element_type3A_187 : vector<1024x1xf32> to vector<1024x128xf32>
    %mul3A_189 = arith.mulf %add3A_183, %mul3A_188 : vector<1024x128xf32>
    %add3A_190 = arith.addf %add3A_164, %mul3A_189 : vector<1024x128xf32>
    %mul3A_191 = arith.constant 10 : i32
    %mul3A_192 = arith.muli %arg1, %mul3A_191 : i32
    %add3A_193 = arith.constant 20 : i32
    %add3A_194 = arith.addi %add3A_193, %mul3A_192 : i32
    %add3A_195 = arith.constant 7 : i32
    %add3A_196 = arith.addi %add3A_194, %add3A_195 : i32
    %get3A_197 = arith.constant 7 : index
    %get3A_198 = arith.constant 0 : index
    %get3A_199 = arith.constant 0 : index
    %get3A_200 = vector.load %arg3[%get3A_197, %get3A_198, %get3A_199] : memref<10x1024x128xf32, #tpu.memory_space<vmem>>, vector<1x1024x128xf32>
    %get3A_201 = vector.shape_cast %get3A_200 : vector<1x1024x128xf32> to vector<1024x128xf32>
    %dot_general3A_202 = arith.constant dense<0.000000e+00> : vector<1024x128xf32>
    %dot_general3A_203 = tpu.matmul %get3A_201, %get3A_8, %dot_general3A_202 {dimension_numbers = #tpu.dot_dimension_numbers<[1], [0], [0], [1], [0, 0, 1, 1], [], []>, transpose_lhs_hint = false} : vector<1024x128xf32>, vector<128x128xf32>, vector<1024x128xf32> -> vector<1024x128xf32>
    %add3A_204 = vector.broadcast %get3A_11 : vector<1x128xf32> to vector<1024x128xf32>
    %add3A_205 = arith.addf %dot_general3A_203, %add3A_204 : vector<1024x128xf32>
    %max3A_206 = arith.constant 0.000000e+00 : f32
    %max3A_207 = vector.broadcast %max3A_206 : f32 to vector<1024x128xf32>
    %max3A_208 = arith.maximumf %add3A_205, %max3A_207 : vector<1024x128xf32>
    %add3A_209 = arith.addf %get3A_201, %max3A_208 : vector<1024x128xf32>
    %lt3A_210 = vector.broadcast %add3A_196 : i32 to vector<1024x1xi32>
    %lt3A_211 = arith.cmpi slt, %lt3A_210, %get3A_1 : vector<1024x1xi32>
    %convert_element_type3A_212 = arith.extui %lt3A_211 : vector<1024x1xi1> to vector<1024x1xi32>
    %convert_element_type3A_213 = arith.sitofp %convert_element_type3A_212 : vector<1024x1xi32> to vector<1024x1xf32>
    %mul3A_214 = vector.broadcast %convert_element_type3A_213 : vector<1024x1xf32> to vector<1024x128xf32>
    %mul3A_215 = arith.mulf %add3A_209, %mul3A_214 : vector<1024x128xf32>
    %add3A_216 = arith.addf %add3A_190, %mul3A_215 : vector<1024x128xf32>
    %mul3A_217 = arith.constant 10 : i32
    %mul3A_218 = arith.muli %arg1, %mul3A_217 : i32
    %add3A_219 = arith.constant 20 : i32
    %add3A_220 = arith.addi %add3A_219, %mul3A_218 : i32
    %add3A_221 = arith.constant 8 : i32
    %add3A_222 = arith.addi %add3A_220, %add3A_221 : i32
    %get3A_223 = arith.constant 8 : index
    %get3A_224 = arith.constant 0 : index
    %get3A_225 = arith.constant 0 : index
    %get3A_226 = vector.load %arg3[%get3A_223, %get3A_224, %get3A_225] : memref<10x1024x128xf32, #tpu.memory_space<vmem>>, vector<1x1024x128xf32>
    %get3A_227 = vector.shape_cast %get3A_226 : vector<1x1024x128xf32> to vector<1024x128xf32>
    %dot_general3A_228 = arith.constant dense<0.000000e+00> : vector<1024x128xf32>
    %dot_general3A_229 = tpu.matmul %get3A_227, %get3A_8, %dot_general3A_228 {dimension_numbers = #tpu.dot_dimension_numbers<[1], [0], [0], [1], [0, 0, 1, 1], [], []>, transpose_lhs_hint = false} : vector<1024x128xf32>, vector<128x128xf32>, vector<1024x128xf32> -> vector<1024x128xf32>
    %add3A_230 = vector.broadcast %get3A_11 : vector<1x128xf32> to vector<1024x128xf32>
    %add3A_231 = arith.addf %dot_general3A_229, %add3A_230 : vector<1024x128xf32>
    %max3A_232 = arith.constant 0.000000e+00 : f32
    %max3A_233 = vector.broadcast %max3A_232 : f32 to vector<1024x128xf32>
    %max3A_234 = arith.maximumf %add3A_231, %max3A_233 : vector<1024x128xf32>
    %add3A_235 = arith.addf %get3A_227, %max3A_234 : vector<1024x128xf32>
    %lt3A_236 = vector.broadcast %add3A_222 : i32 to vector<1024x1xi32>
    %lt3A_237 = arith.cmpi slt, %lt3A_236, %get3A_1 : vector<1024x1xi32>
    %convert_element_type3A_238 = arith.extui %lt3A_237 : vector<1024x1xi1> to vector<1024x1xi32>
    %convert_element_type3A_239 = arith.sitofp %convert_element_type3A_238 : vector<1024x1xi32> to vector<1024x1xf32>
    %mul3A_240 = vector.broadcast %convert_element_type3A_239 : vector<1024x1xf32> to vector<1024x128xf32>
    %mul3A_241 = arith.mulf %add3A_235, %mul3A_240 : vector<1024x128xf32>
    %add3A_242 = arith.addf %add3A_216, %mul3A_241 : vector<1024x128xf32>
    %mul3A_243 = arith.constant 10 : i32
    %mul3A_244 = arith.muli %arg1, %mul3A_243 : i32
    %add3A_245 = arith.constant 20 : i32
    %add3A_246 = arith.addi %add3A_245, %mul3A_244 : i32
    %add3A_247 = arith.constant 9 : i32
    %add3A_248 = arith.addi %add3A_246, %add3A_247 : i32
    %get3A_249 = arith.constant 9 : index
    %get3A_250 = arith.constant 0 : index
    %get3A_251 = arith.constant 0 : index
    %get3A_252 = vector.load %arg3[%get3A_249, %get3A_250, %get3A_251] : memref<10x1024x128xf32, #tpu.memory_space<vmem>>, vector<1x1024x128xf32>
    %get3A_253 = vector.shape_cast %get3A_252 : vector<1x1024x128xf32> to vector<1024x128xf32>
    %dot_general3A_254 = arith.constant dense<0.000000e+00> : vector<1024x128xf32>
    %dot_general3A_255 = tpu.matmul %get3A_253, %get3A_8, %dot_general3A_254 {dimension_numbers = #tpu.dot_dimension_numbers<[1], [0], [0], [1], [0, 0, 1, 1], [], []>, transpose_lhs_hint = false} : vector<1024x128xf32>, vector<128x128xf32>, vector<1024x128xf32> -> vector<1024x128xf32>
    %add3A_256 = vector.broadcast %get3A_11 : vector<1x128xf32> to vector<1024x128xf32>
    %add3A_257 = arith.addf %dot_general3A_255, %add3A_256 : vector<1024x128xf32>
    %max3A_258 = arith.constant 0.000000e+00 : f32
    %max3A_259 = vector.broadcast %max3A_258 : f32 to vector<1024x128xf32>
    %max3A_260 = arith.maximumf %add3A_257, %max3A_259 : vector<1024x128xf32>
    %add3A_261 = arith.addf %get3A_253, %max3A_260 : vector<1024x128xf32>
    %lt3A_262 = vector.broadcast %add3A_248 : i32 to vector<1024x1xi32>
    %lt3A_263 = arith.cmpi slt, %lt3A_262, %get3A_1 : vector<1024x1xi32>
    %convert_element_type3A_264 = arith.extui %lt3A_263 : vector<1024x1xi1> to vector<1024x1xi32>
    %convert_element_type3A_265 = arith.sitofp %convert_element_type3A_264 : vector<1024x1xi32> to vector<1024x1xf32>
    %mul3A_266 = vector.broadcast %convert_element_type3A_265 : vector<1024x1xf32> to vector<1024x128xf32>
    %mul3A_267 = arith.mulf %add3A_261, %mul3A_266 : vector<1024x128xf32>
    %add3A_268 = arith.addf %add3A_242, %mul3A_267 : vector<1024x128xf32>
    %mul3A_269 = vector.broadcast %div3A_5 : vector<1024x1xf32> to vector<1024x128xf32>
    %mul3A_270 = arith.mulf %add3A_268, %mul3A_269 : vector<1024x128xf32>
    %eq3A = arith.constant 0 : i32
    %eq3A_271 = arith.cmpi eq, %arg1, %eq3A : i32
    %convert_element_type3A_272 = arith.extui %eq3A_271 : i1 to i32
    %cond3A = arith.constant 0 : i32
    %cond3A_273 = arith.cmpi ne, %convert_element_type3A_272, %cond3A : i32
    scf.if %cond3A_273 {
      %swap3A = arith.constant 0 : index
      %swap3A_278 = arith.constant 0 : index
      %swap3A_279 = vector.load %arg6[%swap3A, %swap3A_278] : memref<1024x128xf32, #tpu.memory_space<vmem>>, vector<1024x128xf32>
      tpu.vector_store %arg6[%swap3A, %swap3A_278], %mul3A_270 {strides = array<i32>} : memref<1024x128xf32, #tpu.memory_space<vmem>>, vector<1024x128xf32>,
    } else {
    }
    %gt3A = arith.constant 0 : i32
    %gt3A_274 = arith.cmpi sgt, %arg1, %gt3A : i32
    %convert_element_type3A_275 = arith.extui %gt3A_274 : i1 to i32
    %cond3A_276 = arith.constant 0 : i32
    %cond3A_277 = arith.cmpi ne, %convert_element_type3A_275, %cond3A_276 : i32
    scf.if %cond3A_277 {
      %get3A_278 = arith.constant 0 : index
      %get3A_279 = arith.constant 0 : index
      %get3A_280 = vector.load %arg6[%get3A_278, %get3A_279] : memref<1024x128xf32, #tpu.memory_space<vmem>>, vector<1024x128xf32>
      %add3A_281 = arith.addf %get3A_280, %mul3A_270 : vector<1024x128xf32>
      %swap3A = arith.constant 0 : index
      %swap3A_282 = arith.constant 0 : index
      %swap3A_283 = vector.load %arg6[%swap3A, %swap3A_282] : memref<1024x128xf32, #tpu.memory_space<vmem>>, vector<1024x128xf32>
      tpu.vector_store %arg6[%swap3A, %swap3A_282], %add3A_281 {strides = array<i32>} : memref<1024x128xf32, #tpu.memory_space<vmem>>, vector<1024x128xf32>,
    } else {
    }
    return
  }
  func.func @transform_0(%arg0: i32, %arg1: i32) -> (i32, i32) {
    %c0_i32 = arith.constant 0 : i32
    %c0_i32_0 = arith.constant 0 : i32
    return %arg0, %c0_i32 : i32, i32
  }
  func.func @transform_1(%arg0: i32, %arg1: i32) -> (i32, i32, i32) {
    %c0_i32 = arith.constant 0 : i32
    %c0_i32_0 = arith.constant 0 : i32
    return %arg1, %arg0, %c0_i32 : i32, i32, i32
  }
  func.func @transform_2(%arg0: i32, %arg1: i32) -> (i32, i32) {
    %c0_i32 = arith.constant 0 : i32
    %c0_i32_0 = arith.constant 0 : i32
    %c0_i32_1 = arith.constant 0 : i32
    return %c0_i32, %c0_i32_0 : i32, i32
  }
  func.func @transform_3(%arg0: i32, %arg1: i32) -> (i32, i32) {
    %c0_i32 = arith.constant 0 : i32
    %c0_i32_0 = arith.constant 0 : i32
    %c0_i32_1 = arith.constant 0 : i32
    return %c0_i32, %c0_i32_0 : i32, i32
  }
  func.func @transform_4(%arg0: i32, %arg1: i32) -> (i32, i32) {
    %c0_i32 = arith.constant 0 : i32
    %c0_i32_0 = arith.constant 0 : i32
    return %arg0, %c0_i32 : i32, i32
  }
}

module attributes {stable_mosaic.version = 14 : i64} {
  func.func @_tc_body(%arg0: i32, %arg1: i32, %arg2: memref<1024x1xi32, #tpu.memory_space<vmem>>, %arg3: memref<10x1024x128xf32, #tpu.memory_space<vmem>>, %arg4: memref<128x128xf32, #tpu.memory_space<vmem>>, %arg5: memref<1x128xf32, #tpu.memory_space<vmem>>, %arg6: memref<1024x128xf32, #tpu.memory_space<vmem>>) attributes {dimension_semantics = [#tpu.dimension_semantics<arbitrary>, #tpu.dimension_semantics<arbitrary>], iteration_bounds = array<i64: 4, 1>, scalar_prefetch = 0 : i64, scratch_operands = 0 : i64, tpu.core_type = #tpu.core_type<tc>, window_params = [{transform_indices = @transform_0, window_bounds = array<i64: 1024, 1>}, {transform_indices = @transform_1, window_bounds = array<i64: 10, 1024, 128>}, {pipeline_mode = #tpu.pipeline_mode<synchronous>, transform_indices = @transform_2, window_bounds = array<i64: 128, 128>}, {pipeline_mode = #tpu.pipeline_mode<synchronous>, transform_indices = @transform_3, window_bounds = array<i64: 1, 128>}, {transform_indices = @transform_4, window_bounds = array<i64: 1024, 128>}]} {
    %get3A = arith.constant 0 : index
    %get3A_0 = arith.constant 0 : index
    %get3A_1 = vector.load %arg2[%get3A, %get3A_0] : memref<1024x1xi32, #tpu.memory_space<vmem>>, vector<1024x1xi32>
    %max3A = arith.constant 1 : i32
    %max3A_2 = vector.broadcast %max3A : i32 to vector<1024x1xi32>
    %max3A_3 = arith.maxsi %get3A_1, %max3A_2 : vector<1024x1xi32>
    %convert_element_type3A = arith.sitofp %max3A_3 : vector<1024x1xi32> to vector<1024x1xf32>
    %div3A = arith.constant 1.000000e+00 : f32
    %div3A_4 = vector.broadcast %div3A : f32 to vector<1024x1xf32>
    %div3A_5 = arith.divf %div3A_4, %convert_element_type3A : vector<1024x1xf32>
    %get3A_6 = arith.constant 0 : index
    %get3A_7 = arith.constant 0 : index
    %get3A_8 = vector.load %arg4[%get3A_6, %get3A_7] : memref<128x128xf32, #tpu.memory_space<vmem>>, vector<128x128xf32>
    %get3A_9 = arith.constant 0 : index
    %get3A_10 = arith.constant 0 : index
    %get3A_11 = vector.load %arg5[%get3A_9, %get3A_10] : memref<1x128xf32, #tpu.memory_space<vmem>>, vector<1x128xf32>
    %broadcast_in_dim3A = arith.constant 0.000000e+00 : f32
    %broadcast_in_dim3A_12 = vector.broadcast %broadcast_in_dim3A : f32 to vector<1024x128xf32>
    %mul3A = arith.constant 10 : i32
    %mul3A_13 = arith.muli %arg1, %mul3A : i32
    %add3A = arith.constant 30 : i32
    %add3A_14 = arith.addi %add3A, %mul3A_13 : i32
    %add3A_15 = arith.constant 0 : i32
    %add3A_16 = arith.addi %add3A_14, %add3A_15 : i32
    %get3A_17 = arith.constant 0 : index
    %get3A_18 = arith.constant 0 : index
    %get3A_19 = arith.constant 0 : index
    %get3A_20 = vector.load %arg3[%get3A_17, %get3A_18, %get3A_19] : memref<10x1024x128xf32, #tpu.memory_space<vmem>>, vector<1x1024x128xf32>
    %get3A_21 = vector.shape_cast %get3A_20 : vector<1x1024x128xf32> to vector<1024x128xf32>
    %dot_general3A = arith.constant dense<0.000000e+00> : vector<1024x128xf32>
    %dot_general3A_22 = tpu.matmul %get3A_21, %get3A_8, %dot_general3A {dimension_numbers = #tpu.dot_dimension_numbers<[1], [0], [0], [1], [0, 0, 1, 1], [], []>, transpose_lhs_hint = false} : vector<1024x128xf32>, vector<128x128xf32>, vector<1024x128xf32> -> vector<1024x128xf32>
    %add3A_23 = vector.broadcast %get3A_11 : vector<1x128xf32> to vector<1024x128xf32>
    %add3A_24 = arith.addf %dot_general3A_22, %add3A_23 : vector<1024x128xf32>
    %max3A_25 = arith.constant 0.000000e+00 : f32
    %max3A_26 = vector.broadcast %max3A_25 : f32 to vector<1024x128xf32>
    %max3A_27 = arith.maximumf %add3A_24, %max3A_26 : vector<1024x128xf32>
    %add3A_28 = arith.addf %get3A_21, %max3A_27 : vector<1024x128xf32>
    %lt3A = vector.broadcast %add3A_16 : i32 to vector<1024x1xi32>
    %lt3A_29 = arith.cmpi slt, %lt3A, %get3A_1 : vector<1024x1xi32>
    %convert_element_type3A_30 = arith.extui %lt3A_29 : vector<1024x1xi1> to vector<1024x1xi32>
    %convert_element_type3A_31 = arith.sitofp %convert_element_type3A_30 : vector<1024x1xi32> to vector<1024x1xf32>
    %mul3A_32 = vector.broadcast %convert_element_type3A_31 : vector<1024x1xf32> to vector<1024x128xf32>
    %mul3A_33 = arith.mulf %add3A_28, %mul3A_32 : vector<1024x128xf32>
    %add3A_34 = arith.addf %broadcast_in_dim3A_12, %mul3A_33 : vector<1024x128xf32>
    %mul3A_35 = arith.constant 10 : i32
    %mul3A_36 = arith.muli %arg1, %mul3A_35 : i32
    %add3A_37 = arith.constant 30 : i32
    %add3A_38 = arith.addi %add3A_37, %mul3A_36 : i32
    %add3A_39 = arith.constant 1 : i32
    %add3A_40 = arith.addi %add3A_38, %add3A_39 : i32
    %get3A_41 = arith.constant 1 : index
    %get3A_42 = arith.constant 0 : index
    %get3A_43 = arith.constant 0 : index
    %get3A_44 = vector.load %arg3[%get3A_41, %get3A_42, %get3A_43] : memref<10x1024x128xf32, #tpu.memory_space<vmem>>, vector<1x1024x128xf32>
    %get3A_45 = vector.shape_cast %get3A_44 : vector<1x1024x128xf32> to vector<1024x128xf32>
    %dot_general3A_46 = arith.constant dense<0.000000e+00> : vector<1024x128xf32>
    %dot_general3A_47 = tpu.matmul %get3A_45, %get3A_8, %dot_general3A_46 {dimension_numbers = #tpu.dot_dimension_numbers<[1], [0], [0], [1], [0, 0, 1, 1], [], []>, transpose_lhs_hint = false} : vector<1024x128xf32>, vector<128x128xf32>, vector<1024x128xf32> -> vector<1024x128xf32>
    %add3A_48 = vector.broadcast %get3A_11 : vector<1x128xf32> to vector<1024x128xf32>
    %add3A_49 = arith.addf %dot_general3A_47, %add3A_48 : vector<1024x128xf32>
    %max3A_50 = arith.constant 0.000000e+00 : f32
    %max3A_51 = vector.broadcast %max3A_50 : f32 to vector<1024x128xf32>
    %max3A_52 = arith.maximumf %add3A_49, %max3A_51 : vector<1024x128xf32>
    %add3A_53 = arith.addf %get3A_45, %max3A_52 : vector<1024x128xf32>
    %lt3A_54 = vector.broadcast %add3A_40 : i32 to vector<1024x1xi32>
    %lt3A_55 = arith.cmpi slt, %lt3A_54, %get3A_1 : vector<1024x1xi32>
    %convert_element_type3A_56 = arith.extui %lt3A_55 : vector<1024x1xi1> to vector<1024x1xi32>
    %convert_element_type3A_57 = arith.sitofp %convert_element_type3A_56 : vector<1024x1xi32> to vector<1024x1xf32>
    %mul3A_58 = vector.broadcast %convert_element_type3A_57 : vector<1024x1xf32> to vector<1024x128xf32>
    %mul3A_59 = arith.mulf %add3A_53, %mul3A_58 : vector<1024x128xf32>
    %add3A_60 = arith.addf %add3A_34, %mul3A_59 : vector<1024x128xf32>
    %mul3A_61 = arith.constant 10 : i32
    %mul3A_62 = arith.muli %arg1, %mul3A_61 : i32
    %add3A_63 = arith.constant 30 : i32
    %add3A_64 = arith.addi %add3A_63, %mul3A_62 : i32
    %add3A_65 = arith.constant 2 : i32
    %add3A_66 = arith.addi %add3A_64, %add3A_65 : i32
    %get3A_67 = arith.constant 2 : index
    %get3A_68 = arith.constant 0 : index
    %get3A_69 = arith.constant 0 : index
    %get3A_70 = vector.load %arg3[%get3A_67, %get3A_68, %get3A_69] : memref<10x1024x128xf32, #tpu.memory_space<vmem>>, vector<1x1024x128xf32>
    %get3A_71 = vector.shape_cast %get3A_70 : vector<1x1024x128xf32> to vector<1024x128xf32>
    %dot_general3A_72 = arith.constant dense<0.000000e+00> : vector<1024x128xf32>
    %dot_general3A_73 = tpu.matmul %get3A_71, %get3A_8, %dot_general3A_72 {dimension_numbers = #tpu.dot_dimension_numbers<[1], [0], [0], [1], [0, 0, 1, 1], [], []>, transpose_lhs_hint = false} : vector<1024x128xf32>, vector<128x128xf32>, vector<1024x128xf32> -> vector<1024x128xf32>
    %add3A_74 = vector.broadcast %get3A_11 : vector<1x128xf32> to vector<1024x128xf32>
    %add3A_75 = arith.addf %dot_general3A_73, %add3A_74 : vector<1024x128xf32>
    %max3A_76 = arith.constant 0.000000e+00 : f32
    %max3A_77 = vector.broadcast %max3A_76 : f32 to vector<1024x128xf32>
    %max3A_78 = arith.maximumf %add3A_75, %max3A_77 : vector<1024x128xf32>
    %add3A_79 = arith.addf %get3A_71, %max3A_78 : vector<1024x128xf32>
    %lt3A_80 = vector.broadcast %add3A_66 : i32 to vector<1024x1xi32>
    %lt3A_81 = arith.cmpi slt, %lt3A_80, %get3A_1 : vector<1024x1xi32>
    %convert_element_type3A_82 = arith.extui %lt3A_81 : vector<1024x1xi1> to vector<1024x1xi32>
    %convert_element_type3A_83 = arith.sitofp %convert_element_type3A_82 : vector<1024x1xi32> to vector<1024x1xf32>
    %mul3A_84 = vector.broadcast %convert_element_type3A_83 : vector<1024x1xf32> to vector<1024x128xf32>
    %mul3A_85 = arith.mulf %add3A_79, %mul3A_84 : vector<1024x128xf32>
    %add3A_86 = arith.addf %add3A_60, %mul3A_85 : vector<1024x128xf32>
    %mul3A_87 = arith.constant 10 : i32
    %mul3A_88 = arith.muli %arg1, %mul3A_87 : i32
    %add3A_89 = arith.constant 30 : i32
    %add3A_90 = arith.addi %add3A_89, %mul3A_88 : i32
    %add3A_91 = arith.constant 3 : i32
    %add3A_92 = arith.addi %add3A_90, %add3A_91 : i32
    %get3A_93 = arith.constant 3 : index
    %get3A_94 = arith.constant 0 : index
    %get3A_95 = arith.constant 0 : index
    %get3A_96 = vector.load %arg3[%get3A_93, %get3A_94, %get3A_95] : memref<10x1024x128xf32, #tpu.memory_space<vmem>>, vector<1x1024x128xf32>
    %get3A_97 = vector.shape_cast %get3A_96 : vector<1x1024x128xf32> to vector<1024x128xf32>
    %dot_general3A_98 = arith.constant dense<0.000000e+00> : vector<1024x128xf32>
    %dot_general3A_99 = tpu.matmul %get3A_97, %get3A_8, %dot_general3A_98 {dimension_numbers = #tpu.dot_dimension_numbers<[1], [0], [0], [1], [0, 0, 1, 1], [], []>, transpose_lhs_hint = false} : vector<1024x128xf32>, vector<128x128xf32>, vector<1024x128xf32> -> vector<1024x128xf32>
    %add3A_100 = vector.broadcast %get3A_11 : vector<1x128xf32> to vector<1024x128xf32>
    %add3A_101 = arith.addf %dot_general3A_99, %add3A_100 : vector<1024x128xf32>
    %max3A_102 = arith.constant 0.000000e+00 : f32
    %max3A_103 = vector.broadcast %max3A_102 : f32 to vector<1024x128xf32>
    %max3A_104 = arith.maximumf %add3A_101, %max3A_103 : vector<1024x128xf32>
    %add3A_105 = arith.addf %get3A_97, %max3A_104 : vector<1024x128xf32>
    %lt3A_106 = vector.broadcast %add3A_92 : i32 to vector<1024x1xi32>
    %lt3A_107 = arith.cmpi slt, %lt3A_106, %get3A_1 : vector<1024x1xi32>
    %convert_element_type3A_108 = arith.extui %lt3A_107 : vector<1024x1xi1> to vector<1024x1xi32>
    %convert_element_type3A_109 = arith.sitofp %convert_element_type3A_108 : vector<1024x1xi32> to vector<1024x1xf32>
    %mul3A_110 = vector.broadcast %convert_element_type3A_109 : vector<1024x1xf32> to vector<1024x128xf32>
    %mul3A_111 = arith.mulf %add3A_105, %mul3A_110 : vector<1024x128xf32>
    %add3A_112 = arith.addf %add3A_86, %mul3A_111 : vector<1024x128xf32>
    %mul3A_113 = arith.constant 10 : i32
    %mul3A_114 = arith.muli %arg1, %mul3A_113 : i32
    %add3A_115 = arith.constant 30 : i32
    %add3A_116 = arith.addi %add3A_115, %mul3A_114 : i32
    %add3A_117 = arith.constant 4 : i32
    %add3A_118 = arith.addi %add3A_116, %add3A_117 : i32
    %get3A_119 = arith.constant 4 : index
    %get3A_120 = arith.constant 0 : index
    %get3A_121 = arith.constant 0 : index
    %get3A_122 = vector.load %arg3[%get3A_119, %get3A_120, %get3A_121] : memref<10x1024x128xf32, #tpu.memory_space<vmem>>, vector<1x1024x128xf32>
    %get3A_123 = vector.shape_cast %get3A_122 : vector<1x1024x128xf32> to vector<1024x128xf32>
    %dot_general3A_124 = arith.constant dense<0.000000e+00> : vector<1024x128xf32>
    %dot_general3A_125 = tpu.matmul %get3A_123, %get3A_8, %dot_general3A_124 {dimension_numbers = #tpu.dot_dimension_numbers<[1], [0], [0], [1], [0, 0, 1, 1], [], []>, transpose_lhs_hint = false} : vector<1024x128xf32>, vector<128x128xf32>, vector<1024x128xf32> -> vector<1024x128xf32>
    %add3A_126 = vector.broadcast %get3A_11 : vector<1x128xf32> to vector<1024x128xf32>
    %add3A_127 = arith.addf %dot_general3A_125, %add3A_126 : vector<1024x128xf32>
    %max3A_128 = arith.constant 0.000000e+00 : f32
    %max3A_129 = vector.broadcast %max3A_128 : f32 to vector<1024x128xf32>
    %max3A_130 = arith.maximumf %add3A_127, %max3A_129 : vector<1024x128xf32>
    %add3A_131 = arith.addf %get3A_123, %max3A_130 : vector<1024x128xf32>
    %lt3A_132 = vector.broadcast %add3A_118 : i32 to vector<1024x1xi32>
    %lt3A_133 = arith.cmpi slt, %lt3A_132, %get3A_1 : vector<1024x1xi32>
    %convert_element_type3A_134 = arith.extui %lt3A_133 : vector<1024x1xi1> to vector<1024x1xi32>
    %convert_element_type3A_135 = arith.sitofp %convert_element_type3A_134 : vector<1024x1xi32> to vector<1024x1xf32>
    %mul3A_136 = vector.broadcast %convert_element_type3A_135 : vector<1024x1xf32> to vector<1024x128xf32>
    %mul3A_137 = arith.mulf %add3A_131, %mul3A_136 : vector<1024x128xf32>
    %add3A_138 = arith.addf %add3A_112, %mul3A_137 : vector<1024x128xf32>
    %mul3A_139 = arith.constant 10 : i32
    %mul3A_140 = arith.muli %arg1, %mul3A_139 : i32
    %add3A_141 = arith.constant 30 : i32
    %add3A_142 = arith.addi %add3A_141, %mul3A_140 : i32
    %add3A_143 = arith.constant 5 : i32
    %add3A_144 = arith.addi %add3A_142, %add3A_143 : i32
    %get3A_145 = arith.constant 5 : index
    %get3A_146 = arith.constant 0 : index
    %get3A_147 = arith.constant 0 : index
    %get3A_148 = vector.load %arg3[%get3A_145, %get3A_146, %get3A_147] : memref<10x1024x128xf32, #tpu.memory_space<vmem>>, vector<1x1024x128xf32>
    %get3A_149 = vector.shape_cast %get3A_148 : vector<1x1024x128xf32> to vector<1024x128xf32>
    %dot_general3A_150 = arith.constant dense<0.000000e+00> : vector<1024x128xf32>
    %dot_general3A_151 = tpu.matmul %get3A_149, %get3A_8, %dot_general3A_150 {dimension_numbers = #tpu.dot_dimension_numbers<[1], [0], [0], [1], [0, 0, 1, 1], [], []>, transpose_lhs_hint = false} : vector<1024x128xf32>, vector<128x128xf32>, vector<1024x128xf32> -> vector<1024x128xf32>
    %add3A_152 = vector.broadcast %get3A_11 : vector<1x128xf32> to vector<1024x128xf32>
    %add3A_153 = arith.addf %dot_general3A_151, %add3A_152 : vector<1024x128xf32>
    %max3A_154 = arith.constant 0.000000e+00 : f32
    %max3A_155 = vector.broadcast %max3A_154 : f32 to vector<1024x128xf32>
    %max3A_156 = arith.maximumf %add3A_153, %max3A_155 : vector<1024x128xf32>
    %add3A_157 = arith.addf %get3A_149, %max3A_156 : vector<1024x128xf32>
    %lt3A_158 = vector.broadcast %add3A_144 : i32 to vector<1024x1xi32>
    %lt3A_159 = arith.cmpi slt, %lt3A_158, %get3A_1 : vector<1024x1xi32>
    %convert_element_type3A_160 = arith.extui %lt3A_159 : vector<1024x1xi1> to vector<1024x1xi32>
    %convert_element_type3A_161 = arith.sitofp %convert_element_type3A_160 : vector<1024x1xi32> to vector<1024x1xf32>
    %mul3A_162 = vector.broadcast %convert_element_type3A_161 : vector<1024x1xf32> to vector<1024x128xf32>
    %mul3A_163 = arith.mulf %add3A_157, %mul3A_162 : vector<1024x128xf32>
    %add3A_164 = arith.addf %add3A_138, %mul3A_163 : vector<1024x128xf32>
    %mul3A_165 = arith.constant 10 : i32
    %mul3A_166 = arith.muli %arg1, %mul3A_165 : i32
    %add3A_167 = arith.constant 30 : i32
    %add3A_168 = arith.addi %add3A_167, %mul3A_166 : i32
    %add3A_169 = arith.constant 6 : i32
    %add3A_170 = arith.addi %add3A_168, %add3A_169 : i32
    %get3A_171 = arith.constant 6 : index
    %get3A_172 = arith.constant 0 : index
    %get3A_173 = arith.constant 0 : index
    %get3A_174 = vector.load %arg3[%get3A_171, %get3A_172, %get3A_173] : memref<10x1024x128xf32, #tpu.memory_space<vmem>>, vector<1x1024x128xf32>
    %get3A_175 = vector.shape_cast %get3A_174 : vector<1x1024x128xf32> to vector<1024x128xf32>
    %dot_general3A_176 = arith.constant dense<0.000000e+00> : vector<1024x128xf32>
    %dot_general3A_177 = tpu.matmul %get3A_175, %get3A_8, %dot_general3A_176 {dimension_numbers = #tpu.dot_dimension_numbers<[1], [0], [0], [1], [0, 0, 1, 1], [], []>, transpose_lhs_hint = false} : vector<1024x128xf32>, vector<128x128xf32>, vector<1024x128xf32> -> vector<1024x128xf32>
    %add3A_178 = vector.broadcast %get3A_11 : vector<1x128xf32> to vector<1024x128xf32>
    %add3A_179 = arith.addf %dot_general3A_177, %add3A_178 : vector<1024x128xf32>
    %max3A_180 = arith.constant 0.000000e+00 : f32
    %max3A_181 = vector.broadcast %max3A_180 : f32 to vector<1024x128xf32>
    %max3A_182 = arith.maximumf %add3A_179, %max3A_181 : vector<1024x128xf32>
    %add3A_183 = arith.addf %get3A_175, %max3A_182 : vector<1024x128xf32>
    %lt3A_184 = vector.broadcast %add3A_170 : i32 to vector<1024x1xi32>
    %lt3A_185 = arith.cmpi slt, %lt3A_184, %get3A_1 : vector<1024x1xi32>
    %convert_element_type3A_186 = arith.extui %lt3A_185 : vector<1024x1xi1> to vector<1024x1xi32>
    %convert_element_type3A_187 = arith.sitofp %convert_element_type3A_186 : vector<1024x1xi32> to vector<1024x1xf32>
    %mul3A_188 = vector.broadcast %convert_element_type3A_187 : vector<1024x1xf32> to vector<1024x128xf32>
    %mul3A_189 = arith.mulf %add3A_183, %mul3A_188 : vector<1024x128xf32>
    %add3A_190 = arith.addf %add3A_164, %mul3A_189 : vector<1024x128xf32>
    %mul3A_191 = arith.constant 10 : i32
    %mul3A_192 = arith.muli %arg1, %mul3A_191 : i32
    %add3A_193 = arith.constant 30 : i32
    %add3A_194 = arith.addi %add3A_193, %mul3A_192 : i32
    %add3A_195 = arith.constant 7 : i32
    %add3A_196 = arith.addi %add3A_194, %add3A_195 : i32
    %get3A_197 = arith.constant 7 : index
    %get3A_198 = arith.constant 0 : index
    %get3A_199 = arith.constant 0 : index
    %get3A_200 = vector.load %arg3[%get3A_197, %get3A_198, %get3A_199] : memref<10x1024x128xf32, #tpu.memory_space<vmem>>, vector<1x1024x128xf32>
    %get3A_201 = vector.shape_cast %get3A_200 : vector<1x1024x128xf32> to vector<1024x128xf32>
    %dot_general3A_202 = arith.constant dense<0.000000e+00> : vector<1024x128xf32>
    %dot_general3A_203 = tpu.matmul %get3A_201, %get3A_8, %dot_general3A_202 {dimension_numbers = #tpu.dot_dimension_numbers<[1], [0], [0], [1], [0, 0, 1, 1], [], []>, transpose_lhs_hint = false} : vector<1024x128xf32>, vector<128x128xf32>, vector<1024x128xf32> -> vector<1024x128xf32>
    %add3A_204 = vector.broadcast %get3A_11 : vector<1x128xf32> to vector<1024x128xf32>
    %add3A_205 = arith.addf %dot_general3A_203, %add3A_204 : vector<1024x128xf32>
    %max3A_206 = arith.constant 0.000000e+00 : f32
    %max3A_207 = vector.broadcast %max3A_206 : f32 to vector<1024x128xf32>
    %max3A_208 = arith.maximumf %add3A_205, %max3A_207 : vector<1024x128xf32>
    %add3A_209 = arith.addf %get3A_201, %max3A_208 : vector<1024x128xf32>
    %lt3A_210 = vector.broadcast %add3A_196 : i32 to vector<1024x1xi32>
    %lt3A_211 = arith.cmpi slt, %lt3A_210, %get3A_1 : vector<1024x1xi32>
    %convert_element_type3A_212 = arith.extui %lt3A_211 : vector<1024x1xi1> to vector<1024x1xi32>
    %convert_element_type3A_213 = arith.sitofp %convert_element_type3A_212 : vector<1024x1xi32> to vector<1024x1xf32>
    %mul3A_214 = vector.broadcast %convert_element_type3A_213 : vector<1024x1xf32> to vector<1024x128xf32>
    %mul3A_215 = arith.mulf %add3A_209, %mul3A_214 : vector<1024x128xf32>
    %add3A_216 = arith.addf %add3A_190, %mul3A_215 : vector<1024x128xf32>
    %mul3A_217 = arith.constant 10 : i32
    %mul3A_218 = arith.muli %arg1, %mul3A_217 : i32
    %add3A_219 = arith.constant 30 : i32
    %add3A_220 = arith.addi %add3A_219, %mul3A_218 : i32
    %add3A_221 = arith.constant 8 : i32
    %add3A_222 = arith.addi %add3A_220, %add3A_221 : i32
    %get3A_223 = arith.constant 8 : index
    %get3A_224 = arith.constant 0 : index
    %get3A_225 = arith.constant 0 : index
    %get3A_226 = vector.load %arg3[%get3A_223, %get3A_224, %get3A_225] : memref<10x1024x128xf32, #tpu.memory_space<vmem>>, vector<1x1024x128xf32>
    %get3A_227 = vector.shape_cast %get3A_226 : vector<1x1024x128xf32> to vector<1024x128xf32>
    %dot_general3A_228 = arith.constant dense<0.000000e+00> : vector<1024x128xf32>
    %dot_general3A_229 = tpu.matmul %get3A_227, %get3A_8, %dot_general3A_228 {dimension_numbers = #tpu.dot_dimension_numbers<[1], [0], [0], [1], [0, 0, 1, 1], [], []>, transpose_lhs_hint = false} : vector<1024x128xf32>, vector<128x128xf32>, vector<1024x128xf32> -> vector<1024x128xf32>
    %add3A_230 = vector.broadcast %get3A_11 : vector<1x128xf32> to vector<1024x128xf32>
    %add3A_231 = arith.addf %dot_general3A_229, %add3A_230 : vector<1024x128xf32>
    %max3A_232 = arith.constant 0.000000e+00 : f32
    %max3A_233 = vector.broadcast %max3A_232 : f32 to vector<1024x128xf32>
    %max3A_234 = arith.maximumf %add3A_231, %max3A_233 : vector<1024x128xf32>
    %add3A_235 = arith.addf %get3A_227, %max3A_234 : vector<1024x128xf32>
    %lt3A_236 = vector.broadcast %add3A_222 : i32 to vector<1024x1xi32>
    %lt3A_237 = arith.cmpi slt, %lt3A_236, %get3A_1 : vector<1024x1xi32>
    %convert_element_type3A_238 = arith.extui %lt3A_237 : vector<1024x1xi1> to vector<1024x1xi32>
    %convert_element_type3A_239 = arith.sitofp %convert_element_type3A_238 : vector<1024x1xi32> to vector<1024x1xf32>
    %mul3A_240 = vector.broadcast %convert_element_type3A_239 : vector<1024x1xf32> to vector<1024x128xf32>
    %mul3A_241 = arith.mulf %add3A_235, %mul3A_240 : vector<1024x128xf32>
    %add3A_242 = arith.addf %add3A_216, %mul3A_241 : vector<1024x128xf32>
    %mul3A_243 = arith.constant 10 : i32
    %mul3A_244 = arith.muli %arg1, %mul3A_243 : i32
    %add3A_245 = arith.constant 30 : i32
    %add3A_246 = arith.addi %add3A_245, %mul3A_244 : i32
    %add3A_247 = arith.constant 9 : i32
    %add3A_248 = arith.addi %add3A_246, %add3A_247 : i32
    %get3A_249 = arith.constant 9 : index
    %get3A_250 = arith.constant 0 : index
    %get3A_251 = arith.constant 0 : index
    %get3A_252 = vector.load %arg3[%get3A_249, %get3A_250, %get3A_251] : memref<10x1024x128xf32, #tpu.memory_space<vmem>>, vector<1x1024x128xf32>
    %get3A_253 = vector.shape_cast %get3A_252 : vector<1x1024x128xf32> to vector<1024x128xf32>
    %dot_general3A_254 = arith.constant dense<0.000000e+00> : vector<1024x128xf32>
    %dot_general3A_255 = tpu.matmul %get3A_253, %get3A_8, %dot_general3A_254 {dimension_numbers = #tpu.dot_dimension_numbers<[1], [0], [0], [1], [0, 0, 1, 1], [], []>, transpose_lhs_hint = false} : vector<1024x128xf32>, vector<128x128xf32>, vector<1024x128xf32> -> vector<1024x128xf32>
    %add3A_256 = vector.broadcast %get3A_11 : vector<1x128xf32> to vector<1024x128xf32>
    %add3A_257 = arith.addf %dot_general3A_255, %add3A_256 : vector<1024x128xf32>
    %max3A_258 = arith.constant 0.000000e+00 : f32
    %max3A_259 = vector.broadcast %max3A_258 : f32 to vector<1024x128xf32>
    %max3A_260 = arith.maximumf %add3A_257, %max3A_259 : vector<1024x128xf32>
    %add3A_261 = arith.addf %get3A_253, %max3A_260 : vector<1024x128xf32>
    %lt3A_262 = vector.broadcast %add3A_248 : i32 to vector<1024x1xi32>
    %lt3A_263 = arith.cmpi slt, %lt3A_262, %get3A_1 : vector<1024x1xi32>
    %convert_element_type3A_264 = arith.extui %lt3A_263 : vector<1024x1xi1> to vector<1024x1xi32>
    %convert_element_type3A_265 = arith.sitofp %convert_element_type3A_264 : vector<1024x1xi32> to vector<1024x1xf32>
    %mul3A_266 = vector.broadcast %convert_element_type3A_265 : vector<1024x1xf32> to vector<1024x128xf32>
    %mul3A_267 = arith.mulf %add3A_261, %mul3A_266 : vector<1024x128xf32>
    %add3A_268 = arith.addf %add3A_242, %mul3A_267 : vector<1024x128xf32>
    %mul3A_269 = vector.broadcast %div3A_5 : vector<1024x1xf32> to vector<1024x128xf32>
    %mul3A_270 = arith.mulf %add3A_268, %mul3A_269 : vector<1024x128xf32>
    %eq3A = arith.constant 0 : i32
    %eq3A_271 = arith.cmpi eq, %arg1, %eq3A : i32
    %convert_element_type3A_272 = arith.extui %eq3A_271 : i1 to i32
    %cond3A = arith.constant 0 : i32
    %cond3A_273 = arith.cmpi ne, %convert_element_type3A_272, %cond3A : i32
    scf.if %cond3A_273 {
      %swap3A = arith.constant 0 : index
      %swap3A_278 = arith.constant 0 : index
      %swap3A_279 = vector.load %arg6[%swap3A, %swap3A_278] : memref<1024x128xf32, #tpu.memory_space<vmem>>, vector<1024x128xf32>
      tpu.vector_store %arg6[%swap3A, %swap3A_278], %mul3A_270 {strides = array<i32>} : memref<1024x128xf32, #tpu.memory_space<vmem>>, vector<1024x128xf32>,
    } else {
    }
    %gt3A = arith.constant 0 : i32
    %gt3A_274 = arith.cmpi sgt, %arg1, %gt3A : i32
    %convert_element_type3A_275 = arith.extui %gt3A_274 : i1 to i32
    %cond3A_276 = arith.constant 0 : i32
    %cond3A_277 = arith.cmpi ne, %convert_element_type3A_275, %cond3A_276 : i32
    scf.if %cond3A_277 {
      %get3A_278 = arith.constant 0 : index
      %get3A_279 = arith.constant 0 : index
      %get3A_280 = vector.load %arg6[%get3A_278, %get3A_279] : memref<1024x128xf32, #tpu.memory_space<vmem>>, vector<1024x128xf32>
      %add3A_281 = arith.addf %get3A_280, %mul3A_270 : vector<1024x128xf32>
      %swap3A = arith.constant 0 : index
      %swap3A_282 = arith.constant 0 : index
      %swap3A_283 = vector.load %arg6[%swap3A, %swap3A_282] : memref<1024x128xf32, #tpu.memory_space<vmem>>, vector<1024x128xf32>
      tpu.vector_store %arg6[%swap3A, %swap3A_282], %add3A_281 {strides = array<i32>} : memref<1024x128xf32, #tpu.memory_space<vmem>>, vector<1024x128xf32>,
    } else {
    }
    return
  }
  func.func @transform_0(%arg0: i32, %arg1: i32) -> (i32, i32) {
    %c0_i32 = arith.constant 0 : i32
    %c0_i32_0 = arith.constant 0 : i32
    return %arg0, %c0_i32 : i32, i32
  }
  func.func @transform_1(%arg0: i32, %arg1: i32) -> (i32, i32, i32) {
    %c0_i32 = arith.constant 0 : i32
    %c0_i32_0 = arith.constant 0 : i32
    return %arg1, %arg0, %c0_i32 : i32, i32, i32
  }
  func.func @transform_2(%arg0: i32, %arg1: i32) -> (i32, i32) {
    %c0_i32 = arith.constant 0 : i32
    %c0_i32_0 = arith.constant 0 : i32
    %c0_i32_1 = arith.constant 0 : i32
    return %c0_i32, %c0_i32_0 : i32, i32
  }
  func.func @transform_3(%arg0: i32, %arg1: i32) -> (i32, i32) {
    %c0_i32 = arith.constant 0 : i32
    %c0_i32_0 = arith.constant 0 : i32
    %c0_i32_1 = arith.constant 0 : i32
    return %c0_i32, %c0_i32_0 : i32, i32
  }
  func.func @transform_4(%arg0: i32, %arg1: i32) -> (i32, i32) {
    %c0_i32 = arith.constant 0 : i32
    %c0_i32_0 = arith.constant 0 : i32
    return %arg0, %c0_i32 : i32, i32
  }
}

module attributes {stable_mosaic.version = 14 : i64} {
  func.func @_tc_body(%arg0: i32, %arg1: i32, %arg2: memref<1024x1xi32, #tpu.memory_space<vmem>>, %arg3: memref<10x1024x128xf32, #tpu.memory_space<vmem>>, %arg4: memref<128x128xf32, #tpu.memory_space<vmem>>, %arg5: memref<1x128xf32, #tpu.memory_space<vmem>>, %arg6: memref<1024x128xf32, #tpu.memory_space<vmem>>) attributes {dimension_semantics = [#tpu.dimension_semantics<arbitrary>, #tpu.dimension_semantics<arbitrary>], iteration_bounds = array<i64: 4, 1>, scalar_prefetch = 0 : i64, scratch_operands = 0 : i64, tpu.core_type = #tpu.core_type<tc>, window_params = [{transform_indices = @transform_0, window_bounds = array<i64: 1024, 1>}, {transform_indices = @transform_1, window_bounds = array<i64: 10, 1024, 128>}, {pipeline_mode = #tpu.pipeline_mode<synchronous>, transform_indices = @transform_2, window_bounds = array<i64: 128, 128>}, {pipeline_mode = #tpu.pipeline_mode<synchronous>, transform_indices = @transform_3, window_bounds = array<i64: 1, 128>}, {transform_indices = @transform_4, window_bounds = array<i64: 1024, 128>}]} {
    %get3A = arith.constant 0 : index
    %get3A_0 = arith.constant 0 : index
    %get3A_1 = vector.load %arg2[%get3A, %get3A_0] : memref<1024x1xi32, #tpu.memory_space<vmem>>, vector<1024x1xi32>
    %max3A = arith.constant 1 : i32
    %max3A_2 = vector.broadcast %max3A : i32 to vector<1024x1xi32>
    %max3A_3 = arith.maxsi %get3A_1, %max3A_2 : vector<1024x1xi32>
    %convert_element_type3A = arith.sitofp %max3A_3 : vector<1024x1xi32> to vector<1024x1xf32>
    %div3A = arith.constant 1.000000e+00 : f32
    %div3A_4 = vector.broadcast %div3A : f32 to vector<1024x1xf32>
    %div3A_5 = arith.divf %div3A_4, %convert_element_type3A : vector<1024x1xf32>
    %get3A_6 = arith.constant 0 : index
    %get3A_7 = arith.constant 0 : index
    %get3A_8 = vector.load %arg4[%get3A_6, %get3A_7] : memref<128x128xf32, #tpu.memory_space<vmem>>, vector<128x128xf32>
    %get3A_9 = arith.constant 0 : index
    %get3A_10 = arith.constant 0 : index
    %get3A_11 = vector.load %arg5[%get3A_9, %get3A_10] : memref<1x128xf32, #tpu.memory_space<vmem>>, vector<1x128xf32>
    %broadcast_in_dim3A = arith.constant 0.000000e+00 : f32
    %broadcast_in_dim3A_12 = vector.broadcast %broadcast_in_dim3A : f32 to vector<1024x128xf32>
    %mul3A = arith.constant 10 : i32
    %mul3A_13 = arith.muli %arg1, %mul3A : i32
    %add3A = arith.constant 40 : i32
    %add3A_14 = arith.addi %add3A, %mul3A_13 : i32
    %add3A_15 = arith.constant 0 : i32
    %add3A_16 = arith.addi %add3A_14, %add3A_15 : i32
    %get3A_17 = arith.constant 0 : index
    %get3A_18 = arith.constant 0 : index
    %get3A_19 = arith.constant 0 : index
    %get3A_20 = vector.load %arg3[%get3A_17, %get3A_18, %get3A_19] : memref<10x1024x128xf32, #tpu.memory_space<vmem>>, vector<1x1024x128xf32>
    %get3A_21 = vector.shape_cast %get3A_20 : vector<1x1024x128xf32> to vector<1024x128xf32>
    %dot_general3A = arith.constant dense<0.000000e+00> : vector<1024x128xf32>
    %dot_general3A_22 = tpu.matmul %get3A_21, %get3A_8, %dot_general3A {dimension_numbers = #tpu.dot_dimension_numbers<[1], [0], [0], [1], [0, 0, 1, 1], [], []>, transpose_lhs_hint = false} : vector<1024x128xf32>, vector<128x128xf32>, vector<1024x128xf32> -> vector<1024x128xf32>
    %add3A_23 = vector.broadcast %get3A_11 : vector<1x128xf32> to vector<1024x128xf32>
    %add3A_24 = arith.addf %dot_general3A_22, %add3A_23 : vector<1024x128xf32>
    %max3A_25 = arith.constant 0.000000e+00 : f32
    %max3A_26 = vector.broadcast %max3A_25 : f32 to vector<1024x128xf32>
    %max3A_27 = arith.maximumf %add3A_24, %max3A_26 : vector<1024x128xf32>
    %add3A_28 = arith.addf %get3A_21, %max3A_27 : vector<1024x128xf32>
    %lt3A = vector.broadcast %add3A_16 : i32 to vector<1024x1xi32>
    %lt3A_29 = arith.cmpi slt, %lt3A, %get3A_1 : vector<1024x1xi32>
    %convert_element_type3A_30 = arith.extui %lt3A_29 : vector<1024x1xi1> to vector<1024x1xi32>
    %convert_element_type3A_31 = arith.sitofp %convert_element_type3A_30 : vector<1024x1xi32> to vector<1024x1xf32>
    %mul3A_32 = vector.broadcast %convert_element_type3A_31 : vector<1024x1xf32> to vector<1024x128xf32>
    %mul3A_33 = arith.mulf %add3A_28, %mul3A_32 : vector<1024x128xf32>
    %add3A_34 = arith.addf %broadcast_in_dim3A_12, %mul3A_33 : vector<1024x128xf32>
    %mul3A_35 = arith.constant 10 : i32
    %mul3A_36 = arith.muli %arg1, %mul3A_35 : i32
    %add3A_37 = arith.constant 40 : i32
    %add3A_38 = arith.addi %add3A_37, %mul3A_36 : i32
    %add3A_39 = arith.constant 1 : i32
    %add3A_40 = arith.addi %add3A_38, %add3A_39 : i32
    %get3A_41 = arith.constant 1 : index
    %get3A_42 = arith.constant 0 : index
    %get3A_43 = arith.constant 0 : index
    %get3A_44 = vector.load %arg3[%get3A_41, %get3A_42, %get3A_43] : memref<10x1024x128xf32, #tpu.memory_space<vmem>>, vector<1x1024x128xf32>
    %get3A_45 = vector.shape_cast %get3A_44 : vector<1x1024x128xf32> to vector<1024x128xf32>
    %dot_general3A_46 = arith.constant dense<0.000000e+00> : vector<1024x128xf32>
    %dot_general3A_47 = tpu.matmul %get3A_45, %get3A_8, %dot_general3A_46 {dimension_numbers = #tpu.dot_dimension_numbers<[1], [0], [0], [1], [0, 0, 1, 1], [], []>, transpose_lhs_hint = false} : vector<1024x128xf32>, vector<128x128xf32>, vector<1024x128xf32> -> vector<1024x128xf32>
    %add3A_48 = vector.broadcast %get3A_11 : vector<1x128xf32> to vector<1024x128xf32>
    %add3A_49 = arith.addf %dot_general3A_47, %add3A_48 : vector<1024x128xf32>
    %max3A_50 = arith.constant 0.000000e+00 : f32
    %max3A_51 = vector.broadcast %max3A_50 : f32 to vector<1024x128xf32>
    %max3A_52 = arith.maximumf %add3A_49, %max3A_51 : vector<1024x128xf32>
    %add3A_53 = arith.addf %get3A_45, %max3A_52 : vector<1024x128xf32>
    %lt3A_54 = vector.broadcast %add3A_40 : i32 to vector<1024x1xi32>
    %lt3A_55 = arith.cmpi slt, %lt3A_54, %get3A_1 : vector<1024x1xi32>
    %convert_element_type3A_56 = arith.extui %lt3A_55 : vector<1024x1xi1> to vector<1024x1xi32>
    %convert_element_type3A_57 = arith.sitofp %convert_element_type3A_56 : vector<1024x1xi32> to vector<1024x1xf32>
    %mul3A_58 = vector.broadcast %convert_element_type3A_57 : vector<1024x1xf32> to vector<1024x128xf32>
    %mul3A_59 = arith.mulf %add3A_53, %mul3A_58 : vector<1024x128xf32>
    %add3A_60 = arith.addf %add3A_34, %mul3A_59 : vector<1024x128xf32>
    %mul3A_61 = arith.constant 10 : i32
    %mul3A_62 = arith.muli %arg1, %mul3A_61 : i32
    %add3A_63 = arith.constant 40 : i32
    %add3A_64 = arith.addi %add3A_63, %mul3A_62 : i32
    %add3A_65 = arith.constant 2 : i32
    %add3A_66 = arith.addi %add3A_64, %add3A_65 : i32
    %get3A_67 = arith.constant 2 : index
    %get3A_68 = arith.constant 0 : index
    %get3A_69 = arith.constant 0 : index
    %get3A_70 = vector.load %arg3[%get3A_67, %get3A_68, %get3A_69] : memref<10x1024x128xf32, #tpu.memory_space<vmem>>, vector<1x1024x128xf32>
    %get3A_71 = vector.shape_cast %get3A_70 : vector<1x1024x128xf32> to vector<1024x128xf32>
    %dot_general3A_72 = arith.constant dense<0.000000e+00> : vector<1024x128xf32>
    %dot_general3A_73 = tpu.matmul %get3A_71, %get3A_8, %dot_general3A_72 {dimension_numbers = #tpu.dot_dimension_numbers<[1], [0], [0], [1], [0, 0, 1, 1], [], []>, transpose_lhs_hint = false} : vector<1024x128xf32>, vector<128x128xf32>, vector<1024x128xf32> -> vector<1024x128xf32>
    %add3A_74 = vector.broadcast %get3A_11 : vector<1x128xf32> to vector<1024x128xf32>
    %add3A_75 = arith.addf %dot_general3A_73, %add3A_74 : vector<1024x128xf32>
    %max3A_76 = arith.constant 0.000000e+00 : f32
    %max3A_77 = vector.broadcast %max3A_76 : f32 to vector<1024x128xf32>
    %max3A_78 = arith.maximumf %add3A_75, %max3A_77 : vector<1024x128xf32>
    %add3A_79 = arith.addf %get3A_71, %max3A_78 : vector<1024x128xf32>
    %lt3A_80 = vector.broadcast %add3A_66 : i32 to vector<1024x1xi32>
    %lt3A_81 = arith.cmpi slt, %lt3A_80, %get3A_1 : vector<1024x1xi32>
    %convert_element_type3A_82 = arith.extui %lt3A_81 : vector<1024x1xi1> to vector<1024x1xi32>
    %convert_element_type3A_83 = arith.sitofp %convert_element_type3A_82 : vector<1024x1xi32> to vector<1024x1xf32>
    %mul3A_84 = vector.broadcast %convert_element_type3A_83 : vector<1024x1xf32> to vector<1024x128xf32>
    %mul3A_85 = arith.mulf %add3A_79, %mul3A_84 : vector<1024x128xf32>
    %add3A_86 = arith.addf %add3A_60, %mul3A_85 : vector<1024x128xf32>
    %mul3A_87 = arith.constant 10 : i32
    %mul3A_88 = arith.muli %arg1, %mul3A_87 : i32
    %add3A_89 = arith.constant 40 : i32
    %add3A_90 = arith.addi %add3A_89, %mul3A_88 : i32
    %add3A_91 = arith.constant 3 : i32
    %add3A_92 = arith.addi %add3A_90, %add3A_91 : i32
    %get3A_93 = arith.constant 3 : index
    %get3A_94 = arith.constant 0 : index
    %get3A_95 = arith.constant 0 : index
    %get3A_96 = vector.load %arg3[%get3A_93, %get3A_94, %get3A_95] : memref<10x1024x128xf32, #tpu.memory_space<vmem>>, vector<1x1024x128xf32>
    %get3A_97 = vector.shape_cast %get3A_96 : vector<1x1024x128xf32> to vector<1024x128xf32>
    %dot_general3A_98 = arith.constant dense<0.000000e+00> : vector<1024x128xf32>
    %dot_general3A_99 = tpu.matmul %get3A_97, %get3A_8, %dot_general3A_98 {dimension_numbers = #tpu.dot_dimension_numbers<[1], [0], [0], [1], [0, 0, 1, 1], [], []>, transpose_lhs_hint = false} : vector<1024x128xf32>, vector<128x128xf32>, vector<1024x128xf32> -> vector<1024x128xf32>
    %add3A_100 = vector.broadcast %get3A_11 : vector<1x128xf32> to vector<1024x128xf32>
    %add3A_101 = arith.addf %dot_general3A_99, %add3A_100 : vector<1024x128xf32>
    %max3A_102 = arith.constant 0.000000e+00 : f32
    %max3A_103 = vector.broadcast %max3A_102 : f32 to vector<1024x128xf32>
    %max3A_104 = arith.maximumf %add3A_101, %max3A_103 : vector<1024x128xf32>
    %add3A_105 = arith.addf %get3A_97, %max3A_104 : vector<1024x128xf32>
    %lt3A_106 = vector.broadcast %add3A_92 : i32 to vector<1024x1xi32>
    %lt3A_107 = arith.cmpi slt, %lt3A_106, %get3A_1 : vector<1024x1xi32>
    %convert_element_type3A_108 = arith.extui %lt3A_107 : vector<1024x1xi1> to vector<1024x1xi32>
    %convert_element_type3A_109 = arith.sitofp %convert_element_type3A_108 : vector<1024x1xi32> to vector<1024x1xf32>
    %mul3A_110 = vector.broadcast %convert_element_type3A_109 : vector<1024x1xf32> to vector<1024x128xf32>
    %mul3A_111 = arith.mulf %add3A_105, %mul3A_110 : vector<1024x128xf32>
    %add3A_112 = arith.addf %add3A_86, %mul3A_111 : vector<1024x128xf32>
    %mul3A_113 = arith.constant 10 : i32
    %mul3A_114 = arith.muli %arg1, %mul3A_113 : i32
    %add3A_115 = arith.constant 40 : i32
    %add3A_116 = arith.addi %add3A_115, %mul3A_114 : i32
    %add3A_117 = arith.constant 4 : i32
    %add3A_118 = arith.addi %add3A_116, %add3A_117 : i32
    %get3A_119 = arith.constant 4 : index
    %get3A_120 = arith.constant 0 : index
    %get3A_121 = arith.constant 0 : index
    %get3A_122 = vector.load %arg3[%get3A_119, %get3A_120, %get3A_121] : memref<10x1024x128xf32, #tpu.memory_space<vmem>>, vector<1x1024x128xf32>
    %get3A_123 = vector.shape_cast %get3A_122 : vector<1x1024x128xf32> to vector<1024x128xf32>
    %dot_general3A_124 = arith.constant dense<0.000000e+00> : vector<1024x128xf32>
    %dot_general3A_125 = tpu.matmul %get3A_123, %get3A_8, %dot_general3A_124 {dimension_numbers = #tpu.dot_dimension_numbers<[1], [0], [0], [1], [0, 0, 1, 1], [], []>, transpose_lhs_hint = false} : vector<1024x128xf32>, vector<128x128xf32>, vector<1024x128xf32> -> vector<1024x128xf32>
    %add3A_126 = vector.broadcast %get3A_11 : vector<1x128xf32> to vector<1024x128xf32>
    %add3A_127 = arith.addf %dot_general3A_125, %add3A_126 : vector<1024x128xf32>
    %max3A_128 = arith.constant 0.000000e+00 : f32
    %max3A_129 = vector.broadcast %max3A_128 : f32 to vector<1024x128xf32>
    %max3A_130 = arith.maximumf %add3A_127, %max3A_129 : vector<1024x128xf32>
    %add3A_131 = arith.addf %get3A_123, %max3A_130 : vector<1024x128xf32>
    %lt3A_132 = vector.broadcast %add3A_118 : i32 to vector<1024x1xi32>
    %lt3A_133 = arith.cmpi slt, %lt3A_132, %get3A_1 : vector<1024x1xi32>
    %convert_element_type3A_134 = arith.extui %lt3A_133 : vector<1024x1xi1> to vector<1024x1xi32>
    %convert_element_type3A_135 = arith.sitofp %convert_element_type3A_134 : vector<1024x1xi32> to vector<1024x1xf32>
    %mul3A_136 = vector.broadcast %convert_element_type3A_135 : vector<1024x1xf32> to vector<1024x128xf32>
    %mul3A_137 = arith.mulf %add3A_131, %mul3A_136 : vector<1024x128xf32>
    %add3A_138 = arith.addf %add3A_112, %mul3A_137 : vector<1024x128xf32>
    %mul3A_139 = arith.constant 10 : i32
    %mul3A_140 = arith.muli %arg1, %mul3A_139 : i32
    %add3A_141 = arith.constant 40 : i32
    %add3A_142 = arith.addi %add3A_141, %mul3A_140 : i32
    %add3A_143 = arith.constant 5 : i32
    %add3A_144 = arith.addi %add3A_142, %add3A_143 : i32
    %get3A_145 = arith.constant 5 : index
    %get3A_146 = arith.constant 0 : index
    %get3A_147 = arith.constant 0 : index
    %get3A_148 = vector.load %arg3[%get3A_145, %get3A_146, %get3A_147] : memref<10x1024x128xf32, #tpu.memory_space<vmem>>, vector<1x1024x128xf32>
    %get3A_149 = vector.shape_cast %get3A_148 : vector<1x1024x128xf32> to vector<1024x128xf32>
    %dot_general3A_150 = arith.constant dense<0.000000e+00> : vector<1024x128xf32>
    %dot_general3A_151 = tpu.matmul %get3A_149, %get3A_8, %dot_general3A_150 {dimension_numbers = #tpu.dot_dimension_numbers<[1], [0], [0], [1], [0, 0, 1, 1], [], []>, transpose_lhs_hint = false} : vector<1024x128xf32>, vector<128x128xf32>, vector<1024x128xf32> -> vector<1024x128xf32>
    %add3A_152 = vector.broadcast %get3A_11 : vector<1x128xf32> to vector<1024x128xf32>
    %add3A_153 = arith.addf %dot_general3A_151, %add3A_152 : vector<1024x128xf32>
    %max3A_154 = arith.constant 0.000000e+00 : f32
    %max3A_155 = vector.broadcast %max3A_154 : f32 to vector<1024x128xf32>
    %max3A_156 = arith.maximumf %add3A_153, %max3A_155 : vector<1024x128xf32>
    %add3A_157 = arith.addf %get3A_149, %max3A_156 : vector<1024x128xf32>
    %lt3A_158 = vector.broadcast %add3A_144 : i32 to vector<1024x1xi32>
    %lt3A_159 = arith.cmpi slt, %lt3A_158, %get3A_1 : vector<1024x1xi32>
    %convert_element_type3A_160 = arith.extui %lt3A_159 : vector<1024x1xi1> to vector<1024x1xi32>
    %convert_element_type3A_161 = arith.sitofp %convert_element_type3A_160 : vector<1024x1xi32> to vector<1024x1xf32>
    %mul3A_162 = vector.broadcast %convert_element_type3A_161 : vector<1024x1xf32> to vector<1024x128xf32>
    %mul3A_163 = arith.mulf %add3A_157, %mul3A_162 : vector<1024x128xf32>
    %add3A_164 = arith.addf %add3A_138, %mul3A_163 : vector<1024x128xf32>
    %mul3A_165 = arith.constant 10 : i32
    %mul3A_166 = arith.muli %arg1, %mul3A_165 : i32
    %add3A_167 = arith.constant 40 : i32
    %add3A_168 = arith.addi %add3A_167, %mul3A_166 : i32
    %add3A_169 = arith.constant 6 : i32
    %add3A_170 = arith.addi %add3A_168, %add3A_169 : i32
    %get3A_171 = arith.constant 6 : index
    %get3A_172 = arith.constant 0 : index
    %get3A_173 = arith.constant 0 : index
    %get3A_174 = vector.load %arg3[%get3A_171, %get3A_172, %get3A_173] : memref<10x1024x128xf32, #tpu.memory_space<vmem>>, vector<1x1024x128xf32>
    %get3A_175 = vector.shape_cast %get3A_174 : vector<1x1024x128xf32> to vector<1024x128xf32>
    %dot_general3A_176 = arith.constant dense<0.000000e+00> : vector<1024x128xf32>
    %dot_general3A_177 = tpu.matmul %get3A_175, %get3A_8, %dot_general3A_176 {dimension_numbers = #tpu.dot_dimension_numbers<[1], [0], [0], [1], [0, 0, 1, 1], [], []>, transpose_lhs_hint = false} : vector<1024x128xf32>, vector<128x128xf32>, vector<1024x128xf32> -> vector<1024x128xf32>
    %add3A_178 = vector.broadcast %get3A_11 : vector<1x128xf32> to vector<1024x128xf32>
    %add3A_179 = arith.addf %dot_general3A_177, %add3A_178 : vector<1024x128xf32>
    %max3A_180 = arith.constant 0.000000e+00 : f32
    %max3A_181 = vector.broadcast %max3A_180 : f32 to vector<1024x128xf32>
    %max3A_182 = arith.maximumf %add3A_179, %max3A_181 : vector<1024x128xf32>
    %add3A_183 = arith.addf %get3A_175, %max3A_182 : vector<1024x128xf32>
    %lt3A_184 = vector.broadcast %add3A_170 : i32 to vector<1024x1xi32>
    %lt3A_185 = arith.cmpi slt, %lt3A_184, %get3A_1 : vector<1024x1xi32>
    %convert_element_type3A_186 = arith.extui %lt3A_185 : vector<1024x1xi1> to vector<1024x1xi32>
    %convert_element_type3A_187 = arith.sitofp %convert_element_type3A_186 : vector<1024x1xi32> to vector<1024x1xf32>
    %mul3A_188 = vector.broadcast %convert_element_type3A_187 : vector<1024x1xf32> to vector<1024x128xf32>
    %mul3A_189 = arith.mulf %add3A_183, %mul3A_188 : vector<1024x128xf32>
    %add3A_190 = arith.addf %add3A_164, %mul3A_189 : vector<1024x128xf32>
    %mul3A_191 = arith.constant 10 : i32
    %mul3A_192 = arith.muli %arg1, %mul3A_191 : i32
    %add3A_193 = arith.constant 40 : i32
    %add3A_194 = arith.addi %add3A_193, %mul3A_192 : i32
    %add3A_195 = arith.constant 7 : i32
    %add3A_196 = arith.addi %add3A_194, %add3A_195 : i32
    %get3A_197 = arith.constant 7 : index
    %get3A_198 = arith.constant 0 : index
    %get3A_199 = arith.constant 0 : index
    %get3A_200 = vector.load %arg3[%get3A_197, %get3A_198, %get3A_199] : memref<10x1024x128xf32, #tpu.memory_space<vmem>>, vector<1x1024x128xf32>
    %get3A_201 = vector.shape_cast %get3A_200 : vector<1x1024x128xf32> to vector<1024x128xf32>
    %dot_general3A_202 = arith.constant dense<0.000000e+00> : vector<1024x128xf32>
    %dot_general3A_203 = tpu.matmul %get3A_201, %get3A_8, %dot_general3A_202 {dimension_numbers = #tpu.dot_dimension_numbers<[1], [0], [0], [1], [0, 0, 1, 1], [], []>, transpose_lhs_hint = false} : vector<1024x128xf32>, vector<128x128xf32>, vector<1024x128xf32> -> vector<1024x128xf32>
    %add3A_204 = vector.broadcast %get3A_11 : vector<1x128xf32> to vector<1024x128xf32>
    %add3A_205 = arith.addf %dot_general3A_203, %add3A_204 : vector<1024x128xf32>
    %max3A_206 = arith.constant 0.000000e+00 : f32
    %max3A_207 = vector.broadcast %max3A_206 : f32 to vector<1024x128xf32>
    %max3A_208 = arith.maximumf %add3A_205, %max3A_207 : vector<1024x128xf32>
    %add3A_209 = arith.addf %get3A_201, %max3A_208 : vector<1024x128xf32>
    %lt3A_210 = vector.broadcast %add3A_196 : i32 to vector<1024x1xi32>
    %lt3A_211 = arith.cmpi slt, %lt3A_210, %get3A_1 : vector<1024x1xi32>
    %convert_element_type3A_212 = arith.extui %lt3A_211 : vector<1024x1xi1> to vector<1024x1xi32>
    %convert_element_type3A_213 = arith.sitofp %convert_element_type3A_212 : vector<1024x1xi32> to vector<1024x1xf32>
    %mul3A_214 = vector.broadcast %convert_element_type3A_213 : vector<1024x1xf32> to vector<1024x128xf32>
    %mul3A_215 = arith.mulf %add3A_209, %mul3A_214 : vector<1024x128xf32>
    %add3A_216 = arith.addf %add3A_190, %mul3A_215 : vector<1024x128xf32>
    %mul3A_217 = arith.constant 10 : i32
    %mul3A_218 = arith.muli %arg1, %mul3A_217 : i32
    %add3A_219 = arith.constant 40 : i32
    %add3A_220 = arith.addi %add3A_219, %mul3A_218 : i32
    %add3A_221 = arith.constant 8 : i32
    %add3A_222 = arith.addi %add3A_220, %add3A_221 : i32
    %get3A_223 = arith.constant 8 : index
    %get3A_224 = arith.constant 0 : index
    %get3A_225 = arith.constant 0 : index
    %get3A_226 = vector.load %arg3[%get3A_223, %get3A_224, %get3A_225] : memref<10x1024x128xf32, #tpu.memory_space<vmem>>, vector<1x1024x128xf32>
    %get3A_227 = vector.shape_cast %get3A_226 : vector<1x1024x128xf32> to vector<1024x128xf32>
    %dot_general3A_228 = arith.constant dense<0.000000e+00> : vector<1024x128xf32>
    %dot_general3A_229 = tpu.matmul %get3A_227, %get3A_8, %dot_general3A_228 {dimension_numbers = #tpu.dot_dimension_numbers<[1], [0], [0], [1], [0, 0, 1, 1], [], []>, transpose_lhs_hint = false} : vector<1024x128xf32>, vector<128x128xf32>, vector<1024x128xf32> -> vector<1024x128xf32>
    %add3A_230 = vector.broadcast %get3A_11 : vector<1x128xf32> to vector<1024x128xf32>
    %add3A_231 = arith.addf %dot_general3A_229, %add3A_230 : vector<1024x128xf32>
    %max3A_232 = arith.constant 0.000000e+00 : f32
    %max3A_233 = vector.broadcast %max3A_232 : f32 to vector<1024x128xf32>
    %max3A_234 = arith.maximumf %add3A_231, %max3A_233 : vector<1024x128xf32>
    %add3A_235 = arith.addf %get3A_227, %max3A_234 : vector<1024x128xf32>
    %lt3A_236 = vector.broadcast %add3A_222 : i32 to vector<1024x1xi32>
    %lt3A_237 = arith.cmpi slt, %lt3A_236, %get3A_1 : vector<1024x1xi32>
    %convert_element_type3A_238 = arith.extui %lt3A_237 : vector<1024x1xi1> to vector<1024x1xi32>
    %convert_element_type3A_239 = arith.sitofp %convert_element_type3A_238 : vector<1024x1xi32> to vector<1024x1xf32>
    %mul3A_240 = vector.broadcast %convert_element_type3A_239 : vector<1024x1xf32> to vector<1024x128xf32>
    %mul3A_241 = arith.mulf %add3A_235, %mul3A_240 : vector<1024x128xf32>
    %add3A_242 = arith.addf %add3A_216, %mul3A_241 : vector<1024x128xf32>
    %mul3A_243 = arith.constant 10 : i32
    %mul3A_244 = arith.muli %arg1, %mul3A_243 : i32
    %add3A_245 = arith.constant 40 : i32
    %add3A_246 = arith.addi %add3A_245, %mul3A_244 : i32
    %add3A_247 = arith.constant 9 : i32
    %add3A_248 = arith.addi %add3A_246, %add3A_247 : i32
    %get3A_249 = arith.constant 9 : index
    %get3A_250 = arith.constant 0 : index
    %get3A_251 = arith.constant 0 : index
    %get3A_252 = vector.load %arg3[%get3A_249, %get3A_250, %get3A_251] : memref<10x1024x128xf32, #tpu.memory_space<vmem>>, vector<1x1024x128xf32>
    %get3A_253 = vector.shape_cast %get3A_252 : vector<1x1024x128xf32> to vector<1024x128xf32>
    %dot_general3A_254 = arith.constant dense<0.000000e+00> : vector<1024x128xf32>
    %dot_general3A_255 = tpu.matmul %get3A_253, %get3A_8, %dot_general3A_254 {dimension_numbers = #tpu.dot_dimension_numbers<[1], [0], [0], [1], [0, 0, 1, 1], [], []>, transpose_lhs_hint = false} : vector<1024x128xf32>, vector<128x128xf32>, vector<1024x128xf32> -> vector<1024x128xf32>
    %add3A_256 = vector.broadcast %get3A_11 : vector<1x128xf32> to vector<1024x128xf32>
    %add3A_257 = arith.addf %dot_general3A_255, %add3A_256 : vector<1024x128xf32>
    %max3A_258 = arith.constant 0.000000e+00 : f32
    %max3A_259 = vector.broadcast %max3A_258 : f32 to vector<1024x128xf32>
    %max3A_260 = arith.maximumf %add3A_257, %max3A_259 : vector<1024x128xf32>
    %add3A_261 = arith.addf %get3A_253, %max3A_260 : vector<1024x128xf32>
    %lt3A_262 = vector.broadcast %add3A_248 : i32 to vector<1024x1xi32>
    %lt3A_263 = arith.cmpi slt, %lt3A_262, %get3A_1 : vector<1024x1xi32>
    %convert_element_type3A_264 = arith.extui %lt3A_263 : vector<1024x1xi1> to vector<1024x1xi32>
    %convert_element_type3A_265 = arith.sitofp %convert_element_type3A_264 : vector<1024x1xi32> to vector<1024x1xf32>
    %mul3A_266 = vector.broadcast %convert_element_type3A_265 : vector<1024x1xf32> to vector<1024x128xf32>
    %mul3A_267 = arith.mulf %add3A_261, %mul3A_266 : vector<1024x128xf32>
    %add3A_268 = arith.addf %add3A_242, %mul3A_267 : vector<1024x128xf32>
    %mul3A_269 = vector.broadcast %div3A_5 : vector<1024x1xf32> to vector<1024x128xf32>
    %mul3A_270 = arith.mulf %add3A_268, %mul3A_269 : vector<1024x128xf32>
    %eq3A = arith.constant 0 : i32
    %eq3A_271 = arith.cmpi eq, %arg1, %eq3A : i32
    %convert_element_type3A_272 = arith.extui %eq3A_271 : i1 to i32
    %cond3A = arith.constant 0 : i32
    %cond3A_273 = arith.cmpi ne, %convert_element_type3A_272, %cond3A : i32
    scf.if %cond3A_273 {
      %swap3A = arith.constant 0 : index
      %swap3A_278 = arith.constant 0 : index
      %swap3A_279 = vector.load %arg6[%swap3A, %swap3A_278] : memref<1024x128xf32, #tpu.memory_space<vmem>>, vector<1024x128xf32>
      tpu.vector_store %arg6[%swap3A, %swap3A_278], %mul3A_270 {strides = array<i32>} : memref<1024x128xf32, #tpu.memory_space<vmem>>, vector<1024x128xf32>,
    } else {
    }
    %gt3A = arith.constant 0 : i32
    %gt3A_274 = arith.cmpi sgt, %arg1, %gt3A : i32
    %convert_element_type3A_275 = arith.extui %gt3A_274 : i1 to i32
    %cond3A_276 = arith.constant 0 : i32
    %cond3A_277 = arith.cmpi ne, %convert_element_type3A_275, %cond3A_276 : i32
    scf.if %cond3A_277 {
      %get3A_278 = arith.constant 0 : index
      %get3A_279 = arith.constant 0 : index
      %get3A_280 = vector.load %arg6[%get3A_278, %get3A_279] : memref<1024x128xf32, #tpu.memory_space<vmem>>, vector<1024x128xf32>
      %add3A_281 = arith.addf %get3A_280, %mul3A_270 : vector<1024x128xf32>
      %swap3A = arith.constant 0 : index
      %swap3A_282 = arith.constant 0 : index
      %swap3A_283 = vector.load %arg6[%swap3A, %swap3A_282] : memref<1024x128xf32, #tpu.memory_space<vmem>>, vector<1024x128xf32>
      tpu.vector_store %arg6[%swap3A, %swap3A_282], %add3A_281 {strides = array<i32>} : memref<1024x128xf32, #tpu.memory_space<vmem>>, vector<1024x128xf32>,
    } else {
    }
    return
  }
  func.func @transform_0(%arg0: i32, %arg1: i32) -> (i32, i32) {
    %c0_i32 = arith.constant 0 : i32
    %c0_i32_0 = arith.constant 0 : i32
    return %arg0, %c0_i32 : i32, i32
  }
  func.func @transform_1(%arg0: i32, %arg1: i32) -> (i32, i32, i32) {
    %c0_i32 = arith.constant 0 : i32
    %c0_i32_0 = arith.constant 0 : i32
    return %arg1, %arg0, %c0_i32 : i32, i32, i32
  }
  func.func @transform_2(%arg0: i32, %arg1: i32) -> (i32, i32) {
    %c0_i32 = arith.constant 0 : i32
    %c0_i32_0 = arith.constant 0 : i32
    %c0_i32_1 = arith.constant 0 : i32
    return %c0_i32, %c0_i32_0 : i32, i32
  }
  func.func @transform_3(%arg0: i32, %arg1: i32) -> (i32, i32) {
    %c0_i32 = arith.constant 0 : i32
    %c0_i32_0 = arith.constant 0 : i32
    %c0_i32_1 = arith.constant 0 : i32
    return %c0_i32, %c0_i32_0 : i32, i32
  }
  func.func @transform_4(%arg0: i32, %arg1: i32) -> (i32, i32) {
    %c0_i32 = arith.constant 0 : i32
    %c0_i32_0 = arith.constant 0 : i32
    return %arg0, %c0_i32 : i32, i32
  }
}

module attributes {stable_mosaic.version = 14 : i64} {
  func.func @_tc_body(%arg0: i32, %arg1: i32, %arg2: memref<1024x1xi32, #tpu.memory_space<vmem>>, %arg3: memref<10x1024x128xf32, #tpu.memory_space<vmem>>, %arg4: memref<128x128xf32, #tpu.memory_space<vmem>>, %arg5: memref<1x128xf32, #tpu.memory_space<vmem>>, %arg6: memref<1024x128xf32, #tpu.memory_space<vmem>>) attributes {dimension_semantics = [#tpu.dimension_semantics<arbitrary>, #tpu.dimension_semantics<arbitrary>], iteration_bounds = array<i64: 4, 1>, scalar_prefetch = 0 : i64, scratch_operands = 0 : i64, tpu.core_type = #tpu.core_type<tc>, window_params = [{transform_indices = @transform_0, window_bounds = array<i64: 1024, 1>}, {transform_indices = @transform_1, window_bounds = array<i64: 10, 1024, 128>}, {pipeline_mode = #tpu.pipeline_mode<synchronous>, transform_indices = @transform_2, window_bounds = array<i64: 128, 128>}, {pipeline_mode = #tpu.pipeline_mode<synchronous>, transform_indices = @transform_3, window_bounds = array<i64: 1, 128>}, {transform_indices = @transform_4, window_bounds = array<i64: 1024, 128>}]} {
    %get3A = arith.constant 0 : index
    %get3A_0 = arith.constant 0 : index
    %get3A_1 = vector.load %arg2[%get3A, %get3A_0] : memref<1024x1xi32, #tpu.memory_space<vmem>>, vector<1024x1xi32>
    %max3A = arith.constant 1 : i32
    %max3A_2 = vector.broadcast %max3A : i32 to vector<1024x1xi32>
    %max3A_3 = arith.maxsi %get3A_1, %max3A_2 : vector<1024x1xi32>
    %convert_element_type3A = arith.sitofp %max3A_3 : vector<1024x1xi32> to vector<1024x1xf32>
    %div3A = arith.constant 1.000000e+00 : f32
    %div3A_4 = vector.broadcast %div3A : f32 to vector<1024x1xf32>
    %div3A_5 = arith.divf %div3A_4, %convert_element_type3A : vector<1024x1xf32>
    %get3A_6 = arith.constant 0 : index
    %get3A_7 = arith.constant 0 : index
    %get3A_8 = vector.load %arg4[%get3A_6, %get3A_7] : memref<128x128xf32, #tpu.memory_space<vmem>>, vector<128x128xf32>
    %get3A_9 = arith.constant 0 : index
    %get3A_10 = arith.constant 0 : index
    %get3A_11 = vector.load %arg5[%get3A_9, %get3A_10] : memref<1x128xf32, #tpu.memory_space<vmem>>, vector<1x128xf32>
    %broadcast_in_dim3A = arith.constant 0.000000e+00 : f32
    %broadcast_in_dim3A_12 = vector.broadcast %broadcast_in_dim3A : f32 to vector<1024x128xf32>
    %mul3A = arith.constant 10 : i32
    %mul3A_13 = arith.muli %arg1, %mul3A : i32
    %add3A = arith.constant 10 : i32
    %add3A_14 = arith.addi %add3A, %mul3A_13 : i32
    %add3A_15 = arith.constant 0 : i32
    %add3A_16 = arith.addi %add3A_14, %add3A_15 : i32
    %get3A_17 = arith.constant 0 : index
    %get3A_18 = arith.constant 0 : index
    %get3A_19 = arith.constant 0 : index
    %get3A_20 = vector.load %arg3[%get3A_17, %get3A_18, %get3A_19] : memref<10x1024x128xf32, #tpu.memory_space<vmem>>, vector<1x1024x128xf32>
    %get3A_21 = vector.shape_cast %get3A_20 : vector<1x1024x128xf32> to vector<1024x128xf32>
    %dot_general3A = arith.constant dense<0.000000e+00> : vector<1024x128xf32>
    %dot_general3A_22 = tpu.matmul %get3A_21, %get3A_8, %dot_general3A {dimension_numbers = #tpu.dot_dimension_numbers<[1], [0], [0], [1], [0, 0, 1, 1], [], []>, transpose_lhs_hint = false} : vector<1024x128xf32>, vector<128x128xf32>, vector<1024x128xf32> -> vector<1024x128xf32>
    %add3A_23 = vector.broadcast %get3A_11 : vector<1x128xf32> to vector<1024x128xf32>
    %add3A_24 = arith.addf %dot_general3A_22, %add3A_23 : vector<1024x128xf32>
    %max3A_25 = arith.constant 0.000000e+00 : f32
    %max3A_26 = vector.broadcast %max3A_25 : f32 to vector<1024x128xf32>
    %max3A_27 = arith.maximumf %add3A_24, %max3A_26 : vector<1024x128xf32>
    %add3A_28 = arith.addf %get3A_21, %max3A_27 : vector<1024x128xf32>
    %lt3A = vector.broadcast %add3A_16 : i32 to vector<1024x1xi32>
    %lt3A_29 = arith.cmpi slt, %lt3A, %get3A_1 : vector<1024x1xi32>
    %convert_element_type3A_30 = arith.extui %lt3A_29 : vector<1024x1xi1> to vector<1024x1xi32>
    %convert_element_type3A_31 = arith.sitofp %convert_element_type3A_30 : vector<1024x1xi32> to vector<1024x1xf32>
    %mul3A_32 = vector.broadcast %convert_element_type3A_31 : vector<1024x1xf32> to vector<1024x128xf32>
    %mul3A_33 = arith.mulf %add3A_28, %mul3A_32 : vector<1024x128xf32>
    %add3A_34 = arith.addf %broadcast_in_dim3A_12, %mul3A_33 : vector<1024x128xf32>
    %mul3A_35 = arith.constant 10 : i32
    %mul3A_36 = arith.muli %arg1, %mul3A_35 : i32
    %add3A_37 = arith.constant 10 : i32
    %add3A_38 = arith.addi %add3A_37, %mul3A_36 : i32
    %add3A_39 = arith.constant 1 : i32
    %add3A_40 = arith.addi %add3A_38, %add3A_39 : i32
    %get3A_41 = arith.constant 1 : index
    %get3A_42 = arith.constant 0 : index
    %get3A_43 = arith.constant 0 : index
    %get3A_44 = vector.load %arg3[%get3A_41, %get3A_42, %get3A_43] : memref<10x1024x128xf32, #tpu.memory_space<vmem>>, vector<1x1024x128xf32>
    %get3A_45 = vector.shape_cast %get3A_44 : vector<1x1024x128xf32> to vector<1024x128xf32>
    %dot_general3A_46 = arith.constant dense<0.000000e+00> : vector<1024x128xf32>
    %dot_general3A_47 = tpu.matmul %get3A_45, %get3A_8, %dot_general3A_46 {dimension_numbers = #tpu.dot_dimension_numbers<[1], [0], [0], [1], [0, 0, 1, 1], [], []>, transpose_lhs_hint = false} : vector<1024x128xf32>, vector<128x128xf32>, vector<1024x128xf32> -> vector<1024x128xf32>
    %add3A_48 = vector.broadcast %get3A_11 : vector<1x128xf32> to vector<1024x128xf32>
    %add3A_49 = arith.addf %dot_general3A_47, %add3A_48 : vector<1024x128xf32>
    %max3A_50 = arith.constant 0.000000e+00 : f32
    %max3A_51 = vector.broadcast %max3A_50 : f32 to vector<1024x128xf32>
    %max3A_52 = arith.maximumf %add3A_49, %max3A_51 : vector<1024x128xf32>
    %add3A_53 = arith.addf %get3A_45, %max3A_52 : vector<1024x128xf32>
    %lt3A_54 = vector.broadcast %add3A_40 : i32 to vector<1024x1xi32>
    %lt3A_55 = arith.cmpi slt, %lt3A_54, %get3A_1 : vector<1024x1xi32>
    %convert_element_type3A_56 = arith.extui %lt3A_55 : vector<1024x1xi1> to vector<1024x1xi32>
    %convert_element_type3A_57 = arith.sitofp %convert_element_type3A_56 : vector<1024x1xi32> to vector<1024x1xf32>
    %mul3A_58 = vector.broadcast %convert_element_type3A_57 : vector<1024x1xf32> to vector<1024x128xf32>
    %mul3A_59 = arith.mulf %add3A_53, %mul3A_58 : vector<1024x128xf32>
    %add3A_60 = arith.addf %add3A_34, %mul3A_59 : vector<1024x128xf32>
    %mul3A_61 = arith.constant 10 : i32
    %mul3A_62 = arith.muli %arg1, %mul3A_61 : i32
    %add3A_63 = arith.constant 10 : i32
    %add3A_64 = arith.addi %add3A_63, %mul3A_62 : i32
    %add3A_65 = arith.constant 2 : i32
    %add3A_66 = arith.addi %add3A_64, %add3A_65 : i32
    %get3A_67 = arith.constant 2 : index
    %get3A_68 = arith.constant 0 : index
    %get3A_69 = arith.constant 0 : index
    %get3A_70 = vector.load %arg3[%get3A_67, %get3A_68, %get3A_69] : memref<10x1024x128xf32, #tpu.memory_space<vmem>>, vector<1x1024x128xf32>
    %get3A_71 = vector.shape_cast %get3A_70 : vector<1x1024x128xf32> to vector<1024x128xf32>
    %dot_general3A_72 = arith.constant dense<0.000000e+00> : vector<1024x128xf32>
    %dot_general3A_73 = tpu.matmul %get3A_71, %get3A_8, %dot_general3A_72 {dimension_numbers = #tpu.dot_dimension_numbers<[1], [0], [0], [1], [0, 0, 1, 1], [], []>, transpose_lhs_hint = false} : vector<1024x128xf32>, vector<128x128xf32>, vector<1024x128xf32> -> vector<1024x128xf32>
    %add3A_74 = vector.broadcast %get3A_11 : vector<1x128xf32> to vector<1024x128xf32>
    %add3A_75 = arith.addf %dot_general3A_73, %add3A_74 : vector<1024x128xf32>
    %max3A_76 = arith.constant 0.000000e+00 : f32
    %max3A_77 = vector.broadcast %max3A_76 : f32 to vector<1024x128xf32>
    %max3A_78 = arith.maximumf %add3A_75, %max3A_77 : vector<1024x128xf32>
    %add3A_79 = arith.addf %get3A_71, %max3A_78 : vector<1024x128xf32>
    %lt3A_80 = vector.broadcast %add3A_66 : i32 to vector<1024x1xi32>
    %lt3A_81 = arith.cmpi slt, %lt3A_80, %get3A_1 : vector<1024x1xi32>
    %convert_element_type3A_82 = arith.extui %lt3A_81 : vector<1024x1xi1> to vector<1024x1xi32>
    %convert_element_type3A_83 = arith.sitofp %convert_element_type3A_82 : vector<1024x1xi32> to vector<1024x1xf32>
    %mul3A_84 = vector.broadcast %convert_element_type3A_83 : vector<1024x1xf32> to vector<1024x128xf32>
    %mul3A_85 = arith.mulf %add3A_79, %mul3A_84 : vector<1024x128xf32>
    %add3A_86 = arith.addf %add3A_60, %mul3A_85 : vector<1024x128xf32>
    %mul3A_87 = arith.constant 10 : i32
    %mul3A_88 = arith.muli %arg1, %mul3A_87 : i32
    %add3A_89 = arith.constant 10 : i32
    %add3A_90 = arith.addi %add3A_89, %mul3A_88 : i32
    %add3A_91 = arith.constant 3 : i32
    %add3A_92 = arith.addi %add3A_90, %add3A_91 : i32
    %get3A_93 = arith.constant 3 : index
    %get3A_94 = arith.constant 0 : index
    %get3A_95 = arith.constant 0 : index
    %get3A_96 = vector.load %arg3[%get3A_93, %get3A_94, %get3A_95] : memref<10x1024x128xf32, #tpu.memory_space<vmem>>, vector<1x1024x128xf32>
    %get3A_97 = vector.shape_cast %get3A_96 : vector<1x1024x128xf32> to vector<1024x128xf32>
    %dot_general3A_98 = arith.constant dense<0.000000e+00> : vector<1024x128xf32>
    %dot_general3A_99 = tpu.matmul %get3A_97, %get3A_8, %dot_general3A_98 {dimension_numbers = #tpu.dot_dimension_numbers<[1], [0], [0], [1], [0, 0, 1, 1], [], []>, transpose_lhs_hint = false} : vector<1024x128xf32>, vector<128x128xf32>, vector<1024x128xf32> -> vector<1024x128xf32>
    %add3A_100 = vector.broadcast %get3A_11 : vector<1x128xf32> to vector<1024x128xf32>
    %add3A_101 = arith.addf %dot_general3A_99, %add3A_100 : vector<1024x128xf32>
    %max3A_102 = arith.constant 0.000000e+00 : f32
    %max3A_103 = vector.broadcast %max3A_102 : f32 to vector<1024x128xf32>
    %max3A_104 = arith.maximumf %add3A_101, %max3A_103 : vector<1024x128xf32>
    %add3A_105 = arith.addf %get3A_97, %max3A_104 : vector<1024x128xf32>
    %lt3A_106 = vector.broadcast %add3A_92 : i32 to vector<1024x1xi32>
    %lt3A_107 = arith.cmpi slt, %lt3A_106, %get3A_1 : vector<1024x1xi32>
    %convert_element_type3A_108 = arith.extui %lt3A_107 : vector<1024x1xi1> to vector<1024x1xi32>
    %convert_element_type3A_109 = arith.sitofp %convert_element_type3A_108 : vector<1024x1xi32> to vector<1024x1xf32>
    %mul3A_110 = vector.broadcast %convert_element_type3A_109 : vector<1024x1xf32> to vector<1024x128xf32>
    %mul3A_111 = arith.mulf %add3A_105, %mul3A_110 : vector<1024x128xf32>
    %add3A_112 = arith.addf %add3A_86, %mul3A_111 : vector<1024x128xf32>
    %mul3A_113 = arith.constant 10 : i32
    %mul3A_114 = arith.muli %arg1, %mul3A_113 : i32
    %add3A_115 = arith.constant 10 : i32
    %add3A_116 = arith.addi %add3A_115, %mul3A_114 : i32
    %add3A_117 = arith.constant 4 : i32
    %add3A_118 = arith.addi %add3A_116, %add3A_117 : i32
    %get3A_119 = arith.constant 4 : index
    %get3A_120 = arith.constant 0 : index
    %get3A_121 = arith.constant 0 : index
    %get3A_122 = vector.load %arg3[%get3A_119, %get3A_120, %get3A_121] : memref<10x1024x128xf32, #tpu.memory_space<vmem>>, vector<1x1024x128xf32>
    %get3A_123 = vector.shape_cast %get3A_122 : vector<1x1024x128xf32> to vector<1024x128xf32>
    %dot_general3A_124 = arith.constant dense<0.000000e+00> : vector<1024x128xf32>
    %dot_general3A_125 = tpu.matmul %get3A_123, %get3A_8, %dot_general3A_124 {dimension_numbers = #tpu.dot_dimension_numbers<[1], [0], [0], [1], [0, 0, 1, 1], [], []>, transpose_lhs_hint = false} : vector<1024x128xf32>, vector<128x128xf32>, vector<1024x128xf32> -> vector<1024x128xf32>
    %add3A_126 = vector.broadcast %get3A_11 : vector<1x128xf32> to vector<1024x128xf32>
    %add3A_127 = arith.addf %dot_general3A_125, %add3A_126 : vector<1024x128xf32>
    %max3A_128 = arith.constant 0.000000e+00 : f32
    %max3A_129 = vector.broadcast %max3A_128 : f32 to vector<1024x128xf32>
    %max3A_130 = arith.maximumf %add3A_127, %max3A_129 : vector<1024x128xf32>
    %add3A_131 = arith.addf %get3A_123, %max3A_130 : vector<1024x128xf32>
    %lt3A_132 = vector.broadcast %add3A_118 : i32 to vector<1024x1xi32>
    %lt3A_133 = arith.cmpi slt, %lt3A_132, %get3A_1 : vector<1024x1xi32>
    %convert_element_type3A_134 = arith.extui %lt3A_133 : vector<1024x1xi1> to vector<1024x1xi32>
    %convert_element_type3A_135 = arith.sitofp %convert_element_type3A_134 : vector<1024x1xi32> to vector<1024x1xf32>
    %mul3A_136 = vector.broadcast %convert_element_type3A_135 : vector<1024x1xf32> to vector<1024x128xf32>
    %mul3A_137 = arith.mulf %add3A_131, %mul3A_136 : vector<1024x128xf32>
    %add3A_138 = arith.addf %add3A_112, %mul3A_137 : vector<1024x128xf32>
    %mul3A_139 = arith.constant 10 : i32
    %mul3A_140 = arith.muli %arg1, %mul3A_139 : i32
    %add3A_141 = arith.constant 10 : i32
    %add3A_142 = arith.addi %add3A_141, %mul3A_140 : i32
    %add3A_143 = arith.constant 5 : i32
    %add3A_144 = arith.addi %add3A_142, %add3A_143 : i32
    %get3A_145 = arith.constant 5 : index
    %get3A_146 = arith.constant 0 : index
    %get3A_147 = arith.constant 0 : index
    %get3A_148 = vector.load %arg3[%get3A_145, %get3A_146, %get3A_147] : memref<10x1024x128xf32, #tpu.memory_space<vmem>>, vector<1x1024x128xf32>
    %get3A_149 = vector.shape_cast %get3A_148 : vector<1x1024x128xf32> to vector<1024x128xf32>
    %dot_general3A_150 = arith.constant dense<0.000000e+00> : vector<1024x128xf32>
    %dot_general3A_151 = tpu.matmul %get3A_149, %get3A_8, %dot_general3A_150 {dimension_numbers = #tpu.dot_dimension_numbers<[1], [0], [0], [1], [0, 0, 1, 1], [], []>, transpose_lhs_hint = false} : vector<1024x128xf32>, vector<128x128xf32>, vector<1024x128xf32> -> vector<1024x128xf32>
    %add3A_152 = vector.broadcast %get3A_11 : vector<1x128xf32> to vector<1024x128xf32>
    %add3A_153 = arith.addf %dot_general3A_151, %add3A_152 : vector<1024x128xf32>
    %max3A_154 = arith.constant 0.000000e+00 : f32
    %max3A_155 = vector.broadcast %max3A_154 : f32 to vector<1024x128xf32>
    %max3A_156 = arith.maximumf %add3A_153, %max3A_155 : vector<1024x128xf32>
    %add3A_157 = arith.addf %get3A_149, %max3A_156 : vector<1024x128xf32>
    %lt3A_158 = vector.broadcast %add3A_144 : i32 to vector<1024x1xi32>
    %lt3A_159 = arith.cmpi slt, %lt3A_158, %get3A_1 : vector<1024x1xi32>
    %convert_element_type3A_160 = arith.extui %lt3A_159 : vector<1024x1xi1> to vector<1024x1xi32>
    %convert_element_type3A_161 = arith.sitofp %convert_element_type3A_160 : vector<1024x1xi32> to vector<1024x1xf32>
    %mul3A_162 = vector.broadcast %convert_element_type3A_161 : vector<1024x1xf32> to vector<1024x128xf32>
    %mul3A_163 = arith.mulf %add3A_157, %mul3A_162 : vector<1024x128xf32>
    %add3A_164 = arith.addf %add3A_138, %mul3A_163 : vector<1024x128xf32>
    %mul3A_165 = arith.constant 10 : i32
    %mul3A_166 = arith.muli %arg1, %mul3A_165 : i32
    %add3A_167 = arith.constant 10 : i32
    %add3A_168 = arith.addi %add3A_167, %mul3A_166 : i32
    %add3A_169 = arith.constant 6 : i32
    %add3A_170 = arith.addi %add3A_168, %add3A_169 : i32
    %get3A_171 = arith.constant 6 : index
    %get3A_172 = arith.constant 0 : index
    %get3A_173 = arith.constant 0 : index
    %get3A_174 = vector.load %arg3[%get3A_171, %get3A_172, %get3A_173] : memref<10x1024x128xf32, #tpu.memory_space<vmem>>, vector<1x1024x128xf32>
    %get3A_175 = vector.shape_cast %get3A_174 : vector<1x1024x128xf32> to vector<1024x128xf32>
    %dot_general3A_176 = arith.constant dense<0.000000e+00> : vector<1024x128xf32>
    %dot_general3A_177 = tpu.matmul %get3A_175, %get3A_8, %dot_general3A_176 {dimension_numbers = #tpu.dot_dimension_numbers<[1], [0], [0], [1], [0, 0, 1, 1], [], []>, transpose_lhs_hint = false} : vector<1024x128xf32>, vector<128x128xf32>, vector<1024x128xf32> -> vector<1024x128xf32>
    %add3A_178 = vector.broadcast %get3A_11 : vector<1x128xf32> to vector<1024x128xf32>
    %add3A_179 = arith.addf %dot_general3A_177, %add3A_178 : vector<1024x128xf32>
    %max3A_180 = arith.constant 0.000000e+00 : f32
    %max3A_181 = vector.broadcast %max3A_180 : f32 to vector<1024x128xf32>
    %max3A_182 = arith.maximumf %add3A_179, %max3A_181 : vector<1024x128xf32>
    %add3A_183 = arith.addf %get3A_175, %max3A_182 : vector<1024x128xf32>
    %lt3A_184 = vector.broadcast %add3A_170 : i32 to vector<1024x1xi32>
    %lt3A_185 = arith.cmpi slt, %lt3A_184, %get3A_1 : vector<1024x1xi32>
    %convert_element_type3A_186 = arith.extui %lt3A_185 : vector<1024x1xi1> to vector<1024x1xi32>
    %convert_element_type3A_187 = arith.sitofp %convert_element_type3A_186 : vector<1024x1xi32> to vector<1024x1xf32>
    %mul3A_188 = vector.broadcast %convert_element_type3A_187 : vector<1024x1xf32> to vector<1024x128xf32>
    %mul3A_189 = arith.mulf %add3A_183, %mul3A_188 : vector<1024x128xf32>
    %add3A_190 = arith.addf %add3A_164, %mul3A_189 : vector<1024x128xf32>
    %mul3A_191 = arith.constant 10 : i32
    %mul3A_192 = arith.muli %arg1, %mul3A_191 : i32
    %add3A_193 = arith.constant 10 : i32
    %add3A_194 = arith.addi %add3A_193, %mul3A_192 : i32
    %add3A_195 = arith.constant 7 : i32
    %add3A_196 = arith.addi %add3A_194, %add3A_195 : i32
    %get3A_197 = arith.constant 7 : index
    %get3A_198 = arith.constant 0 : index
    %get3A_199 = arith.constant 0 : index
    %get3A_200 = vector.load %arg3[%get3A_197, %get3A_198, %get3A_199] : memref<10x1024x128xf32, #tpu.memory_space<vmem>>, vector<1x1024x128xf32>
    %get3A_201 = vector.shape_cast %get3A_200 : vector<1x1024x128xf32> to vector<1024x128xf32>
    %dot_general3A_202 = arith.constant dense<0.000000e+00> : vector<1024x128xf32>
    %dot_general3A_203 = tpu.matmul %get3A_201, %get3A_8, %dot_general3A_202 {dimension_numbers = #tpu.dot_dimension_numbers<[1], [0], [0], [1], [0, 0, 1, 1], [], []>, transpose_lhs_hint = false} : vector<1024x128xf32>, vector<128x128xf32>, vector<1024x128xf32> -> vector<1024x128xf32>
    %add3A_204 = vector.broadcast %get3A_11 : vector<1x128xf32> to vector<1024x128xf32>
    %add3A_205 = arith.addf %dot_general3A_203, %add3A_204 : vector<1024x128xf32>
    %max3A_206 = arith.constant 0.000000e+00 : f32
    %max3A_207 = vector.broadcast %max3A_206 : f32 to vector<1024x128xf32>
    %max3A_208 = arith.maximumf %add3A_205, %max3A_207 : vector<1024x128xf32>
    %add3A_209 = arith.addf %get3A_201, %max3A_208 : vector<1024x128xf32>
    %lt3A_210 = vector.broadcast %add3A_196 : i32 to vector<1024x1xi32>
    %lt3A_211 = arith.cmpi slt, %lt3A_210, %get3A_1 : vector<1024x1xi32>
    %convert_element_type3A_212 = arith.extui %lt3A_211 : vector<1024x1xi1> to vector<1024x1xi32>
    %convert_element_type3A_213 = arith.sitofp %convert_element_type3A_212 : vector<1024x1xi32> to vector<1024x1xf32>
    %mul3A_214 = vector.broadcast %convert_element_type3A_213 : vector<1024x1xf32> to vector<1024x128xf32>
    %mul3A_215 = arith.mulf %add3A_209, %mul3A_214 : vector<1024x128xf32>
    %add3A_216 = arith.addf %add3A_190, %mul3A_215 : vector<1024x128xf32>
    %mul3A_217 = arith.constant 10 : i32
    %mul3A_218 = arith.muli %arg1, %mul3A_217 : i32
    %add3A_219 = arith.constant 10 : i32
    %add3A_220 = arith.addi %add3A_219, %mul3A_218 : i32
    %add3A_221 = arith.constant 8 : i32
    %add3A_222 = arith.addi %add3A_220, %add3A_221 : i32
    %get3A_223 = arith.constant 8 : index
    %get3A_224 = arith.constant 0 : index
    %get3A_225 = arith.constant 0 : index
    %get3A_226 = vector.load %arg3[%get3A_223, %get3A_224, %get3A_225] : memref<10x1024x128xf32, #tpu.memory_space<vmem>>, vector<1x1024x128xf32>
    %get3A_227 = vector.shape_cast %get3A_226 : vector<1x1024x128xf32> to vector<1024x128xf32>
    %dot_general3A_228 = arith.constant dense<0.000000e+00> : vector<1024x128xf32>
    %dot_general3A_229 = tpu.matmul %get3A_227, %get3A_8, %dot_general3A_228 {dimension_numbers = #tpu.dot_dimension_numbers<[1], [0], [0], [1], [0, 0, 1, 1], [], []>, transpose_lhs_hint = false} : vector<1024x128xf32>, vector<128x128xf32>, vector<1024x128xf32> -> vector<1024x128xf32>
    %add3A_230 = vector.broadcast %get3A_11 : vector<1x128xf32> to vector<1024x128xf32>
    %add3A_231 = arith.addf %dot_general3A_229, %add3A_230 : vector<1024x128xf32>
    %max3A_232 = arith.constant 0.000000e+00 : f32
    %max3A_233 = vector.broadcast %max3A_232 : f32 to vector<1024x128xf32>
    %max3A_234 = arith.maximumf %add3A_231, %max3A_233 : vector<1024x128xf32>
    %add3A_235 = arith.addf %get3A_227, %max3A_234 : vector<1024x128xf32>
    %lt3A_236 = vector.broadcast %add3A_222 : i32 to vector<1024x1xi32>
    %lt3A_237 = arith.cmpi slt, %lt3A_236, %get3A_1 : vector<1024x1xi32>
    %convert_element_type3A_238 = arith.extui %lt3A_237 : vector<1024x1xi1> to vector<1024x1xi32>
    %convert_element_type3A_239 = arith.sitofp %convert_element_type3A_238 : vector<1024x1xi32> to vector<1024x1xf32>
    %mul3A_240 = vector.broadcast %convert_element_type3A_239 : vector<1024x1xf32> to vector<1024x128xf32>
    %mul3A_241 = arith.mulf %add3A_235, %mul3A_240 : vector<1024x128xf32>
    %add3A_242 = arith.addf %add3A_216, %mul3A_241 : vector<1024x128xf32>
    %mul3A_243 = arith.constant 10 : i32
    %mul3A_244 = arith.muli %arg1, %mul3A_243 : i32
    %add3A_245 = arith.constant 10 : i32
    %add3A_246 = arith.addi %add3A_245, %mul3A_244 : i32
    %add3A_247 = arith.constant 9 : i32
    %add3A_248 = arith.addi %add3A_246, %add3A_247 : i32
    %get3A_249 = arith.constant 9 : index
    %get3A_250 = arith.constant 0 : index
    %get3A_251 = arith.constant 0 : index
    %get3A_252 = vector.load %arg3[%get3A_249, %get3A_250, %get3A_251] : memref<10x1024x128xf32, #tpu.memory_space<vmem>>, vector<1x1024x128xf32>
    %get3A_253 = vector.shape_cast %get3A_252 : vector<1x1024x128xf32> to vector<1024x128xf32>
    %dot_general3A_254 = arith.constant dense<0.000000e+00> : vector<1024x128xf32>
    %dot_general3A_255 = tpu.matmul %get3A_253, %get3A_8, %dot_general3A_254 {dimension_numbers = #tpu.dot_dimension_numbers<[1], [0], [0], [1], [0, 0, 1, 1], [], []>, transpose_lhs_hint = false} : vector<1024x128xf32>, vector<128x128xf32>, vector<1024x128xf32> -> vector<1024x128xf32>
    %add3A_256 = vector.broadcast %get3A_11 : vector<1x128xf32> to vector<1024x128xf32>
    %add3A_257 = arith.addf %dot_general3A_255, %add3A_256 : vector<1024x128xf32>
    %max3A_258 = arith.constant 0.000000e+00 : f32
    %max3A_259 = vector.broadcast %max3A_258 : f32 to vector<1024x128xf32>
    %max3A_260 = arith.maximumf %add3A_257, %max3A_259 : vector<1024x128xf32>
    %add3A_261 = arith.addf %get3A_253, %max3A_260 : vector<1024x128xf32>
    %lt3A_262 = vector.broadcast %add3A_248 : i32 to vector<1024x1xi32>
    %lt3A_263 = arith.cmpi slt, %lt3A_262, %get3A_1 : vector<1024x1xi32>
    %convert_element_type3A_264 = arith.extui %lt3A_263 : vector<1024x1xi1> to vector<1024x1xi32>
    %convert_element_type3A_265 = arith.sitofp %convert_element_type3A_264 : vector<1024x1xi32> to vector<1024x1xf32>
    %mul3A_266 = vector.broadcast %convert_element_type3A_265 : vector<1024x1xf32> to vector<1024x128xf32>
    %mul3A_267 = arith.mulf %add3A_261, %mul3A_266 : vector<1024x128xf32>
    %add3A_268 = arith.addf %add3A_242, %mul3A_267 : vector<1024x128xf32>
    %mul3A_269 = vector.broadcast %div3A_5 : vector<1024x1xf32> to vector<1024x128xf32>
    %mul3A_270 = arith.mulf %add3A_268, %mul3A_269 : vector<1024x128xf32>
    %eq3A = arith.constant 0 : i32
    %eq3A_271 = arith.cmpi eq, %arg1, %eq3A : i32
    %convert_element_type3A_272 = arith.extui %eq3A_271 : i1 to i32
    %cond3A = arith.constant 0 : i32
    %cond3A_273 = arith.cmpi ne, %convert_element_type3A_272, %cond3A : i32
    scf.if %cond3A_273 {
      %swap3A = arith.constant 0 : index
      %swap3A_278 = arith.constant 0 : index
      %swap3A_279 = vector.load %arg6[%swap3A, %swap3A_278] : memref<1024x128xf32, #tpu.memory_space<vmem>>, vector<1024x128xf32>
      tpu.vector_store %arg6[%swap3A, %swap3A_278], %mul3A_270 {strides = array<i32>} : memref<1024x128xf32, #tpu.memory_space<vmem>>, vector<1024x128xf32>,
    } else {
    }
    %gt3A = arith.constant 0 : i32
    %gt3A_274 = arith.cmpi sgt, %arg1, %gt3A : i32
    %convert_element_type3A_275 = arith.extui %gt3A_274 : i1 to i32
    %cond3A_276 = arith.constant 0 : i32
    %cond3A_277 = arith.cmpi ne, %convert_element_type3A_275, %cond3A_276 : i32
    scf.if %cond3A_277 {
      %get3A_278 = arith.constant 0 : index
      %get3A_279 = arith.constant 0 : index
      %get3A_280 = vector.load %arg6[%get3A_278, %get3A_279] : memref<1024x128xf32, #tpu.memory_space<vmem>>, vector<1024x128xf32>
      %add3A_281 = arith.addf %get3A_280, %mul3A_270 : vector<1024x128xf32>
      %swap3A = arith.constant 0 : index
      %swap3A_282 = arith.constant 0 : index
      %swap3A_283 = vector.load %arg6[%swap3A, %swap3A_282] : memref<1024x128xf32, #tpu.memory_space<vmem>>, vector<1024x128xf32>
      tpu.vector_store %arg6[%swap3A, %swap3A_282], %add3A_281 {strides = array<i32>} : memref<1024x128xf32, #tpu.memory_space<vmem>>, vector<1024x128xf32>,
    } else {
    }
    return
  }
  func.func @transform_0(%arg0: i32, %arg1: i32) -> (i32, i32) {
    %c0_i32 = arith.constant 0 : i32
    %c0_i32_0 = arith.constant 0 : i32
    return %arg0, %c0_i32 : i32, i32
  }
  func.func @transform_1(%arg0: i32, %arg1: i32) -> (i32, i32, i32) {
    %c0_i32 = arith.constant 0 : i32
    %c0_i32_0 = arith.constant 0 : i32
    return %arg1, %arg0, %c0_i32 : i32, i32, i32
  }
  func.func @transform_2(%arg0: i32, %arg1: i32) -> (i32, i32) {
    %c0_i32 = arith.constant 0 : i32
    %c0_i32_0 = arith.constant 0 : i32
    %c0_i32_1 = arith.constant 0 : i32
    return %c0_i32, %c0_i32_0 : i32, i32
  }
  func.func @transform_3(%arg0: i32, %arg1: i32) -> (i32, i32) {
    %c0_i32 = arith.constant 0 : i32
    %c0_i32_0 = arith.constant 0 : i32
    %c0_i32_1 = arith.constant 0 : i32
    return %c0_i32, %c0_i32_0 : i32, i32
  }
  func.func @transform_4(%arg0: i32, %arg1: i32) -> (i32, i32) {
    %c0_i32 = arith.constant 0 : i32
    %c0_i32_0 = arith.constant 0 : i32
    return %arg0, %c0_i32 : i32, i32
  }
}

</mosaic_0001>

<sc_bundles>
// kernel: kernel.12.cloned.1.call-start
scs
__scs_entry_jumppad:
0x0: {  	(pc) =	sbr.rel $0x88, $3  }
0x1: {  	(tag) =	ssettag $0x0;
	lr =	simm.s32 $0x1  }
0x2: {  	[smem:$0x3F9C] =	sst lr;
	_ =	strace $0xD0000000  }
0x3: {  	_ = 	snop  }
0x4: {  	_ = 	snop  }
0x5: {  	_ = 	snop  }
0x6: {  	_ = 	snop  }
0x7: {  	_ = 	snop  }
__scs_overlays_trampoline_lowered:
0x8: {  	[smem:$0x3FAB] =	sst s0  }
0x9: {  	[smem:$0x3FAC] =	sst s1  }
0xa: {  	[smem:$0x3FAD] =	sst s2  }
0xb: {  	[smem:$0x3FAE] =	sst s3  }
0xc: {  	[smem:$0x3FAF] =	sst s4  }
0xd: {  	[smem:$0x3FB0] =	sst s5  }
0xe: {  	[smem:$0x3FB1] =	sst s6  }
0xf: {  	[smem:$0x3FB2] =	sst s7  }
0x10: {  	[smem:$0x3FB3] =	sst s8  }
0x11: {  	[smem:$0x3FB4] =	sst s9;
	s0 =	simm.s32 @!p0 $0x0  }
0x12: {  	s1 =	sld [smem:$0x3F9A];
	s0 =	simm.s32 @p0 $0x1  }
0x13: {  	[smem:$0x3FB5] =	sst s0;
	s0 =	simm.s32 @!p1 $0x0  }
0x14: {  	s2 =	sld [smem:$0x3F99];
	s0 =	simm.s32 @p1 $0x1  }
0x15: {  	[smem:$0x3FB6] =	sst s0;
	s0 =	simm.s32 @!p2 $0x0  }
0x16: {  	s3 =	sld [smem:$0x3FDB];
	s0 =	simm.s32 @p2 $0x1  }
0x17: {  	s4 =	simm.s32 $0x1BF5;
	[smem:$0x3FB8] =	sst s0  }
0x18: {  	s0 =	sld [smem:$0x3F9B];
	_ =	swait.ge [sflag:s4], $0x0  }
0x19: {  	s7 =	sld [smem:$0x3F9C]  }
0x1a: {  	s8 =	sadd.s32 $0xFFFFE003, lr  }
0x1b: {  	s9 =	sadd.s32 $0xFFFFFEF7, lr;
	s5 =	simm.s32 $0xFFFFFFFF;
	p2 =	slt.u32 s8, $0xFFFFF086  }
0x1c: {  	p1 =	slt.u32 s9, $0xF7A;
	s5 =	simm.s32 @!p2 $0x0  }
0x1d: {  	s5 =	simm.s32 @p1 $0x1;
	p0 =	seq.s32 s7, s2  }
0x1e: {  	s7 =	smul.u32 @!p0 $0xF7A, s2;
	p2 =	seq.s32 @!p0 s5, $0x0  }
0x1f: {  	s9 =	smul.u32 $0xF7A, s1;
	s8 =	simm.s32 @!p0 $0x1BF5;
	p2 =	por !p2, p0  }
0x20: {  	[sflag:s8] =	ssyncset.s32 @!p0 $0xFFFFF086;
	s6 =	sadd.s32 @!p0 s3, s7;
	s7 =	simm.s32 @!p0 $0x108  }
0x21: {  	s3 =	sadd.s32 s3, s9;
	s6 =	sadd.s32 @!p0 $0x88, s6;
	s7 =	simm.s32 @p2 $0x1082  }
0x22: {  	[simem:s7], [sflag:s8] =	dma.local @!p0 [hbm:s6], $0xF7A  }
0x23: {  	s9 =	sor.u32 $0xD0000000, s2;
	s6 =	simm.s32 $0x108;
	_ =	swait.ge @!p0 [sflag:s8], $0x0  }
0x24: {  	s3 =	sadd.s32 $0x88, s3;
	s6 =	simm.s32 @!p1 $0x1082;
	[sflag:s4] =	ssyncset.s32 $0xFFFFF086  }
0x25: {  	[simem:s6], [sflag:s4] =	dma.local [hbm:s3], $0xF7A  }
0x26: {  	[smem:$0x3F9C] =	sst s1;
	(tag) =	ssettag s2;
	_ =	strace s9  }
0x27: {  	s1 =	sld [smem:$0x3FAC]  }
0x28: {  	s2 =	sld [smem:$0x3FAD]  }
0x29: {  	s4 =	sld [smem:$0x3FAF]  }
0x2a: {  	p0 =	seq.s32 s5, $0x0;
	s5 =	sld [smem:$0x3FB0]  }
0x2b: {  	s6 =	sld [smem:$0x3FB1]  }
0x2c: {  	s7 =	sld [smem:$0x3FB2]  }
0x2d: {  	s3 =	simm.s32 $0x108;
	s8 =	sld [smem:$0x3FB3]  }
0x2e: {  	s3 =	simm.s32 @!p0 $0x1082;
	s9 =	sld [smem:$0x3FB4]  }
0x2f: {  	lr =	sadd.s32 s0, s3;
	s0 =	sld [smem:$0x3FAB]  }
0x30: {  	s3 =	sld [smem:$0x3FAE]  }
0x31: {  	[smem:$0x3FB7] =	sst s10  }
0x32: {  	s10 =	sld [smem:$0x3FB5];
	_ =	sdelay $0x3  }
0x33: {  	p0 =	seq.s32 s10, $0x1;
	s10 =	sld [smem:$0x3FB7];
	_ =	sdelay $0x3  }
0x34: {  	[smem:$0x3FB7] =	sst s10  }
0x35: {  	s10 =	sld [smem:$0x3FB6];
	_ =	sdelay $0x3  }
0x36: {  	p1 =	seq.s32 s10, $0x1;
	s10 =	sld [smem:$0x3FB7];
	_ =	sdelay $0x3  }
0x37: {  	[smem:$0x3FB7] =	sst s10  }
0x38: {  	s10 =	sld [smem:$0x3FB8]  }
0x39: {  	_ = 	snop;
	(pc) =	sbr.ind lr, $3  }
0x3a: {  	_ = 	snop  }
0x3b: {  	_ = 	snop  }
0x3c: {  	p2 =	seq.s32 s10, $0x1;
	s10 =	sld [smem:$0x3FB7]  }
0x3d: {  	_ =	shalt  }
0x3e: {  	_ =	shalt  }
0x3f: {  	_ =	shalt  }
0x40: {  	_ =	shalt  }
0x41: {  	_ =	shalt  }
0x42: {  	_ =	shalt  }
0x43: {  	_ =	shalt  }
0x44: {  	_ =	shalt  }
0x45: {  	_ =	shalt  }
0x46: {  	_ =	shalt  }
0x47: {  	_ =	shalt  }
0x48: {  	_ =	shalt  }
0x49: {  	_ =	shalt  }
0x4a: {  	_ =	shalt  }
0x4b: {  	_ =	shalt  }
0x4c: {  	_ =	shalt  }
0x4d: {  	_ =	shalt  }
0x4e: {  	_ =	shalt  }
0x4f: {  	_ =	shalt  }
0x50: {  	_ =	shalt  }
0x51: {  	_ =	shalt  }
0x52: {  	_ =	shalt  }
0x53: {  	_ =	shalt  }
0x54: {  	_ =	shalt  }
0x55: {  	_ =	shalt  }
0x56: {  	_ =	shalt  }
0x57: {  	_ =	shalt  }
0x58: {  	_ =	shalt  }
0x59: {  	_ =	shalt  }
0x5a: {  	_ =	shalt  }
0x5b: {  	_ =	shalt  }
0x5c: {  	_ =	shalt  }
0x5d: {  	_ =	shalt  }
0x5e: {  	_ =	shalt  }
0x5f: {  	_ =	shalt  }
0x60: {  	_ =	shalt  }
0x61: {  	_ =	shalt  }
0x62: {  	_ =	shalt  }
0x63: {  	_ =	shalt  }
0x64: {  	_ =	shalt  }
0x65: {  	_ =	shalt  }
0x66: {  	_ =	shalt  }
0x67: {  	_ =	shalt  }
0x68: {  	_ =	shalt  }
0x69: {  	_ =	shalt  }
0x6a: {  	_ =	shalt  }
0x6b: {  	_ =	shalt  }
0x6c: {  	_ =	shalt  }
0x6d: {  	_ =	shalt  }
0x6e: {  	_ =	shalt  }
0x6f: {  	_ =	shalt  }
0x70: {  	_ =	shalt  }
0x71: {  	_ =	shalt  }
0x72: {  	_ =	shalt  }
0x73: {  	_ =	shalt  }
0x74: {  	_ =	shalt  }
0x75: {  	_ =	shalt  }
0x76: {  	_ =	shalt  }
0x77: {  	_ =	shalt  }
0x78: {  	_ =	shalt  }
0x79: {  	_ =	shalt  }
0x7a: {  	_ =	shalt  }
0x7b: {  	_ =	shalt  }
0x7c: {  	_ =	shalt  }
0x7d: {  	_ =	shalt  }
0x7e: {  	_ =	shalt  }
0x7f: {  	_ =	shalt  }
0x80: {  	_ =	shalt  }
0x81: {  	_ =	shalt  }
0x82: {  	_ =	shalt  }
0x83: {  	_ =	shalt  }
0x84: {  	_ =	shalt  }
0x85: {  	_ =	shalt  }
0x86: {  	_ =	shalt  }
0x87: {  	_ =	shalt  }
.Lfunc_end0:
.L_simem_size_0:
called_computation_lowered:
.L_overlay_start_0:
0x88: {  	s2 =	sld [smem:$0x3FD9]  }
0x89: {  	s3 =	sld [smem:$0x3FFE];
	_ =	sdelay $0x1  }
0x8a: {  	s1 =	srdreg.scid  }
0x8b: {  	s0 =	sand.u32 $0x1, s1  }
0x8c: {  	s17 =	sshll.u32 s0, $0xA;
	s2 =	sadd.s32 s3, s2  }
0x8d: {  	s2 =	sadd.s32 s2, s17  }
0x8e: {  	[smem:$0x3FC3] =	sst s2  }
0x8f: {  	_ = 	snop  }
0x90: {  	s2 =	sld [smem:$0x3FC7];
	(tm) =	ssettm $0x1  }
0x91: {  	s18 =	sld [smem:$0x3FFB];
	_ =	sdelay $0x3  }
0x92: {  	_ =	strace s18  }
0x93: {  	s3 =	sld [smem:$0x3FFC];
	_ =	sdelay $0x3  }
0x94: {  	_ =	strace s3  }
0x95: {  	s3 =	sld [smem:$0x3FFD];
	_ =	sdelay $0x3  }
0x96: {  	_ =	strace s3  }
0x97: {  	_ =	strace $0x8FFFFFFF  }
0x98: {  	s19 =	sld [smem:$0x3FDB];
	_ =	sdelay $0x1  }
0x99: {  	s4 =	simm.s32 $_scs_section_size  }
0x9a: {  	s5 =	simm.s32 $_size__tile_overlayer_lowered;
	s6 =	simm.s32 $_tile_overlayer_lowered  }
0x9b: {  	s22 =	simm.s32 $0x1BFF;
	s21 =	sshll.u32 s6, $0x1;
	s3 =	sadd.s32 s4, s19  }
0x9c: {  	s7 =	simm.s32 $0x0;
	s20 =	sshll.u32 s5, $0x1;
	s5 =	sadd.s32 s21, s3  }
0x9d: {  	[timem:s7], [sflag:s22] =	dma.local [hbm:s5], s20  }
0x9e: {  	_ =	swait.ge [sflag:s22], s20  }
0x9f: {  	s4 =	ssub.s32 $0x0, s20;
	[sflag:s22] =	ssyncset.done $0x0  }
0xa0: {  	[sflag:s22] =	ssyncadd.s32 s4;
	_ =	sdelay $0x1  }
0xa1: {  	s23 =	simm.s32 $0x1B8B  }
0xa2: {  	_ =	swait.ge [sflag:s23], $0x1  }
0xa3: {  	[sflag:s23] =	ssyncset.done $0x0  }
0xa4: {  	s25 =	simm.s32 $0x1B8E;
	s24 =	sld [smem:$0x3FFE];
	[sflag:s23] =	ssyncadd.s32 $0xFFFFFFFF  }
0xa5: {  	s26 =	simm.s32 $execute0_lowered;
	[smem:$0x3FD2] =	sst s25  }
0xa6: {  	s5 =	sshll.u32 s26, $0x1;
	_ =	strace $0x80000046;
	[dreg:$0x1] =	wrdreg $0xFFFFFFFF  }
0xa7: {  	s28 =	simm.s32 $_size_execute0_lowered;
	s3 =	sadd.s32 s3, s5;
	[dreg:$0x0] =	wrdreg $0x0  }
0xa8: {  	s5 =	sshll.u32 s28, $0x1;
	[dreg:$0x2] =	wrdreg s3  }
0xa9: {  	[dreg:$0x3] =	wrdreg s5  }
0xaa: {  	[dreg:$0x4] =	wrdreg $0xC0  }
0xab: {  	_ =	task [dreg:s7], $0x5FFFF  }
0xac: {  	[dreg:$0x1] =	wrdreg $0xFFFFFFFF  }
0xad: {  	[dreg:$0x0] =	wrdreg $0x60  }
0xae: {  	[dreg:$0x2] =	wrdreg s2  }
0xaf: {  	[dreg:$0x3] =	wrdreg s24  }
0xb0: {  	[dreg:$0x4] =	wrdreg $0x9  }
0xb1: {  	_ =	task.clear_ibuf [dreg:s7], $0x5FFFF;
	_ =	strace $0x90000046  }
0xb2: {  	s29 =	simm.s32 $0x9;
	_ =	strace $0x80000048  }
0xb3: {  	_ =	swait.ge [sflag:s29], $0x1  }
0xb4: {  	[sflag:s29] =	ssyncadd.s32 $0xFFFFFFFF  }
0xb5: {  	_ =	strace $0x90000048  }
0xb6: {  	_ =	sfence  }
0xb7: {  	s30 =	sld [smem:$0x0];
	_ =	sdelay $0x2  }
0xb8: {  	s31 =	sshll.u32 s1, $0xD;
	s1 =	sshrl.u32 s1, $0x2  }
0xb9: {  	s3 =	sand.u32 $0x4000, s31;
	s1 =	sadd.s32 s1, s30  }
0xba: {  	s0 =	sor.u32 s3, s0;
	s1 =	sshll.u32 s1, $0x11  }
0xbb: {  	s0 =	sor.u32 s1, s0  }
0xbc: {  	s0 =	sadd.s32 $0x8F2B, s0  }
0xbd: {  	[sflag:s0] =	ssyncadd.remote.s32 $0x1  }
0xbe: {  	_ =	sfence.sel $0xFFFF  }
0xbf: {  	[dreg:$0x0] =	wrdreg $0xFFFFFFFF;
	(pc) =	sbr.abs _section_cstart, $3  }
0xc0: {  	[dreg:$0x1] =	wrdreg $0xFFFFFFFF  }
0xc1: {  	_ =	task.clear_ibuf [dreg:s7], $0x2FFFF;
	_ =	strace $0x9FFFFFFF  }
0xc2: {  	(tm) =	ssettm $0x7FFFFFFF  }
0xc3: {  	_ =	shalt  }
tec
execute0_lowered:
.L_overlay_start_1:
0x0: {  	(tag) =	ssettag $0x1  }
0x1: {  	s1 =	srdreg.scid;
	s0 =	stileid.u32  }
0x2: {  	s4 =	rddreg [dreg:$0x1];
	s1 =	sand.u32 $0x1, s1;
	s3 =	sshll.u32 s0, $0x1  }
0x3: {  	s2 =	rddreg [dreg:$0x0];
	s8 =	sadd.s32 $0x6000, s4;
	s5 =	sor.u32 s1, s3  }
0x4: {  	s3 =	simm.s32 $0x0;
	s6 =	smul.u32 $0x5000, s5;
	s7 =	sshll.u32 s5, $0x8  }
0x5: {  	[smem:$0x7FF] =	sst s3;
	s5 =	smul.u32 $0x28000, s5;
	s7 =	sadd.s32 s7, s4  }
0x6: {  	_ =	strace $0x80000047;
	s7 =	sadd.s32 $0x4000, s7;
	s4 =	sadd.s32 s8, s6  }
0x7: {  	s5 =	sshrl.u32 s5, $0x3;
	[dreg:$0x3] =	wrdreg s7;
	s6 =	sadd.s32 $0x800, s4  }
0x8: {  	s31 =	sadd.s32 s8, s5;
	[dreg:$0x4] =	wrdreg s6  }
0x9: {  	s5 =	sadd.s32 $0x1000, s31;
	s25 =	rddreg [dreg:$0x3]  }
0xa: {  	s23 =	sadd.s32 $0x1800, s31;
	[dreg:$0x5] =	wrdreg s5  }
0xb: {  	s24 =	sadd.s32 $0x2000, s31;
	[dreg:$0x6] =	wrdreg s23  }
0xc: {  	s26 =	sadd.s32 $0x2800, s31;
	[dreg:$0x7] =	wrdreg s24  }
0xd: {  	[dreg:$0x8] =	wrdreg s26;
	s5 =	simm.s32 $0x9  }
0xe: {  	[tilespmem:s3], [sflag:$0x9] =	stream.linear.gather [hbm4b:s25+s3], $0x500, $0x38;
	[tilespmem:$0x10800] =	vst v63  }
0xf: {  	_ =	swait.ge [sflag:s5], $0x500  }
0x10: {  	[sflag:s5] =	ssyncset.done $0x0  }
0x11: {  	s7 =	simm.s32 $0x800;
	s6 =	simm.s32 $0x80;
	[sflag:s5] =	ssyncadd.s32 $0xFFFFFB00  }
0x12: {  	[tilespmem:s7], [sflag:$0x1] =	stream.indirect.gather [hbm4b:s2+s6], $0x80, s3, s6, $0xb8;
	[tilespmem:$0x10800] =	vst v63  }
0x13: {  	s8 =	simm.s32 $0x4800  }
0x14: {  	[tilespmem:s8], [sflag:$0x2] =	stream.indirect.gather [hbm4b:s2+s6], $0x80, s6, s6, $0xb8;
	[tilespmem:$0x10800] =	vst v63  }
0x15: {  	s9 =	simm.s32 $0x100;
	s10 =	simm.s32 $0x8800  }
0x16: {  	[tilespmem:s10], [sflag:$0x3] =	stream.indirect.gather [hbm4b:s2+s6], $0x80, s9, s6, $0xb8;
	[tilespmem:$0x10800] =	vst v63  }
0x17: {  	s11 =	simm.s32 $0x180;
	s12 =	simm.s32 $0xC800;
	s13 =	simm.s32 $0x1  }
0x18: {  	[tilespmem:s12], [sflag:$0x4] =	stream.indirect.gather [hbm4b:s2+s6], $0x80, s11, s6, $0xb8;
	[tilespmem:$0x10800] =	vst v63  }
0x19: {  	_ =	swait.ge [sflag:s13], $0x4000  }
0x1a: {  	[sflag:s13] =	ssyncset.done $0x0  }
0x1b: {  	s14 =	simm.s32 $0x5;
	[sflag:s13] =	ssyncadd.s32 $0xFFFFC000  }
0x1c: {  	[hbm4b:s4+s3] =	stream.linear.scatter [tilespmem:s7], [sflag:$0x5], $0x4000, $0x38;
	[tilespmem:$0x10800] =	vst v63  }
0x1d: {  	_ =	swait.ge [sflag:s14], $0x4000  }
0x1e: {  	[sflag:s14] =	ssyncset.done $0x0  }
0x1f: {  	s15 =	simm.s32 $0x200;
	s16 =	simm.s32 $0x2;
	[sflag:s14] =	ssyncadd.s32 $0xFFFFC000  }
0x20: {  	[tilespmem:s7], [sflag:$0x1] =	stream.indirect.gather [hbm4b:s2+s6], $0x80, s15, s6, $0xb8;
	[tilespmem:$0x10800] =	vst v63  }
0x21: {  	_ =	swait.ge [sflag:s16], $0x4000  }
0x22: {  	[sflag:s16] =	ssyncset.done $0x0  }
0x23: {  	s17 =	simm.s32 $0x6;
	s18 =	rddreg [dreg:$0x4];
	[sflag:s16] =	ssyncadd.s32 $0xFFFFC000  }
0x24: {  	[hbm4b:s18+s3] =	stream.linear.scatter [tilespmem:s8], [sflag:$0x6], $0x4000, $0x38;
	[tilespmem:$0x10800] =	vst v63  }
0x25: {  	_ =	swait.ge [sflag:s17], $0x4000  }
0x26: {  	[sflag:s17] =	ssyncset.done $0x0  }
0x27: {  	s19 =	simm.s32 $0x3;
	s18 =	simm.s32 $0x280;
	[sflag:s17] =	ssyncadd.s32 $0xFFFFC000  }
0x28: {  	[tilespmem:s8], [sflag:$0x2] =	stream.indirect.gather [hbm4b:s2+s6], $0x80, s18, s6, $0xb8;
	[tilespmem:$0x10800] =	vst v63  }
0x29: {  	_ =	swait.ge [sflag:s19], $0x4000  }
0x2a: {  	[sflag:s19] =	ssyncset.done $0x0  }
0x2b: {  	s20 =	simm.s32 $0x7;
	s21 =	rddreg [dreg:$0x5];
	[sflag:s19] =	ssyncadd.s32 $0xFFFFC000  }
0x2c: {  	[hbm4b:s21+s3] =	stream.linear.scatter [tilespmem:s10], [sflag:$0x7], $0x4000, $0x38;
	[tilespmem:$0x10800] =	vst v63  }
0x2d: {  	_ =	swait.ge [sflag:s20], $0x4000  }
0x2e: {  	[sflag:s20] =	ssyncset.done $0x0  }
0x2f: {  	s22 =	simm.s32 $0x4;
	s21 =	simm.s32 $0x300;
	[sflag:s20] =	ssyncadd.s32 $0xFFFFC000  }
0x30: {  	[tilespmem:s10], [sflag:$0x3] =	stream.indirect.gather [hbm4b:s2+s6], $0x80, s21, s6, $0xb8;
	[tilespmem:$0x10800] =	vst v63  }
0x31: {  	_ =	swait.ge [sflag:s22], $0x4000  }
0x32: {  	[sflag:s22] =	ssyncset.done $0x0  }
0x33: {  	s23 =	rddreg [dreg:$0x6];
	[sflag:s22] =	ssyncadd.s32 $0xFFFFC000  }
0x34: {  	[hbm4b:s23+s3] =	stream.linear.scatter [tilespmem:s12], [sflag:$0x8], $0x4000, $0x38;
	[tilespmem:$0x10800] =	vst v63  }
0x35: {  	s23 =	simm.s32 $0x8  }
0x36: {  	_ =	swait.ge [sflag:s23], $0x4000  }
0x37: {  	[sflag:s23] =	ssyncset.done $0x0  }
0x38: {  	s24 =	simm.s32 $0x380;
	[sflag:s23] =	ssyncadd.s32 $0xFFFFC000  }
0x39: {  	[tilespmem:s12], [sflag:$0x4] =	stream.indirect.gather [hbm4b:s2+s6], $0x80, s24, s6, $0xb8;
	[tilespmem:$0x10800] =	vst v63  }
0x3a: {  	_ =	swait.ge [sflag:s13], $0x4000  }
0x3b: {  	[sflag:s13] =	ssyncset.done $0x0  }
0x3c: {  	s25 =	rddreg [dreg:$0x7];
	[sflag:s13] =	ssyncadd.s32 $0xFFFFC000  }
0x3d: {  	[hbm4b:s25+s3] =	stream.linear.scatter [tilespmem:s7], [sflag:$0x5], $0x4000, $0x38;
	[tilespmem:$0x10800] =	vst v63  }
0x3e: {  	_ =	swait.ge [sflag:s14], $0x4000  }
0x3f: {  	[sflag:s14] =	ssyncset.done $0x0  }
0x40: {  	s25 =	simm.s32 $0x400;
	[sflag:s14] =	ssyncadd.s32 $0xFFFFC000  }
0x41: {  	[tilespmem:s7], [sflag:$0x1] =	stream.indirect.gather [hbm4b:s2+s6], $0x80, s25, s6, $0xb8;
	[tilespmem:$0x10800] =	vst v63  }
0x42: {  	_ =	swait.ge [sflag:s16], $0x4000  }
0x43: {  	[sflag:s16] =	ssyncset.done $0x0  }
0x44: {  	s26 =	rddreg [dreg:$0x8];
	[sflag:s16] =	ssyncadd.s32 $0xFFFFC000  }
0x45: {  	[hbm4b:s26+s3] =	stream.linear.scatter [tilespmem:s8], [sflag:$0x6], $0x4000, $0x38;
	[tilespmem:$0x10800] =	vst v63  }
0x46: {  	_ =	swait.ge [sflag:s17], $0x4000  }
0x47: {  	[sflag:s17] =	ssyncset.done $0x0  }
0x48: {  	s26 =	simm.s32 $0x480;
	[sflag:s17] =	ssyncadd.s32 $0xFFFFC000  }
0x49: {  	[tilespmem:s8], [sflag:$0x2] =	stream.indirect.gather [hbm4b:s2+s6], $0x80, s26, s6, $0xb8;
	[tilespmem:$0x10800] =	vst v63  }
0x4a: {  	_ =	swait.ge [sflag:s19], $0x4000  }
0x4b: {  	[sflag:s19] =	ssyncset.done $0x0  }
0x4c: {  	s28 =	sadd.s32 $0x3000, s31;
	[sflag:s19] =	ssyncadd.s32 $0xFFFFC000  }
0x4d: {  	[hbm4b:s28+s3] =	stream.linear.scatter [tilespmem:s10], [sflag:$0x7], $0x4000, $0x38;
	[tilespmem:$0x10800] =	vst v63  }
0x4e: {  	_ =	swait.ge [sflag:s22], $0x4000  }
0x4f: {  	[sflag:s22] =	ssyncset.done $0x0  }
0x50: {  	s29 =	sadd.s32 $0x3800, s31;
	[sflag:s22] =	ssyncadd.s32 $0xFFFFC000  }
0x51: {  	[hbm4b:s29+s3] =	stream.linear.scatter [tilespmem:s12], [sflag:$0x8], $0x4000, $0x38;
	[tilespmem:$0x10800] =	vst v63  }
0x52: {  	_ =	swait.ge [sflag:s13], $0x4000  }
0x53: {  	[sflag:s13] =	ssyncset.done $0x0  }
0x54: {  	s30 =	sadd.s32 $0x4000, s31;
	[sflag:s13] =	ssyncadd.s32 $0xFFFFC000  }
0x55: {  	[hbm4b:s30+s3] =	stream.linear.scatter [tilespmem:s7], [sflag:$0x5], $0x4000, $0x38;
	[tilespmem:$0x10800] =	vst v63  }
0x56: {  	_ =	swait.ge [sflag:s16], $0x4000  }
0x57: {  	[sflag:s16] =	ssyncset.done $0x0  }
0x58: {  	s31 =	sadd.s32 $0x4800, s31;
	[sflag:s16] =	ssyncadd.s32 $0xFFFFC000  }
0x59: {  	[hbm4b:s31+s3] =	stream.linear.scatter [tilespmem:s8], [sflag:$0x6], $0x4000, $0x38;
	[tilespmem:$0x10800] =	vst v63  }
0x5a: {  	s1 =	ssub.s32 $0x2, s1;
	_ =	swait.ge [sflag:s20], $0x4000  }
0x5b: {  	s0 =	sshrl.u32 s1, $0x1;
	[sflag:s20] =	ssyncset.done $0x0  }
0x5c: {  	s0 =	ssub.s32 s1, s0;
	[sflag:s20] =	ssyncadd.s32 $0xFFFFC000  }
0x5d: {  	s0 =	smax.u32 s0, $0x1;
	_ =	swait.ge [sflag:s23], $0x4000  }
0x5e: {  	p0 =	sne.s32 s0, $0x1;
	[sflag:s23] =	ssyncset.done $0x0  }
.Ltmp0:
0x5f: {  	[sflag:s23] =	ssyncadd.s32 $0xFFFFC000;
	(pc) =	sbr.rel @!p0 .LBB2_2-.Ltmp0, $4  }
0x60: {  	_ =	swait.ge [sflag:s14], $0x4000  }
0x61: {  	[sflag:s14] =	ssyncset.done $0x0  }
0x62: {  	[sflag:s14] =	ssyncadd.s32 $0xFFFFC000  }
0x63: {  	s1 =	sadd.s32 $0xFFFFFFFF, s0;
	_ =	swait.ge [sflag:s17], $0x4000  }
.LBB2_1:
0x64: {  	[sflag:s17] =	ssyncset.done $0x0  }
0x65: {  	s0 =	rddreg [dreg:$0x3];
	[sflag:s17] =	ssyncadd.s32 $0xFFFFC000  }
0x66: {  	[tilespmem:s3], [sflag:$0x9] =	stream.linear.gather [hbm4b:s0+s3], $0x500, $0x38;
	[tilespmem:$0x10800] =	vst v63  }
0x67: {  	_ =	swait.ge [sflag:s5], $0x500  }
0x68: {  	[sflag:s5] =	ssyncset.done $0x0  }
0x69: {  	[sflag:s5] =	ssyncadd.s32 $0xFFFFFB00  }
0x6a: {  	[tilespmem:s7], [sflag:$0x1] =	stream.indirect.gather [hbm4b:s2+s6], $0x80, s3, s6, $0xb8;
	[tilespmem:$0x10800] =	vst v63  }
0x6b: {  	_ = 	snop  }
0x6c: {  	[tilespmem:s8], [sflag:$0x2] =	stream.indirect.gather [hbm4b:s2+s6], $0x80, s6, s6, $0xb8;
	[tilespmem:$0x10800] =	vst v63  }
0x6d: {  	_ = 	snop  }
0x6e: {  	[tilespmem:s10], [sflag:$0x3] =	stream.indirect.gather [hbm4b:s2+s6], $0x80, s9, s6, $0xb8;
	[tilespmem:$0x10800] =	vst v63  }
0x6f: {  	_ = 	snop  }
0x70: {  	[tilespmem:s12], [sflag:$0x4] =	stream.indirect.gather [hbm4b:s2+s6], $0x80, s11, s6, $0xb8;
	[tilespmem:$0x10800] =	vst v63  }
0x71: {  	_ =	swait.ge [sflag:s13], $0x4000  }
0x72: {  	[sflag:s13] =	ssyncset.done $0x0  }
0x73: {  	[sflag:s13] =	ssyncadd.s32 $0xFFFFC000  }
0x74: {  	[hbm4b:s4+s3] =	stream.linear.scatter [tilespmem:s7], [sflag:$0x5], $0x4000, $0x38;
	[tilespmem:$0x10800] =	vst v63  }
0x75: {  	_ =	swait.ge [sflag:s14], $0x4000  }
0x76: {  	[sflag:s14] =	ssyncset.done $0x0  }
0x77: {  	[sflag:s14] =	ssyncadd.s32 $0xFFFFC000  }
0x78: {  	[tilespmem:s7], [sflag:$0x1] =	stream.indirect.gather [hbm4b:s2+s6], $0x80, s15, s6, $0xb8;
	[tilespmem:$0x10800] =	vst v63  }
0x79: {  	_ =	swait.ge [sflag:s16], $0x4000  }
0x7a: {  	[sflag:s16] =	ssyncset.done $0x0  }
0x7b: {  	s0 =	rddreg [dreg:$0x4];
	[sflag:s16] =	ssyncadd.s32 $0xFFFFC000  }
0x7c: {  	[hbm4b:s0+s3] =	stream.linear.scatter [tilespmem:s8], [sflag:$0x6], $0x4000, $0x38;
	[tilespmem:$0x10800] =	vst v63  }
0x7d: {  	_ =	swait.ge [sflag:s17], $0x4000  }
0x7e: {  	[sflag:s17] =	ssyncset.done $0x0  }
0x7f: {  	[sflag:s17] =	ssyncadd.s32 $0xFFFFC000  }
0x80: {  	[tilespmem:s8], [sflag:$0x2] =	stream.indirect.gather [hbm4b:s2+s6], $0x80, s18, s6, $0xb8;
	[tilespmem:$0x10800] =	vst v63  }
0x81: {  	_ =	swait.ge [sflag:s19], $0x4000  }
0x82: {  	[sflag:s19] =	ssyncset.done $0x0  }
0x83: {  	s0 =	rddreg [dreg:$0x5];
	[sflag:s19] =	ssyncadd.s32 $0xFFFFC000  }
0x84: {  	[hbm4b:s0+s3] =	stream.linear.scatter [tilespmem:s10], [sflag:$0x7], $0x4000, $0x38;
	[tilespmem:$0x10800] =	vst v63  }
0x85: {  	_ =	swait.ge [sflag:s20], $0x4000  }
0x86: {  	[sflag:s20] =	ssyncset.done $0x0  }
0x87: {  	[sflag:s20] =	ssyncadd.s32 $0xFFFFC000  }
0x88: {  	[tilespmem:s10], [sflag:$0x3] =	stream.indirect.gather [hbm4b:s2+s6], $0x80, s21, s6, $0xb8;
	[tilespmem:$0x10800] =	vst v63  }
0x89: {  	_ =	swait.ge [sflag:s22], $0x4000  }
0x8a: {  	[sflag:s22] =	ssyncset.done $0x0  }
0x8b: {  	s0 =	rddreg [dreg:$0x6];
	[sflag:s22] =	ssyncadd.s32 $0xFFFFC000  }
0x8c: {  	[hbm4b:s0+s3] =	stream.linear.scatter [tilespmem:s12], [sflag:$0x8], $0x4000, $0x38;
	[tilespmem:$0x10800] =	vst v63  }
0x8d: {  	_ =	swait.ge [sflag:s23], $0x4000  }
0x8e: {  	[sflag:s23] =	ssyncset.done $0x0  }
0x8f: {  	[sflag:s23] =	ssyncadd.s32 $0xFFFFC000  }
0x90: {  	[tilespmem:s12], [sflag:$0x4] =	stream.indirect.gather [hbm4b:s2+s6], $0x80, s24, s6, $0xb8;
	[tilespmem:$0x10800] =	vst v63  }
0x91: {  	_ =	swait.ge [sflag:s13], $0x4000  }
0x92: {  	[sflag:s13] =	ssyncset.done $0x0  }
0x93: {  	s0 =	rddreg [dreg:$0x7];
	[sflag:s13] =	ssyncadd.s32 $0xFFFFC000  }
0x94: {  	[hbm4b:s0+s3] =	stream.linear.scatter [tilespmem:s7], [sflag:$0x5], $0x4000, $0x38;
	[tilespmem:$0x10800] =	vst v63  }
0x95: {  	_ =	swait.ge [sflag:s14], $0x4000  }
0x96: {  	[sflag:s14] =	ssyncset.done $0x0  }
0x97: {  	[sflag:s14] =	ssyncadd.s32 $0xFFFFC000  }
0x98: {  	[tilespmem:s7], [sflag:$0x1] =	stream.indirect.gather [hbm4b:s2+s6], $0x80, s25, s6, $0xb8;
	[tilespmem:$0x10800] =	vst v63  }
0x99: {  	_ =	swait.ge [sflag:s16], $0x4000  }
0x9a: {  	[sflag:s16] =	ssyncset.done $0x0  }
0x9b: {  	s0 =	rddreg [dreg:$0x8];
	[sflag:s16] =	ssyncadd.s32 $0xFFFFC000  }
0x9c: {  	[hbm4b:s0+s3] =	stream.linear.scatter [tilespmem:s8], [sflag:$0x6], $0x4000, $0x38;
	[tilespmem:$0x10800] =	vst v63  }
0x9d: {  	_ =	swait.ge [sflag:s17], $0x4000  }
0x9e: {  	[sflag:s17] =	ssyncset.done $0x0  }
0x9f: {  	[sflag:s17] =	ssyncadd.s32 $0xFFFFC000  }
0xa0: {  	[tilespmem:s8], [sflag:$0x2] =	stream.indirect.gather [hbm4b:s2+s6], $0x80, s26, s6, $0xb8;
	[tilespmem:$0x10800] =	vst v63  }
0xa1: {  	_ =	swait.ge [sflag:s19], $0x4000  }
0xa2: {  	[sflag:s19] =	ssyncset.done $0x0  }
0xa3: {  	[sflag:s19] =	ssyncadd.s32 $0xFFFFC000  }
0xa4: {  	[hbm4b:s28+s3] =	stream.linear.scatter [tilespmem:s10], [sflag:$0x7], $0x4000, $0x38;
	[tilespmem:$0x10800] =	vst v63  }
0xa5: {  	_ =	swait.ge [sflag:s22], $0x4000  }
0xa6: {  	[sflag:s22] =	ssyncset.done $0x0  }
0xa7: {  	[sflag:s22] =	ssyncadd.s32 $0xFFFFC000  }
0xa8: {  	[hbm4b:s29+s3] =	stream.linear.scatter [tilespmem:s12], [sflag:$0x8], $0x4000, $0x38;
	[tilespmem:$0x10800] =	vst v63  }
0xa9: {  	_ =	swait.ge [sflag:s13], $0x4000  }
0xaa: {  	[sflag:s13] =	ssyncset.done $0x0  }
0xab: {  	[sflag:s13] =	ssyncadd.s32 $0xFFFFC000  }
0xac: {  	[hbm4b:s30+s3] =	stream.linear.scatter [tilespmem:s7], [sflag:$0x5], $0x4000, $0x38;
	[tilespmem:$0x10800] =	vst v63  }
0xad: {  	_ =	swait.ge [sflag:s16], $0x4000  }
0xae: {  	[sflag:s16] =	ssyncset.done $0x0  }
0xaf: {  	[sflag:s16] =	ssyncadd.s32 $0xFFFFC000  }
0xb0: {  	[hbm4b:s31+s3] =	stream.linear.scatter [tilespmem:s8], [sflag:$0x6], $0x4000, $0x38;
	[tilespmem:$0x10800] =	vst v63  }
0xb1: {  	_ =	swait.ge [sflag:s20], $0x4000  }
0xb2: {  	[sflag:s20] =	ssyncset.done $0x0  }
0xb3: {  	[sflag:s20] =	ssyncadd.s32 $0xFFFFC000  }
0xb4: {  	_ =	swait.ge [sflag:s23], $0x4000  }
0xb5: {  	p0 =	sne.s32 s1, $0x1;
	[sflag:s23] =	ssyncset.done $0x0  }
.Ltmp1:
0xb6: {  	[sflag:s23] =	ssyncadd.s32 $0xFFFFC000;
	(pc) =	sbr.rel @p0 .LBB2_1-.Ltmp1, $4  }
0xb7: {  	_ =	swait.ge [sflag:s14], $0x4000  }
0xb8: {  	[sflag:s14] =	ssyncset.done $0x0  }
0xb9: {  	[sflag:s14] =	ssyncadd.s32 $0xFFFFC000  }
0xba: {  	s1 =	sadd.s32 $0xFFFFFFFF, s1;
	_ =	swait.ge [sflag:s17], $0x4000  }
.LBB2_2:
0xbb: {  	[sflag:s17] =	ssyncset.done $0x0  }
0xbc: {  	[sflag:s17] =	ssyncadd.s32 $0xFFFFC000  }
0xbd: {  	_ =	sfence.sel $0x180000  }
0xbe: {  	[bflag:$0x0] =	sbarrier.arrive $0xFFFF  }
0xbf: {  	_ =	strace $0x90000047  }
0xc0: {  	s0 =	stileid.u32;
	[bflag:$0x2] =	sbarrier.arrive $0xFFFF  }
0xc1: {  	p0 =	sne.s32 s0, $0x0;
	s0 =	rddreg [dreg:$0x2]  }
0xc2: {  	s0 =	sadd.s32 @!p0 $0x100000, s0  }
0xc3: {  	[sflag:s0] =	ssyncadd.tile.s32 @!p0 $0x1;
	_ =	shalt  }
.Lfunc_end2:
_tile_overlayer_lowered:
.L_overlay_start_2:
0xc4: {  	(tag) =	ssettag $0x2  }
0xc5: {  	s0 =	rddreg [dreg:$0x0];
	s2 =	stileid.u32  }
0xc6: {  	s1 =	rddreg [dreg:$0x1];
	p0 =	sne.s32 s2, $0x0  }
0xc7: {  	s3 =	rddreg [dreg:$0x2];
	[bflag:$0x3] =	sbarrier.arrive $0xFFFF;
	s2 =	simm.s32 @!p0 $0x1C09  }
0xc8: {  	[timem:s3], [sflag:s2] =	dma.local @!p0 [hbm:s0], s1  }
0xc9: {  	s0 =	simm.s32 @!p0 $0x9  }
0xca: {  	_ =	swait.ge @!p0 [sflag:s0], s1  }
0xcb: {  	s1 =	ssub.s32 @!p0 $0x0, s1;
	[sflag:s0] =	ssyncset.done @!p0 $0x0  }
0xcc: {  	[sflag:s0] =	ssyncadd.s32 @!p0 s1  }
0xcd: {  	[bflag:$0x3] =	sbarrier.arrive $0xFFFF  }
0xce: {  	_ =	shalt  }

// kernel: kernel.15.cloned.1.call-start
scs
__scs_entry_jumppad:
0x0: {  	(pc) =	sbr.rel $0x88, $3  }
0x1: {  	(tag) =	ssettag $0x0;
	lr =	simm.s32 $0x1  }
0x2: {  	[smem:$0x3F9C] =	sst lr;
	_ =	strace $0xD0000000  }
0x3: {  	_ = 	snop  }
0x4: {  	_ = 	snop  }
0x5: {  	_ = 	snop  }
0x6: {  	_ = 	snop  }
0x7: {  	_ = 	snop  }
__scs_overlays_trampoline_lowered:
0x8: {  	[smem:$0x3FAB] =	sst s0  }
0x9: {  	[smem:$0x3FAC] =	sst s1  }
0xa: {  	[smem:$0x3FAD] =	sst s2  }
0xb: {  	[smem:$0x3FAE] =	sst s3  }
0xc: {  	[smem:$0x3FAF] =	sst s4  }
0xd: {  	[smem:$0x3FB0] =	sst s5  }
0xe: {  	[smem:$0x3FB1] =	sst s6  }
0xf: {  	[smem:$0x3FB2] =	sst s7  }
0x10: {  	[smem:$0x3FB3] =	sst s8  }
0x11: {  	[smem:$0x3FB4] =	sst s9;
	s0 =	simm.s32 @!p0 $0x0  }
0x12: {  	s1 =	sld [smem:$0x3F9A];
	s0 =	simm.s32 @p0 $0x1  }
0x13: {  	[smem:$0x3FB5] =	sst s0;
	s0 =	simm.s32 @!p1 $0x0  }
0x14: {  	s2 =	sld [smem:$0x3F99];
	s0 =	simm.s32 @p1 $0x1  }
0x15: {  	[smem:$0x3FB6] =	sst s0;
	s0 =	simm.s32 @!p2 $0x0  }
0x16: {  	s3 =	sld [smem:$0x3FDB];
	s0 =	simm.s32 @p2 $0x1  }
0x17: {  	s4 =	simm.s32 $0x1BF5;
	[smem:$0x3FB8] =	sst s0  }
0x18: {  	s0 =	sld [smem:$0x3F9B];
	_ =	swait.ge [sflag:s4], $0x0  }
0x19: {  	s7 =	sld [smem:$0x3F9C]  }
0x1a: {  	s8 =	sadd.s32 $0xFFFFE003, lr  }
0x1b: {  	s9 =	sadd.s32 $0xFFFFFEF7, lr;
	s5 =	simm.s32 $0xFFFFFFFF;
	p2 =	slt.u32 s8, $0xFFFFF086  }
0x1c: {  	p1 =	slt.u32 s9, $0xF7A;
	s5 =	simm.s32 @!p2 $0x0  }
0x1d: {  	s5 =	simm.s32 @p1 $0x1;
	p0 =	seq.s32 s7, s2  }
0x1e: {  	s7 =	smul.u32 @!p0 $0xF7A, s2;
	p2 =	seq.s32 @!p0 s5, $0x0  }
0x1f: {  	s9 =	smul.u32 $0xF7A, s1;
	s8 =	simm.s32 @!p0 $0x1BF5;
	p2 =	por !p2, p0  }
0x20: {  	[sflag:s8] =	ssyncset.s32 @!p0 $0xFFFFF086;
	s6 =	sadd.s32 @!p0 s3, s7;
	s7 =	simm.s32 @!p0 $0x108  }
0x21: {  	s3 =	sadd.s32 s3, s9;
	s6 =	sadd.s32 @!p0 $0x88, s6;
	s7 =	simm.s32 @p2 $0x1082  }
0x22: {  	[simem:s7], [sflag:s8] =	dma.local @!p0 [hbm:s6], $0xF7A  }
0x23: {  	s9 =	sor.u32 $0xD0000000, s2;
	s6 =	simm.s32 $0x108;
	_ =	swait.ge @!p0 [sflag:s8], $0x0  }
0x24: {  	s3 =	sadd.s32 $0x88, s3;
	s6 =	simm.s32 @!p1 $0x1082;
	[sflag:s4] =	ssyncset.s32 $0xFFFFF086  }
0x25: {  	[simem:s6], [sflag:s4] =	dma.local [hbm:s3], $0xF7A  }
0x26: {  	[smem:$0x3F9C] =	sst s1;
	(tag) =	ssettag s2;
	_ =	strace s9  }
0x27: {  	s1 =	sld [smem:$0x3FAC]  }
0x28: {  	s2 =	sld [smem:$0x3FAD]  }
0x29: {  	s4 =	sld [smem:$0x3FAF]  }
0x2a: {  	p0 =	seq.s32 s5, $0x0;
	s5 =	sld [smem:$0x3FB0]  }
0x2b: {  	s6 =	sld [smem:$0x3FB1]  }
0x2c: {  	s7 =	sld [smem:$0x3FB2]  }
0x2d: {  	s3 =	simm.s32 $0x108;
	s8 =	sld [smem:$0x3FB3]  }
0x2e: {  	s3 =	simm.s32 @!p0 $0x1082;
	s9 =	sld [smem:$0x3FB4]  }
0x2f: {  	lr =	sadd.s32 s0, s3;
	s0 =	sld [smem:$0x3FAB]  }
0x30: {  	s3 =	sld [smem:$0x3FAE]  }
0x31: {  	[smem:$0x3FB7] =	sst s10  }
0x32: {  	s10 =	sld [smem:$0x3FB5];
	_ =	sdelay $0x3  }
0x33: {  	p0 =	seq.s32 s10, $0x1;
	s10 =	sld [smem:$0x3FB7];
	_ =	sdelay $0x3  }
0x34: {  	[smem:$0x3FB7] =	sst s10  }
0x35: {  	s10 =	sld [smem:$0x3FB6];
	_ =	sdelay $0x3  }
0x36: {  	p1 =	seq.s32 s10, $0x1;
	s10 =	sld [smem:$0x3FB7];
	_ =	sdelay $0x3  }
0x37: {  	[smem:$0x3FB7] =	sst s10  }
0x38: {  	s10 =	sld [smem:$0x3FB8]  }
0x39: {  	_ = 	snop;
	(pc) =	sbr.ind lr, $3  }
0x3a: {  	_ = 	snop  }
0x3b: {  	_ = 	snop  }
0x3c: {  	p2 =	seq.s32 s10, $0x1;
	s10 =	sld [smem:$0x3FB7]  }
0x3d: {  	_ =	shalt  }
0x3e: {  	_ =	shalt  }
0x3f: {  	_ =	shalt  }
0x40: {  	_ =	shalt  }
0x41: {  	_ =	shalt  }
0x42: {  	_ =	shalt  }
0x43: {  	_ =	shalt  }
0x44: {  	_ =	shalt  }
0x45: {  	_ =	shalt  }
0x46: {  	_ =	shalt  }
0x47: {  	_ =	shalt  }
0x48: {  	_ =	shalt  }
0x49: {  	_ =	shalt  }
0x4a: {  	_ =	shalt  }
0x4b: {  	_ =	shalt  }
0x4c: {  	_ =	shalt  }
0x4d: {  	_ =	shalt  }
0x4e: {  	_ =	shalt  }
0x4f: {  	_ =	shalt  }
0x50: {  	_ =	shalt  }
0x51: {  	_ =	shalt  }
0x52: {  	_ =	shalt  }
0x53: {  	_ =	shalt  }
0x54: {  	_ =	shalt  }
0x55: {  	_ =	shalt  }
0x56: {  	_ =	shalt  }
0x57: {  	_ =	shalt  }
0x58: {  	_ =	shalt  }
0x59: {  	_ =	shalt  }
0x5a: {  	_ =	shalt  }
0x5b: {  	_ =	shalt  }
0x5c: {  	_ =	shalt  }
0x5d: {  	_ =	shalt  }
0x5e: {  	_ =	shalt  }
0x5f: {  	_ =	shalt  }
0x60: {  	_ =	shalt  }
0x61: {  	_ =	shalt  }
0x62: {  	_ =	shalt  }
0x63: {  	_ =	shalt  }
0x64: {  	_ =	shalt  }
0x65: {  	_ =	shalt  }
0x66: {  	_ =	shalt  }
0x67: {  	_ =	shalt  }
0x68: {  	_ =	shalt  }
0x69: {  	_ =	shalt  }
0x6a: {  	_ =	shalt  }
0x6b: {  	_ =	shalt  }
0x6c: {  	_ =	shalt  }
0x6d: {  	_ =	shalt  }
0x6e: {  	_ =	shalt  }
0x6f: {  	_ =	shalt  }
0x70: {  	_ =	shalt  }
0x71: {  	_ =	shalt  }
0x72: {  	_ =	shalt  }
0x73: {  	_ =	shalt  }
0x74: {  	_ =	shalt  }
0x75: {  	_ =	shalt  }
0x76: {  	_ =	shalt  }
0x77: {  	_ =	shalt  }
0x78: {  	_ =	shalt  }
0x79: {  	_ =	shalt  }
0x7a: {  	_ =	shalt  }
0x7b: {  	_ =	shalt  }
0x7c: {  	_ =	shalt  }
0x7d: {  	_ =	shalt  }
0x7e: {  	_ =	shalt  }
0x7f: {  	_ =	shalt  }
0x80: {  	_ =	shalt  }
0x81: {  	_ =	shalt  }
0x82: {  	_ =	shalt  }
0x83: {  	_ =	shalt  }
0x84: {  	_ =	shalt  }
0x85: {  	_ =	shalt  }
0x86: {  	_ =	shalt  }
0x87: {  	_ =	shalt  }
.Lfunc_end0:
.L_simem_size_0:
called_computation.1_lowered:
.L_overlay_start_0:
0x88: {  	s2 =	sld [smem:$0x3FD9]  }
0x89: {  	s3 =	sld [smem:$0x3FFE];
	_ =	sdelay $0x1  }
0x8a: {  	s1 =	srdreg.scid  }
0x8b: {  	s0 =	sand.u32 $0x1, s1  }
0x8c: {  	s17 =	sshll.u32 s0, $0xA;
	s2 =	sadd.s32 s3, s2  }
0x8d: {  	s2 =	sadd.s32 s2, s17  }
0x8e: {  	[smem:$0x3FC3] =	sst s2  }
0x8f: {  	_ = 	snop  }
0x90: {  	s18 =	sld [smem:$0x3FC7]  }
0x91: {  	s4 =	sld [smem:$0x3FD0];
	(tm) =	ssettm $0x1  }
0x92: {  	s19 =	sld [smem:$0x3FFB];
	_ =	sdelay $0x3  }
0x93: {  	_ =	strace s19  }
0x94: {  	s2 =	sld [smem:$0x3FFC];
	_ =	sdelay $0x3  }
0x95: {  	_ =	strace s2  }
0x96: {  	s2 =	sld [smem:$0x3FFD];
	_ =	sdelay $0x3  }
0x97: {  	_ =	strace s2  }
0x98: {  	_ =	strace $0x8FFFFFFF  }
0x99: {  	s20 =	sld [smem:$0x3FDB];
	_ =	sdelay $0x1  }
0x9a: {  	s5 =	simm.s32 $_scs_section_size  }
0x9b: {  	s6 =	simm.s32 $_size__tile_overlayer_lowered;
	s7 =	simm.s32 $_tile_overlayer_lowered  }
0x9c: {  	s8 =	simm.s32 $0x1BFF;
	s21 =	sshll.u32 s7, $0x1;
	s5 =	sadd.s32 s5, s20  }
0x9d: {  	s22 =	simm.s32 $0x0;
	s6 =	sshll.u32 s6, $0x1;
	s7 =	sadd.s32 s21, s5  }
0x9e: {  	[timem:s22], [sflag:s8] =	dma.local [hbm:s7], s6  }
0x9f: {  	_ =	swait.ge [sflag:s8], s6  }
0xa0: {  	s6 =	ssub.s32 $0x0, s6;
	[sflag:s8] =	ssyncset.done $0x0  }
0xa1: {  	[sflag:s8] =	ssyncadd.s32 s6;
	_ =	sdelay $0x1  }
0xa2: {  	s23 =	simm.s32 $0x1B8B  }
0xa3: {  	_ =	swait.ge [sflag:s23], $0x1  }
0xa4: {  	[sflag:s23] =	ssyncset.done $0x0  }
0xa5: {  	[sflag:s23] =	ssyncadd.s32 $0xFFFFFFFF  }
0xa6: {  	s6 =	sld [smem:$0x0]  }
0xa7: {  	s7 =	sand.u32 $0xFFFFFFFE, s1  }
0xa8: {  	p0 =	sne.s32 s1, s7  }
0xa9: {  	s7 =	sshll.u32 @p0 s7, $0xE  }
0xaa: {  	s7 =	sadd.s32 @p0 $0x11B8D, s7;
	s8 =	sshll.u32 @p0 s6, $0x11  }
0xab: {  	s7 =	sor.u32 @p0 s8, s7  }
0xac: {  	[sflag:s7] =	ssyncadd.remote.s32 @p0 $0x1;
	_ =	sdelay $0x1  }
0xad: {  	s7 =	simm.s32 @p0 $0x1B8D  }
0xae: {  	_ =	swait.eq @p0 [sflag:s7], $0x1  }
0xaf: {  	[sflag:s7] =	ssyncadd.s32 @p0 $0xFFFFFFFF  }
0xb0: {  	s8 =	sshll.u32 @!p0 s1, $0xE  }
0xb1: {  	s8 =	sor.u32 @!p0 $0x4000, s8;
	s7 =	simm.s32 @!p0 $0x1B8D  }
0xb2: {  	s6 =	sshll.u32 @!p0 s6, $0x11;
	s8 =	sadd.s32 @!p0 $0x11B8D, s8;
	_ =	swait.eq @!p0 [sflag:s7], $0x1  }
0xb3: {  	s6 =	sor.u32 @!p0 s6, s8;
	[sflag:s7] =	ssyncadd.s32 @!p0 $0xFFFFFFFF  }
0xb4: {  	s25 =	simm.s32 $0x1B8E;
	s24 =	sld [smem:$0x3FFE];
	[sflag:s6] =	ssyncadd.remote.s32 @!p0 $0x1  }
0xb5: {  	s26 =	simm.s32 $execute0_lowered;
	[smem:$0x3FD2] =	sst s25  }
0xb6: {  	s7 =	sshll.u32 s26, $0x1;
	_ =	strace $0x80000052;
	[dreg:$0x1] =	wrdreg $0xFFFFFFFF  }
0xb7: {  	s28 =	simm.s32 $_size_execute0_lowered;
	s5 =	sadd.s32 s5, s7;
	[dreg:$0x0] =	wrdreg $0x0  }
0xb8: {  	s7 =	sshll.u32 s28, $0x1;
	[dreg:$0x2] =	wrdreg s5  }
0xb9: {  	[dreg:$0x3] =	wrdreg s7  }
0xba: {  	[dreg:$0x4] =	wrdreg $0xC0  }
0xbb: {  	_ =	task [dreg:s22], $0x5FFFF  }
0xbc: {  	[dreg:$0x1] =	wrdreg $0xFFFFFFFF  }
0xbd: {  	[dreg:$0x0] =	wrdreg $0x60  }
0xbe: {  	[dreg:$0x2] =	wrdreg s18  }
0xbf: {  	[dreg:$0x3] =	wrdreg s4  }
0xc0: {  	[dreg:$0x4] =	wrdreg s24  }
0xc1: {  	[dreg:$0x5] =	wrdreg $0xA  }
0xc2: {  	_ =	task.clear_ibuf [dreg:s22], $0x6FFFF;
	_ =	strace $0x90000052  }
0xc3: {  	s29 =	simm.s32 $0xA;
	_ =	strace $0x80000054  }
0xc4: {  	_ =	swait.ge [sflag:s29], $0x1  }
0xc5: {  	[sflag:s29] =	ssyncadd.s32 $0xFFFFFFFF  }
0xc6: {  	_ =	strace $0x90000054  }
0xc7: {  	_ =	sfence  }
0xc8: {  	s30 =	sld [smem:$0x0];
	_ =	sdelay $0x2  }
0xc9: {  	s31 =	sshll.u32 s1, $0xD;
	s1 =	sshrl.u32 s1, $0x2  }
0xca: {  	s4 =	sand.u32 $0x4000, s31;
	s1 =	sadd.s32 s1, s30  }
0xcb: {  	s0 =	sor.u32 s4, s0;
	s1 =	sshll.u32 s1, $0x11  }
0xcc: {  	s0 =	sor.u32 s1, s0  }
0xcd: {  	s0 =	sadd.s32 $0x8F2B, s0  }
0xce: {  	[sflag:s0] =	ssyncadd.remote.s32 $0x1  }
0xcf: {  	_ =	sfence.sel $0xFFFF  }
0xd0: {  	[dreg:$0x0] =	wrdreg $0xFFFFFFFF;
	(pc) =	sbr.abs _section_cstart, $3  }
0xd1: {  	[dreg:$0x1] =	wrdreg $0xFFFFFFFF  }
0xd2: {  	_ =	task.clear_ibuf [dreg:s22], $0x2FFFF;
	_ =	strace $0x9FFFFFFF  }
0xd3: {  	(tm) =	ssettm $0x7FFFFFFF  }
tec
execute0_lowered:
.L_overlay_start_1:
0x0: {  	(tag) =	ssettag $0x1  }
0x1: {  	s1 =	srdreg.scid;
	s0 =	stileid.u32  }
0x2: {  	s2 =	rddreg [dreg:$0x0];
	s1 =	sand.u32 $0x1, s1;
	s3 =	sshll.u32 s0, $0x1  }
0x3: {  	s4 =	rddreg [dreg:$0x1];
	s6 =	sor.u32 s1, s3  }
0x4: {  	s5 =	rddreg [dreg:$0x2];
	s3 =	simm.s32 $0x0;
	s7 =	smul.u32 $0x5000, s6  }
0x5: {  	[smem:$0x7FF] =	sst s3;
	s8 =	smul.u32 $0x28000, s6;
	s6 =	sshll.u32 s6, $0x8  }
0x6: {  	s5 =	sadd.s32 $0x28A000, s5;
	_ =	strace $0x80000053;
	s6 =	sadd.s32 s4, s6  }
0x7: {  	s4 =	sadd.s32 s5, s7;
	s21 =	sshrl.u32 s8, $0x3;
	[dreg:$0x4] =	wrdreg s6  }
0x8: {  	s22 =	sadd.s32 $0x800, s4;
	s31 =	sadd.s32 s5, s21;
	s25 =	rddreg [dreg:$0x4]  }
0x9: {  	[dreg:$0x5] =	wrdreg s22;
	s5 =	sadd.s32 $0x1000, s31  }
0xa: {  	[tilespmem:s3], [sflag:$0x9] =	stream.linear.gather [hbm4b:s25+s3], $0x500, $0x38;
	[tilespmem:$0x10800] =	vst v63  }
0xb: {  	s23 =	sadd.s32 $0x1800, s31;
	[dreg:$0x6] =	wrdreg s5  }
0xc: {  	s24 =	sadd.s32 $0x2000, s31;
	[dreg:$0x7] =	wrdreg s23  }
0xd: {  	s26 =	sadd.s32 $0x2800, s31;
	[dreg:$0x8] =	wrdreg s24  }
0xe: {  	[dreg:$0x9] =	wrdreg s26;
	s5 =	simm.s32 $0x9  }
0xf: {  	_ =	swait.ge [sflag:s5], $0x500  }
0x10: {  	[sflag:s5] =	ssyncset.done $0x0  }
0x11: {  	s6 =	simm.s32 $0x80;
	s7 =	simm.s32 $0x800;
	[sflag:s5] =	ssyncadd.s32 $0xFFFFFB00  }
0x12: {  	[tilespmem:s7], [sflag:$0x1] =	stream.indirect.gather [hbm4b:s2+s6], $0x80, s3, s6, $0xb8;
	[tilespmem:$0x10800] =	vst v63  }
0x13: {  	s8 =	simm.s32 $0x4800  }
0x14: {  	[tilespmem:s8], [sflag:$0x2] =	stream.indirect.gather [hbm4b:s2+s6], $0x80, s6, s6, $0xb8;
	[tilespmem:$0x10800] =	vst v63  }
0x15: {  	s9 =	simm.s32 $0x100;
	s10 =	simm.s32 $0x8800  }
0x16: {  	[tilespmem:s10], [sflag:$0x3] =	stream.indirect.gather [hbm4b:s2+s6], $0x80, s9, s6, $0xb8;
	[tilespmem:$0x10800] =	vst v63  }
0x17: {  	s11 =	simm.s32 $0x180;
	s12 =	simm.s32 $0xC800;
	s13 =	simm.s32 $0x1  }
0x18: {  	[tilespmem:s12], [sflag:$0x4] =	stream.indirect.gather [hbm4b:s2+s6], $0x80, s11, s6, $0xb8;
	[tilespmem:$0x10800] =	vst v63  }
0x19: {  	_ =	swait.ge [sflag:s13], $0x4000  }
0x1a: {  	[sflag:s13] =	ssyncset.done $0x0  }
0x1b: {  	s14 =	simm.s32 $0x5;
	[sflag:s13] =	ssyncadd.s32 $0xFFFFC000  }
0x1c: {  	[hbm4b:s4+s3] =	stream.linear.scatter [tilespmem:s7], [sflag:$0x5], $0x4000, $0x38;
	[tilespmem:$0x10800] =	vst v63  }
0x1d: {  	_ =	swait.ge [sflag:s14], $0x4000  }
0x1e: {  	[sflag:s14] =	ssyncset.done $0x0  }
0x1f: {  	s15 =	simm.s32 $0x200;
	s16 =	simm.s32 $0x2;
	[sflag:s14] =	ssyncadd.s32 $0xFFFFC000  }
0x20: {  	[tilespmem:s7], [sflag:$0x1] =	stream.indirect.gather [hbm4b:s2+s6], $0x80, s15, s6, $0xb8;
	[tilespmem:$0x10800] =	vst v63  }
0x21: {  	_ =	swait.ge [sflag:s16], $0x4000  }
0x22: {  	[sflag:s16] =	ssyncset.done $0x0  }
0x23: {  	s17 =	simm.s32 $0x6;
	s18 =	rddreg [dreg:$0x5];
	[sflag:s16] =	ssyncadd.s32 $0xFFFFC000  }
0x24: {  	[hbm4b:s18+s3] =	stream.linear.scatter [tilespmem:s8], [sflag:$0x6], $0x4000, $0x38;
	[tilespmem:$0x10800] =	vst v63  }
0x25: {  	_ =	swait.ge [sflag:s17], $0x4000  }
0x26: {  	[sflag:s17] =	ssyncset.done $0x0  }
0x27: {  	s19 =	simm.s32 $0x3;
	s18 =	simm.s32 $0x280;
	[sflag:s17] =	ssyncadd.s32 $0xFFFFC000  }
0x28: {  	[tilespmem:s8], [sflag:$0x2] =	stream.indirect.gather [hbm4b:s2+s6], $0x80, s18, s6, $0xb8;
	[tilespmem:$0x10800] =	vst v63  }
0x29: {  	_ =	swait.ge [sflag:s19], $0x4000  }
0x2a: {  	[sflag:s19] =	ssyncset.done $0x0  }
0x2b: {  	s20 =	simm.s32 $0x7;
	s21 =	rddreg [dreg:$0x6];
	[sflag:s19] =	ssyncadd.s32 $0xFFFFC000  }
0x2c: {  	[hbm4b:s21+s3] =	stream.linear.scatter [tilespmem:s10], [sflag:$0x7], $0x4000, $0x38;
	[tilespmem:$0x10800] =	vst v63  }
0x2d: {  	_ =	swait.ge [sflag:s20], $0x4000  }
0x2e: {  	[sflag:s20] =	ssyncset.done $0x0  }
0x2f: {  	s22 =	simm.s32 $0x4;
	s21 =	simm.s32 $0x300;
	[sflag:s20] =	ssyncadd.s32 $0xFFFFC000  }
0x30: {  	[tilespmem:s10], [sflag:$0x3] =	stream.indirect.gather [hbm4b:s2+s6], $0x80, s21, s6, $0xb8;
	[tilespmem:$0x10800] =	vst v63  }
0x31: {  	_ =	swait.ge [sflag:s22], $0x4000  }
0x32: {  	[sflag:s22] =	ssyncset.done $0x0  }
0x33: {  	s23 =	rddreg [dreg:$0x7];
	[sflag:s22] =	ssyncadd.s32 $0xFFFFC000  }
0x34: {  	[hbm4b:s23+s3] =	stream.linear.scatter [tilespmem:s12], [sflag:$0x8], $0x4000, $0x38;
	[tilespmem:$0x10800] =	vst v63  }
0x35: {  	s23 =	simm.s32 $0x8  }
0x36: {  	_ =	swait.ge [sflag:s23], $0x4000  }
0x37: {  	[sflag:s23] =	ssyncset.done $0x0  }
0x38: {  	s24 =	simm.s32 $0x380;
	[sflag:s23] =	ssyncadd.s32 $0xFFFFC000  }
0x39: {  	[tilespmem:s12], [sflag:$0x4] =	stream.indirect.gather [hbm4b:s2+s6], $0x80, s24, s6, $0xb8;
	[tilespmem:$0x10800] =	vst v63  }
0x3a: {  	_ =	swait.ge [sflag:s13], $0x4000  }
0x3b: {  	[sflag:s13] =	ssyncset.done $0x0  }
0x3c: {  	s25 =	rddreg [dreg:$0x8];
	[sflag:s13] =	ssyncadd.s32 $0xFFFFC000  }
0x3d: {  	[hbm4b:s25+s3] =	stream.linear.scatter [tilespmem:s7], [sflag:$0x5], $0x4000, $0x38;
	[tilespmem:$0x10800] =	vst v63  }
0x3e: {  	_ =	swait.ge [sflag:s14], $0x4000  }
0x3f: {  	[sflag:s14] =	ssyncset.done $0x0  }
0x40: {  	s25 =	simm.s32 $0x400;
	[sflag:s14] =	ssyncadd.s32 $0xFFFFC000  }
0x41: {  	[tilespmem:s7], [sflag:$0x1] =	stream.indirect.gather [hbm4b:s2+s6], $0x80, s25, s6, $0xb8;
	[tilespmem:$0x10800] =	vst v63  }
0x42: {  	_ =	swait.ge [sflag:s16], $0x4000  }
0x43: {  	[sflag:s16] =	ssyncset.done $0x0  }
0x44: {  	s26 =	rddreg [dreg:$0x9];
	[sflag:s16] =	ssyncadd.s32 $0xFFFFC000  }
0x45: {  	[hbm4b:s26+s3] =	stream.linear.scatter [tilespmem:s8], [sflag:$0x6], $0x4000, $0x38;
	[tilespmem:$0x10800] =	vst v63  }
0x46: {  	_ =	swait.ge [sflag:s17], $0x4000  }
0x47: {  	[sflag:s17] =	ssyncset.done $0x0  }
0x48: {  	s26 =	simm.s32 $0x480;
	[sflag:s17] =	ssyncadd.s32 $0xFFFFC000  }
0x49: {  	[tilespmem:s8], [sflag:$0x2] =	stream.indirect.gather [hbm4b:s2+s6], $0x80, s26, s6, $0xb8;
	[tilespmem:$0x10800] =	vst v63  }
0x4a: {  	_ =	swait.ge [sflag:s19], $0x4000  }
0x4b: {  	[sflag:s19] =	ssyncset.done $0x0  }
0x4c: {  	s28 =	sadd.s32 $0x3000, s31;
	[sflag:s19] =	ssyncadd.s32 $0xFFFFC000  }
0x4d: {  	[hbm4b:s28+s3] =	stream.linear.scatter [tilespmem:s10], [sflag:$0x7], $0x4000, $0x38;
	[tilespmem:$0x10800] =	vst v63  }
0x4e: {  	_ =	swait.ge [sflag:s22], $0x4000  }
0x4f: {  	[sflag:s22] =	ssyncset.done $0x0  }
0x50: {  	s29 =	sadd.s32 $0x3800, s31;
	[sflag:s22] =	ssyncadd.s32 $0xFFFFC000  }
0x51: {  	[hbm4b:s29+s3] =	stream.linear.scatter [tilespmem:s12], [sflag:$0x8], $0x4000, $0x38;
	[tilespmem:$0x10800] =	vst v63  }
0x52: {  	_ =	swait.ge [sflag:s13], $0x4000  }
0x53: {  	[sflag:s13] =	ssyncset.done $0x0  }
0x54: {  	s30 =	sadd.s32 $0x4000, s31;
	[sflag:s13] =	ssyncadd.s32 $0xFFFFC000  }
0x55: {  	[hbm4b:s30+s3] =	stream.linear.scatter [tilespmem:s7], [sflag:$0x5], $0x4000, $0x38;
	[tilespmem:$0x10800] =	vst v63  }
0x56: {  	_ =	swait.ge [sflag:s16], $0x4000  }
0x57: {  	[sflag:s16] =	ssyncset.done $0x0  }
0x58: {  	s31 =	sadd.s32 $0x4800, s31;
	[sflag:s16] =	ssyncadd.s32 $0xFFFFC000  }
0x59: {  	[hbm4b:s31+s3] =	stream.linear.scatter [tilespmem:s8], [sflag:$0x6], $0x4000, $0x38;
	[tilespmem:$0x10800] =	vst v63  }
0x5a: {  	s1 =	ssub.s32 $0x2, s1;
	_ =	swait.ge [sflag:s20], $0x4000  }
0x5b: {  	s0 =	sshrl.u32 s1, $0x1;
	[sflag:s20] =	ssyncset.done $0x0  }
0x5c: {  	s0 =	ssub.s32 s1, s0;
	[sflag:s20] =	ssyncadd.s32 $0xFFFFC000  }
0x5d: {  	s0 =	smax.u32 s0, $0x1;
	_ =	swait.ge [sflag:s23], $0x4000  }
0x5e: {  	p0 =	sne.s32 s0, $0x1;
	[sflag:s23] =	ssyncset.done $0x0  }
.Ltmp0:
0x5f: {  	[sflag:s23] =	ssyncadd.s32 $0xFFFFC000;
	(pc) =	sbr.rel @!p0 .LBB2_2-.Ltmp0, $4  }
0x60: {  	_ =	swait.ge [sflag:s14], $0x4000  }
0x61: {  	[sflag:s14] =	ssyncset.done $0x0  }
0x62: {  	[sflag:s14] =	ssyncadd.s32 $0xFFFFC000  }
0x63: {  	s1 =	sadd.s32 $0xFFFFFFFF, s0;
	_ =	swait.ge [sflag:s17], $0x4000  }
.LBB2_1:
0x64: {  	[sflag:s17] =	ssyncset.done $0x0  }
0x65: {  	s0 =	rddreg [dreg:$0x4];
	[sflag:s17] =	ssyncadd.s32 $0xFFFFC000  }
0x66: {  	[tilespmem:s3], [sflag:$0x9] =	stream.linear.gather [hbm4b:s0+s3], $0x500, $0x38;
	[tilespmem:$0x10800] =	vst v63  }
0x67: {  	_ =	swait.ge [sflag:s5], $0x500  }
0x68: {  	[sflag:s5] =	ssyncset.done $0x0  }
0x69: {  	[sflag:s5] =	ssyncadd.s32 $0xFFFFFB00  }
0x6a: {  	[tilespmem:s7], [sflag:$0x1] =	stream.indirect.gather [hbm4b:s2+s6], $0x80, s3, s6, $0xb8;
	[tilespmem:$0x10800] =	vst v63  }
0x6b: {  	_ = 	snop  }
0x6c: {  	[tilespmem:s8], [sflag:$0x2] =	stream.indirect.gather [hbm4b:s2+s6], $0x80, s6, s6, $0xb8;
	[tilespmem:$0x10800] =	vst v63  }
0x6d: {  	_ = 	snop  }
0x6e: {  	[tilespmem:s10], [sflag:$0x3] =	stream.indirect.gather [hbm4b:s2+s6], $0x80, s9, s6, $0xb8;
	[tilespmem:$0x10800] =	vst v63  }
0x6f: {  	_ = 	snop  }
0x70: {  	[tilespmem:s12], [sflag:$0x4] =	stream.indirect.gather [hbm4b:s2+s6], $0x80, s11, s6, $0xb8;
	[tilespmem:$0x10800] =	vst v63  }
0x71: {  	_ =	swait.ge [sflag:s13], $0x4000  }
0x72: {  	[sflag:s13] =	ssyncset.done $0x0  }
0x73: {  	[sflag:s13] =	ssyncadd.s32 $0xFFFFC000  }
0x74: {  	[hbm4b:s4+s3] =	stream.linear.scatter [tilespmem:s7], [sflag:$0x5], $0x4000, $0x38;
	[tilespmem:$0x10800] =	vst v63  }
0x75: {  	_ =	swait.ge [sflag:s14], $0x4000  }
0x76: {  	[sflag:s14] =	ssyncset.done $0x0  }
0x77: {  	[sflag:s14] =	ssyncadd.s32 $0xFFFFC000  }
0x78: {  	[tilespmem:s7], [sflag:$0x1] =	stream.indirect.gather [hbm4b:s2+s6], $0x80, s15, s6, $0xb8;
	[tilespmem:$0x10800] =	vst v63  }
0x79: {  	_ =	swait.ge [sflag:s16], $0x4000  }
0x7a: {  	[sflag:s16] =	ssyncset.done $0x0  }
0x7b: {  	s0 =	rddreg [dreg:$0x5];
	[sflag:s16] =	ssyncadd.s32 $0xFFFFC000  }
0x7c: {  	[hbm4b:s0+s3] =	stream.linear.scatter [tilespmem:s8], [sflag:$0x6], $0x4000, $0x38;
	[tilespmem:$0x10800] =	vst v63  }
0x7d: {  	_ =	swait.ge [sflag:s17], $0x4000  }
0x7e: {  	[sflag:s17] =	ssyncset.done $0x0  }
0x7f: {  	[sflag:s17] =	ssyncadd.s32 $0xFFFFC000  }
0x80: {  	[tilespmem:s8], [sflag:$0x2] =	stream.indirect.gather [hbm4b:s2+s6], $0x80, s18, s6, $0xb8;
	[tilespmem:$0x10800] =	vst v63  }
0x81: {  	_ =	swait.ge [sflag:s19], $0x4000  }
0x82: {  	[sflag:s19] =	ssyncset.done $0x0  }
0x83: {  	s0 =	rddreg [dreg:$0x6];
	[sflag:s19] =	ssyncadd.s32 $0xFFFFC000  }
0x84: {  	[hbm4b:s0+s3] =	stream.linear.scatter [tilespmem:s10], [sflag:$0x7], $0x4000, $0x38;
	[tilespmem:$0x10800] =	vst v63  }
0x85: {  	_ =	swait.ge [sflag:s20], $0x4000  }
0x86: {  	[sflag:s20] =	ssyncset.done $0x0  }
0x87: {  	[sflag:s20] =	ssyncadd.s32 $0xFFFFC000  }
0x88: {  	[tilespmem:s10], [sflag:$0x3] =	stream.indirect.gather [hbm4b:s2+s6], $0x80, s21, s6, $0xb8;
	[tilespmem:$0x10800] =	vst v63  }
0x89: {  	_ =	swait.ge [sflag:s22], $0x4000  }
0x8a: {  	[sflag:s22] =	ssyncset.done $0x0  }
0x8b: {  	s0 =	rddreg [dreg:$0x7];
	[sflag:s22] =	ssyncadd.s32 $0xFFFFC000  }
0x8c: {  	[hbm4b:s0+s3] =	stream.linear.scatter [tilespmem:s12], [sflag:$0x8], $0x4000, $0x38;
	[tilespmem:$0x10800] =	vst v63  }
0x8d: {  	_ =	swait.ge [sflag:s23], $0x4000  }
0x8e: {  	[sflag:s23] =	ssyncset.done $0x0  }
0x8f: {  	[sflag:s23] =	ssyncadd.s32 $0xFFFFC000  }
0x90: {  	[tilespmem:s12], [sflag:$0x4] =	stream.indirect.gather [hbm4b:s2+s6], $0x80, s24, s6, $0xb8;
	[tilespmem:$0x10800] =	vst v63  }
0x91: {  	_ =	swait.ge [sflag:s13], $0x4000  }
0x92: {  	[sflag:s13] =	ssyncset.done $0x0  }
0x93: {  	s0 =	rddreg [dreg:$0x8];
	[sflag:s13] =	ssyncadd.s32 $0xFFFFC000  }
0x94: {  	[hbm4b:s0+s3] =	stream.linear.scatter [tilespmem:s7], [sflag:$0x5], $0x4000, $0x38;
	[tilespmem:$0x10800] =	vst v63  }
0x95: {  	_ =	swait.ge [sflag:s14], $0x4000  }
0x96: {  	[sflag:s14] =	ssyncset.done $0x0  }
0x97: {  	[sflag:s14] =	ssyncadd.s32 $0xFFFFC000  }
0x98: {  	[tilespmem:s7], [sflag:$0x1] =	stream.indirect.gather [hbm4b:s2+s6], $0x80, s25, s6, $0xb8;
	[tilespmem:$0x10800] =	vst v63  }
0x99: {  	_ =	swait.ge [sflag:s16], $0x4000  }
0x9a: {  	[sflag:s16] =	ssyncset.done $0x0  }
0x9b: {  	s0 =	rddreg [dreg:$0x9];
	[sflag:s16] =	ssyncadd.s32 $0xFFFFC000  }
0x9c: {  	[hbm4b:s0+s3] =	stream.linear.scatter [tilespmem:s8], [sflag:$0x6], $0x4000, $0x38;
	[tilespmem:$0x10800] =	vst v63  }
0x9d: {  	_ =	swait.ge [sflag:s17], $0x4000  }
0x9e: {  	[sflag:s17] =	ssyncset.done $0x0  }
0x9f: {  	[sflag:s17] =	ssyncadd.s32 $0xFFFFC000  }
0xa0: {  	[tilespmem:s8], [sflag:$0x2] =	stream.indirect.gather [hbm4b:s2+s6], $0x80, s26, s6, $0xb8;
	[tilespmem:$0x10800] =	vst v63  }
0xa1: {  	_ =	swait.ge [sflag:s19], $0x4000  }
0xa2: {  	[sflag:s19] =	ssyncset.done $0x0  }
0xa3: {  	[sflag:s19] =	ssyncadd.s32 $0xFFFFC000  }
0xa4: {  	[hbm4b:s28+s3] =	stream.linear.scatter [tilespmem:s10], [sflag:$0x7], $0x4000, $0x38;
	[tilespmem:$0x10800] =	vst v63  }
0xa5: {  	_ =	swait.ge [sflag:s22], $0x4000  }
0xa6: {  	[sflag:s22] =	ssyncset.done $0x0  }
0xa7: {  	[sflag:s22] =	ssyncadd.s32 $0xFFFFC000  }
0xa8: {  	[hbm4b:s29+s3] =	stream.linear.scatter [tilespmem:s12], [sflag:$0x8], $0x4000, $0x38;
	[tilespmem:$0x10800] =	vst v63  }
0xa9: {  	_ =	swait.ge [sflag:s13], $0x4000  }
0xaa: {  	[sflag:s13] =	ssyncset.done $0x0  }
0xab: {  	[sflag:s13] =	ssyncadd.s32 $0xFFFFC000  }
0xac: {  	[hbm4b:s30+s3] =	stream.linear.scatter [tilespmem:s7], [sflag:$0x5], $0x4000, $0x38;
	[tilespmem:$0x10800] =	vst v63  }
0xad: {  	_ =	swait.ge [sflag:s16], $0x4000  }
0xae: {  	[sflag:s16] =	ssyncset.done $0x0  }
0xaf: {  	[sflag:s16] =	ssyncadd.s32 $0xFFFFC000  }
0xb0: {  	[hbm4b:s31+s3] =	stream.linear.scatter [tilespmem:s8], [sflag:$0x6], $0x4000, $0x38;
	[tilespmem:$0x10800] =	vst v63  }
0xb1: {  	_ =	swait.ge [sflag:s20], $0x4000  }
0xb2: {  	[sflag:s20] =	ssyncset.done $0x0  }
0xb3: {  	[sflag:s20] =	ssyncadd.s32 $0xFFFFC000  }
0xb4: {  	_ =	swait.ge [sflag:s23], $0x4000  }
0xb5: {  	p0 =	sne.s32 s1, $0x1;
	[sflag:s23] =	ssyncset.done $0x0  }
.Ltmp1:
0xb6: {  	[sflag:s23] =	ssyncadd.s32 $0xFFFFC000;
	(pc) =	sbr.rel @p0 .LBB2_1-.Ltmp1, $4  }
0xb7: {  	_ =	swait.ge [sflag:s14], $0x4000  }
0xb8: {  	[sflag:s14] =	ssyncset.done $0x0  }
0xb9: {  	[sflag:s14] =	ssyncadd.s32 $0xFFFFC000  }
0xba: {  	s1 =	sadd.s32 $0xFFFFFFFF, s1;
	_ =	swait.ge [sflag:s17], $0x4000  }
.LBB2_2:
0xbb: {  	[sflag:s17] =	ssyncset.done $0x0  }
0xbc: {  	[sflag:s17] =	ssyncadd.s32 $0xFFFFC000  }
0xbd: {  	_ =	sfence.sel $0x180000  }
0xbe: {  	[bflag:$0x0] =	sbarrier.arrive $0xFFFF  }
0xbf: {  	_ =	strace $0x90000053  }
0xc0: {  	s0 =	stileid.u32;
	[bflag:$0x2] =	sbarrier.arrive $0xFFFF  }
0xc1: {  	p0 =	sne.s32 s0, $0x0;
	s0 =	rddreg [dreg:$0x3]  }
0xc2: {  	s0 =	sadd.s32 @!p0 $0x100000, s0  }
0xc3: {  	[sflag:s0] =	ssyncadd.tile.s32 @!p0 $0x1;
	_ =	shalt  }
.Lfunc_end2:
_tile_overlayer_lowered:
.L_overlay_start_2:
0xc4: {  	(tag) =	ssettag $0x2  }
0xc5: {  	s0 =	rddreg [dreg:$0x0];
	s2 =	stileid.u32  }
0xc6: {  	s1 =	rddreg [dreg:$0x1];
	p0 =	sne.s32 s2, $0x0  }
0xc7: {  	s3 =	rddreg [dreg:$0x2];
	[bflag:$0x3] =	sbarrier.arrive $0xFFFF;
	s2 =	simm.s32 @!p0 $0x1C09  }
0xc8: {  	[timem:s3], [sflag:s2] =	dma.local @!p0 [hbm:s0], s1  }
0xc9: {  	s0 =	simm.s32 @!p0 $0x9  }
0xca: {  	_ =	swait.ge @!p0 [sflag:s0], s1  }
0xcb: {  	s1 =	ssub.s32 @!p0 $0x0, s1;
	[sflag:s0] =	ssyncset.done @!p0 $0x0  }
0xcc: {  	[sflag:s0] =	ssyncadd.s32 @!p0 s1  }
0xcd: {  	[bflag:$0x3] =	sbarrier.arrive $0xFFFF  }
0xce: {  	_ =	shalt  }

// kernel: kernel.18.cloned.1.call-start
scs
__scs_entry_jumppad:
0x0: {  	(pc) =	sbr.rel $0x88, $3  }
0x1: {  	(tag) =	ssettag $0x0;
	lr =	simm.s32 $0x1  }
0x2: {  	[smem:$0x3F9C] =	sst lr;
	_ =	strace $0xD0000000  }
0x3: {  	_ = 	snop  }
0x4: {  	_ = 	snop  }
0x5: {  	_ = 	snop  }
0x6: {  	_ = 	snop  }
0x7: {  	_ = 	snop  }
__scs_overlays_trampoline_lowered:
0x8: {  	[smem:$0x3FAB] =	sst s0  }
0x9: {  	[smem:$0x3FAC] =	sst s1  }
0xa: {  	[smem:$0x3FAD] =	sst s2  }
0xb: {  	[smem:$0x3FAE] =	sst s3  }
0xc: {  	[smem:$0x3FAF] =	sst s4  }
0xd: {  	[smem:$0x3FB0] =	sst s5  }
0xe: {  	[smem:$0x3FB1] =	sst s6  }
0xf: {  	[smem:$0x3FB2] =	sst s7  }
0x10: {  	[smem:$0x3FB3] =	sst s8  }
0x11: {  	[smem:$0x3FB4] =	sst s9;
	s0 =	simm.s32 @!p0 $0x0  }
0x12: {  	s1 =	sld [smem:$0x3F9A];
	s0 =	simm.s32 @p0 $0x1  }
0x13: {  	[smem:$0x3FB5] =	sst s0;
	s0 =	simm.s32 @!p1 $0x0  }
0x14: {  	s2 =	sld [smem:$0x3F99];
	s0 =	simm.s32 @p1 $0x1  }
0x15: {  	[smem:$0x3FB6] =	sst s0;
	s0 =	simm.s32 @!p2 $0x0  }
0x16: {  	s3 =	sld [smem:$0x3FDB];
	s0 =	simm.s32 @p2 $0x1  }
0x17: {  	s4 =	simm.s32 $0x1BF5;
	[smem:$0x3FB8] =	sst s0  }
0x18: {  	s0 =	sld [smem:$0x3F9B];
	_ =	swait.ge [sflag:s4], $0x0  }
0x19: {  	s7 =	sld [smem:$0x3F9C]  }
0x1a: {  	s8 =	sadd.s32 $0xFFFFE003, lr  }
0x1b: {  	s9 =	sadd.s32 $0xFFFFFEF7, lr;
	s5 =	simm.s32 $0xFFFFFFFF;
	p2 =	slt.u32 s8, $0xFFFFF086  }
0x1c: {  	p1 =	slt.u32 s9, $0xF7A;
	s5 =	simm.s32 @!p2 $0x0  }
0x1d: {  	s5 =	simm.s32 @p1 $0x1;
	p0 =	seq.s32 s7, s2  }
0x1e: {  	s7 =	smul.u32 @!p0 $0xF7A, s2;
	p2 =	seq.s32 @!p0 s5, $0x0  }
0x1f: {  	s9 =	smul.u32 $0xF7A, s1;
	s8 =	simm.s32 @!p0 $0x1BF5;
	p2 =	por !p2, p0  }
0x20: {  	[sflag:s8] =	ssyncset.s32 @!p0 $0xFFFFF086;
	s6 =	sadd.s32 @!p0 s3, s7;
	s7 =	simm.s32 @!p0 $0x108  }
0x21: {  	s3 =	sadd.s32 s3, s9;
	s6 =	sadd.s32 @!p0 $0x88, s6;
	s7 =	simm.s32 @p2 $0x1082  }
0x22: {  	[simem:s7], [sflag:s8] =	dma.local @!p0 [hbm:s6], $0xF7A  }
0x23: {  	s9 =	sor.u32 $0xD0000000, s2;
	s6 =	simm.s32 $0x108;
	_ =	swait.ge @!p0 [sflag:s8], $0x0  }
0x24: {  	s3 =	sadd.s32 $0x88, s3;
	s6 =	simm.s32 @!p1 $0x1082;
	[sflag:s4] =	ssyncset.s32 $0xFFFFF086  }
0x25: {  	[simem:s6], [sflag:s4] =	dma.local [hbm:s3], $0xF7A  }
0x26: {  	[smem:$0x3F9C] =	sst s1;
	(tag) =	ssettag s2;
	_ =	strace s9  }
0x27: {  	s1 =	sld [smem:$0x3FAC]  }
0x28: {  	s2 =	sld [smem:$0x3FAD]  }
0x29: {  	s4 =	sld [smem:$0x3FAF]  }
0x2a: {  	p0 =	seq.s32 s5, $0x0;
	s5 =	sld [smem:$0x3FB0]  }
0x2b: {  	s6 =	sld [smem:$0x3FB1]  }
0x2c: {  	s7 =	sld [smem:$0x3FB2]  }
0x2d: {  	s3 =	simm.s32 $0x108;
	s8 =	sld [smem:$0x3FB3]  }
0x2e: {  	s3 =	simm.s32 @!p0 $0x1082;
	s9 =	sld [smem:$0x3FB4]  }
0x2f: {  	lr =	sadd.s32 s0, s3;
	s0 =	sld [smem:$0x3FAB]  }
0x30: {  	s3 =	sld [smem:$0x3FAE]  }
0x31: {  	[smem:$0x3FB7] =	sst s10  }
0x32: {  	s10 =	sld [smem:$0x3FB5];
	_ =	sdelay $0x3  }
0x33: {  	p0 =	seq.s32 s10, $0x1;
	s10 =	sld [smem:$0x3FB7];
	_ =	sdelay $0x3  }
0x34: {  	[smem:$0x3FB7] =	sst s10  }
0x35: {  	s10 =	sld [smem:$0x3FB6];
	_ =	sdelay $0x3  }
0x36: {  	p1 =	seq.s32 s10, $0x1;
	s10 =	sld [smem:$0x3FB7];
	_ =	sdelay $0x3  }
0x37: {  	[smem:$0x3FB7] =	sst s10  }
0x38: {  	s10 =	sld [smem:$0x3FB8]  }
0x39: {  	_ = 	snop;
	(pc) =	sbr.ind lr, $3  }
0x3a: {  	_ = 	snop  }
0x3b: {  	_ = 	snop  }
0x3c: {  	p2 =	seq.s32 s10, $0x1;
	s10 =	sld [smem:$0x3FB7]  }
0x3d: {  	_ =	shalt  }
0x3e: {  	_ =	shalt  }
0x3f: {  	_ =	shalt  }
0x40: {  	_ =	shalt  }
0x41: {  	_ =	shalt  }
0x42: {  	_ =	shalt  }
0x43: {  	_ =	shalt  }
0x44: {  	_ =	shalt  }
0x45: {  	_ =	shalt  }
0x46: {  	_ =	shalt  }
0x47: {  	_ =	shalt  }
0x48: {  	_ =	shalt  }
0x49: {  	_ =	shalt  }
0x4a: {  	_ =	shalt  }
0x4b: {  	_ =	shalt  }
0x4c: {  	_ =	shalt  }
0x4d: {  	_ =	shalt  }
0x4e: {  	_ =	shalt  }
0x4f: {  	_ =	shalt  }
0x50: {  	_ =	shalt  }
0x51: {  	_ =	shalt  }
0x52: {  	_ =	shalt  }
0x53: {  	_ =	shalt  }
0x54: {  	_ =	shalt  }
0x55: {  	_ =	shalt  }
0x56: {  	_ =	shalt  }
0x57: {  	_ =	shalt  }
0x58: {  	_ =	shalt  }
0x59: {  	_ =	shalt  }
0x5a: {  	_ =	shalt  }
0x5b: {  	_ =	shalt  }
0x5c: {  	_ =	shalt  }
0x5d: {  	_ =	shalt  }
0x5e: {  	_ =	shalt  }
0x5f: {  	_ =	shalt  }
0x60: {  	_ =	shalt  }
0x61: {  	_ =	shalt  }
0x62: {  	_ =	shalt  }
0x63: {  	_ =	shalt  }
0x64: {  	_ =	shalt  }
0x65: {  	_ =	shalt  }
0x66: {  	_ =	shalt  }
0x67: {  	_ =	shalt  }
0x68: {  	_ =	shalt  }
0x69: {  	_ =	shalt  }
0x6a: {  	_ =	shalt  }
0x6b: {  	_ =	shalt  }
0x6c: {  	_ =	shalt  }
0x6d: {  	_ =	shalt  }
0x6e: {  	_ =	shalt  }
0x6f: {  	_ =	shalt  }
0x70: {  	_ =	shalt  }
0x71: {  	_ =	shalt  }
0x72: {  	_ =	shalt  }
0x73: {  	_ =	shalt  }
0x74: {  	_ =	shalt  }
0x75: {  	_ =	shalt  }
0x76: {  	_ =	shalt  }
0x77: {  	_ =	shalt  }
0x78: {  	_ =	shalt  }
0x79: {  	_ =	shalt  }
0x7a: {  	_ =	shalt  }
0x7b: {  	_ =	shalt  }
0x7c: {  	_ =	shalt  }
0x7d: {  	_ =	shalt  }
0x7e: {  	_ =	shalt  }
0x7f: {  	_ =	shalt  }
0x80: {  	_ =	shalt  }
0x81: {  	_ =	shalt  }
0x82: {  	_ =	shalt  }
0x83: {  	_ =	shalt  }
0x84: {  	_ =	shalt  }
0x85: {  	_ =	shalt  }
0x86: {  	_ =	shalt  }
0x87: {  	_ =	shalt  }
.Lfunc_end0:
.L_simem_size_0:
called_computation.2_lowered:
.L_overlay_start_0:
0x88: {  	s2 =	sld [smem:$0x3FD9]  }
0x89: {  	s3 =	sld [smem:$0x3FFE];
	_ =	sdelay $0x1  }
0x8a: {  	s1 =	srdreg.scid  }
0x8b: {  	s0 =	sand.u32 $0x1, s1  }
0x8c: {  	s17 =	sshll.u32 s0, $0xA;
	s2 =	sadd.s32 s3, s2  }
0x8d: {  	s2 =	sadd.s32 s2, s17  }
0x8e: {  	[smem:$0x3FC3] =	sst s2  }
0x8f: {  	_ = 	snop  }
0x90: {  	s18 =	sld [smem:$0x3FC7];
	(tm) =	ssettm $0x1  }
0x91: {  	s19 =	sld [smem:$0x3FFB];
	_ =	sdelay $0x3  }
0x92: {  	_ =	strace s19  }
0x93: {  	s2 =	sld [smem:$0x3FFC];
	_ =	sdelay $0x3  }
0x94: {  	_ =	strace s2  }
0x95: {  	s2 =	sld [smem:$0x3FFD];
	_ =	sdelay $0x3  }
0x96: {  	_ =	strace s2  }
0x97: {  	_ =	strace $0x8FFFFFFF  }
0x98: {  	s20 =	sld [smem:$0x3FDB];
	_ =	sdelay $0x1  }
0x99: {  	s4 =	simm.s32 $_scs_section_size  }
0x9a: {  	s5 =	simm.s32 $_size__tile_overlayer_lowered;
	s6 =	simm.s32 $_tile_overlayer_lowered  }
0x9b: {  	s7 =	simm.s32 $0x1BFF;
	s21 =	sshll.u32 s6, $0x1;
	s4 =	sadd.s32 s4, s20  }
0x9c: {  	s22 =	simm.s32 $0x0;
	s5 =	sshll.u32 s5, $0x1;
	s6 =	sadd.s32 s21, s4  }
0x9d: {  	[timem:s22], [sflag:s7] =	dma.local [hbm:s6], s5  }
0x9e: {  	_ =	swait.ge [sflag:s7], s5  }
0x9f: {  	s5 =	ssub.s32 $0x0, s5;
	[sflag:s7] =	ssyncset.done $0x0  }
0xa0: {  	[sflag:s7] =	ssyncadd.s32 s5;
	_ =	sdelay $0x1  }
0xa1: {  	s23 =	simm.s32 $0x1B8B  }
0xa2: {  	_ =	swait.ge [sflag:s23], $0x1  }
0xa3: {  	[sflag:s23] =	ssyncset.done $0x0  }
0xa4: {  	[sflag:s23] =	ssyncadd.s32 $0xFFFFFFFF  }
0xa5: {  	s5 =	sld [smem:$0x0]  }
0xa6: {  	s6 =	sand.u32 $0xFFFFFFFE, s1  }
0xa7: {  	p0 =	sne.s32 s1, s6  }
0xa8: {  	s6 =	sshll.u32 @p0 s6, $0xE  }
0xa9: {  	s6 =	sadd.s32 @p0 $0x11B8D, s6;
	s7 =	sshll.u32 @p0 s5, $0x11  }
0xaa: {  	s6 =	sor.u32 @p0 s7, s6  }
0xab: {  	[sflag:s6] =	ssyncadd.remote.s32 @p0 $0x1;
	_ =	sdelay $0x1  }
0xac: {  	s6 =	simm.s32 @p0 $0x1B8D  }
0xad: {  	_ =	swait.eq @p0 [sflag:s6], $0x1  }
0xae: {  	[sflag:s6] =	ssyncadd.s32 @p0 $0xFFFFFFFF  }
0xaf: {  	s7 =	sshll.u32 @!p0 s1, $0xE  }
0xb0: {  	s7 =	sor.u32 @!p0 $0x4000, s7;
	s6 =	simm.s32 @!p0 $0x1B8D  }
0xb1: {  	s5 =	sshll.u32 @!p0 s5, $0x11;
	s7 =	sadd.s32 @!p0 $0x11B8D, s7;
	_ =	swait.eq @!p0 [sflag:s6], $0x1  }
0xb2: {  	s5 =	sor.u32 @!p0 s5, s7;
	[sflag:s6] =	ssyncadd.s32 @!p0 $0xFFFFFFFF  }
0xb3: {  	s25 =	simm.s32 $0x1B8E;
	s24 =	sld [smem:$0x3FFE];
	[sflag:s5] =	ssyncadd.remote.s32 @!p0 $0x1  }
0xb4: {  	s26 =	simm.s32 $execute0_lowered;
	[smem:$0x3FD2] =	sst s25  }
0xb5: {  	s6 =	sshll.u32 s26, $0x1;
	_ =	strace $0x80000049;
	[dreg:$0x1] =	wrdreg $0xFFFFFFFF  }
0xb6: {  	s28 =	simm.s32 $_size_execute0_lowered;
	s4 =	sadd.s32 s4, s6;
	[dreg:$0x0] =	wrdreg $0x0  }
0xb7: {  	s6 =	sshll.u32 s28, $0x1;
	[dreg:$0x2] =	wrdreg s4  }
0xb8: {  	[dreg:$0x3] =	wrdreg s6  }
0xb9: {  	[dreg:$0x4] =	wrdreg $0xC0  }
0xba: {  	_ =	task [dreg:s22], $0x5FFFF  }
0xbb: {  	[dreg:$0x1] =	wrdreg $0xFFFFFFFF  }
0xbc: {  	[dreg:$0x0] =	wrdreg $0x60  }
0xbd: {  	[dreg:$0x2] =	wrdreg s18  }
0xbe: {  	[dreg:$0x3] =	wrdreg s24  }
0xbf: {  	[dreg:$0x4] =	wrdreg $0xB  }
0xc0: {  	_ =	task.clear_ibuf [dreg:s22], $0x5FFFF;
	_ =	strace $0x90000049  }
0xc1: {  	s29 =	simm.s32 $0xB;
	_ =	strace $0x8000004B  }
0xc2: {  	_ =	swait.ge [sflag:s29], $0x1  }
0xc3: {  	[sflag:s29] =	ssyncadd.s32 $0xFFFFFFFF  }
0xc4: {  	_ =	strace $0x9000004B  }
0xc5: {  	_ =	sfence  }
0xc6: {  	s30 =	sld [smem:$0x0];
	_ =	sdelay $0x2  }
0xc7: {  	s31 =	sshll.u32 s1, $0xD;
	s1 =	sshrl.u32 s1, $0x2  }
0xc8: {  	s4 =	sand.u32 $0x4000, s31;
	s1 =	sadd.s32 s1, s30  }
0xc9: {  	s0 =	sor.u32 s4, s0;
	s1 =	sshll.u32 s1, $0x11  }
0xca: {  	s0 =	sor.u32 s1, s0  }
0xcb: {  	s0 =	sadd.s32 $0x8F2B, s0  }
0xcc: {  	[sflag:s0] =	ssyncadd.remote.s32 $0x1  }
0xcd: {  	_ =	sfence.sel $0xFFFF  }
0xce: {  	[dreg:$0x0] =	wrdreg $0xFFFFFFFF;
	(pc) =	sbr.abs _section_cstart, $3  }
0xcf: {  	[dreg:$0x1] =	wrdreg $0xFFFFFFFF  }
0xd0: {  	_ =	task.clear_ibuf [dreg:s22], $0x2FFFF;
	_ =	strace $0x9FFFFFFF  }
0xd1: {  	(tm) =	ssettm $0x7FFFFFFF  }
tec
execute0_lowered:
.L_overlay_start_1:
0x0: {  	(tag) =	ssettag $0x1  }
0x1: {  	s1 =	srdreg.scid;
	s0 =	stileid.u32  }
0x2: {  	s4 =	rddreg [dreg:$0x1];
	s1 =	sand.u32 $0x1, s1;
	s3 =	sshll.u32 s0, $0x1  }
0x3: {  	s2 =	rddreg [dreg:$0x0];
	s8 =	sadd.s32 $0xA8000, s4;
	s5 =	sor.u32 s1, s3  }
0x4: {  	s3 =	simm.s32 $0x0;
	s6 =	smul.u32 $0x5000, s5;
	s7 =	sshll.u32 s5, $0x8  }
0x5: {  	[smem:$0x7FF] =	sst s3;
	s5 =	smul.u32 $0x28000, s5;
	s7 =	sadd.s32 s7, s4  }
0x6: {  	_ =	strace $0x8000004A;
	s7 =	sadd.s32 $0xA6000, s7;
	s4 =	sadd.s32 s8, s6  }
0x7: {  	s5 =	sshrl.u32 s5, $0x3;
	[dreg:$0x3] =	wrdreg s7;
	s6 =	sadd.s32 $0x800, s4  }
0x8: {  	s31 =	sadd.s32 s8, s5;
	[dreg:$0x4] =	wrdreg s6  }
0x9: {  	s5 =	sadd.s32 $0x1000, s31;
	s25 =	rddreg [dreg:$0x3]  }
0xa: {  	s23 =	sadd.s32 $0x1800, s31;
	[dreg:$0x5] =	wrdreg s5  }
0xb: {  	s24 =	sadd.s32 $0x2000, s31;
	[dreg:$0x6] =	wrdreg s23  }
0xc: {  	s26 =	sadd.s32 $0x2800, s31;
	[dreg:$0x7] =	wrdreg s24  }
0xd: {  	[dreg:$0x8] =	wrdreg s26;
	s5 =	simm.s32 $0x9  }
0xe: {  	[tilespmem:s3], [sflag:$0x9] =	stream.linear.gather [hbm4b:s25+s3], $0x500, $0x38;
	[tilespmem:$0x10800] =	vst v63  }
0xf: {  	_ =	swait.ge [sflag:s5], $0x500  }
0x10: {  	[sflag:s5] =	ssyncset.done $0x0  }
0x11: {  	s7 =	simm.s32 $0x800;
	s6 =	simm.s32 $0x80;
	[sflag:s5] =	ssyncadd.s32 $0xFFFFFB00  }
0x12: {  	[tilespmem:s7], [sflag:$0x1] =	stream.indirect.gather [hbm4b:s2+s6], $0x80, s3, s6, $0xb8;
	[tilespmem:$0x10800] =	vst v63  }
0x13: {  	s8 =	simm.s32 $0x4800  }
0x14: {  	[tilespmem:s8], [sflag:$0x2] =	stream.indirect.gather [hbm4b:s2+s6], $0x80, s6, s6, $0xb8;
	[tilespmem:$0x10800] =	vst v63  }
0x15: {  	s9 =	simm.s32 $0x100;
	s10 =	simm.s32 $0x8800  }
0x16: {  	[tilespmem:s10], [sflag:$0x3] =	stream.indirect.gather [hbm4b:s2+s6], $0x80, s9, s6, $0xb8;
	[tilespmem:$0x10800] =	vst v63  }
0x17: {  	s11 =	simm.s32 $0x180;
	s12 =	simm.s32 $0xC800;
	s13 =	simm.s32 $0x1  }
0x18: {  	[tilespmem:s12], [sflag:$0x4] =	stream.indirect.gather [hbm4b:s2+s6], $0x80, s11, s6, $0xb8;
	[tilespmem:$0x10800] =	vst v63  }
0x19: {  	_ =	swait.ge [sflag:s13], $0x4000  }
0x1a: {  	[sflag:s13] =	ssyncset.done $0x0  }
0x1b: {  	s14 =	simm.s32 $0x5;
	[sflag:s13] =	ssyncadd.s32 $0xFFFFC000  }
0x1c: {  	[hbm4b:s4+s3] =	stream.linear.scatter [tilespmem:s7], [sflag:$0x5], $0x4000, $0x38;
	[tilespmem:$0x10800] =	vst v63  }
0x1d: {  	_ =	swait.ge [sflag:s14], $0x4000  }
0x1e: {  	[sflag:s14] =	ssyncset.done $0x0  }
0x1f: {  	s15 =	simm.s32 $0x200;
	s16 =	simm.s32 $0x2;
	[sflag:s14] =	ssyncadd.s32 $0xFFFFC000  }
0x20: {  	[tilespmem:s7], [sflag:$0x1] =	stream.indirect.gather [hbm4b:s2+s6], $0x80, s15, s6, $0xb8;
	[tilespmem:$0x10800] =	vst v63  }
0x21: {  	_ =	swait.ge [sflag:s16], $0x4000  }
0x22: {  	[sflag:s16] =	ssyncset.done $0x0  }
0x23: {  	s17 =	simm.s32 $0x6;
	s18 =	rddreg [dreg:$0x4];
	[sflag:s16] =	ssyncadd.s32 $0xFFFFC000  }
0x24: {  	[hbm4b:s18+s3] =	stream.linear.scatter [tilespmem:s8], [sflag:$0x6], $0x4000, $0x38;
	[tilespmem:$0x10800] =	vst v63  }
0x25: {  	_ =	swait.ge [sflag:s17], $0x4000  }
0x26: {  	[sflag:s17] =	ssyncset.done $0x0  }
0x27: {  	s19 =	simm.s32 $0x3;
	s18 =	simm.s32 $0x280;
	[sflag:s17] =	ssyncadd.s32 $0xFFFFC000  }
0x28: {  	[tilespmem:s8], [sflag:$0x2] =	stream.indirect.gather [hbm4b:s2+s6], $0x80, s18, s6, $0xb8;
	[tilespmem:$0x10800] =	vst v63  }
0x29: {  	_ =	swait.ge [sflag:s19], $0x4000  }
0x2a: {  	[sflag:s19] =	ssyncset.done $0x0  }
0x2b: {  	s20 =	simm.s32 $0x7;
	s21 =	rddreg [dreg:$0x5];
	[sflag:s19] =	ssyncadd.s32 $0xFFFFC000  }
0x2c: {  	[hbm4b:s21+s3] =	stream.linear.scatter [tilespmem:s10], [sflag:$0x7], $0x4000, $0x38;
	[tilespmem:$0x10800] =	vst v63  }
0x2d: {  	_ =	swait.ge [sflag:s20], $0x4000  }
0x2e: {  	[sflag:s20] =	ssyncset.done $0x0  }
0x2f: {  	s22 =	simm.s32 $0x4;
	s21 =	simm.s32 $0x300;
	[sflag:s20] =	ssyncadd.s32 $0xFFFFC000  }
0x30: {  	[tilespmem:s10], [sflag:$0x3] =	stream.indirect.gather [hbm4b:s2+s6], $0x80, s21, s6, $0xb8;
	[tilespmem:$0x10800] =	vst v63  }
0x31: {  	_ =	swait.ge [sflag:s22], $0x4000  }
0x32: {  	[sflag:s22] =	ssyncset.done $0x0  }
0x33: {  	s23 =	rddreg [dreg:$0x6];
	[sflag:s22] =	ssyncadd.s32 $0xFFFFC000  }
0x34: {  	[hbm4b:s23+s3] =	stream.linear.scatter [tilespmem:s12], [sflag:$0x8], $0x4000, $0x38;
	[tilespmem:$0x10800] =	vst v63  }
0x35: {  	s23 =	simm.s32 $0x8  }
0x36: {  	_ =	swait.ge [sflag:s23], $0x4000  }
0x37: {  	[sflag:s23] =	ssyncset.done $0x0  }
0x38: {  	s24 =	simm.s32 $0x380;
	[sflag:s23] =	ssyncadd.s32 $0xFFFFC000  }
0x39: {  	[tilespmem:s12], [sflag:$0x4] =	stream.indirect.gather [hbm4b:s2+s6], $0x80, s24, s6, $0xb8;
	[tilespmem:$0x10800] =	vst v63  }
0x3a: {  	_ =	swait.ge [sflag:s13], $0x4000  }
0x3b: {  	[sflag:s13] =	ssyncset.done $0x0  }
0x3c: {  	s25 =	rddreg [dreg:$0x7];
	[sflag:s13] =	ssyncadd.s32 $0xFFFFC000  }
0x3d: {  	[hbm4b:s25+s3] =	stream.linear.scatter [tilespmem:s7], [sflag:$0x5], $0x4000, $0x38;
	[tilespmem:$0x10800] =	vst v63  }
0x3e: {  	_ =	swait.ge [sflag:s14], $0x4000  }
0x3f: {  	[sflag:s14] =	ssyncset.done $0x0  }
0x40: {  	s25 =	simm.s32 $0x400;
	[sflag:s14] =	ssyncadd.s32 $0xFFFFC000  }
0x41: {  	[tilespmem:s7], [sflag:$0x1] =	stream.indirect.gather [hbm4b:s2+s6], $0x80, s25, s6, $0xb8;
	[tilespmem:$0x10800] =	vst v63  }
0x42: {  	_ =	swait.ge [sflag:s16], $0x4000  }
0x43: {  	[sflag:s16] =	ssyncset.done $0x0  }
0x44: {  	s26 =	rddreg [dreg:$0x8];
	[sflag:s16] =	ssyncadd.s32 $0xFFFFC000  }
0x45: {  	[hbm4b:s26+s3] =	stream.linear.scatter [tilespmem:s8], [sflag:$0x6], $0x4000, $0x38;
	[tilespmem:$0x10800] =	vst v63  }
0x46: {  	_ =	swait.ge [sflag:s17], $0x4000  }
0x47: {  	[sflag:s17] =	ssyncset.done $0x0  }
0x48: {  	s26 =	simm.s32 $0x480;
	[sflag:s17] =	ssyncadd.s32 $0xFFFFC000  }
0x49: {  	[tilespmem:s8], [sflag:$0x2] =	stream.indirect.gather [hbm4b:s2+s6], $0x80, s26, s6, $0xb8;
	[tilespmem:$0x10800] =	vst v63  }
0x4a: {  	_ =	swait.ge [sflag:s19], $0x4000  }
0x4b: {  	[sflag:s19] =	ssyncset.done $0x0  }
0x4c: {  	s28 =	sadd.s32 $0x3000, s31;
	[sflag:s19] =	ssyncadd.s32 $0xFFFFC000  }
0x4d: {  	[hbm4b:s28+s3] =	stream.linear.scatter [tilespmem:s10], [sflag:$0x7], $0x4000, $0x38;
	[tilespmem:$0x10800] =	vst v63  }
0x4e: {  	_ =	swait.ge [sflag:s22], $0x4000  }
0x4f: {  	[sflag:s22] =	ssyncset.done $0x0  }
0x50: {  	s29 =	sadd.s32 $0x3800, s31;
	[sflag:s22] =	ssyncadd.s32 $0xFFFFC000  }
0x51: {  	[hbm4b:s29+s3] =	stream.linear.scatter [tilespmem:s12], [sflag:$0x8], $0x4000, $0x38;
	[tilespmem:$0x10800] =	vst v63  }
0x52: {  	_ =	swait.ge [sflag:s13], $0x4000  }
0x53: {  	[sflag:s13] =	ssyncset.done $0x0  }
0x54: {  	s30 =	sadd.s32 $0x4000, s31;
	[sflag:s13] =	ssyncadd.s32 $0xFFFFC000  }
0x55: {  	[hbm4b:s30+s3] =	stream.linear.scatter [tilespmem:s7], [sflag:$0x5], $0x4000, $0x38;
	[tilespmem:$0x10800] =	vst v63  }
0x56: {  	_ =	swait.ge [sflag:s16], $0x4000  }
0x57: {  	[sflag:s16] =	ssyncset.done $0x0  }
0x58: {  	s31 =	sadd.s32 $0x4800, s31;
	[sflag:s16] =	ssyncadd.s32 $0xFFFFC000  }
0x59: {  	[hbm4b:s31+s3] =	stream.linear.scatter [tilespmem:s8], [sflag:$0x6], $0x4000, $0x38;
	[tilespmem:$0x10800] =	vst v63  }
0x5a: {  	s1 =	ssub.s32 $0x2, s1;
	_ =	swait.ge [sflag:s20], $0x4000  }
0x5b: {  	s0 =	sshrl.u32 s1, $0x1;
	[sflag:s20] =	ssyncset.done $0x0  }
0x5c: {  	s0 =	ssub.s32 s1, s0;
	[sflag:s20] =	ssyncadd.s32 $0xFFFFC000  }
0x5d: {  	s0 =	smax.u32 s0, $0x1;
	_ =	swait.ge [sflag:s23], $0x4000  }
0x5e: {  	p0 =	sne.s32 s0, $0x1;
	[sflag:s23] =	ssyncset.done $0x0  }
.Ltmp0:
0x5f: {  	[sflag:s23] =	ssyncadd.s32 $0xFFFFC000;
	(pc) =	sbr.rel @!p0 .LBB2_2-.Ltmp0, $4  }
0x60: {  	_ =	swait.ge [sflag:s14], $0x4000  }
0x61: {  	[sflag:s14] =	ssyncset.done $0x0  }
0x62: {  	[sflag:s14] =	ssyncadd.s32 $0xFFFFC000  }
0x63: {  	s1 =	sadd.s32 $0xFFFFFFFF, s0;
	_ =	swait.ge [sflag:s17], $0x4000  }
.LBB2_1:
0x64: {  	[sflag:s17] =	ssyncset.done $0x0  }
0x65: {  	s0 =	rddreg [dreg:$0x3];
	[sflag:s17] =	ssyncadd.s32 $0xFFFFC000  }
0x66: {  	[tilespmem:s3], [sflag:$0x9] =	stream.linear.gather [hbm4b:s0+s3], $0x500, $0x38;
	[tilespmem:$0x10800] =	vst v63  }
0x67: {  	_ =	swait.ge [sflag:s5], $0x500  }
0x68: {  	[sflag:s5] =	ssyncset.done $0x0  }
0x69: {  	[sflag:s5] =	ssyncadd.s32 $0xFFFFFB00  }
0x6a: {  	[tilespmem:s7], [sflag:$0x1] =	stream.indirect.gather [hbm4b:s2+s6], $0x80, s3, s6, $0xb8;
	[tilespmem:$0x10800] =	vst v63  }
0x6b: {  	_ = 	snop  }
0x6c: {  	[tilespmem:s8], [sflag:$0x2] =	stream.indirect.gather [hbm4b:s2+s6], $0x80, s6, s6, $0xb8;
	[tilespmem:$0x10800] =	vst v63  }
0x6d: {  	_ = 	snop  }
0x6e: {  	[tilespmem:s10], [sflag:$0x3] =	stream.indirect.gather [hbm4b:s2+s6], $0x80, s9, s6, $0xb8;
	[tilespmem:$0x10800] =	vst v63  }
0x6f: {  	_ = 	snop  }
0x70: {  	[tilespmem:s12], [sflag:$0x4] =	stream.indirect.gather [hbm4b:s2+s6], $0x80, s11, s6, $0xb8;
	[tilespmem:$0x10800] =	vst v63  }
0x71: {  	_ =	swait.ge [sflag:s13], $0x4000  }
0x72: {  	[sflag:s13] =	ssyncset.done $0x0  }
0x73: {  	[sflag:s13] =	ssyncadd.s32 $0xFFFFC000  }
0x74: {  	[hbm4b:s4+s3] =	stream.linear.scatter [tilespmem:s7], [sflag:$0x5], $0x4000, $0x38;
	[tilespmem:$0x10800] =	vst v63  }
0x75: {  	_ =	swait.ge [sflag:s14], $0x4000  }
0x76: {  	[sflag:s14] =	ssyncset.done $0x0  }
0x77: {  	[sflag:s14] =	ssyncadd.s32 $0xFFFFC000  }
0x78: {  	[tilespmem:s7], [sflag:$0x1] =	stream.indirect.gather [hbm4b:s2+s6], $0x80, s15, s6, $0xb8;
	[tilespmem:$0x10800] =	vst v63  }
0x79: {  	_ =	swait.ge [sflag:s16], $0x4000  }
0x7a: {  	[sflag:s16] =	ssyncset.done $0x0  }
0x7b: {  	s0 =	rddreg [dreg:$0x4];
	[sflag:s16] =	ssyncadd.s32 $0xFFFFC000  }
0x7c: {  	[hbm4b:s0+s3] =	stream.linear.scatter [tilespmem:s8], [sflag:$0x6], $0x4000, $0x38;
	[tilespmem:$0x10800] =	vst v63  }
0x7d: {  	_ =	swait.ge [sflag:s17], $0x4000  }
0x7e: {  	[sflag:s17] =	ssyncset.done $0x0  }
0x7f: {  	[sflag:s17] =	ssyncadd.s32 $0xFFFFC000  }
0x80: {  	[tilespmem:s8], [sflag:$0x2] =	stream.indirect.gather [hbm4b:s2+s6], $0x80, s18, s6, $0xb8;
	[tilespmem:$0x10800] =	vst v63  }
0x81: {  	_ =	swait.ge [sflag:s19], $0x4000  }
0x82: {  	[sflag:s19] =	ssyncset.done $0x0  }
0x83: {  	s0 =	rddreg [dreg:$0x5];
	[sflag:s19] =	ssyncadd.s32 $0xFFFFC000  }
0x84: {  	[hbm4b:s0+s3] =	stream.linear.scatter [tilespmem:s10], [sflag:$0x7], $0x4000, $0x38;
	[tilespmem:$0x10800] =	vst v63  }
0x85: {  	_ =	swait.ge [sflag:s20], $0x4000  }
0x86: {  	[sflag:s20] =	ssyncset.done $0x0  }
0x87: {  	[sflag:s20] =	ssyncadd.s32 $0xFFFFC000  }
0x88: {  	[tilespmem:s10], [sflag:$0x3] =	stream.indirect.gather [hbm4b:s2+s6], $0x80, s21, s6, $0xb8;
	[tilespmem:$0x10800] =	vst v63  }
0x89: {  	_ =	swait.ge [sflag:s22], $0x4000  }
0x8a: {  	[sflag:s22] =	ssyncset.done $0x0  }
0x8b: {  	s0 =	rddreg [dreg:$0x6];
	[sflag:s22] =	ssyncadd.s32 $0xFFFFC000  }
0x8c: {  	[hbm4b:s0+s3] =	stream.linear.scatter [tilespmem:s12], [sflag:$0x8], $0x4000, $0x38;
	[tilespmem:$0x10800] =	vst v63  }
0x8d: {  	_ =	swait.ge [sflag:s23], $0x4000  }
0x8e: {  	[sflag:s23] =	ssyncset.done $0x0  }
0x8f: {  	[sflag:s23] =	ssyncadd.s32 $0xFFFFC000  }
0x90: {  	[tilespmem:s12], [sflag:$0x4] =	stream.indirect.gather [hbm4b:s2+s6], $0x80, s24, s6, $0xb8;
	[tilespmem:$0x10800] =	vst v63  }
0x91: {  	_ =	swait.ge [sflag:s13], $0x4000  }
0x92: {  	[sflag:s13] =	ssyncset.done $0x0  }
0x93: {  	s0 =	rddreg [dreg:$0x7];
	[sflag:s13] =	ssyncadd.s32 $0xFFFFC000  }
0x94: {  	[hbm4b:s0+s3] =	stream.linear.scatter [tilespmem:s7], [sflag:$0x5], $0x4000, $0x38;
	[tilespmem:$0x10800] =	vst v63  }
0x95: {  	_ =	swait.ge [sflag:s14], $0x4000  }
0x96: {  	[sflag:s14] =	ssyncset.done $0x0  }
0x97: {  	[sflag:s14] =	ssyncadd.s32 $0xFFFFC000  }
0x98: {  	[tilespmem:s7], [sflag:$0x1] =	stream.indirect.gather [hbm4b:s2+s6], $0x80, s25, s6, $0xb8;
	[tilespmem:$0x10800] =	vst v63  }
0x99: {  	_ =	swait.ge [sflag:s16], $0x4000  }
0x9a: {  	[sflag:s16] =	ssyncset.done $0x0  }
0x9b: {  	s0 =	rddreg [dreg:$0x8];
	[sflag:s16] =	ssyncadd.s32 $0xFFFFC000  }
0x9c: {  	[hbm4b:s0+s3] =	stream.linear.scatter [tilespmem:s8], [sflag:$0x6], $0x4000, $0x38;
	[tilespmem:$0x10800] =	vst v63  }
0x9d: {  	_ =	swait.ge [sflag:s17], $0x4000  }
0x9e: {  	[sflag:s17] =	ssyncset.done $0x0  }
0x9f: {  	[sflag:s17] =	ssyncadd.s32 $0xFFFFC000  }
0xa0: {  	[tilespmem:s8], [sflag:$0x2] =	stream.indirect.gather [hbm4b:s2+s6], $0x80, s26, s6, $0xb8;
	[tilespmem:$0x10800] =	vst v63  }
0xa1: {  	_ =	swait.ge [sflag:s19], $0x4000  }
0xa2: {  	[sflag:s19] =	ssyncset.done $0x0  }
0xa3: {  	[sflag:s19] =	ssyncadd.s32 $0xFFFFC000  }
0xa4: {  	[hbm4b:s28+s3] =	stream.linear.scatter [tilespmem:s10], [sflag:$0x7], $0x4000, $0x38;
	[tilespmem:$0x10800] =	vst v63  }
0xa5: {  	_ =	swait.ge [sflag:s22], $0x4000  }
0xa6: {  	[sflag:s22] =	ssyncset.done $0x0  }
0xa7: {  	[sflag:s22] =	ssyncadd.s32 $0xFFFFC000  }
0xa8: {  	[hbm4b:s29+s3] =	stream.linear.scatter [tilespmem:s12], [sflag:$0x8], $0x4000, $0x38;
	[tilespmem:$0x10800] =	vst v63  }
0xa9: {  	_ =	swait.ge [sflag:s13], $0x4000  }
0xaa: {  	[sflag:s13] =	ssyncset.done $0x0  }
0xab: {  	[sflag:s13] =	ssyncadd.s32 $0xFFFFC000  }
0xac: {  	[hbm4b:s30+s3] =	stream.linear.scatter [tilespmem:s7], [sflag:$0x5], $0x4000, $0x38;
	[tilespmem:$0x10800] =	vst v63  }
0xad: {  	_ =	swait.ge [sflag:s16], $0x4000  }
0xae: {  	[sflag:s16] =	ssyncset.done $0x0  }
0xaf: {  	[sflag:s16] =	ssyncadd.s32 $0xFFFFC000  }
0xb0: {  	[hbm4b:s31+s3] =	stream.linear.scatter [tilespmem:s8], [sflag:$0x6], $0x4000, $0x38;
	[tilespmem:$0x10800] =	vst v63  }
0xb1: {  	_ =	swait.ge [sflag:s20], $0x4000  }
0xb2: {  	[sflag:s20] =	ssyncset.done $0x0  }
0xb3: {  	[sflag:s20] =	ssyncadd.s32 $0xFFFFC000  }
0xb4: {  	_ =	swait.ge [sflag:s23], $0x4000  }
0xb5: {  	p0 =	sne.s32 s1, $0x1;
	[sflag:s23] =	ssyncset.done $0x0  }
.Ltmp1:
0xb6: {  	[sflag:s23] =	ssyncadd.s32 $0xFFFFC000;
	(pc) =	sbr.rel @p0 .LBB2_1-.Ltmp1, $4  }
0xb7: {  	_ =	swait.ge [sflag:s14], $0x4000  }
0xb8: {  	[sflag:s14] =	ssyncset.done $0x0  }
0xb9: {  	[sflag:s14] =	ssyncadd.s32 $0xFFFFC000  }
0xba: {  	s1 =	sadd.s32 $0xFFFFFFFF, s1;
	_ =	swait.ge [sflag:s17], $0x4000  }
.LBB2_2:
0xbb: {  	[sflag:s17] =	ssyncset.done $0x0  }
0xbc: {  	[sflag:s17] =	ssyncadd.s32 $0xFFFFC000  }
0xbd: {  	_ =	sfence.sel $0x180000  }
0xbe: {  	[bflag:$0x0] =	sbarrier.arrive $0xFFFF  }
0xbf: {  	_ =	strace $0x9000004A  }
0xc0: {  	s0 =	stileid.u32;
	[bflag:$0x2] =	sbarrier.arrive $0xFFFF  }
0xc1: {  	p0 =	sne.s32 s0, $0x0;
	s0 =	rddreg [dreg:$0x2]  }
0xc2: {  	s0 =	sadd.s32 @!p0 $0x100000, s0  }
0xc3: {  	[sflag:s0] =	ssyncadd.tile.s32 @!p0 $0x1;
	_ =	shalt  }
.Lfunc_end2:
_tile_overlayer_lowered:
.L_overlay_start_2:
0xc4: {  	(tag) =	ssettag $0x2  }
0xc5: {  	s0 =	rddreg [dreg:$0x0];
	s2 =	stileid.u32  }
0xc6: {  	s1 =	rddreg [dreg:$0x1];
	p0 =	sne.s32 s2, $0x0  }
0xc7: {  	s3 =	rddreg [dreg:$0x2];
	[bflag:$0x3] =	sbarrier.arrive $0xFFFF;
	s2 =	simm.s32 @!p0 $0x1C09  }
0xc8: {  	[timem:s3], [sflag:s2] =	dma.local @!p0 [hbm:s0], s1  }
0xc9: {  	s0 =	simm.s32 @!p0 $0x9  }
0xca: {  	_ =	swait.ge @!p0 [sflag:s0], s1  }
0xcb: {  	s1 =	ssub.s32 @!p0 $0x0, s1;
	[sflag:s0] =	ssyncset.done @!p0 $0x0  }
0xcc: {  	[sflag:s0] =	ssyncadd.s32 @!p0 s1  }
0xcd: {  	[bflag:$0x3] =	sbarrier.arrive $0xFFFF  }
0xce: {  	_ =	shalt  }

// kernel: kernel.21.cloned.1.call-start
scs
__scs_entry_jumppad:
0x0: {  	(pc) =	sbr.rel $0x88, $3  }
0x1: {  	(tag) =	ssettag $0x0;
	lr =	simm.s32 $0x1  }
0x2: {  	[smem:$0x3F9C] =	sst lr;
	_ =	strace $0xD0000000  }
0x3: {  	_ = 	snop  }
0x4: {  	_ = 	snop  }
0x5: {  	_ = 	snop  }
0x6: {  	_ = 	snop  }
0x7: {  	_ = 	snop  }
__scs_overlays_trampoline_lowered:
0x8: {  	[smem:$0x3FAB] =	sst s0  }
0x9: {  	[smem:$0x3FAC] =	sst s1  }
0xa: {  	[smem:$0x3FAD] =	sst s2  }
0xb: {  	[smem:$0x3FAE] =	sst s3  }
0xc: {  	[smem:$0x3FAF] =	sst s4  }
0xd: {  	[smem:$0x3FB0] =	sst s5  }
0xe: {  	[smem:$0x3FB1] =	sst s6  }
0xf: {  	[smem:$0x3FB2] =	sst s7  }
0x10: {  	[smem:$0x3FB3] =	sst s8  }
0x11: {  	[smem:$0x3FB4] =	sst s9;
	s0 =	simm.s32 @!p0 $0x0  }
0x12: {  	s1 =	sld [smem:$0x3F9A];
	s0 =	simm.s32 @p0 $0x1  }
0x13: {  	[smem:$0x3FB5] =	sst s0;
	s0 =	simm.s32 @!p1 $0x0  }
0x14: {  	s2 =	sld [smem:$0x3F99];
	s0 =	simm.s32 @p1 $0x1  }
0x15: {  	[smem:$0x3FB6] =	sst s0;
	s0 =	simm.s32 @!p2 $0x0  }
0x16: {  	s3 =	sld [smem:$0x3FDB];
	s0 =	simm.s32 @p2 $0x1  }
0x17: {  	s4 =	simm.s32 $0x1BF5;
	[smem:$0x3FB8] =	sst s0  }
0x18: {  	s0 =	sld [smem:$0x3F9B];
	_ =	swait.ge [sflag:s4], $0x0  }
0x19: {  	s7 =	sld [smem:$0x3F9C]  }
0x1a: {  	s8 =	sadd.s32 $0xFFFFE003, lr  }
0x1b: {  	s9 =	sadd.s32 $0xFFFFFEF7, lr;
	s5 =	simm.s32 $0xFFFFFFFF;
	p2 =	slt.u32 s8, $0xFFFFF086  }
0x1c: {  	p1 =	slt.u32 s9, $0xF7A;
	s5 =	simm.s32 @!p2 $0x0  }
0x1d: {  	s5 =	simm.s32 @p1 $0x1;
	p0 =	seq.s32 s7, s2  }
0x1e: {  	s7 =	smul.u32 @!p0 $0xF7A, s2;
	p2 =	seq.s32 @!p0 s5, $0x0  }
0x1f: {  	s9 =	smul.u32 $0xF7A, s1;
	s8 =	simm.s32 @!p0 $0x1BF5;
	p2 =	por !p2, p0  }
0x20: {  	[sflag:s8] =	ssyncset.s32 @!p0 $0xFFFFF086;
	s6 =	sadd.s32 @!p0 s3, s7;
	s7 =	simm.s32 @!p0 $0x108  }
0x21: {  	s3 =	sadd.s32 s3, s9;
	s6 =	sadd.s32 @!p0 $0x88, s6;
	s7 =	simm.s32 @p2 $0x1082  }
0x22: {  	[simem:s7], [sflag:s8] =	dma.local @!p0 [hbm:s6], $0xF7A  }
0x23: {  	s9 =	sor.u32 $0xD0000000, s2;
	s6 =	simm.s32 $0x108;
	_ =	swait.ge @!p0 [sflag:s8], $0x0  }
0x24: {  	s3 =	sadd.s32 $0x88, s3;
	s6 =	simm.s32 @!p1 $0x1082;
	[sflag:s4] =	ssyncset.s32 $0xFFFFF086  }
0x25: {  	[simem:s6], [sflag:s4] =	dma.local [hbm:s3], $0xF7A  }
0x26: {  	[smem:$0x3F9C] =	sst s1;
	(tag) =	ssettag s2;
	_ =	strace s9  }
0x27: {  	s1 =	sld [smem:$0x3FAC]  }
0x28: {  	s2 =	sld [smem:$0x3FAD]  }
0x29: {  	s4 =	sld [smem:$0x3FAF]  }
0x2a: {  	p0 =	seq.s32 s5, $0x0;
	s5 =	sld [smem:$0x3FB0]  }
0x2b: {  	s6 =	sld [smem:$0x3FB1]  }
0x2c: {  	s7 =	sld [smem:$0x3FB2]  }
0x2d: {  	s3 =	simm.s32 $0x108;
	s8 =	sld [smem:$0x3FB3]  }
0x2e: {  	s3 =	simm.s32 @!p0 $0x1082;
	s9 =	sld [smem:$0x3FB4]  }
0x2f: {  	lr =	sadd.s32 s0, s3;
	s0 =	sld [smem:$0x3FAB]  }
0x30: {  	s3 =	sld [smem:$0x3FAE]  }
0x31: {  	[smem:$0x3FB7] =	sst s10  }
0x32: {  	s10 =	sld [smem:$0x3FB5];
	_ =	sdelay $0x3  }
0x33: {  	p0 =	seq.s32 s10, $0x1;
	s10 =	sld [smem:$0x3FB7];
	_ =	sdelay $0x3  }
0x34: {  	[smem:$0x3FB7] =	sst s10  }
0x35: {  	s10 =	sld [smem:$0x3FB6];
	_ =	sdelay $0x3  }
0x36: {  	p1 =	seq.s32 s10, $0x1;
	s10 =	sld [smem:$0x3FB7];
	_ =	sdelay $0x3  }
0x37: {  	[smem:$0x3FB7] =	sst s10  }
0x38: {  	s10 =	sld [smem:$0x3FB8]  }
0x39: {  	_ = 	snop;
	(pc) =	sbr.ind lr, $3  }
0x3a: {  	_ = 	snop  }
0x3b: {  	_ = 	snop  }
0x3c: {  	p2 =	seq.s32 s10, $0x1;
	s10 =	sld [smem:$0x3FB7]  }
0x3d: {  	_ =	shalt  }
0x3e: {  	_ =	shalt  }
0x3f: {  	_ =	shalt  }
0x40: {  	_ =	shalt  }
0x41: {  	_ =	shalt  }
0x42: {  	_ =	shalt  }
0x43: {  	_ =	shalt  }
0x44: {  	_ =	shalt  }
0x45: {  	_ =	shalt  }
0x46: {  	_ =	shalt  }
0x47: {  	_ =	shalt  }
0x48: {  	_ =	shalt  }
0x49: {  	_ =	shalt  }
0x4a: {  	_ =	shalt  }
0x4b: {  	_ =	shalt  }
0x4c: {  	_ =	shalt  }
0x4d: {  	_ =	shalt  }
0x4e: {  	_ =	shalt  }
0x4f: {  	_ =	shalt  }
0x50: {  	_ =	shalt  }
0x51: {  	_ =	shalt  }
0x52: {  	_ =	shalt  }
0x53: {  	_ =	shalt  }
0x54: {  	_ =	shalt  }
0x55: {  	_ =	shalt  }
0x56: {  	_ =	shalt  }
0x57: {  	_ =	shalt  }
0x58: {  	_ =	shalt  }
0x59: {  	_ =	shalt  }
0x5a: {  	_ =	shalt  }
0x5b: {  	_ =	shalt  }
0x5c: {  	_ =	shalt  }
0x5d: {  	_ =	shalt  }
0x5e: {  	_ =	shalt  }
0x5f: {  	_ =	shalt  }
0x60: {  	_ =	shalt  }
0x61: {  	_ =	shalt  }
0x62: {  	_ =	shalt  }
0x63: {  	_ =	shalt  }
0x64: {  	_ =	shalt  }
0x65: {  	_ =	shalt  }
0x66: {  	_ =	shalt  }
0x67: {  	_ =	shalt  }
0x68: {  	_ =	shalt  }
0x69: {  	_ =	shalt  }
0x6a: {  	_ =	shalt  }
0x6b: {  	_ =	shalt  }
0x6c: {  	_ =	shalt  }
0x6d: {  	_ =	shalt  }
0x6e: {  	_ =	shalt  }
0x6f: {  	_ =	shalt  }
0x70: {  	_ =	shalt  }
0x71: {  	_ =	shalt  }
0x72: {  	_ =	shalt  }
0x73: {  	_ =	shalt  }
0x74: {  	_ =	shalt  }
0x75: {  	_ =	shalt  }
0x76: {  	_ =	shalt  }
0x77: {  	_ =	shalt  }
0x78: {  	_ =	shalt  }
0x79: {  	_ =	shalt  }
0x7a: {  	_ =	shalt  }
0x7b: {  	_ =	shalt  }
0x7c: {  	_ =	shalt  }
0x7d: {  	_ =	shalt  }
0x7e: {  	_ =	shalt  }
0x7f: {  	_ =	shalt  }
0x80: {  	_ =	shalt  }
0x81: {  	_ =	shalt  }
0x82: {  	_ =	shalt  }
0x83: {  	_ =	shalt  }
0x84: {  	_ =	shalt  }
0x85: {  	_ =	shalt  }
0x86: {  	_ =	shalt  }
0x87: {  	_ =	shalt  }
.Lfunc_end0:
.L_simem_size_0:
called_computation.3_lowered:
.L_overlay_start_0:
0x88: {  	s2 =	sld [smem:$0x3FD9]  }
0x89: {  	s3 =	sld [smem:$0x3FFE];
	_ =	sdelay $0x1  }
0x8a: {  	s1 =	srdreg.scid  }
0x8b: {  	s0 =	sand.u32 $0x1, s1  }
0x8c: {  	s17 =	sshll.u32 s0, $0xA;
	s2 =	sadd.s32 s3, s2  }
0x8d: {  	s2 =	sadd.s32 s2, s17  }
0x8e: {  	[smem:$0x3FC3] =	sst s2  }
0x8f: {  	_ = 	snop  }
0x90: {  	s18 =	sld [smem:$0x3FC7];
	(tm) =	ssettm $0x1  }
0x91: {  	s19 =	sld [smem:$0x3FFB];
	_ =	sdelay $0x3  }
0x92: {  	_ =	strace s19  }
0x93: {  	s2 =	sld [smem:$0x3FFC];
	_ =	sdelay $0x3  }
0x94: {  	_ =	strace s2  }
0x95: {  	s2 =	sld [smem:$0x3FFD];
	_ =	sdelay $0x3  }
0x96: {  	_ =	strace s2  }
0x97: {  	_ =	strace $0x8FFFFFFF  }
0x98: {  	s20 =	sld [smem:$0x3FDB];
	_ =	sdelay $0x1  }
0x99: {  	s4 =	simm.s32 $_scs_section_size  }
0x9a: {  	s5 =	simm.s32 $_size__tile_overlayer_lowered;
	s6 =	simm.s32 $_tile_overlayer_lowered  }
0x9b: {  	s7 =	simm.s32 $0x1BFF;
	s21 =	sshll.u32 s6, $0x1;
	s4 =	sadd.s32 s4, s20  }
0x9c: {  	s22 =	simm.s32 $0x0;
	s5 =	sshll.u32 s5, $0x1;
	s6 =	sadd.s32 s21, s4  }
0x9d: {  	[timem:s22], [sflag:s7] =	dma.local [hbm:s6], s5  }
0x9e: {  	_ =	swait.ge [sflag:s7], s5  }
0x9f: {  	s5 =	ssub.s32 $0x0, s5;
	[sflag:s7] =	ssyncset.done $0x0  }
0xa0: {  	[sflag:s7] =	ssyncadd.s32 s5;
	_ =	sdelay $0x1  }
0xa1: {  	s23 =	simm.s32 $0x1B8B  }
0xa2: {  	_ =	swait.ge [sflag:s23], $0x1  }
0xa3: {  	[sflag:s23] =	ssyncset.done $0x0  }
0xa4: {  	[sflag:s23] =	ssyncadd.s32 $0xFFFFFFFF  }
0xa5: {  	s5 =	sld [smem:$0x0]  }
0xa6: {  	s6 =	sand.u32 $0xFFFFFFFE, s1  }
0xa7: {  	p0 =	sne.s32 s1, s6  }
0xa8: {  	s6 =	sshll.u32 @p0 s6, $0xE  }
0xa9: {  	s6 =	sadd.s32 @p0 $0x11B8D, s6;
	s7 =	sshll.u32 @p0 s5, $0x11  }
0xaa: {  	s6 =	sor.u32 @p0 s7, s6  }
0xab: {  	[sflag:s6] =	ssyncadd.remote.s32 @p0 $0x1;
	_ =	sdelay $0x1  }
0xac: {  	s6 =	simm.s32 @p0 $0x1B8D  }
0xad: {  	_ =	swait.eq @p0 [sflag:s6], $0x1  }
0xae: {  	[sflag:s6] =	ssyncadd.s32 @p0 $0xFFFFFFFF  }
0xaf: {  	s7 =	sshll.u32 @!p0 s1, $0xE  }
0xb0: {  	s7 =	sor.u32 @!p0 $0x4000, s7;
	s6 =	simm.s32 @!p0 $0x1B8D  }
0xb1: {  	s5 =	sshll.u32 @!p0 s5, $0x11;
	s7 =	sadd.s32 @!p0 $0x11B8D, s7;
	_ =	swait.eq @!p0 [sflag:s6], $0x1  }
0xb2: {  	s5 =	sor.u32 @!p0 s5, s7;
	[sflag:s6] =	ssyncadd.s32 @!p0 $0xFFFFFFFF  }
0xb3: {  	s25 =	simm.s32 $0x1B8E;
	s24 =	sld [smem:$0x3FFE];
	[sflag:s5] =	ssyncadd.remote.s32 @!p0 $0x1  }
0xb4: {  	s26 =	simm.s32 $execute0_lowered;
	[smem:$0x3FD2] =	sst s25  }
0xb5: {  	s6 =	sshll.u32 s26, $0x1;
	_ =	strace $0x8000004C;
	[dreg:$0x1] =	wrdreg $0xFFFFFFFF  }
0xb6: {  	s28 =	simm.s32 $_size_execute0_lowered;
	s4 =	sadd.s32 s4, s6;
	[dreg:$0x0] =	wrdreg $0x0  }
0xb7: {  	s6 =	sshll.u32 s28, $0x1;
	[dreg:$0x2] =	wrdreg s4  }
0xb8: {  	[dreg:$0x3] =	wrdreg s6  }
0xb9: {  	[dreg:$0x4] =	wrdreg $0xC0  }
0xba: {  	_ =	task [dreg:s22], $0x5FFFF  }
0xbb: {  	[dreg:$0x1] =	wrdreg $0xFFFFFFFF  }
0xbc: {  	[dreg:$0x0] =	wrdreg $0x60  }
0xbd: {  	[dreg:$0x2] =	wrdreg s18  }
0xbe: {  	[dreg:$0x3] =	wrdreg s24  }
0xbf: {  	[dreg:$0x4] =	wrdreg $0xC  }
0xc0: {  	_ =	task.clear_ibuf [dreg:s22], $0x5FFFF;
	_ =	strace $0x9000004C  }
0xc1: {  	s29 =	simm.s32 $0xC;
	_ =	strace $0x8000004E  }
0xc2: {  	_ =	swait.ge [sflag:s29], $0x1  }
0xc3: {  	[sflag:s29] =	ssyncadd.s32 $0xFFFFFFFF  }
0xc4: {  	_ =	strace $0x9000004E  }
0xc5: {  	_ =	sfence  }
0xc6: {  	s30 =	sld [smem:$0x0];
	_ =	sdelay $0x2  }
0xc7: {  	s31 =	sshll.u32 s1, $0xD;
	s1 =	sshrl.u32 s1, $0x2  }
0xc8: {  	s4 =	sand.u32 $0x4000, s31;
	s1 =	sadd.s32 s1, s30  }
0xc9: {  	s0 =	sor.u32 s4, s0;
	s1 =	sshll.u32 s1, $0x11  }
0xca: {  	s0 =	sor.u32 s1, s0  }
0xcb: {  	s0 =	sadd.s32 $0x8F2B, s0  }
0xcc: {  	[sflag:s0] =	ssyncadd.remote.s32 $0x1  }
0xcd: {  	_ =	sfence.sel $0xFFFF  }
0xce: {  	[dreg:$0x0] =	wrdreg $0xFFFFFFFF;
	(pc) =	sbr.abs _section_cstart, $3  }
0xcf: {  	[dreg:$0x1] =	wrdreg $0xFFFFFFFF  }
0xd0: {  	_ =	task.clear_ibuf [dreg:s22], $0x2FFFF;
	_ =	strace $0x9FFFFFFF  }
0xd1: {  	(tm) =	ssettm $0x7FFFFFFF  }
tec
execute0_lowered:
.L_overlay_start_1:
0x0: {  	(tag) =	ssettag $0x1  }
0x1: {  	s1 =	srdreg.scid;
	s0 =	stileid.u32  }
0x2: {  	s4 =	rddreg [dreg:$0x1];
	s1 =	sand.u32 $0x1, s1;
	s3 =	sshll.u32 s0, $0x1  }
0x3: {  	s2 =	rddreg [dreg:$0x0];
	s8 =	sadd.s32 $0x14A000, s4;
	s5 =	sor.u32 s1, s3  }
0x4: {  	s3 =	simm.s32 $0x0;
	s6 =	smul.u32 $0x5000, s5;
	s7 =	sshll.u32 s5, $0x8  }
0x5: {  	[smem:$0x7FF] =	sst s3;
	s5 =	smul.u32 $0x28000, s5;
	s7 =	sadd.s32 s7, s4  }
0x6: {  	_ =	strace $0x8000004D;
	s7 =	sadd.s32 $0x148000, s7;
	s4 =	sadd.s32 s8, s6  }
0x7: {  	s5 =	sshrl.u32 s5, $0x3;
	[dreg:$0x3] =	wrdreg s7;
	s6 =	sadd.s32 $0x800, s4  }
0x8: {  	s31 =	sadd.s32 s8, s5;
	[dreg:$0x4] =	wrdreg s6  }
0x9: {  	s5 =	sadd.s32 $0x1000, s31;
	s25 =	rddreg [dreg:$0x3]  }
0xa: {  	s23 =	sadd.s32 $0x1800, s31;
	[dreg:$0x5] =	wrdreg s5  }
0xb: {  	s24 =	sadd.s32 $0x2000, s31;
	[dreg:$0x6] =	wrdreg s23  }
0xc: {  	s26 =	sadd.s32 $0x2800, s31;
	[dreg:$0x7] =	wrdreg s24  }
0xd: {  	[dreg:$0x8] =	wrdreg s26;
	s5 =	simm.s32 $0x9  }
0xe: {  	[tilespmem:s3], [sflag:$0x9] =	stream.linear.gather [hbm4b:s25+s3], $0x500, $0x38;
	[tilespmem:$0x10800] =	vst v63  }
0xf: {  	_ =	swait.ge [sflag:s5], $0x500  }
0x10: {  	[sflag:s5] =	ssyncset.done $0x0  }
0x11: {  	s7 =	simm.s32 $0x800;
	s6 =	simm.s32 $0x80;
	[sflag:s5] =	ssyncadd.s32 $0xFFFFFB00  }
0x12: {  	[tilespmem:s7], [sflag:$0x1] =	stream.indirect.gather [hbm4b:s2+s6], $0x80, s3, s6, $0xb8;
	[tilespmem:$0x10800] =	vst v63  }
0x13: {  	s8 =	simm.s32 $0x4800  }
0x14: {  	[tilespmem:s8], [sflag:$0x2] =	stream.indirect.gather [hbm4b:s2+s6], $0x80, s6, s6, $0xb8;
	[tilespmem:$0x10800] =	vst v63  }
0x15: {  	s9 =	simm.s32 $0x100;
	s10 =	simm.s32 $0x8800  }
0x16: {  	[tilespmem:s10], [sflag:$0x3] =	stream.indirect.gather [hbm4b:s2+s6], $0x80, s9, s6, $0xb8;
	[tilespmem:$0x10800] =	vst v63  }
0x17: {  	s11 =	simm.s32 $0x180;
	s12 =	simm.s32 $0xC800;
	s13 =	simm.s32 $0x1  }
0x18: {  	[tilespmem:s12], [sflag:$0x4] =	stream.indirect.gather [hbm4b:s2+s6], $0x80, s11, s6, $0xb8;
	[tilespmem:$0x10800] =	vst v63  }
0x19: {  	_ =	swait.ge [sflag:s13], $0x4000  }
0x1a: {  	[sflag:s13] =	ssyncset.done $0x0  }
0x1b: {  	s14 =	simm.s32 $0x5;
	[sflag:s13] =	ssyncadd.s32 $0xFFFFC000  }
0x1c: {  	[hbm4b:s4+s3] =	stream.linear.scatter [tilespmem:s7], [sflag:$0x5], $0x4000, $0x38;
	[tilespmem:$0x10800] =	vst v63  }
0x1d: {  	_ =	swait.ge [sflag:s14], $0x4000  }
0x1e: {  	[sflag:s14] =	ssyncset.done $0x0  }
0x1f: {  	s15 =	simm.s32 $0x200;
	s16 =	simm.s32 $0x2;
	[sflag:s14] =	ssyncadd.s32 $0xFFFFC000  }
0x20: {  	[tilespmem:s7], [sflag:$0x1] =	stream.indirect.gather [hbm4b:s2+s6], $0x80, s15, s6, $0xb8;
	[tilespmem:$0x10800] =	vst v63  }
0x21: {  	_ =	swait.ge [sflag:s16], $0x4000  }
0x22: {  	[sflag:s16] =	ssyncset.done $0x0  }
0x23: {  	s17 =	simm.s32 $0x6;
	s18 =	rddreg [dreg:$0x4];
	[sflag:s16] =	ssyncadd.s32 $0xFFFFC000  }
0x24: {  	[hbm4b:s18+s3] =	stream.linear.scatter [tilespmem:s8], [sflag:$0x6], $0x4000, $0x38;
	[tilespmem:$0x10800] =	vst v63  }
0x25: {  	_ =	swait.ge [sflag:s17], $0x4000  }
0x26: {  	[sflag:s17] =	ssyncset.done $0x0  }
0x27: {  	s19 =	simm.s32 $0x3;
	s18 =	simm.s32 $0x280;
	[sflag:s17] =	ssyncadd.s32 $0xFFFFC000  }
0x28: {  	[tilespmem:s8], [sflag:$0x2] =	stream.indirect.gather [hbm4b:s2+s6], $0x80, s18, s6, $0xb8;
	[tilespmem:$0x10800] =	vst v63  }
0x29: {  	_ =	swait.ge [sflag:s19], $0x4000  }
0x2a: {  	[sflag:s19] =	ssyncset.done $0x0  }
0x2b: {  	s20 =	simm.s32 $0x7;
	s21 =	rddreg [dreg:$0x5];
	[sflag:s19] =	ssyncadd.s32 $0xFFFFC000  }
0x2c: {  	[hbm4b:s21+s3] =	stream.linear.scatter [tilespmem:s10], [sflag:$0x7], $0x4000, $0x38;
	[tilespmem:$0x10800] =	vst v63  }
0x2d: {  	_ =	swait.ge [sflag:s20], $0x4000  }
0x2e: {  	[sflag:s20] =	ssyncset.done $0x0  }
0x2f: {  	s22 =	simm.s32 $0x4;
	s21 =	simm.s32 $0x300;
	[sflag:s20] =	ssyncadd.s32 $0xFFFFC000  }
0x30: {  	[tilespmem:s10], [sflag:$0x3] =	stream.indirect.gather [hbm4b:s2+s6], $0x80, s21, s6, $0xb8;
	[tilespmem:$0x10800] =	vst v63  }
0x31: {  	_ =	swait.ge [sflag:s22], $0x4000  }
0x32: {  	[sflag:s22] =	ssyncset.done $0x0  }
0x33: {  	s23 =	rddreg [dreg:$0x6];
	[sflag:s22] =	ssyncadd.s32 $0xFFFFC000  }
0x34: {  	[hbm4b:s23+s3] =	stream.linear.scatter [tilespmem:s12], [sflag:$0x8], $0x4000, $0x38;
	[tilespmem:$0x10800] =	vst v63  }
0x35: {  	s23 =	simm.s32 $0x8  }
0x36: {  	_ =	swait.ge [sflag:s23], $0x4000  }
0x37: {  	[sflag:s23] =	ssyncset.done $0x0  }
0x38: {  	s24 =	simm.s32 $0x380;
	[sflag:s23] =	ssyncadd.s32 $0xFFFFC000  }
0x39: {  	[tilespmem:s12], [sflag:$0x4] =	stream.indirect.gather [hbm4b:s2+s6], $0x80, s24, s6, $0xb8;
	[tilespmem:$0x10800] =	vst v63  }
0x3a: {  	_ =	swait.ge [sflag:s13], $0x4000  }
0x3b: {  	[sflag:s13] =	ssyncset.done $0x0  }
0x3c: {  	s25 =	rddreg [dreg:$0x7];
	[sflag:s13] =	ssyncadd.s32 $0xFFFFC000  }
0x3d: {  	[hbm4b:s25+s3] =	stream.linear.scatter [tilespmem:s7], [sflag:$0x5], $0x4000, $0x38;
	[tilespmem:$0x10800] =	vst v63  }
0x3e: {  	_ =	swait.ge [sflag:s14], $0x4000  }
0x3f: {  	[sflag:s14] =	ssyncset.done $0x0  }
0x40: {  	s25 =	simm.s32 $0x400;
	[sflag:s14] =	ssyncadd.s32 $0xFFFFC000  }
0x41: {  	[tilespmem:s7], [sflag:$0x1] =	stream.indirect.gather [hbm4b:s2+s6], $0x80, s25, s6, $0xb8;
	[tilespmem:$0x10800] =	vst v63  }
0x42: {  	_ =	swait.ge [sflag:s16], $0x4000  }
0x43: {  	[sflag:s16] =	ssyncset.done $0x0  }
0x44: {  	s26 =	rddreg [dreg:$0x8];
	[sflag:s16] =	ssyncadd.s32 $0xFFFFC000  }
0x45: {  	[hbm4b:s26+s3] =	stream.linear.scatter [tilespmem:s8], [sflag:$0x6], $0x4000, $0x38;
	[tilespmem:$0x10800] =	vst v63  }
0x46: {  	_ =	swait.ge [sflag:s17], $0x4000  }
0x47: {  	[sflag:s17] =	ssyncset.done $0x0  }
0x48: {  	s26 =	simm.s32 $0x480;
	[sflag:s17] =	ssyncadd.s32 $0xFFFFC000  }
0x49: {  	[tilespmem:s8], [sflag:$0x2] =	stream.indirect.gather [hbm4b:s2+s6], $0x80, s26, s6, $0xb8;
	[tilespmem:$0x10800] =	vst v63  }
0x4a: {  	_ =	swait.ge [sflag:s19], $0x4000  }
0x4b: {  	[sflag:s19] =	ssyncset.done $0x0  }
0x4c: {  	s28 =	sadd.s32 $0x3000, s31;
	[sflag:s19] =	ssyncadd.s32 $0xFFFFC000  }
0x4d: {  	[hbm4b:s28+s3] =	stream.linear.scatter [tilespmem:s10], [sflag:$0x7], $0x4000, $0x38;
	[tilespmem:$0x10800] =	vst v63  }
0x4e: {  	_ =	swait.ge [sflag:s22], $0x4000  }
0x4f: {  	[sflag:s22] =	ssyncset.done $0x0  }
0x50: {  	s29 =	sadd.s32 $0x3800, s31;
	[sflag:s22] =	ssyncadd.s32 $0xFFFFC000  }
0x51: {  	[hbm4b:s29+s3] =	stream.linear.scatter [tilespmem:s12], [sflag:$0x8], $0x4000, $0x38;
	[tilespmem:$0x10800] =	vst v63  }
0x52: {  	_ =	swait.ge [sflag:s13], $0x4000  }
0x53: {  	[sflag:s13] =	ssyncset.done $0x0  }
0x54: {  	s30 =	sadd.s32 $0x4000, s31;
	[sflag:s13] =	ssyncadd.s32 $0xFFFFC000  }
0x55: {  	[hbm4b:s30+s3] =	stream.linear.scatter [tilespmem:s7], [sflag:$0x5], $0x4000, $0x38;
	[tilespmem:$0x10800] =	vst v63  }
0x56: {  	_ =	swait.ge [sflag:s16], $0x4000  }
0x57: {  	[sflag:s16] =	ssyncset.done $0x0  }
0x58: {  	s31 =	sadd.s32 $0x4800, s31;
	[sflag:s16] =	ssyncadd.s32 $0xFFFFC000  }
0x59: {  	[hbm4b:s31+s3] =	stream.linear.scatter [tilespmem:s8], [sflag:$0x6], $0x4000, $0x38;
	[tilespmem:$0x10800] =	vst v63  }
0x5a: {  	s1 =	ssub.s32 $0x2, s1;
	_ =	swait.ge [sflag:s20], $0x4000  }
0x5b: {  	s0 =	sshrl.u32 s1, $0x1;
	[sflag:s20] =	ssyncset.done $0x0  }
0x5c: {  	s0 =	ssub.s32 s1, s0;
	[sflag:s20] =	ssyncadd.s32 $0xFFFFC000  }
0x5d: {  	s0 =	smax.u32 s0, $0x1;
	_ =	swait.ge [sflag:s23], $0x4000  }
0x5e: {  	p0 =	sne.s32 s0, $0x1;
	[sflag:s23] =	ssyncset.done $0x0  }
.Ltmp0:
0x5f: {  	[sflag:s23] =	ssyncadd.s32 $0xFFFFC000;
	(pc) =	sbr.rel @!p0 .LBB2_2-.Ltmp0, $4  }
0x60: {  	_ =	swait.ge [sflag:s14], $0x4000  }
0x61: {  	[sflag:s14] =	ssyncset.done $0x0  }
0x62: {  	[sflag:s14] =	ssyncadd.s32 $0xFFFFC000  }
0x63: {  	s1 =	sadd.s32 $0xFFFFFFFF, s0;
	_ =	swait.ge [sflag:s17], $0x4000  }
.LBB2_1:
0x64: {  	[sflag:s17] =	ssyncset.done $0x0  }
0x65: {  	s0 =	rddreg [dreg:$0x3];
	[sflag:s17] =	ssyncadd.s32 $0xFFFFC000  }
0x66: {  	[tilespmem:s3], [sflag:$0x9] =	stream.linear.gather [hbm4b:s0+s3], $0x500, $0x38;
	[tilespmem:$0x10800] =	vst v63  }
0x67: {  	_ =	swait.ge [sflag:s5], $0x500  }
0x68: {  	[sflag:s5] =	ssyncset.done $0x0  }
0x69: {  	[sflag:s5] =	ssyncadd.s32 $0xFFFFFB00  }
0x6a: {  	[tilespmem:s7], [sflag:$0x1] =	stream.indirect.gather [hbm4b:s2+s6], $0x80, s3, s6, $0xb8;
	[tilespmem:$0x10800] =	vst v63  }
0x6b: {  	_ = 	snop  }
0x6c: {  	[tilespmem:s8], [sflag:$0x2] =	stream.indirect.gather [hbm4b:s2+s6], $0x80, s6, s6, $0xb8;
	[tilespmem:$0x10800] =	vst v63  }
0x6d: {  	_ = 	snop  }
0x6e: {  	[tilespmem:s10], [sflag:$0x3] =	stream.indirect.gather [hbm4b:s2+s6], $0x80, s9, s6, $0xb8;
	[tilespmem:$0x10800] =	vst v63  }
0x6f: {  	_ = 	snop  }
0x70: {  	[tilespmem:s12], [sflag:$0x4] =	stream.indirect.gather [hbm4b:s2+s6], $0x80, s11, s6, $0xb8;
	[tilespmem:$0x10800] =	vst v63  }
0x71: {  	_ =	swait.ge [sflag:s13], $0x4000  }
0x72: {  	[sflag:s13] =	ssyncset.done $0x0  }
0x73: {  	[sflag:s13] =	ssyncadd.s32 $0xFFFFC000  }
0x74: {  	[hbm4b:s4+s3] =	stream.linear.scatter [tilespmem:s7], [sflag:$0x5], $0x4000, $0x38;
	[tilespmem:$0x10800] =	vst v63  }
0x75: {  	_ =	swait.ge [sflag:s14], $0x4000  }
0x76: {  	[sflag:s14] =	ssyncset.done $0x0  }
0x77: {  	[sflag:s14] =	ssyncadd.s32 $0xFFFFC000  }
0x78: {  	[tilespmem:s7], [sflag:$0x1] =	stream.indirect.gather [hbm4b:s2+s6], $0x80, s15, s6, $0xb8;
	[tilespmem:$0x10800] =	vst v63  }
0x79: {  	_ =	swait.ge [sflag:s16], $0x4000  }
0x7a: {  	[sflag:s16] =	ssyncset.done $0x0  }
0x7b: {  	s0 =	rddreg [dreg:$0x4];
	[sflag:s16] =	ssyncadd.s32 $0xFFFFC000  }
0x7c: {  	[hbm4b:s0+s3] =	stream.linear.scatter [tilespmem:s8], [sflag:$0x6], $0x4000, $0x38;
	[tilespmem:$0x10800] =	vst v63  }
0x7d: {  	_ =	swait.ge [sflag:s17], $0x4000  }
0x7e: {  	[sflag:s17] =	ssyncset.done $0x0  }
0x7f: {  	[sflag:s17] =	ssyncadd.s32 $0xFFFFC000  }
0x80: {  	[tilespmem:s8], [sflag:$0x2] =	stream.indirect.gather [hbm4b:s2+s6], $0x80, s18, s6, $0xb8;
	[tilespmem:$0x10800] =	vst v63  }
0x81: {  	_ =	swait.ge [sflag:s19], $0x4000  }
0x82: {  	[sflag:s19] =	ssyncset.done $0x0  }
0x83: {  	s0 =	rddreg [dreg:$0x5];
	[sflag:s19] =	ssyncadd.s32 $0xFFFFC000  }
0x84: {  	[hbm4b:s0+s3] =	stream.linear.scatter [tilespmem:s10], [sflag:$0x7], $0x4000, $0x38;
	[tilespmem:$0x10800] =	vst v63  }
0x85: {  	_ =	swait.ge [sflag:s20], $0x4000  }
0x86: {  	[sflag:s20] =	ssyncset.done $0x0  }
0x87: {  	[sflag:s20] =	ssyncadd.s32 $0xFFFFC000  }
0x88: {  	[tilespmem:s10], [sflag:$0x3] =	stream.indirect.gather [hbm4b:s2+s6], $0x80, s21, s6, $0xb8;
	[tilespmem:$0x10800] =	vst v63  }
0x89: {  	_ =	swait.ge [sflag:s22], $0x4000  }
0x8a: {  	[sflag:s22] =	ssyncset.done $0x0  }
0x8b: {  	s0 =	rddreg [dreg:$0x6];
	[sflag:s22] =	ssyncadd.s32 $0xFFFFC000  }
0x8c: {  	[hbm4b:s0+s3] =	stream.linear.scatter [tilespmem:s12], [sflag:$0x8], $0x4000, $0x38;
	[tilespmem:$0x10800] =	vst v63  }
0x8d: {  	_ =	swait.ge [sflag:s23], $0x4000  }
0x8e: {  	[sflag:s23] =	ssyncset.done $0x0  }
0x8f: {  	[sflag:s23] =	ssyncadd.s32 $0xFFFFC000  }
0x90: {  	[tilespmem:s12], [sflag:$0x4] =	stream.indirect.gather [hbm4b:s2+s6], $0x80, s24, s6, $0xb8;
	[tilespmem:$0x10800] =	vst v63  }
0x91: {  	_ =	swait.ge [sflag:s13], $0x4000  }
0x92: {  	[sflag:s13] =	ssyncset.done $0x0  }
0x93: {  	s0 =	rddreg [dreg:$0x7];
	[sflag:s13] =	ssyncadd.s32 $0xFFFFC000  }
0x94: {  	[hbm4b:s0+s3] =	stream.linear.scatter [tilespmem:s7], [sflag:$0x5], $0x4000, $0x38;
	[tilespmem:$0x10800] =	vst v63  }
0x95: {  	_ =	swait.ge [sflag:s14], $0x4000  }
0x96: {  	[sflag:s14] =	ssyncset.done $0x0  }
0x97: {  	[sflag:s14] =	ssyncadd.s32 $0xFFFFC000  }
0x98: {  	[tilespmem:s7], [sflag:$0x1] =	stream.indirect.gather [hbm4b:s2+s6], $0x80, s25, s6, $0xb8;
	[tilespmem:$0x10800] =	vst v63  }
0x99: {  	_ =	swait.ge [sflag:s16], $0x4000  }
0x9a: {  	[sflag:s16] =	ssyncset.done $0x0  }
0x9b: {  	s0 =	rddreg [dreg:$0x8];
	[sflag:s16] =	ssyncadd.s32 $0xFFFFC000  }
0x9c: {  	[hbm4b:s0+s3] =	stream.linear.scatter [tilespmem:s8], [sflag:$0x6], $0x4000, $0x38;
	[tilespmem:$0x10800] =	vst v63  }
0x9d: {  	_ =	swait.ge [sflag:s17], $0x4000  }
0x9e: {  	[sflag:s17] =	ssyncset.done $0x0  }
0x9f: {  	[sflag:s17] =	ssyncadd.s32 $0xFFFFC000  }
0xa0: {  	[tilespmem:s8], [sflag:$0x2] =	stream.indirect.gather [hbm4b:s2+s6], $0x80, s26, s6, $0xb8;
	[tilespmem:$0x10800] =	vst v63  }
0xa1: {  	_ =	swait.ge [sflag:s19], $0x4000  }
0xa2: {  	[sflag:s19] =	ssyncset.done $0x0  }
0xa3: {  	[sflag:s19] =	ssyncadd.s32 $0xFFFFC000  }
0xa4: {  	[hbm4b:s28+s3] =	stream.linear.scatter [tilespmem:s10], [sflag:$0x7], $0x4000, $0x38;
	[tilespmem:$0x10800] =	vst v63  }
0xa5: {  	_ =	swait.ge [sflag:s22], $0x4000  }
0xa6: {  	[sflag:s22] =	ssyncset.done $0x0  }
0xa7: {  	[sflag:s22] =	ssyncadd.s32 $0xFFFFC000  }
0xa8: {  	[hbm4b:s29+s3] =	stream.linear.scatter [tilespmem:s12], [sflag:$0x8], $0x4000, $0x38;
	[tilespmem:$0x10800] =	vst v63  }
0xa9: {  	_ =	swait.ge [sflag:s13], $0x4000  }
0xaa: {  	[sflag:s13] =	ssyncset.done $0x0  }
0xab: {  	[sflag:s13] =	ssyncadd.s32 $0xFFFFC000  }
0xac: {  	[hbm4b:s30+s3] =	stream.linear.scatter [tilespmem:s7], [sflag:$0x5], $0x4000, $0x38;
	[tilespmem:$0x10800] =	vst v63  }
0xad: {  	_ =	swait.ge [sflag:s16], $0x4000  }
0xae: {  	[sflag:s16] =	ssyncset.done $0x0  }
0xaf: {  	[sflag:s16] =	ssyncadd.s32 $0xFFFFC000  }
0xb0: {  	[hbm4b:s31+s3] =	stream.linear.scatter [tilespmem:s8], [sflag:$0x6], $0x4000, $0x38;
	[tilespmem:$0x10800] =	vst v63  }
0xb1: {  	_ =	swait.ge [sflag:s20], $0x4000  }
0xb2: {  	[sflag:s20] =	ssyncset.done $0x0  }
0xb3: {  	[sflag:s20] =	ssyncadd.s32 $0xFFFFC000  }
0xb4: {  	_ =	swait.ge [sflag:s23], $0x4000  }
0xb5: {  	p0 =	sne.s32 s1, $0x1;
	[sflag:s23] =	ssyncset.done $0x0  }
.Ltmp1:
0xb6: {  	[sflag:s23] =	ssyncadd.s32 $0xFFFFC000;
	(pc) =	sbr.rel @p0 .LBB2_1-.Ltmp1, $4  }
0xb7: {  	_ =	swait.ge [sflag:s14], $0x4000  }
0xb8: {  	[sflag:s14] =	ssyncset.done $0x0  }
0xb9: {  	[sflag:s14] =	ssyncadd.s32 $0xFFFFC000  }
0xba: {  	s1 =	sadd.s32 $0xFFFFFFFF, s1;
	_ =	swait.ge [sflag:s17], $0x4000  }
.LBB2_2:
0xbb: {  	[sflag:s17] =	ssyncset.done $0x0  }
0xbc: {  	[sflag:s17] =	ssyncadd.s32 $0xFFFFC000  }
0xbd: {  	_ =	sfence.sel $0x180000  }
0xbe: {  	[bflag:$0x0] =	sbarrier.arrive $0xFFFF  }
0xbf: {  	_ =	strace $0x9000004D  }
0xc0: {  	s0 =	stileid.u32;
	[bflag:$0x2] =	sbarrier.arrive $0xFFFF  }
0xc1: {  	p0 =	sne.s32 s0, $0x0;
	s0 =	rddreg [dreg:$0x2]  }
0xc2: {  	s0 =	sadd.s32 @!p0 $0x100000, s0  }
0xc3: {  	[sflag:s0] =	ssyncadd.tile.s32 @!p0 $0x1;
	_ =	shalt  }
.Lfunc_end2:
_tile_overlayer_lowered:
.L_overlay_start_2:
0xc4: {  	(tag) =	ssettag $0x2  }
0xc5: {  	s0 =	rddreg [dreg:$0x0];
	s2 =	stileid.u32  }
0xc6: {  	s1 =	rddreg [dreg:$0x1];
	p0 =	sne.s32 s2, $0x0  }
0xc7: {  	s3 =	rddreg [dreg:$0x2];
	[bflag:$0x3] =	sbarrier.arrive $0xFFFF;
	s2 =	simm.s32 @!p0 $0x1C09  }
0xc8: {  	[timem:s3], [sflag:s2] =	dma.local @!p0 [hbm:s0], s1  }
0xc9: {  	s0 =	simm.s32 @!p0 $0x9  }
0xca: {  	_ =	swait.ge @!p0 [sflag:s0], s1  }
0xcb: {  	s1 =	ssub.s32 @!p0 $0x0, s1;
	[sflag:s0] =	ssyncset.done @!p0 $0x0  }
0xcc: {  	[sflag:s0] =	ssyncadd.s32 @!p0 s1  }
0xcd: {  	[bflag:$0x3] =	sbarrier.arrive $0xFFFF  }
0xce: {  	_ =	shalt  }

// kernel: kernel.24.cloned.1.call-start
scs
__scs_entry_jumppad:
0x0: {  	(pc) =	sbr.rel $0x88, $3  }
0x1: {  	(tag) =	ssettag $0x0;
	lr =	simm.s32 $0x1  }
0x2: {  	[smem:$0x3F9C] =	sst lr;
	_ =	strace $0xD0000000  }
0x3: {  	_ = 	snop  }
0x4: {  	_ = 	snop  }
0x5: {  	_ = 	snop  }
0x6: {  	_ = 	snop  }
0x7: {  	_ = 	snop  }
__scs_overlays_trampoline_lowered:
0x8: {  	[smem:$0x3FAB] =	sst s0  }
0x9: {  	[smem:$0x3FAC] =	sst s1  }
0xa: {  	[smem:$0x3FAD] =	sst s2  }
0xb: {  	[smem:$0x3FAE] =	sst s3  }
0xc: {  	[smem:$0x3FAF] =	sst s4  }
0xd: {  	[smem:$0x3FB0] =	sst s5  }
0xe: {  	[smem:$0x3FB1] =	sst s6  }
0xf: {  	[smem:$0x3FB2] =	sst s7  }
0x10: {  	[smem:$0x3FB3] =	sst s8  }
0x11: {  	[smem:$0x3FB4] =	sst s9;
	s0 =	simm.s32 @!p0 $0x0  }
0x12: {  	s1 =	sld [smem:$0x3F9A];
	s0 =	simm.s32 @p0 $0x1  }
0x13: {  	[smem:$0x3FB5] =	sst s0;
	s0 =	simm.s32 @!p1 $0x0  }
0x14: {  	s2 =	sld [smem:$0x3F99];
	s0 =	simm.s32 @p1 $0x1  }
0x15: {  	[smem:$0x3FB6] =	sst s0;
	s0 =	simm.s32 @!p2 $0x0  }
0x16: {  	s3 =	sld [smem:$0x3FDB];
	s0 =	simm.s32 @p2 $0x1  }
0x17: {  	s4 =	simm.s32 $0x1BF5;
	[smem:$0x3FB8] =	sst s0  }
0x18: {  	s0 =	sld [smem:$0x3F9B];
	_ =	swait.ge [sflag:s4], $0x0  }
0x19: {  	s7 =	sld [smem:$0x3F9C]  }
0x1a: {  	s8 =	sadd.s32 $0xFFFFE003, lr  }
0x1b: {  	s9 =	sadd.s32 $0xFFFFFEF7, lr;
	s5 =	simm.s32 $0xFFFFFFFF;
	p2 =	slt.u32 s8, $0xFFFFF086  }
0x1c: {  	p1 =	slt.u32 s9, $0xF7A;
	s5 =	simm.s32 @!p2 $0x0  }
0x1d: {  	s5 =	simm.s32 @p1 $0x1;
	p0 =	seq.s32 s7, s2  }
0x1e: {  	s7 =	smul.u32 @!p0 $0xF7A, s2;
	p2 =	seq.s32 @!p0 s5, $0x0  }
0x1f: {  	s9 =	smul.u32 $0xF7A, s1;
	s8 =	simm.s32 @!p0 $0x1BF5;
	p2 =	por !p2, p0  }
0x20: {  	[sflag:s8] =	ssyncset.s32 @!p0 $0xFFFFF086;
	s6 =	sadd.s32 @!p0 s3, s7;
	s7 =	simm.s32 @!p0 $0x108  }
0x21: {  	s3 =	sadd.s32 s3, s9;
	s6 =	sadd.s32 @!p0 $0x88, s6;
	s7 =	simm.s32 @p2 $0x1082  }
0x22: {  	[simem:s7], [sflag:s8] =	dma.local @!p0 [hbm:s6], $0xF7A  }
0x23: {  	s9 =	sor.u32 $0xD0000000, s2;
	s6 =	simm.s32 $0x108;
	_ =	swait.ge @!p0 [sflag:s8], $0x0  }
0x24: {  	s3 =	sadd.s32 $0x88, s3;
	s6 =	simm.s32 @!p1 $0x1082;
	[sflag:s4] =	ssyncset.s32 $0xFFFFF086  }
0x25: {  	[simem:s6], [sflag:s4] =	dma.local [hbm:s3], $0xF7A  }
0x26: {  	[smem:$0x3F9C] =	sst s1;
	(tag) =	ssettag s2;
	_ =	strace s9  }
0x27: {  	s1 =	sld [smem:$0x3FAC]  }
0x28: {  	s2 =	sld [smem:$0x3FAD]  }
0x29: {  	s4 =	sld [smem:$0x3FAF]  }
0x2a: {  	p0 =	seq.s32 s5, $0x0;
	s5 =	sld [smem:$0x3FB0]  }
0x2b: {  	s6 =	sld [smem:$0x3FB1]  }
0x2c: {  	s7 =	sld [smem:$0x3FB2]  }
0x2d: {  	s3 =	simm.s32 $0x108;
	s8 =	sld [smem:$0x3FB3]  }
0x2e: {  	s3 =	simm.s32 @!p0 $0x1082;
	s9 =	sld [smem:$0x3FB4]  }
0x2f: {  	lr =	sadd.s32 s0, s3;
	s0 =	sld [smem:$0x3FAB]  }
0x30: {  	s3 =	sld [smem:$0x3FAE]  }
0x31: {  	[smem:$0x3FB7] =	sst s10  }
0x32: {  	s10 =	sld [smem:$0x3FB5];
	_ =	sdelay $0x3  }
0x33: {  	p0 =	seq.s32 s10, $0x1;
	s10 =	sld [smem:$0x3FB7];
	_ =	sdelay $0x3  }
0x34: {  	[smem:$0x3FB7] =	sst s10  }
0x35: {  	s10 =	sld [smem:$0x3FB6];
	_ =	sdelay $0x3  }
0x36: {  	p1 =	seq.s32 s10, $0x1;
	s10 =	sld [smem:$0x3FB7];
	_ =	sdelay $0x3  }
0x37: {  	[smem:$0x3FB7] =	sst s10  }
0x38: {  	s10 =	sld [smem:$0x3FB8]  }
0x39: {  	_ = 	snop;
	(pc) =	sbr.ind lr, $3  }
0x3a: {  	_ = 	snop  }
0x3b: {  	_ = 	snop  }
0x3c: {  	p2 =	seq.s32 s10, $0x1;
	s10 =	sld [smem:$0x3FB7]  }
0x3d: {  	_ =	shalt  }
0x3e: {  	_ =	shalt  }
0x3f: {  	_ =	shalt  }
0x40: {  	_ =	shalt  }
0x41: {  	_ =	shalt  }
0x42: {  	_ =	shalt  }
0x43: {  	_ =	shalt  }
0x44: {  	_ =	shalt  }
0x45: {  	_ =	shalt  }
0x46: {  	_ =	shalt  }
0x47: {  	_ =	shalt  }
0x48: {  	_ =	shalt  }
0x49: {  	_ =	shalt  }
0x4a: {  	_ =	shalt  }
0x4b: {  	_ =	shalt  }
0x4c: {  	_ =	shalt  }
0x4d: {  	_ =	shalt  }
0x4e: {  	_ =	shalt  }
0x4f: {  	_ =	shalt  }
0x50: {  	_ =	shalt  }
0x51: {  	_ =	shalt  }
0x52: {  	_ =	shalt  }
0x53: {  	_ =	shalt  }
0x54: {  	_ =	shalt  }
0x55: {  	_ =	shalt  }
0x56: {  	_ =	shalt  }
0x57: {  	_ =	shalt  }
0x58: {  	_ =	shalt  }
0x59: {  	_ =	shalt  }
0x5a: {  	_ =	shalt  }
0x5b: {  	_ =	shalt  }
0x5c: {  	_ =	shalt  }
0x5d: {  	_ =	shalt  }
0x5e: {  	_ =	shalt  }
0x5f: {  	_ =	shalt  }
0x60: {  	_ =	shalt  }
0x61: {  	_ =	shalt  }
0x62: {  	_ =	shalt  }
0x63: {  	_ =	shalt  }
0x64: {  	_ =	shalt  }
0x65: {  	_ =	shalt  }
0x66: {  	_ =	shalt  }
0x67: {  	_ =	shalt  }
0x68: {  	_ =	shalt  }
0x69: {  	_ =	shalt  }
0x6a: {  	_ =	shalt  }
0x6b: {  	_ =	shalt  }
0x6c: {  	_ =	shalt  }
0x6d: {  	_ =	shalt  }
0x6e: {  	_ =	shalt  }
0x6f: {  	_ =	shalt  }
0x70: {  	_ =	shalt  }
0x71: {  	_ =	shalt  }
0x72: {  	_ =	shalt  }
0x73: {  	_ =	shalt  }
0x74: {  	_ =	shalt  }
0x75: {  	_ =	shalt  }
0x76: {  	_ =	shalt  }
0x77: {  	_ =	shalt  }
0x78: {  	_ =	shalt  }
0x79: {  	_ =	shalt  }
0x7a: {  	_ =	shalt  }
0x7b: {  	_ =	shalt  }
0x7c: {  	_ =	shalt  }
0x7d: {  	_ =	shalt  }
0x7e: {  	_ =	shalt  }
0x7f: {  	_ =	shalt  }
0x80: {  	_ =	shalt  }
0x81: {  	_ =	shalt  }
0x82: {  	_ =	shalt  }
0x83: {  	_ =	shalt  }
0x84: {  	_ =	shalt  }
0x85: {  	_ =	shalt  }
0x86: {  	_ =	shalt  }
0x87: {  	_ =	shalt  }
.Lfunc_end0:
.L_simem_size_0:
called_computation.4_lowered:
.L_overlay_start_0:
0x88: {  	s2 =	sld [smem:$0x3FD9]  }
0x89: {  	s3 =	sld [smem:$0x3FFE];
	_ =	sdelay $0x1  }
0x8a: {  	s1 =	srdreg.scid  }
0x8b: {  	s0 =	sand.u32 $0x1, s1  }
0x8c: {  	s17 =	sshll.u32 s0, $0xA;
	s2 =	sadd.s32 s3, s2  }
0x8d: {  	s2 =	sadd.s32 s2, s17  }
0x8e: {  	[smem:$0x3FC3] =	sst s2  }
0x8f: {  	_ = 	snop  }
0x90: {  	s18 =	sld [smem:$0x3FC7];
	(tm) =	ssettm $0x1  }
0x91: {  	s19 =	sld [smem:$0x3FFB];
	_ =	sdelay $0x3  }
0x92: {  	_ =	strace s19  }
0x93: {  	s2 =	sld [smem:$0x3FFC];
	_ =	sdelay $0x3  }
0x94: {  	_ =	strace s2  }
0x95: {  	s2 =	sld [smem:$0x3FFD];
	_ =	sdelay $0x3  }
0x96: {  	_ =	strace s2  }
0x97: {  	_ =	strace $0x8FFFFFFF  }
0x98: {  	s20 =	sld [smem:$0x3FDB];
	_ =	sdelay $0x1  }
0x99: {  	s4 =	simm.s32 $_scs_section_size  }
0x9a: {  	s5 =	simm.s32 $_size__tile_overlayer_lowered;
	s6 =	simm.s32 $_tile_overlayer_lowered  }
0x9b: {  	s7 =	simm.s32 $0x1BFF;
	s21 =	sshll.u32 s6, $0x1;
	s4 =	sadd.s32 s4, s20  }
0x9c: {  	s22 =	simm.s32 $0x0;
	s5 =	sshll.u32 s5, $0x1;
	s6 =	sadd.s32 s21, s4  }
0x9d: {  	[timem:s22], [sflag:s7] =	dma.local [hbm:s6], s5  }
0x9e: {  	_ =	swait.ge [sflag:s7], s5  }
0x9f: {  	s5 =	ssub.s32 $0x0, s5;
	[sflag:s7] =	ssyncset.done $0x0  }
0xa0: {  	[sflag:s7] =	ssyncadd.s32 s5;
	_ =	sdelay $0x1  }
0xa1: {  	s23 =	simm.s32 $0x1B8B  }
0xa2: {  	_ =	swait.ge [sflag:s23], $0x1  }
0xa3: {  	[sflag:s23] =	ssyncset.done $0x0  }
0xa4: {  	[sflag:s23] =	ssyncadd.s32 $0xFFFFFFFF  }
0xa5: {  	s5 =	sld [smem:$0x0]  }
0xa6: {  	s6 =	sand.u32 $0xFFFFFFFE, s1  }
0xa7: {  	p0 =	sne.s32 s1, s6  }
0xa8: {  	s6 =	sshll.u32 @p0 s6, $0xE  }
0xa9: {  	s6 =	sadd.s32 @p0 $0x11B8D, s6;
	s7 =	sshll.u32 @p0 s5, $0x11  }
0xaa: {  	s6 =	sor.u32 @p0 s7, s6  }
0xab: {  	[sflag:s6] =	ssyncadd.remote.s32 @p0 $0x1;
	_ =	sdelay $0x1  }
0xac: {  	s6 =	simm.s32 @p0 $0x1B8D  }
0xad: {  	_ =	swait.eq @p0 [sflag:s6], $0x1  }
0xae: {  	[sflag:s6] =	ssyncadd.s32 @p0 $0xFFFFFFFF  }
0xaf: {  	s7 =	sshll.u32 @!p0 s1, $0xE  }
0xb0: {  	s7 =	sor.u32 @!p0 $0x4000, s7;
	s6 =	simm.s32 @!p0 $0x1B8D  }
0xb1: {  	s5 =	sshll.u32 @!p0 s5, $0x11;
	s7 =	sadd.s32 @!p0 $0x11B8D, s7;
	_ =	swait.eq @!p0 [sflag:s6], $0x1  }
0xb2: {  	s5 =	sor.u32 @!p0 s5, s7;
	[sflag:s6] =	ssyncadd.s32 @!p0 $0xFFFFFFFF  }
0xb3: {  	s25 =	simm.s32 $0x1B8E;
	s24 =	sld [smem:$0x3FFE];
	[sflag:s5] =	ssyncadd.remote.s32 @!p0 $0x1  }
0xb4: {  	s26 =	simm.s32 $execute0_lowered;
	[smem:$0x3FD2] =	sst s25  }
0xb5: {  	s6 =	sshll.u32 s26, $0x1;
	_ =	strace $0x8000004F;
	[dreg:$0x1] =	wrdreg $0xFFFFFFFF  }
0xb6: {  	s28 =	simm.s32 $_size_execute0_lowered;
	s4 =	sadd.s32 s4, s6;
	[dreg:$0x0] =	wrdreg $0x0  }
0xb7: {  	s6 =	sshll.u32 s28, $0x1;
	[dreg:$0x2] =	wrdreg s4  }
0xb8: {  	[dreg:$0x3] =	wrdreg s6  }
0xb9: {  	[dreg:$0x4] =	wrdreg $0xC0  }
0xba: {  	_ =	task [dreg:s22], $0x5FFFF  }
0xbb: {  	[dreg:$0x1] =	wrdreg $0xFFFFFFFF  }
0xbc: {  	[dreg:$0x0] =	wrdreg $0x60  }
0xbd: {  	[dreg:$0x2] =	wrdreg s18  }
0xbe: {  	[dreg:$0x3] =	wrdreg s24  }
0xbf: {  	[dreg:$0x4] =	wrdreg $0xD  }
0xc0: {  	_ =	task.clear_ibuf [dreg:s22], $0x5FFFF;
	_ =	strace $0x9000004F  }
0xc1: {  	s29 =	simm.s32 $0xD;
	_ =	strace $0x80000051  }
0xc2: {  	_ =	swait.ge [sflag:s29], $0x1  }
0xc3: {  	[sflag:s29] =	ssyncadd.s32 $0xFFFFFFFF  }
0xc4: {  	_ =	strace $0x90000051  }
0xc5: {  	_ =	sfence  }
0xc6: {  	s30 =	sld [smem:$0x0];
	_ =	sdelay $0x2  }
0xc7: {  	s31 =	sshll.u32 s1, $0xD;
	s1 =	sshrl.u32 s1, $0x2  }
0xc8: {  	s4 =	sand.u32 $0x4000, s31;
	s1 =	sadd.s32 s1, s30  }
0xc9: {  	s0 =	sor.u32 s4, s0;
	s1 =	sshll.u32 s1, $0x11  }
0xca: {  	s0 =	sor.u32 s1, s0  }
0xcb: {  	s0 =	sadd.s32 $0x8F2B, s0  }
0xcc: {  	[sflag:s0] =	ssyncadd.remote.s32 $0x1  }
0xcd: {  	_ =	sfence.sel $0xFFFF  }
0xce: {  	[dreg:$0x0] =	wrdreg $0xFFFFFFFF;
	(pc) =	sbr.abs _section_cstart, $3  }
0xcf: {  	[dreg:$0x1] =	wrdreg $0xFFFFFFFF  }
0xd0: {  	_ =	task.clear_ibuf [dreg:s22], $0x2FFFF;
	_ =	strace $0x9FFFFFFF  }
0xd1: {  	(tm) =	ssettm $0x7FFFFFFF  }
tec
execute0_lowered:
.L_overlay_start_1:
0x0: {  	(tag) =	ssettag $0x1  }
0x1: {  	s1 =	srdreg.scid;
	s0 =	stileid.u32  }
0x2: {  	s4 =	rddreg [dreg:$0x1];
	s1 =	sand.u32 $0x1, s1;
	s3 =	sshll.u32 s0, $0x1  }
0x3: {  	s2 =	rddreg [dreg:$0x0];
	s8 =	sadd.s32 $0x1EA000, s4;
	s5 =	sor.u32 s1, s3  }
0x4: {  	s3 =	simm.s32 $0x0;
	s6 =	smul.u32 $0x5000, s5;
	s7 =	sshll.u32 s5, $0x8  }
0x5: {  	[smem:$0x7FF] =	sst s3;
	s5 =	smul.u32 $0x28000, s5;
	s7 =	sadd.s32 s7, s4  }
0x6: {  	_ =	strace $0x80000050;
	s7 =	sadd.s32 $0x2000, s7;
	s4 =	sadd.s32 s8, s6  }
0x7: {  	s5 =	sshrl.u32 s5, $0x3;
	[dreg:$0x3] =	wrdreg s7;
	s6 =	sadd.s32 $0x800, s4  }
0x8: {  	s31 =	sadd.s32 s8, s5;
	[dreg:$0x4] =	wrdreg s6  }
0x9: {  	s5 =	sadd.s32 $0x1000, s31;
	s25 =	rddreg [dreg:$0x3]  }
0xa: {  	s23 =	sadd.s32 $0x1800, s31;
	[dreg:$0x5] =	wrdreg s5  }
0xb: {  	s24 =	sadd.s32 $0x2000, s31;
	[dreg:$0x6] =	wrdreg s23  }
0xc: {  	s26 =	sadd.s32 $0x2800, s31;
	[dreg:$0x7] =	wrdreg s24  }
0xd: {  	[dreg:$0x8] =	wrdreg s26;
	s5 =	simm.s32 $0x9  }
0xe: {  	[tilespmem:s3], [sflag:$0x9] =	stream.linear.gather [hbm4b:s25+s3], $0x500, $0x38;
	[tilespmem:$0x10800] =	vst v63  }
0xf: {  	_ =	swait.ge [sflag:s5], $0x500  }
0x10: {  	[sflag:s5] =	ssyncset.done $0x0  }
0x11: {  	s7 =	simm.s32 $0x800;
	s6 =	simm.s32 $0x80;
	[sflag:s5] =	ssyncadd.s32 $0xFFFFFB00  }
0x12: {  	[tilespmem:s7], [sflag:$0x1] =	stream.indirect.gather [hbm4b:s2+s6], $0x80, s3, s6, $0xb8;
	[tilespmem:$0x10800] =	vst v63  }
0x13: {  	s8 =	simm.s32 $0x4800  }
0x14: {  	[tilespmem:s8], [sflag:$0x2] =	stream.indirect.gather [hbm4b:s2+s6], $0x80, s6, s6, $0xb8;
	[tilespmem:$0x10800] =	vst v63  }
0x15: {  	s9 =	simm.s32 $0x100;
	s10 =	simm.s32 $0x8800  }
0x16: {  	[tilespmem:s10], [sflag:$0x3] =	stream.indirect.gather [hbm4b:s2+s6], $0x80, s9, s6, $0xb8;
	[tilespmem:$0x10800] =	vst v63  }
0x17: {  	s11 =	simm.s32 $0x180;
	s12 =	simm.s32 $0xC800;
	s13 =	simm.s32 $0x1  }
0x18: {  	[tilespmem:s12], [sflag:$0x4] =	stream.indirect.gather [hbm4b:s2+s6], $0x80, s11, s6, $0xb8;
	[tilespmem:$0x10800] =	vst v63  }
0x19: {  	_ =	swait.ge [sflag:s13], $0x4000  }
0x1a: {  	[sflag:s13] =	ssyncset.done $0x0  }
0x1b: {  	s14 =	simm.s32 $0x5;
	[sflag:s13] =	ssyncadd.s32 $0xFFFFC000  }
0x1c: {  	[hbm4b:s4+s3] =	stream.linear.scatter [tilespmem:s7], [sflag:$0x5], $0x4000, $0x38;
	[tilespmem:$0x10800] =	vst v63  }
0x1d: {  	_ =	swait.ge [sflag:s14], $0x4000  }
0x1e: {  	[sflag:s14] =	ssyncset.done $0x0  }
0x1f: {  	s15 =	simm.s32 $0x200;
	s16 =	simm.s32 $0x2;
	[sflag:s14] =	ssyncadd.s32 $0xFFFFC000  }
0x20: {  	[tilespmem:s7], [sflag:$0x1] =	stream.indirect.gather [hbm4b:s2+s6], $0x80, s15, s6, $0xb8;
	[tilespmem:$0x10800] =	vst v63  }
0x21: {  	_ =	swait.ge [sflag:s16], $0x4000  }
0x22: {  	[sflag:s16] =	ssyncset.done $0x0  }
0x23: {  	s17 =	simm.s32 $0x6;
	s18 =	rddreg [dreg:$0x4];
	[sflag:s16] =	ssyncadd.s32 $0xFFFFC000  }
0x24: {  	[hbm4b:s18+s3] =	stream.linear.scatter [tilespmem:s8], [sflag:$0x6], $0x4000, $0x38;
	[tilespmem:$0x10800] =	vst v63  }
0x25: {  	_ =	swait.ge [sflag:s17], $0x4000  }
0x26: {  	[sflag:s17] =	ssyncset.done $0x0  }
0x27: {  	s19 =	simm.s32 $0x3;
	s18 =	simm.s32 $0x280;
	[sflag:s17] =	ssyncadd.s32 $0xFFFFC000  }
0x28: {  	[tilespmem:s8], [sflag:$0x2] =	stream.indirect.gather [hbm4b:s2+s6], $0x80, s18, s6, $0xb8;
	[tilespmem:$0x10800] =	vst v63  }
0x29: {  	_ =	swait.ge [sflag:s19], $0x4000  }
0x2a: {  	[sflag:s19] =	ssyncset.done $0x0  }
0x2b: {  	s20 =	simm.s32 $0x7;
	s21 =	rddreg [dreg:$0x5];
	[sflag:s19] =	ssyncadd.s32 $0xFFFFC000  }
0x2c: {  	[hbm4b:s21+s3] =	stream.linear.scatter [tilespmem:s10], [sflag:$0x7], $0x4000, $0x38;
	[tilespmem:$0x10800] =	vst v63  }
0x2d: {  	_ =	swait.ge [sflag:s20], $0x4000  }
0x2e: {  	[sflag:s20] =	ssyncset.done $0x0  }
0x2f: {  	s22 =	simm.s32 $0x4;
	s21 =	simm.s32 $0x300;
	[sflag:s20] =	ssyncadd.s32 $0xFFFFC000  }
0x30: {  	[tilespmem:s10], [sflag:$0x3] =	stream.indirect.gather [hbm4b:s2+s6], $0x80, s21, s6, $0xb8;
	[tilespmem:$0x10800] =	vst v63  }
0x31: {  	_ =	swait.ge [sflag:s22], $0x4000  }
0x32: {  	[sflag:s22] =	ssyncset.done $0x0  }
0x33: {  	s23 =	rddreg [dreg:$0x6];
	[sflag:s22] =	ssyncadd.s32 $0xFFFFC000  }
0x34: {  	[hbm4b:s23+s3] =	stream.linear.scatter [tilespmem:s12], [sflag:$0x8], $0x4000, $0x38;
	[tilespmem:$0x10800] =	vst v63  }
0x35: {  	s23 =	simm.s32 $0x8  }
0x36: {  	_ =	swait.ge [sflag:s23], $0x4000  }
0x37: {  	[sflag:s23] =	ssyncset.done $0x0  }
0x38: {  	s24 =	simm.s32 $0x380;
	[sflag:s23] =	ssyncadd.s32 $0xFFFFC000  }
0x39: {  	[tilespmem:s12], [sflag:$0x4] =	stream.indirect.gather [hbm4b:s2+s6], $0x80, s24, s6, $0xb8;
	[tilespmem:$0x10800] =	vst v63  }
0x3a: {  	_ =	swait.ge [sflag:s13], $0x4000  }
0x3b: {  	[sflag:s13] =	ssyncset.done $0x0  }
0x3c: {  	s25 =	rddreg [dreg:$0x7];
	[sflag:s13] =	ssyncadd.s32 $0xFFFFC000  }
0x3d: {  	[hbm4b:s25+s3] =	stream.linear.scatter [tilespmem:s7], [sflag:$0x5], $0x4000, $0x38;
	[tilespmem:$0x10800] =	vst v63  }
0x3e: {  	_ =	swait.ge [sflag:s14], $0x4000  }
0x3f: {  	[sflag:s14] =	ssyncset.done $0x0  }
0x40: {  	s25 =	simm.s32 $0x400;
	[sflag:s14] =	ssyncadd.s32 $0xFFFFC000  }
0x41: {  	[tilespmem:s7], [sflag:$0x1] =	stream.indirect.gather [hbm4b:s2+s6], $0x80, s25, s6, $0xb8;
	[tilespmem:$0x10800] =	vst v63  }
0x42: {  	_ =	swait.ge [sflag:s16], $0x4000  }
0x43: {  	[sflag:s16] =	ssyncset.done $0x0  }
0x44: {  	s26 =	rddreg [dreg:$0x8];
	[sflag:s16] =	ssyncadd.s32 $0xFFFFC000  }
0x45: {  	[hbm4b:s26+s3] =	stream.linear.scatter [tilespmem:s8], [sflag:$0x6], $0x4000, $0x38;
	[tilespmem:$0x10800] =	vst v63  }
0x46: {  	_ =	swait.ge [sflag:s17], $0x4000  }
0x47: {  	[sflag:s17] =	ssyncset.done $0x0  }
0x48: {  	s26 =	simm.s32 $0x480;
	[sflag:s17] =	ssyncadd.s32 $0xFFFFC000  }
0x49: {  	[tilespmem:s8], [sflag:$0x2] =	stream.indirect.gather [hbm4b:s2+s6], $0x80, s26, s6, $0xb8;
	[tilespmem:$0x10800] =	vst v63  }
0x4a: {  	_ =	swait.ge [sflag:s19], $0x4000  }
0x4b: {  	[sflag:s19] =	ssyncset.done $0x0  }
0x4c: {  	s28 =	sadd.s32 $0x3000, s31;
	[sflag:s19] =	ssyncadd.s32 $0xFFFFC000  }
0x4d: {  	[hbm4b:s28+s3] =	stream.linear.scatter [tilespmem:s10], [sflag:$0x7], $0x4000, $0x38;
	[tilespmem:$0x10800] =	vst v63  }
0x4e: {  	_ =	swait.ge [sflag:s22], $0x4000  }
0x4f: {  	[sflag:s22] =	ssyncset.done $0x0  }
0x50: {  	s29 =	sadd.s32 $0x3800, s31;
	[sflag:s22] =	ssyncadd.s32 $0xFFFFC000  }
0x51: {  	[hbm4b:s29+s3] =	stream.linear.scatter [tilespmem:s12], [sflag:$0x8], $0x4000, $0x38;
	[tilespmem:$0x10800] =	vst v63  }
0x52: {  	_ =	swait.ge [sflag:s13], $0x4000  }
0x53: {  	[sflag:s13] =	ssyncset.done $0x0  }
0x54: {  	s30 =	sadd.s32 $0x4000, s31;
	[sflag:s13] =	ssyncadd.s32 $0xFFFFC000  }
0x55: {  	[hbm4b:s30+s3] =	stream.linear.scatter [tilespmem:s7], [sflag:$0x5], $0x4000, $0x38;
	[tilespmem:$0x10800] =	vst v63  }
0x56: {  	_ =	swait.ge [sflag:s16], $0x4000  }
0x57: {  	[sflag:s16] =	ssyncset.done $0x0  }
0x58: {  	s31 =	sadd.s32 $0x4800, s31;
	[sflag:s16] =	ssyncadd.s32 $0xFFFFC000  }
0x59: {  	[hbm4b:s31+s3] =	stream.linear.scatter [tilespmem:s8], [sflag:$0x6], $0x4000, $0x38;
	[tilespmem:$0x10800] =	vst v63  }
0x5a: {  	s1 =	ssub.s32 $0x2, s1;
	_ =	swait.ge [sflag:s20], $0x4000  }
0x5b: {  	s0 =	sshrl.u32 s1, $0x1;
	[sflag:s20] =	ssyncset.done $0x0  }
0x5c: {  	s0 =	ssub.s32 s1, s0;
	[sflag:s20] =	ssyncadd.s32 $0xFFFFC000  }
0x5d: {  	s0 =	smax.u32 s0, $0x1;
	_ =	swait.ge [sflag:s23], $0x4000  }
0x5e: {  	p0 =	sne.s32 s0, $0x1;
	[sflag:s23] =	ssyncset.done $0x0  }
.Ltmp0:
0x5f: {  	[sflag:s23] =	ssyncadd.s32 $0xFFFFC000;
	(pc) =	sbr.rel @!p0 .LBB2_2-.Ltmp0, $4  }
0x60: {  	_ =	swait.ge [sflag:s14], $0x4000  }
0x61: {  	[sflag:s14] =	ssyncset.done $0x0  }
0x62: {  	[sflag:s14] =	ssyncadd.s32 $0xFFFFC000  }
0x63: {  	s1 =	sadd.s32 $0xFFFFFFFF, s0;
	_ =	swait.ge [sflag:s17], $0x4000  }
.LBB2_1:
0x64: {  	[sflag:s17] =	ssyncset.done $0x0  }
0x65: {  	s0 =	rddreg [dreg:$0x3];
	[sflag:s17] =	ssyncadd.s32 $0xFFFFC000  }
0x66: {  	[tilespmem:s3], [sflag:$0x9] =	stream.linear.gather [hbm4b:s0+s3], $0x500, $0x38;
	[tilespmem:$0x10800] =	vst v63  }
0x67: {  	_ =	swait.ge [sflag:s5], $0x500  }
0x68: {  	[sflag:s5] =	ssyncset.done $0x0  }
0x69: {  	[sflag:s5] =	ssyncadd.s32 $0xFFFFFB00  }
0x6a: {  	[tilespmem:s7], [sflag:$0x1] =	stream.indirect.gather [hbm4b:s2+s6], $0x80, s3, s6, $0xb8;
	[tilespmem:$0x10800] =	vst v63  }
0x6b: {  	_ = 	snop  }
0x6c: {  	[tilespmem:s8], [sflag:$0x2] =	stream.indirect.gather [hbm4b:s2+s6], $0x80, s6, s6, $0xb8;
	[tilespmem:$0x10800] =	vst v63  }
0x6d: {  	_ = 	snop  }
0x6e: {  	[tilespmem:s10], [sflag:$0x3] =	stream.indirect.gather [hbm4b:s2+s6], $0x80, s9, s6, $0xb8;
	[tilespmem:$0x10800] =	vst v63  }
0x6f: {  	_ = 	snop  }
0x70: {  	[tilespmem:s12], [sflag:$0x4] =	stream.indirect.gather [hbm4b:s2+s6], $0x80, s11, s6, $0xb8;
	[tilespmem:$0x10800] =	vst v63  }
0x71: {  	_ =	swait.ge [sflag:s13], $0x4000  }
0x72: {  	[sflag:s13] =	ssyncset.done $0x0  }
0x73: {  	[sflag:s13] =	ssyncadd.s32 $0xFFFFC000  }
0x74: {  	[hbm4b:s4+s3] =	stream.linear.scatter [tilespmem:s7], [sflag:$0x5], $0x4000, $0x38;
	[tilespmem:$0x10800] =	vst v63  }
0x75: {  	_ =	swait.ge [sflag:s14], $0x4000  }
0x76: {  	[sflag:s14] =	ssyncset.done $0x0  }
0x77: {  	[sflag:s14] =	ssyncadd.s32 $0xFFFFC000  }
0x78: {  	[tilespmem:s7], [sflag:$0x1] =	stream.indirect.gather [hbm4b:s2+s6], $0x80, s15, s6, $0xb8;
	[tilespmem:$0x10800] =	vst v63  }
0x79: {  	_ =	swait.ge [sflag:s16], $0x4000  }
0x7a: {  	[sflag:s16] =	ssyncset.done $0x0  }
0x7b: {  	s0 =	rddreg [dreg:$0x4];
	[sflag:s16] =	ssyncadd.s32 $0xFFFFC000  }
0x7c: {  	[hbm4b:s0+s3] =	stream.linear.scatter [tilespmem:s8], [sflag:$0x6], $0x4000, $0x38;
	[tilespmem:$0x10800] =	vst v63  }
0x7d: {  	_ =	swait.ge [sflag:s17], $0x4000  }
0x7e: {  	[sflag:s17] =	ssyncset.done $0x0  }
0x7f: {  	[sflag:s17] =	ssyncadd.s32 $0xFFFFC000  }
0x80: {  	[tilespmem:s8], [sflag:$0x2] =	stream.indirect.gather [hbm4b:s2+s6], $0x80, s18, s6, $0xb8;
	[tilespmem:$0x10800] =	vst v63  }
0x81: {  	_ =	swait.ge [sflag:s19], $0x4000  }
0x82: {  	[sflag:s19] =	ssyncset.done $0x0  }
0x83: {  	s0 =	rddreg [dreg:$0x5];
	[sflag:s19] =	ssyncadd.s32 $0xFFFFC000  }
0x84: {  	[hbm4b:s0+s3] =	stream.linear.scatter [tilespmem:s10], [sflag:$0x7], $0x4000, $0x38;
	[tilespmem:$0x10800] =	vst v63  }
0x85: {  	_ =	swait.ge [sflag:s20], $0x4000  }
0x86: {  	[sflag:s20] =	ssyncset.done $0x0  }
0x87: {  	[sflag:s20] =	ssyncadd.s32 $0xFFFFC000  }
0x88: {  	[tilespmem:s10], [sflag:$0x3] =	stream.indirect.gather [hbm4b:s2+s6], $0x80, s21, s6, $0xb8;
	[tilespmem:$0x10800] =	vst v63  }
0x89: {  	_ =	swait.ge [sflag:s22], $0x4000  }
0x8a: {  	[sflag:s22] =	ssyncset.done $0x0  }
0x8b: {  	s0 =	rddreg [dreg:$0x6];
	[sflag:s22] =	ssyncadd.s32 $0xFFFFC000  }
0x8c: {  	[hbm4b:s0+s3] =	stream.linear.scatter [tilespmem:s12], [sflag:$0x8], $0x4000, $0x38;
	[tilespmem:$0x10800] =	vst v63  }
0x8d: {  	_ =	swait.ge [sflag:s23], $0x4000  }
0x8e: {  	[sflag:s23] =	ssyncset.done $0x0  }
0x8f: {  	[sflag:s23] =	ssyncadd.s32 $0xFFFFC000  }
0x90: {  	[tilespmem:s12], [sflag:$0x4] =	stream.indirect.gather [hbm4b:s2+s6], $0x80, s24, s6, $0xb8;
	[tilespmem:$0x10800] =	vst v63  }
0x91: {  	_ =	swait.ge [sflag:s13], $0x4000  }
0x92: {  	[sflag:s13] =	ssyncset.done $0x0  }
0x93: {  	s0 =	rddreg [dreg:$0x7];
	[sflag:s13] =	ssyncadd.s32 $0xFFFFC000  }
0x94: {  	[hbm4b:s0+s3] =	stream.linear.scatter [tilespmem:s7], [sflag:$0x5], $0x4000, $0x38;
	[tilespmem:$0x10800] =	vst v63  }
0x95: {  	_ =	swait.ge [sflag:s14], $0x4000  }
0x96: {  	[sflag:s14] =	ssyncset.done $0x0  }
0x97: {  	[sflag:s14] =	ssyncadd.s32 $0xFFFFC000  }
0x98: {  	[tilespmem:s7], [sflag:$0x1] =	stream.indirect.gather [hbm4b:s2+s6], $0x80, s25, s6, $0xb8;
	[tilespmem:$0x10800] =	vst v63  }
0x99: {  	_ =	swait.ge [sflag:s16], $0x4000  }
0x9a: {  	[sflag:s16] =	ssyncset.done $0x0  }
0x9b: {  	s0 =	rddreg [dreg:$0x8];
	[sflag:s16] =	ssyncadd.s32 $0xFFFFC000  }
0x9c: {  	[hbm4b:s0+s3] =	stream.linear.scatter [tilespmem:s8], [sflag:$0x6], $0x4000, $0x38;
	[tilespmem:$0x10800] =	vst v63  }
0x9d: {  	_ =	swait.ge [sflag:s17], $0x4000  }
0x9e: {  	[sflag:s17] =	ssyncset.done $0x0  }
0x9f: {  	[sflag:s17] =	ssyncadd.s32 $0xFFFFC000  }
0xa0: {  	[tilespmem:s8], [sflag:$0x2] =	stream.indirect.gather [hbm4b:s2+s6], $0x80, s26, s6, $0xb8;
	[tilespmem:$0x10800] =	vst v63  }
0xa1: {  	_ =	swait.ge [sflag:s19], $0x4000  }
0xa2: {  	[sflag:s19] =	ssyncset.done $0x0  }
0xa3: {  	[sflag:s19] =	ssyncadd.s32 $0xFFFFC000  }
0xa4: {  	[hbm4b:s28+s3] =	stream.linear.scatter [tilespmem:s10], [sflag:$0x7], $0x4000, $0x38;
	[tilespmem:$0x10800] =	vst v63  }
0xa5: {  	_ =	swait.ge [sflag:s22], $0x4000  }
0xa6: {  	[sflag:s22] =	ssyncset.done $0x0  }
0xa7: {  	[sflag:s22] =	ssyncadd.s32 $0xFFFFC000  }
0xa8: {  	[hbm4b:s29+s3] =	stream.linear.scatter [tilespmem:s12], [sflag:$0x8], $0x4000, $0x38;
	[tilespmem:$0x10800] =	vst v63  }
0xa9: {  	_ =	swait.ge [sflag:s13], $0x4000  }
0xaa: {  	[sflag:s13] =	ssyncset.done $0x0  }
0xab: {  	[sflag:s13] =	ssyncadd.s32 $0xFFFFC000  }
0xac: {  	[hbm4b:s30+s3] =	stream.linear.scatter [tilespmem:s7], [sflag:$0x5], $0x4000, $0x38;
	[tilespmem:$0x10800] =	vst v63  }
0xad: {  	_ =	swait.ge [sflag:s16], $0x4000  }
0xae: {  	[sflag:s16] =	ssyncset.done $0x0  }
0xaf: {  	[sflag:s16] =	ssyncadd.s32 $0xFFFFC000  }
0xb0: {  	[hbm4b:s31+s3] =	stream.linear.scatter [tilespmem:s8], [sflag:$0x6], $0x4000, $0x38;
	[tilespmem:$0x10800] =	vst v63  }
0xb1: {  	_ =	swait.ge [sflag:s20], $0x4000  }
0xb2: {  	[sflag:s20] =	ssyncset.done $0x0  }
0xb3: {  	[sflag:s20] =	ssyncadd.s32 $0xFFFFC000  }
0xb4: {  	_ =	swait.ge [sflag:s23], $0x4000  }
0xb5: {  	p0 =	sne.s32 s1, $0x1;
	[sflag:s23] =	ssyncset.done $0x0  }
.Ltmp1:
0xb6: {  	[sflag:s23] =	ssyncadd.s32 $0xFFFFC000;
	(pc) =	sbr.rel @p0 .LBB2_1-.Ltmp1, $4  }
0xb7: {  	_ =	swait.ge [sflag:s14], $0x4000  }
0xb8: {  	[sflag:s14] =	ssyncset.done $0x0  }
0xb9: {  	[sflag:s14] =	ssyncadd.s32 $0xFFFFC000  }
0xba: {  	s1 =	sadd.s32 $0xFFFFFFFF, s1;
	_ =	swait.ge [sflag:s17], $0x4000  }
.LBB2_2:
0xbb: {  	[sflag:s17] =	ssyncset.done $0x0  }
0xbc: {  	[sflag:s17] =	ssyncadd.s32 $0xFFFFC000  }
0xbd: {  	_ =	sfence.sel $0x180000  }
0xbe: {  	[bflag:$0x0] =	sbarrier.arrive $0xFFFF  }
0xbf: {  	_ =	strace $0x90000050  }
0xc0: {  	s0 =	stileid.u32;
	[bflag:$0x2] =	sbarrier.arrive $0xFFFF  }
0xc1: {  	p0 =	sne.s32 s0, $0x0;
	s0 =	rddreg [dreg:$0x2]  }
0xc2: {  	s0 =	sadd.s32 @!p0 $0x100000, s0  }
0xc3: {  	[sflag:s0] =	ssyncadd.tile.s32 @!p0 $0x1;
	_ =	shalt  }
.Lfunc_end2:
_tile_overlayer_lowered:
.L_overlay_start_2:
0xc4: {  	(tag) =	ssettag $0x2  }
0xc5: {  	s0 =	rddreg [dreg:$0x0];
	s2 =	stileid.u32  }
0xc6: {  	s1 =	rddreg [dreg:$0x1];
	p0 =	sne.s32 s2, $0x0  }
0xc7: {  	s3 =	rddreg [dreg:$0x2];
	[bflag:$0x3] =	sbarrier.arrive $0xFFFF;
	s2 =	simm.s32 @!p0 $0x1C09  }
0xc8: {  	[timem:s3], [sflag:s2] =	dma.local @!p0 [hbm:s0], s1  }
0xc9: {  	s0 =	simm.s32 @!p0 $0x9  }
0xca: {  	_ =	swait.ge @!p0 [sflag:s0], s1  }
0xcb: {  	s1 =	ssub.s32 @!p0 $0x0, s1;
	[sflag:s0] =	ssyncset.done @!p0 $0x0  }
0xcc: {  	[sflag:s0] =	ssyncadd.s32 @!p0 s1  }
0xcd: {  	[bflag:$0x3] =	sbarrier.arrive $0xFFFF  }
0xce: {  	_ =	shalt  }

</sc_bundles>
